<compile_context>
chip_gen: v7x
topology: tpu7x:2x2x1
jax: 0.10.2.dev20260603
libtpu: 0.0.44.dev20260713+nightly
codegen_flags: <defaults>
</compile_context>

<pallas_src>
import functools

import jax
import jax.numpy as jnp
from jax import lax
from jax.experimental import pallas as pl
from jax.experimental.pallas import tpu as pltpu
from jax.experimental.pallas import tpu_sc as plsc

N = 10000
E = 320000
D = 128
DO = 64
S = 2048

NC = 2
NS = 16
NW = NC * NS
L = 16

EPT = E // NW
C = 80
NCHUNK = EPT // C
NP = 10112
RPT = NP // NS

f32 = jnp.float32
i32 = jnp.int32

_mesh = plsc.VectorSubcoreMesh(core_axis_name="c", subcore_axis_name="s")
_sc_params = pltpu.CompilerParams(needs_layout_passes=False)


def _zero16():
    return jnp.zeros((L,), f32)


def _zero_rows(buf, nj):
    z16 = _zero16()

    def _zb(r, _):
        for j in range(nj):
            buf[r, pl.ds(j * L, L)] = z16
        return 0
    lax.fori_loop(0, C, _zb, 0)


def _zero_shared(buf, sh, rowbase):
    for t in range(7):
        pltpu.sync_copy(buf.at[pl.ds(0, C)], sh.at[pl.ds(rowbase + t * C, C)])
    pltpu.sync_copy(buf.at[pl.ds(0, RPT - 7 * C)],
                    sh.at[pl.ds(rowbase + 7 * C, RPT - 7 * C)])


def _attn1_body(qs, kr, dst, src, exarr, accD,
                shD, dsti, srci, bufA, bufB, pbuf, exbuf, exrow, sem):
    c = lax.axis_index("c")
    s = lax.axis_index("s")
    wid = s * NC + c
    iota = lax.iota(i32, L)
    m0 = jnp.where(iota == 0, jnp.float32(1.0), jnp.float32(0.0))

    _zero_rows(exrow, D // L)
    rowbase = s * RPT
    _zero_shared(exrow, shD, rowbase)
    plsc.subcore_barrier()

    def _chunk(ci, _):
        ebase = wid * EPT + ci * C
        pltpu.sync_copy(dst.at[pl.ds(ebase, C)], dsti)
        pltpu.sync_copy(src.at[pl.ds(ebase, C)], srci)
        pltpu.async_copy(qs.at[dsti], bufA, sem).wait()
        pltpu.async_copy(kr.at[srci], bufB, sem).wait()

        def _dot(e, _):
            acc = bufA[e, pl.ds(0, L)] * bufB[e, pl.ds(0, L)]
            for j in range(1, 8):
                acc = acc + bufA[e, pl.ds(j * L, L)] * bufB[e, pl.ds(j * L, L)]
            pbuf[pl.ds(e * L, L)] = acc
            return 0
        lax.fori_loop(0, C, _dot, 0)

        def _red(g, _):
            flat = g * (L * L) + iota * L
            acc = plsc.load_gather(pbuf, [flat])
            for d in range(1, L):
                acc = acc + plsc.load_gather(pbuf, [flat + d])
            exbuf[pl.ds(g * L, L)] = jnp.exp(acc)
            return 0
        lax.fori_loop(0, C // L, _red, 0)

        def _fill(e, _):
            exs = plsc.load_gather(exbuf, [jnp.full((L,), 0, i32) + e])
            exrow[e, pl.ds(0, L)] = exs * m0
            return 0
        lax.fori_loop(0, C, _fill, 0)

        pltpu.sync_copy(exbuf, exarr.at[pl.ds(ebase, C)])
        pltpu.sync_copy(exrow, shD.at[dsti], add=True)
        return 0

    lax.fori_loop(0, NCHUNK, _chunk, 0)
    plsc.subcore_barrier()
    pltpu.sync_copy(shD.at[pl.ds(rowbase, RPT)], accD.at[c, pl.ds(rowbase, RPT)])


_attn1_sc = functools.partial(
    pl.kernel,
    out_type=(jax.ShapeDtypeStruct((E,), f32),
              jax.ShapeDtypeStruct((NC, NP, D), f32)),
    mesh=_mesh,
    compiler_params=_sc_params,
    scratch_types=[
        pltpu.VMEM_SHARED((NP, D), f32),
        pltpu.VMEM((C,), i32),
        pltpu.VMEM((C,), i32),
        pltpu.VMEM((C, D), f32),
        pltpu.VMEM((C, D), f32),
        pltpu.VMEM((C * L,), f32),
        pltpu.VMEM((C,), f32),
        pltpu.VMEM((C, D), f32),
        pltpu.SemaphoreType.DMA,
    ],
)(_attn1_body)


def _attn2_body(vr, dst, src, exarr, accV, shV, dsti, srci, bufA, exbuf, sem):
    c = lax.axis_index("c")
    s = lax.axis_index("s")
    wid = s * NC + c

    _zero_rows(bufA, D // L)
    rowbase = s * RPT
    _zero_shared(bufA, shV, rowbase)
    plsc.subcore_barrier()

    def _chunk(ci, _):
        ebase = wid * EPT + ci * C
        pltpu.sync_copy(dst.at[pl.ds(ebase, C)], dsti)
        pltpu.sync_copy(src.at[pl.ds(ebase, C)], srci)
        pltpu.sync_copy(exarr.at[pl.ds(ebase, C)], exbuf)
        pltpu.async_copy(vr.at[srci], bufA, sem).wait()

        def _scale(e, _):
            exs = plsc.load_gather(exbuf, [jnp.full((L,), 0, i32) + e])
            for j in range(D // L):
                bufA[e, pl.ds(j * L, L)] = bufA[e, pl.ds(j * L, L)] * exs
            return 0
        lax.fori_loop(0, C, _scale, 0)

        pltpu.sync_copy(bufA, shV.at[dsti], add=True)
        return 0

    lax.fori_loop(0, NCHUNK, _chunk, 0)
    plsc.subcore_barrier()
    pltpu.sync_copy(shV.at[pl.ds(rowbase, RPT)], accV.at[c, pl.ds(rowbase, RPT)])


_attn2_sc = functools.partial(
    pl.kernel,
    out_type=jax.ShapeDtypeStruct((NC, NP, D), f32),
    mesh=_mesh,
    compiler_params=_sc_params,
    scratch_types=[
        pltpu.VMEM_SHARED((NP, D), f32),
        pltpu.VMEM((C,), i32),
        pltpu.VMEM((C,), i32),
        pltpu.VMEM((C, D), f32),
        pltpu.VMEM((C,), f32),
        pltpu.SemaphoreType.DMA,
    ],
)(_attn2_body)


def _make_spmm(width):
    def _body(dense, row, col, val, acc, shV, rowi, coli, valv, buf, sem):
        c = lax.axis_index("c")
        s = lax.axis_index("s")
        wid = s * NC + c
        nj = width // L

        _zero_rows(buf, nj)
        rowbase = s * RPT
        _zero_shared(buf, shV, rowbase)
        plsc.subcore_barrier()

        def _chunk(ci, _):
            ebase = wid * EPT + ci * C
            pltpu.sync_copy(row.at[pl.ds(ebase, C)], rowi)
            pltpu.sync_copy(col.at[pl.ds(ebase, C)], coli)
            pltpu.sync_copy(val.at[pl.ds(ebase, C)], valv)
            pltpu.async_copy(dense.at[coli], buf, sem).wait()

            def _scale(e, _):
                vs = plsc.load_gather(valv, [jnp.full((L,), 0, i32) + e])
                for j in range(nj):
                    buf[e, pl.ds(j * L, L)] = buf[e, pl.ds(j * L, L)] * vs
                return 0
            lax.fori_loop(0, C, _scale, 0)

            pltpu.sync_copy(buf, shV.at[rowi], add=True)
            return 0

        lax.fori_loop(0, NCHUNK, _chunk, 0)
        plsc.subcore_barrier()
        pltpu.sync_copy(shV.at[pl.ds(rowbase, RPT)], acc.at[c, pl.ds(rowbase, RPT)])

    return functools.partial(
        pl.kernel,
        out_type=jax.ShapeDtypeStruct((NC, NP, width), f32),
        mesh=_mesh,
        compiler_params=_sc_params,
        scratch_types=[
            pltpu.VMEM_SHARED((NP, width), f32),
            pltpu.VMEM((C,), i32),
            pltpu.VMEM((C,), i32),
            pltpu.VMEM((C,), f32),
            pltpu.VMEM((C, width), f32),
            pltpu.SemaphoreType.DMA,
        ],
    )(_body)


_spmm_d = _make_spmm(D)


def _gather_body(z, idx, out, idx_v, rows_v, sem):
    base = (lax.axis_index("s") * NC + lax.axis_index("c")) * (S // NW)
    pltpu.sync_copy(idx.at[pl.ds(base, S // NW)], idx_v)
    pltpu.async_copy(z.at[idx_v], rows_v, sem).wait()
    pltpu.sync_copy(rows_v, out.at[pl.ds(base, S // NW)])


_gather_sc = functools.partial(
    pl.kernel,
    out_type=jax.ShapeDtypeStruct((S, D), f32),
    mesh=_mesh,
    compiler_params=_sc_params,
    scratch_types=[
        pltpu.VMEM((S // NW,), i32),
        pltpu.VMEM((S // NW, D), f32),
        pltpu.SemaphoreType.DMA,
    ],
)(_gather_body)


BN = 1000


def _mm(a, b):
    return jnp.dot(a, b, preferred_element_type=f32)


def _proj_body(uf, wl, bl, wk, bk, wq, bq, wv, bv, wa_rel, wm_rel,
               x_o, q_o, kr_o, vr_o):
    x = _mm(uf[...], wl[...]) + bl[...]
    k = _mm(x, wk[...]) + bk[...]
    q = _mm(x, wq[...]) + bq[...]
    v = _mm(x, wv[...]) + bv[...]
    x_o[...] = x
    q_o[...] = q
    kr_o[...] = _mm(k, wa_rel[...])
    vr_o[...] = _mm(v, wm_rel[...])


def _row_spec():
    return pl.BlockSpec((BN, D), lambda i: (i, 0))


def _w_spec(r, c):
    return pl.BlockSpec((r, c), lambda i: (0, 0))


def _tc_proj(uf, wl, bl, wk, bk, wq, bq, wv, bv, a_rel, m_rel):
    outs = [jax.ShapeDtypeStruct((N, D), f32)] * 4
    return pl.pallas_call(
        _proj_body,
        grid=(N // BN,),
        in_specs=[_row_spec(),
                  _w_spec(D, D), _w_spec(1, D), _w_spec(D, D), _w_spec(1, D),
                  _w_spec(D, D), _w_spec(1, D), _w_spec(D, D), _w_spec(1, D),
                  _w_spec(D, D), _w_spec(D, D)],
        out_specs=[_row_spec()] * 4,
        out_shape=outs,
    )(uf, wl, bl, wk, bk, wq, bq, wv, bv, a_rel, m_rel)


def _combine_body(a0, a1, d0, d1, x, wa, ba, cm, w1, hw1_o):
    num = a0[...] + a1[...]
    den = (d0[...] + d1[...])[:, 0:1] + 1e-16
    agg = num / den
    out = _mm(jax.nn.gelu(agg), wa[...]) + ba[...]
    h = out + cm[...] * x[...]
    hw1_o[...] = _mm(h, w1[...])


def _tc_combine(a0, a1, d0, d1, x, wa_s, ba_s, cm, w1):
    dspec = _row_spec()
    return pl.pallas_call(
        _combine_body,
        grid=(N // BN,),
        in_specs=[_row_spec(), _row_spec(), dspec, dspec, _row_spec(),
                  _w_spec(D, D), _w_spec(1, D), _w_spec(1, D), _w_spec(D, D)],
        out_specs=_row_spec(),
        out_shape=jax.ShapeDtypeStruct((N, D), f32),
    )(a0, a1, d0, d1, x, wa_s, ba_s, cm, w1)


def _zh_body(b0, b1, w2, o):
    o[...] = _mm(b0[...] + b1[...], w2[...])


def _tc_zh(b0, b1, w2p):
    return pl.pallas_call(
        _zh_body,
        grid=(N // BN,),
        in_specs=[_row_spec(), _row_spec(), _w_spec(D, D)],
        out_specs=_row_spec(),
        out_shape=jax.ShapeDtypeStruct((N, D), f32),
    )(b0, b1, w2p)


def _zm_body(c0, c1, o):
    o[...] = c0[...] + c1[...]


def _tc_zm(c0, c1):
    spec = _row_spec()
    return pl.pallas_call(
        _zm_body,
        grid=(N // BN,),
        in_specs=[spec, spec],
        out_specs=spec,
        out_shape=jax.ShapeDtypeStruct((N, D), f32),
    )(c0, c1)


BS = 512


def _gram_body(szi, szj, gam, rec_o, dist_o):
    a = szi[...]
    b = szj[...]
    rec = lax.dot_general(a, b, (((1,), (1,)), ((), ())),
                          preferred_element_type=f32)
    sqi = jnp.sum(a * a, axis=1, keepdims=True)
    sqj = jnp.sum(b * b, axis=1)[None, :]
    d = sqi + sqj - 2.0 * rec
    rec_o[...] = rec
    dist_o[...] = gam[0, 0] * jnp.maximum(d, 0.0)


def _tc_gram(sz, gam):
    outs = [jax.ShapeDtypeStruct((S, S), f32)] * 2
    ospec = pl.BlockSpec((BS, BS), lambda i, j: (i, j))
    return pl.pallas_call(
        _gram_body,
        grid=(S // BS, S // BS),
        in_specs=[pl.BlockSpec((BS, D), lambda i, j: (i, 0)),
                  pl.BlockSpec((BS, D), lambda i, j: (j, 0)),
                  pl.BlockSpec((1, 1), lambda i, j: (0, 0))],
        out_specs=[ospec, ospec],
        out_shape=outs,
    )(sz, sz, gam)


def kernel(user_feature, s_adj_indices, s_adj_values, o_adj_indices,
           o_adj_values, gamma, sample_user, W_lin, b_lin, Wk, bk, Wq, bq,
           Wv, bv, Wa, ba, a_rel, m_rel, p_rel, skip, weight_layer1,
           weight_layer2):
    scale = p_rel / jnp.sqrt(jnp.float32(D))
    sk = jax.nn.sigmoid(skip)

    row2 = lambda b: b.reshape(1, D)
    x, qs, kr, vr = _tc_proj(
        user_feature, W_lin, row2(b_lin), Wk, row2(bk),
        Wq * scale, row2(bq) * scale, Wv, row2(bv), a_rel, m_rel)

    o_src = o_adj_indices[0].astype(i32)
    o_dst = o_adj_indices[1].astype(i32)
    exarr, accD = _attn1_sc(qs, kr, o_dst, o_src)
    accV = _attn2_sc(vr, o_dst, o_src, exarr)

    hw1 = _tc_combine(
        accV[0], accV[1], accD[0], accD[1], x,
        Wa * sk, row2(ba) * sk, jnp.full((1, D), 1.0 - sk, f32),
        weight_layer1)

    s_row = s_adj_indices[0].astype(i32)
    s_col = s_adj_indices[1].astype(i32)
    accB = _spmm_d(hw1, s_row, s_col, s_adj_values)
    w2p = jnp.concatenate([weight_layer2, jnp.zeros((D, D - DO), f32)], axis=1)
    zw2 = _tc_zh(accB[0], accB[1], w2p)

    accC = _spmm_d(zw2, o_src, o_dst, o_adj_values)
    z_pad = _tc_zm(accC[0], accC[1])
    z_mean = z_pad[:, :DO]

    sz = _gather_sc(z_pad, sample_user.astype(i32))
    rec, dist = _tc_gram(sz, jnp.reshape(gamma, (1, 1)).astype(f32))
    return (rec, dist, z_mean)

# --- scband reference (transcript-rebuilt; emitter-appended) ---
"""Pipeline reference for scband-cdencoder-decoder-48223892800087 (READ-ONLY COPY).

The authoritative reference and input builder live on the scoring server;
editing this copy changes nothing except your own understanding.
"""

import jax, jax.numpy as jnp
import numpy as np

N = 10000
E = 320000
D_IN = 128
D_H = 128
D_OUT = 64
S = 2048


def _glorot(k, shape):
    lim = float(np.sqrt(6.0 / (shape[0] + shape[1])))
    return jax.random.uniform(k, shape, jnp.float32, -lim, lim)


def setup_inputs(seed: int = 0) -> dict:
    key = jax.random.key(seed)
    ks = jax.random.split(key, 20)
    inp = {}
    inp["user_feature"] = jax.random.normal(ks[0], (N, D_IN), dtype=jnp.float32)
    inp["s_adj_indices"] = jax.random.randint(ks[1], (2, E), 0, N)
    inp["s_adj_values"] = jax.random.uniform(ks[2], (E,), dtype=jnp.float32)
    inp["o_adj_indices"] = jax.random.randint(ks[3], (2, E), 0, N)
    inp["o_adj_values"] = jax.random.uniform(ks[4], (E,), dtype=jnp.float32)
    inp["gamma"] = jnp.ones((), dtype=jnp.float32)
    inp["sample_user"] = jax.random.randint(ks[5], (S,), 0, N)
    # learned parameters
    inp["W_lin"] = _glorot(ks[6], (D_IN, D_H)); inp["b_lin"] = jnp.zeros((D_H,), jnp.float32)
    inp["Wk"] = _glorot(ks[7], (D_H, D_H)); inp["bk"] = jnp.zeros((D_H,), jnp.float32)
    inp["Wq"] = _glorot(ks[8], (D_H, D_H)); inp["bq"] = jnp.zeros((D_H,), jnp.float32)
    inp["Wv"] = _glorot(ks[9], (D_H, D_H)); inp["bv"] = jnp.zeros((D_H,), jnp.float32)
    inp["Wa"] = _glorot(ks[10], (D_H, D_H)); inp["ba"] = jnp.zeros((D_H,), jnp.float32)
    inp["a_rel"] = _glorot(ks[11], (D_H, D_H))
    inp["m_rel"] = _glorot(ks[12], (D_H, D_H))
    inp["p_rel"] = jnp.ones((), jnp.float32)
    inp["skip"] = jnp.ones((), jnp.float32)
    inp["weight_layer1"] = _glorot(ks[13], (D_H, D_H))
    inp["weight_layer2"] = _glorot(ks[14], (D_H, D_OUT))
    return inp


def _spmm(indices, values, dense):
    # sparse [N,N] @ dense [N,d] via gather + scatter-add
    row = indices[0]
    col = indices[1]
    return jax.ops.segment_sum(values[:, None] * dense[col], row, num_segments=N)


def _pairwise_distance(x, gamma):
    sq = jnp.sum(x * x, axis=-1)
    d = sq[:, None] + sq[None, :] - 2.0 * (x @ x.T)
    return gamma * jnp.maximum(d, 0.0)


def reference(user_feature, s_adj_indices, s_adj_values, o_adj_indices, o_adj_values, gamma, sample_user, W_lin, b_lin, Wk, bk, Wq, bq, Wv, bv, Wa, ba, a_rel, m_rel, p_rel, skip, weight_layer1, weight_layer2):
    # input projection (nn.Linear)
    x = user_feature @ W_lin + b_lin
    # HGTConv with single node type 'user' and single self edge type, heads=1
    src = o_adj_indices[0]
    dst = o_adj_indices[1]
    k = x @ Wk + bk
    q = x @ Wq + bq
    v = x @ Wv + bv
    k_rel = k @ a_rel
    v_rel = v @ m_rel
    alpha = jnp.sum(q[dst] * k_rel[src], axis=-1) * p_rel / jnp.sqrt(float(D_H))
    amax = jax.ops.segment_max(alpha, dst, num_segments=N)
    amax = jnp.where(jnp.isfinite(amax), amax, 0.0)
    ex = jnp.exp(alpha - amax[dst])
    denom = jax.ops.segment_sum(ex, dst, num_segments=N)
    attn = ex / (denom[dst] + 1e-16)
    agg = jax.ops.segment_sum(v_rel[src] * attn[:, None], dst, num_segments=N)
    out = jax.nn.gelu(agg) @ Wa + ba
    sk = jax.nn.sigmoid(skip)
    h = sk * out + (1.0 - sk) * x  # skip connection (in == out channels)
    # GAE decoder
    z_hidden = _spmm(s_adj_indices, s_adj_values, h @ weight_layer1)
    z_mean = _spmm(o_adj_indices, o_adj_values, z_hidden @ weight_layer2)
    # fast_gae=True path
    sample_z_mean = z_mean[sample_user]
    reconstructions = sample_z_mean @ sample_z_mean.T
    clusters_distance = _pairwise_distance(sample_z_mean, gamma)
    return (reconstructions, clusters_distance, z_mean)

if __name__ == "__main__":
    import jax
    _d = setup_inputs()
    print(jax.jit(kernel)(*tuple(_d.values())))

</pallas_src>

<mosaic_0001>
#map = affine_map<(d0, d1) -> (0, 0)>
#map1 = affine_map<(d0, d1) -> (0)>
#map2 = affine_map<(d0, d1) -> (0, 0, 0)>
module attributes {stable_mosaic.version = 14 : i64} {
  func.func @_attn2_body(%arg0: i32, %arg1: i32, %arg2: memref<10000x128xf32, #tpu.memory_space<hbm>>, %arg3: memref<320000xi32, #tpu.memory_space<hbm>>, %arg4: memref<320000xi32, #tpu.memory_space<hbm>>, %arg5: memref<320000xf32, #tpu.memory_space<hbm>>, %arg6: memref<2x10112x128xf32, #tpu.memory_space<hbm>>, %arg7: memref<10112x128xf32, #tpu.memory_space<vmem_shared>>, %arg8: memref<80xi32, #tpu.memory_space<vmem>>, %arg9: memref<80xi32, #tpu.memory_space<vmem>>, %arg10: memref<80x128xf32, #tpu.memory_space<vmem>>, %arg11: memref<80xf32, #tpu.memory_space<vmem>>, %arg12: memref<!tpu.dma_semaphore, #tpu.memory_space<semaphore_mem>>) attributes {dimension_semantics = [#tpu.dimension_semantics<core_parallel>, #tpu.dimension_semantics<subcore_parallel>], iteration_bounds = array<i64: 2, 16>, scalar_prefetch = 0 : i64, scratch_operands = 6 : i64, tpu.core_type = #tpu.core_type<sc_vector_subcore>, window_params = [{transform_indices = #map}, {transform_indices = #map1}, {transform_indices = #map1}, {transform_indices = #map1}, {transform_indices = #map2}]} {
    %mul3A = arith.constant 2 : i32
    %mul3A_0 = arith.muli %arg1, %mul3A : i32
    %add3A = arith.addi %mul3A_0, %arg0 : i32
    %broadcast_in_dim3A = arith.constant 0.000000e+00 : f32
    %broadcast_in_dim3A_1 = vector.broadcast %broadcast_in_dim3A : f32 to vector<16xf32>
    %scan3A = arith.constant 0 : i32
    %scan3A_2 = arith.constant 0 : i32
    %scan3A_3 = arith.constant 80 : i32
    %scan3A_4 = arith.addi %scan3A_2, %scan3A_3 : i32
    %scan3A_5 = arith.constant 1 : i32
    %scan3A_6 = scf.for %scan3A_34 = %scan3A_2 to %scan3A_4 step %scan3A_5 iter_args(%scan3A_35 = %scan3A) -> (i32)  : i32 {
      %swap3A = arith.index_cast %scan3A_34 : i32 to index
      %swap3A_36 = arith.constant 0 : index
      %swap3A_37 = tpu.vector_load %arg10[%swap3A, %swap3A_36] {strides = array<i32>} : memref<80x128xf32, #tpu.memory_space<vmem>>, vector<16xf32>,
      tpu.vector_store %arg10[%swap3A, %swap3A_36], %broadcast_in_dim3A_1 {strides = array<i32>} : memref<80x128xf32, #tpu.memory_space<vmem>>, vector<16xf32>,
      %swap3A_38 = arith.index_cast %scan3A_34 : i32 to index
      %swap3A_39 = arith.constant 16 : index
      %swap3A_40 = tpu.vector_load %arg10[%swap3A_38, %swap3A_39] {strides = array<i32>} : memref<80x128xf32, #tpu.memory_space<vmem>>, vector<16xf32>,
      tpu.vector_store %arg10[%swap3A_38, %swap3A_39], %broadcast_in_dim3A_1 {strides = array<i32>} : memref<80x128xf32, #tpu.memory_space<vmem>>, vector<16xf32>,
      %swap3A_41 = arith.index_cast %scan3A_34 : i32 to index
      %swap3A_42 = arith.constant 32 : index
      %swap3A_43 = tpu.vector_load %arg10[%swap3A_41, %swap3A_42] {strides = array<i32>} : memref<80x128xf32, #tpu.memory_space<vmem>>, vector<16xf32>,
      tpu.vector_store %arg10[%swap3A_41, %swap3A_42], %broadcast_in_dim3A_1 {strides = array<i32>} : memref<80x128xf32, #tpu.memory_space<vmem>>, vector<16xf32>,
      %swap3A_44 = arith.index_cast %scan3A_34 : i32 to index
      %swap3A_45 = arith.constant 48 : index
      %swap3A_46 = tpu.vector_load %arg10[%swap3A_44, %swap3A_45] {strides = array<i32>} : memref<80x128xf32, #tpu.memory_space<vmem>>, vector<16xf32>,
      tpu.vector_store %arg10[%swap3A_44, %swap3A_45], %broadcast_in_dim3A_1 {strides = array<i32>} : memref<80x128xf32, #tpu.memory_space<vmem>>, vector<16xf32>,
      %swap3A_47 = arith.index_cast %scan3A_34 : i32 to index
      %swap3A_48 = arith.constant 64 : index
      %swap3A_49 = tpu.vector_load %arg10[%swap3A_47, %swap3A_48] {strides = array<i32>} : memref<80x128xf32, #tpu.memory_space<vmem>>, vector<16xf32>,
      tpu.vector_store %arg10[%swap3A_47, %swap3A_48], %broadcast_in_dim3A_1 {strides = array<i32>} : memref<80x128xf32, #tpu.memory_space<vmem>>, vector<16xf32>,
      %swap3A_50 = arith.index_cast %scan3A_34 : i32 to index
      %swap3A_51 = arith.constant 80 : index
      %swap3A_52 = tpu.vector_load %arg10[%swap3A_50, %swap3A_51] {strides = array<i32>} : memref<80x128xf32, #tpu.memory_space<vmem>>, vector<16xf32>,
      tpu.vector_store %arg10[%swap3A_50, %swap3A_51], %broadcast_in_dim3A_1 {strides = array<i32>} : memref<80x128xf32, #tpu.memory_space<vmem>>, vector<16xf32>,
      %swap3A_53 = arith.index_cast %scan3A_34 : i32 to index
      %swap3A_54 = arith.constant 96 : index
      %swap3A_55 = tpu.vector_load %arg10[%swap3A_53, %swap3A_54] {strides = array<i32>} : memref<80x128xf32, #tpu.memory_space<vmem>>, vector<16xf32>,
      tpu.vector_store %arg10[%swap3A_53, %swap3A_54], %broadcast_in_dim3A_1 {strides = array<i32>} : memref<80x128xf32, #tpu.memory_space<vmem>>, vector<16xf32>,
      %swap3A_56 = arith.index_cast %scan3A_34 : i32 to index
      %swap3A_57 = arith.constant 112 : index
      %swap3A_58 = tpu.vector_load %arg10[%swap3A_56, %swap3A_57] {strides = array<i32>} : memref<80x128xf32, #tpu.memory_space<vmem>>, vector<16xf32>,
      tpu.vector_store %arg10[%swap3A_56, %swap3A_57], %broadcast_in_dim3A_1 {strides = array<i32>} : memref<80x128xf32, #tpu.memory_space<vmem>>, vector<16xf32>,
      %scan3A_59 = arith.constant 0 : i32
      scf.yield %scan3A_59 : i32
    }
    %scan3A_7 = arith.constant 80 : i32
    %mul3A_8 = arith.constant 632 : i32
    %mul3A_9 = arith.muli %arg1, %mul3A_8 : i32
    %add3A_10 = arith.constant 0 : i32
    %add3A_11 = arith.addi %mul3A_9, %add3A_10 : i32
    "tpu.region"() ({
      %run_scoped3A = tpu.sem_alloc : memref<!tpu.dma_semaphore, #tpu.memory_space<semaphore_mem>>
      %dma_start3A = arith.constant 0 : i32
      %dma_start3A_34 = arith.constant 0 : i32
      %dma_start3A_35 = tpu.memref_slice %arg10[%dma_start3A, %dma_start3A_34] : memref<80x128xf32, #tpu.memory_space<vmem>> -> memref<80x128xf32, #tpu.memory_space<vmem>>
      %dma_start3A_36 = arith.constant 0 : i32
      %dma_start3A_37 = tpu.memref_slice %arg7[%add3A_11, %dma_start3A_36] : memref<10112x128xf32, #tpu.memory_space<vmem_shared>> -> memref<80x128xf32, #tpu.memory_space<vmem_shared>>
      %dma_start3A_38 = arith.constant 0 : i32
      %dma_start3A_39 = tpu.memref_slice %arg7[%add3A_11, %dma_start3A_38] : memref<10112x128xf32, #tpu.memory_space<vmem_shared>> -> memref<80x128xf32, #tpu.memory_space<vmem_shared>>
      %dma_start3A_40 = arith.constant 0 : i32
      %dma_start3A_41 = arith.constant 0 : i32
      %dma_start3A_42 = tpu.memref_slice %arg10[%dma_start3A_40, %dma_start3A_41] : memref<80x128xf32, #tpu.memory_space<vmem>> -> memref<80x128xf32, #tpu.memory_space<vmem>>
      tpu.enqueue_dma source(%dma_start3A_42 : memref<80x128xf32, #tpu.memory_space<vmem>>) target(%dma_start3A_39 : memref<80x128xf32, #tpu.memory_space<vmem_shared>>) target_semaphore(%run_scoped3A : memref<!tpu.dma_semaphore, #tpu.memory_space<semaphore_mem>>)
      %dma_wait3A = arith.constant 0 : i32
      %dma_wait3A_43 = arith.constant 0 : i32
      %dma_wait3A_44 = tpu.memref_slice %arg10[%dma_wait3A, %dma_wait3A_43] : memref<80x128xf32, #tpu.memory_space<vmem>> -> memref<80x128xf32, #tpu.memory_space<vmem>>
      %dma_wait3A_45 = arith.constant 0 : i32
      %dma_wait3A_46 = tpu.memref_slice %arg7[%add3A_11, %dma_wait3A_45] : memref<10112x128xf32, #tpu.memory_space<vmem_shared>> -> memref<80x128xf32, #tpu.memory_space<vmem_shared>>
      %dma_wait3A_47 = arith.constant 0 : i32
      %dma_wait3A_48 = tpu.memref_slice %arg7[%add3A_11, %dma_wait3A_47] : memref<10112x128xf32, #tpu.memory_space<vmem_shared>> -> memref<80x128xf32, #tpu.memory_space<vmem_shared>>
      %dma_wait3A_49 = arith.constant 0 : i32
      %dma_wait3A_50 = arith.constant 0 : i32
      %dma_wait3A_51 = tpu.memref_slice %arg10[%dma_wait3A_49, %dma_wait3A_50] : memref<80x128xf32, #tpu.memory_space<vmem>> -> memref<80x128xf32, #tpu.memory_space<vmem>>
      tpu.wait_dma2 semaphore(%run_scoped3A : memref<!tpu.dma_semaphore, #tpu.memory_space<semaphore_mem>>) src(%dma_wait3A_51 : memref<80x128xf32, #tpu.memory_space<vmem>>) dst(%dma_wait3A_48 : memref<80x128xf32, #tpu.memory_space<vmem_shared>>)
      tpu.yield
    }) : () -> ()
    %add3A_12 = arith.constant 80 : i32
    %add3A_13 = arith.addi %mul3A_9, %add3A_12 : i32
    "tpu.region"() ({
      %run_scoped3A = tpu.sem_alloc : memref<!tpu.dma_semaphore, #tpu.memory_space<semaphore_mem>>
      %dma_start3A = arith.constant 0 : i32
      %dma_start3A_34 = arith.constant 0 : i32
      %dma_start3A_35 = tpu.memref_slice %arg10[%dma_start3A, %dma_start3A_34] : memref<80x128xf32, #tpu.memory_space<vmem>> -> memref<80x128xf32, #tpu.memory_space<vmem>>
      %dma_start3A_36 = arith.constant 0 : i32
      %dma_start3A_37 = tpu.memref_slice %arg7[%add3A_13, %dma_start3A_36] : memref<10112x128xf32, #tpu.memory_space<vmem_shared>> -> memref<80x128xf32, #tpu.memory_space<vmem_shared>>
      %dma_start3A_38 = arith.constant 0 : i32
      %dma_start3A_39 = tpu.memref_slice %arg7[%add3A_13, %dma_start3A_38] : memref<10112x128xf32, #tpu.memory_space<vmem_shared>> -> memref<80x128xf32, #tpu.memory_space<vmem_shared>>
      %dma_start3A_40 = arith.constant 0 : i32
      %dma_start3A_41 = arith.constant 0 : i32
      %dma_start3A_42 = tpu.memref_slice %arg10[%dma_start3A_40, %dma_start3A_41] : memref<80x128xf32, #tpu.memory_space<vmem>> -> memref<80x128xf32, #tpu.memory_space<vmem>>
      tpu.enqueue_dma source(%dma_start3A_42 : memref<80x128xf32, #tpu.memory_space<vmem>>) target(%dma_start3A_39 : memref<80x128xf32, #tpu.memory_space<vmem_shared>>) target_semaphore(%run_scoped3A : memref<!tpu.dma_semaphore, #tpu.memory_space<semaphore_mem>>)
      %dma_wait3A = arith.constant 0 : i32
      %dma_wait3A_43 = arith.constant 0 : i32
      %dma_wait3A_44 = tpu.memref_slice %arg10[%dma_wait3A, %dma_wait3A_43] : memref<80x128xf32, #tpu.memory_space<vmem>> -> memref<80x128xf32, #tpu.memory_space<vmem>>
      %dma_wait3A_45 = arith.constant 0 : i32
      %dma_wait3A_46 = tpu.memref_slice %arg7[%add3A_13, %dma_wait3A_45] : memref<10112x128xf32, #tpu.memory_space<vmem_shared>> -> memref<80x128xf32, #tpu.memory_space<vmem_shared>>
      %dma_wait3A_47 = arith.constant 0 : i32
      %dma_wait3A_48 = tpu.memref_slice %arg7[%add3A_13, %dma_wait3A_47] : memref<10112x128xf32, #tpu.memory_space<vmem_shared>> -> memref<80x128xf32, #tpu.memory_space<vmem_shared>>
      %dma_wait3A_49 = arith.constant 0 : i32
      %dma_wait3A_50 = arith.constant 0 : i32
      %dma_wait3A_51 = tpu.memref_slice %arg10[%dma_wait3A_49, %dma_wait3A_50] : memref<80x128xf32, #tpu.memory_space<vmem>> -> memref<80x128xf32, #tpu.memory_space<vmem>>
      tpu.wait_dma2 semaphore(%run_scoped3A : memref<!tpu.dma_semaphore, #tpu.memory_space<semaphore_mem>>) src(%dma_wait3A_51 : memref<80x128xf32, #tpu.memory_space<vmem>>) dst(%dma_wait3A_48 : memref<80x128xf32, #tpu.memory_space<vmem_shared>>)
      tpu.yield
    }) : () -> ()
    %add3A_14 = arith.constant 160 : i32
    %add3A_15 = arith.addi %mul3A_9, %add3A_14 : i32
    "tpu.region"() ({
      %run_scoped3A = tpu.sem_alloc : memref<!tpu.dma_semaphore, #tpu.memory_space<semaphore_mem>>
      %dma_start3A = arith.constant 0 : i32
      %dma_start3A_34 = arith.constant 0 : i32
      %dma_start3A_35 = tpu.memref_slice %arg10[%dma_start3A, %dma_start3A_34] : memref<80x128xf32, #tpu.memory_space<vmem>> -> memref<80x128xf32, #tpu.memory_space<vmem>>
      %dma_start3A_36 = arith.constant 0 : i32
      %dma_start3A_37 = tpu.memref_slice %arg7[%add3A_15, %dma_start3A_36] : memref<10112x128xf32, #tpu.memory_space<vmem_shared>> -> memref<80x128xf32, #tpu.memory_space<vmem_shared>>
      %dma_start3A_38 = arith.constant 0 : i32
      %dma_start3A_39 = tpu.memref_slice %arg7[%add3A_15, %dma_start3A_38] : memref<10112x128xf32, #tpu.memory_space<vmem_shared>> -> memref<80x128xf32, #tpu.memory_space<vmem_shared>>
      %dma_start3A_40 = arith.constant 0 : i32
      %dma_start3A_41 = arith.constant 0 : i32
      %dma_start3A_42 = tpu.memref_slice %arg10[%dma_start3A_40, %dma_start3A_41] : memref<80x128xf32, #tpu.memory_space<vmem>> -> memref<80x128xf32, #tpu.memory_space<vmem>>
      tpu.enqueue_dma source(%dma_start3A_42 : memref<80x128xf32, #tpu.memory_space<vmem>>) target(%dma_start3A_39 : memref<80x128xf32, #tpu.memory_space<vmem_shared>>) target_semaphore(%run_scoped3A : memref<!tpu.dma_semaphore, #tpu.memory_space<semaphore_mem>>)
      %dma_wait3A = arith.constant 0 : i32
      %dma_wait3A_43 = arith.constant 0 : i32
      %dma_wait3A_44 = tpu.memref_slice %arg10[%dma_wait3A, %dma_wait3A_43] : memref<80x128xf32, #tpu.memory_space<vmem>> -> memref<80x128xf32, #tpu.memory_space<vmem>>
      %dma_wait3A_45 = arith.constant 0 : i32
      %dma_wait3A_46 = tpu.memref_slice %arg7[%add3A_15, %dma_wait3A_45] : memref<10112x128xf32, #tpu.memory_space<vmem_shared>> -> memref<80x128xf32, #tpu.memory_space<vmem_shared>>
      %dma_wait3A_47 = arith.constant 0 : i32
      %dma_wait3A_48 = tpu.memref_slice %arg7[%add3A_15, %dma_wait3A_47] : memref<10112x128xf32, #tpu.memory_space<vmem_shared>> -> memref<80x128xf32, #tpu.memory_space<vmem_shared>>
      %dma_wait3A_49 = arith.constant 0 : i32
      %dma_wait3A_50 = arith.constant 0 : i32
      %dma_wait3A_51 = tpu.memref_slice %arg10[%dma_wait3A_49, %dma_wait3A_50] : memref<80x128xf32, #tpu.memory_space<vmem>> -> memref<80x128xf32, #tpu.memory_space<vmem>>
      tpu.wait_dma2 semaphore(%run_scoped3A : memref<!tpu.dma_semaphore, #tpu.memory_space<semaphore_mem>>) src(%dma_wait3A_51 : memref<80x128xf32, #tpu.memory_space<vmem>>) dst(%dma_wait3A_48 : memref<80x128xf32, #tpu.memory_space<vmem_shared>>)
      tpu.yield
    }) : () -> ()
    %add3A_16 = arith.constant 240 : i32
    %add3A_17 = arith.addi %mul3A_9, %add3A_16 : i32
    "tpu.region"() ({
      %run_scoped3A = tpu.sem_alloc : memref<!tpu.dma_semaphore, #tpu.memory_space<semaphore_mem>>
      %dma_start3A = arith.constant 0 : i32
      %dma_start3A_34 = arith.constant 0 : i32
      %dma_start3A_35 = tpu.memref_slice %arg10[%dma_start3A, %dma_start3A_34] : memref<80x128xf32, #tpu.memory_space<vmem>> -> memref<80x128xf32, #tpu.memory_space<vmem>>
      %dma_start3A_36 = arith.constant 0 : i32
      %dma_start3A_37 = tpu.memref_slice %arg7[%add3A_17, %dma_start3A_36] : memref<10112x128xf32, #tpu.memory_space<vmem_shared>> -> memref<80x128xf32, #tpu.memory_space<vmem_shared>>
      %dma_start3A_38 = arith.constant 0 : i32
      %dma_start3A_39 = tpu.memref_slice %arg7[%add3A_17, %dma_start3A_38] : memref<10112x128xf32, #tpu.memory_space<vmem_shared>> -> memref<80x128xf32, #tpu.memory_space<vmem_shared>>
      %dma_start3A_40 = arith.constant 0 : i32
      %dma_start3A_41 = arith.constant 0 : i32
      %dma_start3A_42 = tpu.memref_slice %arg10[%dma_start3A_40, %dma_start3A_41] : memref<80x128xf32, #tpu.memory_space<vmem>> -> memref<80x128xf32, #tpu.memory_space<vmem>>
      tpu.enqueue_dma source(%dma_start3A_42 : memref<80x128xf32, #tpu.memory_space<vmem>>) target(%dma_start3A_39 : memref<80x128xf32, #tpu.memory_space<vmem_shared>>) target_semaphore(%run_scoped3A : memref<!tpu.dma_semaphore, #tpu.memory_space<semaphore_mem>>)
      %dma_wait3A = arith.constant 0 : i32
      %dma_wait3A_43 = arith.constant 0 : i32
      %dma_wait3A_44 = tpu.memref_slice %arg10[%dma_wait3A, %dma_wait3A_43] : memref<80x128xf32, #tpu.memory_space<vmem>> -> memref<80x128xf32, #tpu.memory_space<vmem>>
      %dma_wait3A_45 = arith.constant 0 : i32
      %dma_wait3A_46 = tpu.memref_slice %arg7[%add3A_17, %dma_wait3A_45] : memref<10112x128xf32, #tpu.memory_space<vmem_shared>> -> memref<80x128xf32, #tpu.memory_space<vmem_shared>>
      %dma_wait3A_47 = arith.constant 0 : i32
      %dma_wait3A_48 = tpu.memref_slice %arg7[%add3A_17, %dma_wait3A_47] : memref<10112x128xf32, #tpu.memory_space<vmem_shared>> -> memref<80x128xf32, #tpu.memory_space<vmem_shared>>
      %dma_wait3A_49 = arith.constant 0 : i32
      %dma_wait3A_50 = arith.constant 0 : i32
      %dma_wait3A_51 = tpu.memref_slice %arg10[%dma_wait3A_49, %dma_wait3A_50] : memref<80x128xf32, #tpu.memory_space<vmem>> -> memref<80x128xf32, #tpu.memory_space<vmem>>
      tpu.wait_dma2 semaphore(%run_scoped3A : memref<!tpu.dma_semaphore, #tpu.memory_space<semaphore_mem>>) src(%dma_wait3A_51 : memref<80x128xf32, #tpu.memory_space<vmem>>) dst(%dma_wait3A_48 : memref<80x128xf32, #tpu.memory_space<vmem_shared>>)
      tpu.yield
    }) : () -> ()
    %add3A_18 = arith.constant 320 : i32
    %add3A_19 = arith.addi %mul3A_9, %add3A_18 : i32
    "tpu.region"() ({
      %run_scoped3A = tpu.sem_alloc : memref<!tpu.dma_semaphore, #tpu.memory_space<semaphore_mem>>
      %dma_start3A = arith.constant 0 : i32
      %dma_start3A_34 = arith.constant 0 : i32
      %dma_start3A_35 = tpu.memref_slice %arg10[%dma_start3A, %dma_start3A_34] : memref<80x128xf32, #tpu.memory_space<vmem>> -> memref<80x128xf32, #tpu.memory_space<vmem>>
      %dma_start3A_36 = arith.constant 0 : i32
      %dma_start3A_37 = tpu.memref_slice %arg7[%add3A_19, %dma_start3A_36] : memref<10112x128xf32, #tpu.memory_space<vmem_shared>> -> memref<80x128xf32, #tpu.memory_space<vmem_shared>>
      %dma_start3A_38 = arith.constant 0 : i32
      %dma_start3A_39 = tpu.memref_slice %arg7[%add3A_19, %dma_start3A_38] : memref<10112x128xf32, #tpu.memory_space<vmem_shared>> -> memref<80x128xf32, #tpu.memory_space<vmem_shared>>
      %dma_start3A_40 = arith.constant 0 : i32
      %dma_start3A_41 = arith.constant 0 : i32
      %dma_start3A_42 = tpu.memref_slice %arg10[%dma_start3A_40, %dma_start3A_41] : memref<80x128xf32, #tpu.memory_space<vmem>> -> memref<80x128xf32, #tpu.memory_space<vmem>>
      tpu.enqueue_dma source(%dma_start3A_42 : memref<80x128xf32, #tpu.memory_space<vmem>>) target(%dma_start3A_39 : memref<80x128xf32, #tpu.memory_space<vmem_shared>>) target_semaphore(%run_scoped3A : memref<!tpu.dma_semaphore, #tpu.memory_space<semaphore_mem>>)
      %dma_wait3A = arith.constant 0 : i32
      %dma_wait3A_43 = arith.constant 0 : i32
      %dma_wait3A_44 = tpu.memref_slice %arg10[%dma_wait3A, %dma_wait3A_43] : memref<80x128xf32, #tpu.memory_space<vmem>> -> memref<80x128xf32, #tpu.memory_space<vmem>>
      %dma_wait3A_45 = arith.constant 0 : i32
      %dma_wait3A_46 = tpu.memref_slice %arg7[%add3A_19, %dma_wait3A_45] : memref<10112x128xf32, #tpu.memory_space<vmem_shared>> -> memref<80x128xf32, #tpu.memory_space<vmem_shared>>
      %dma_wait3A_47 = arith.constant 0 : i32
      %dma_wait3A_48 = tpu.memref_slice %arg7[%add3A_19, %dma_wait3A_47] : memref<10112x128xf32, #tpu.memory_space<vmem_shared>> -> memref<80x128xf32, #tpu.memory_space<vmem_shared>>
      %dma_wait3A_49 = arith.constant 0 : i32
      %dma_wait3A_50 = arith.constant 0 : i32
      %dma_wait3A_51 = tpu.memref_slice %arg10[%dma_wait3A_49, %dma_wait3A_50] : memref<80x128xf32, #tpu.memory_space<vmem>> -> memref<80x128xf32, #tpu.memory_space<vmem>>
      tpu.wait_dma2 semaphore(%run_scoped3A : memref<!tpu.dma_semaphore, #tpu.memory_space<semaphore_mem>>) src(%dma_wait3A_51 : memref<80x128xf32, #tpu.memory_space<vmem>>) dst(%dma_wait3A_48 : memref<80x128xf32, #tpu.memory_space<vmem_shared>>)
      tpu.yield
    }) : () -> ()
    %add3A_20 = arith.constant 400 : i32
    %add3A_21 = arith.addi %mul3A_9, %add3A_20 : i32
    "tpu.region"() ({
      %run_scoped3A = tpu.sem_alloc : memref<!tpu.dma_semaphore, #tpu.memory_space<semaphore_mem>>
      %dma_start3A = arith.constant 0 : i32
      %dma_start3A_34 = arith.constant 0 : i32
      %dma_start3A_35 = tpu.memref_slice %arg10[%dma_start3A, %dma_start3A_34] : memref<80x128xf32, #tpu.memory_space<vmem>> -> memref<80x128xf32, #tpu.memory_space<vmem>>
      %dma_start3A_36 = arith.constant 0 : i32
      %dma_start3A_37 = tpu.memref_slice %arg7[%add3A_21, %dma_start3A_36] : memref<10112x128xf32, #tpu.memory_space<vmem_shared>> -> memref<80x128xf32, #tpu.memory_space<vmem_shared>>
      %dma_start3A_38 = arith.constant 0 : i32
      %dma_start3A_39 = tpu.memref_slice %arg7[%add3A_21, %dma_start3A_38] : memref<10112x128xf32, #tpu.memory_space<vmem_shared>> -> memref<80x128xf32, #tpu.memory_space<vmem_shared>>
      %dma_start3A_40 = arith.constant 0 : i32
      %dma_start3A_41 = arith.constant 0 : i32
      %dma_start3A_42 = tpu.memref_slice %arg10[%dma_start3A_40, %dma_start3A_41] : memref<80x128xf32, #tpu.memory_space<vmem>> -> memref<80x128xf32, #tpu.memory_space<vmem>>
      tpu.enqueue_dma source(%dma_start3A_42 : memref<80x128xf32, #tpu.memory_space<vmem>>) target(%dma_start3A_39 : memref<80x128xf32, #tpu.memory_space<vmem_shared>>) target_semaphore(%run_scoped3A : memref<!tpu.dma_semaphore, #tpu.memory_space<semaphore_mem>>)
      %dma_wait3A = arith.constant 0 : i32
      %dma_wait3A_43 = arith.constant 0 : i32
      %dma_wait3A_44 = tpu.memref_slice %arg10[%dma_wait3A, %dma_wait3A_43] : memref<80x128xf32, #tpu.memory_space<vmem>> -> memref<80x128xf32, #tpu.memory_space<vmem>>
      %dma_wait3A_45 = arith.constant 0 : i32
      %dma_wait3A_46 = tpu.memref_slice %arg7[%add3A_21, %dma_wait3A_45] : memref<10112x128xf32, #tpu.memory_space<vmem_shared>> -> memref<80x128xf32, #tpu.memory_space<vmem_shared>>
      %dma_wait3A_47 = arith.constant 0 : i32
      %dma_wait3A_48 = tpu.memref_slice %arg7[%add3A_21, %dma_wait3A_47] : memref<10112x128xf32, #tpu.memory_space<vmem_shared>> -> memref<80x128xf32, #tpu.memory_space<vmem_shared>>
      %dma_wait3A_49 = arith.constant 0 : i32
      %dma_wait3A_50 = arith.constant 0 : i32
      %dma_wait3A_51 = tpu.memref_slice %arg10[%dma_wait3A_49, %dma_wait3A_50] : memref<80x128xf32, #tpu.memory_space<vmem>> -> memref<80x128xf32, #tpu.memory_space<vmem>>
      tpu.wait_dma2 semaphore(%run_scoped3A : memref<!tpu.dma_semaphore, #tpu.memory_space<semaphore_mem>>) src(%dma_wait3A_51 : memref<80x128xf32, #tpu.memory_space<vmem>>) dst(%dma_wait3A_48 : memref<80x128xf32, #tpu.memory_space<vmem_shared>>)
      tpu.yield
    }) : () -> ()
    %add3A_22 = arith.constant 480 : i32
    %add3A_23 = arith.addi %mul3A_9, %add3A_22 : i32
    "tpu.region"() ({
      %run_scoped3A = tpu.sem_alloc : memref<!tpu.dma_semaphore, #tpu.memory_space<semaphore_mem>>
      %dma_start3A = arith.constant 0 : i32
      %dma_start3A_34 = arith.constant 0 : i32
      %dma_start3A_35 = tpu.memref_slice %arg10[%dma_start3A, %dma_start3A_34] : memref<80x128xf32, #tpu.memory_space<vmem>> -> memref<80x128xf32, #tpu.memory_space<vmem>>
      %dma_start3A_36 = arith.constant 0 : i32
      %dma_start3A_37 = tpu.memref_slice %arg7[%add3A_23, %dma_start3A_36] : memref<10112x128xf32, #tpu.memory_space<vmem_shared>> -> memref<80x128xf32, #tpu.memory_space<vmem_shared>>
      %dma_start3A_38 = arith.constant 0 : i32
      %dma_start3A_39 = tpu.memref_slice %arg7[%add3A_23, %dma_start3A_38] : memref<10112x128xf32, #tpu.memory_space<vmem_shared>> -> memref<80x128xf32, #tpu.memory_space<vmem_shared>>
      %dma_start3A_40 = arith.constant 0 : i32
      %dma_start3A_41 = arith.constant 0 : i32
      %dma_start3A_42 = tpu.memref_slice %arg10[%dma_start3A_40, %dma_start3A_41] : memref<80x128xf32, #tpu.memory_space<vmem>> -> memref<80x128xf32, #tpu.memory_space<vmem>>
      tpu.enqueue_dma source(%dma_start3A_42 : memref<80x128xf32, #tpu.memory_space<vmem>>) target(%dma_start3A_39 : memref<80x128xf32, #tpu.memory_space<vmem_shared>>) target_semaphore(%run_scoped3A : memref<!tpu.dma_semaphore, #tpu.memory_space<semaphore_mem>>)
      %dma_wait3A = arith.constant 0 : i32
      %dma_wait3A_43 = arith.constant 0 : i32
      %dma_wait3A_44 = tpu.memref_slice %arg10[%dma_wait3A, %dma_wait3A_43] : memref<80x128xf32, #tpu.memory_space<vmem>> -> memref<80x128xf32, #tpu.memory_space<vmem>>
      %dma_wait3A_45 = arith.constant 0 : i32
      %dma_wait3A_46 = tpu.memref_slice %arg7[%add3A_23, %dma_wait3A_45] : memref<10112x128xf32, #tpu.memory_space<vmem_shared>> -> memref<80x128xf32, #tpu.memory_space<vmem_shared>>
      %dma_wait3A_47 = arith.constant 0 : i32
      %dma_wait3A_48 = tpu.memref_slice %arg7[%add3A_23, %dma_wait3A_47] : memref<10112x128xf32, #tpu.memory_space<vmem_shared>> -> memref<80x128xf32, #tpu.memory_space<vmem_shared>>
      %dma_wait3A_49 = arith.constant 0 : i32
      %dma_wait3A_50 = arith.constant 0 : i32
      %dma_wait3A_51 = tpu.memref_slice %arg10[%dma_wait3A_49, %dma_wait3A_50] : memref<80x128xf32, #tpu.memory_space<vmem>> -> memref<80x128xf32, #tpu.memory_space<vmem>>
      tpu.wait_dma2 semaphore(%run_scoped3A : memref<!tpu.dma_semaphore, #tpu.memory_space<semaphore_mem>>) src(%dma_wait3A_51 : memref<80x128xf32, #tpu.memory_space<vmem>>) dst(%dma_wait3A_48 : memref<80x128xf32, #tpu.memory_space<vmem_shared>>)
      tpu.yield
    }) : () -> ()
    %add3A_24 = arith.constant 560 : i32
    %add3A_25 = arith.addi %mul3A_9, %add3A_24 : i32
    "tpu.region"() ({
      %run_scoped3A = tpu.sem_alloc : memref<!tpu.dma_semaphore, #tpu.memory_space<semaphore_mem>>
      %dma_start3A = arith.constant 0 : i32
      %dma_start3A_34 = arith.constant 0 : i32
      %dma_start3A_35 = tpu.memref_slice %arg10[%dma_start3A, %dma_start3A_34] : memref<80x128xf32, #tpu.memory_space<vmem>> -> memref<72x128xf32, #tpu.memory_space<vmem>>
      %dma_start3A_36 = arith.constant 0 : i32
      %dma_start3A_37 = tpu.memref_slice %arg7[%add3A_25, %dma_start3A_36] : memref<10112x128xf32, #tpu.memory_space<vmem_shared>> -> memref<72x128xf32, #tpu.memory_space<vmem_shared>>
      %dma_start3A_38 = arith.constant 0 : i32
      %dma_start3A_39 = tpu.memref_slice %arg7[%add3A_25, %dma_start3A_38] : memref<10112x128xf32, #tpu.memory_space<vmem_shared>> -> memref<72x128xf32, #tpu.memory_space<vmem_shared>>
      %dma_start3A_40 = arith.constant 0 : i32
      %dma_start3A_41 = arith.constant 0 : i32
      %dma_start3A_42 = tpu.memref_slice %arg10[%dma_start3A_40, %dma_start3A_41] : memref<80x128xf32, #tpu.memory_space<vmem>> -> memref<72x128xf32, #tpu.memory_space<vmem>>
      tpu.enqueue_dma source(%dma_start3A_42 : memref<72x128xf32, #tpu.memory_space<vmem>>) target(%dma_start3A_39 : memref<72x128xf32, #tpu.memory_space<vmem_shared>>) target_semaphore(%run_scoped3A : memref<!tpu.dma_semaphore, #tpu.memory_space<semaphore_mem>>)
      %dma_wait3A = arith.constant 0 : i32
      %dma_wait3A_43 = arith.constant 0 : i32
      %dma_wait3A_44 = tpu.memref_slice %arg10[%dma_wait3A, %dma_wait3A_43] : memref<80x128xf32, #tpu.memory_space<vmem>> -> memref<72x128xf32, #tpu.memory_space<vmem>>
      %dma_wait3A_45 = arith.constant 0 : i32
      %dma_wait3A_46 = tpu.memref_slice %arg7[%add3A_25, %dma_wait3A_45] : memref<10112x128xf32, #tpu.memory_space<vmem_shared>> -> memref<72x128xf32, #tpu.memory_space<vmem_shared>>
      %dma_wait3A_47 = arith.constant 0 : i32
      %dma_wait3A_48 = tpu.memref_slice %arg7[%add3A_25, %dma_wait3A_47] : memref<10112x128xf32, #tpu.memory_space<vmem_shared>> -> memref<72x128xf32, #tpu.memory_space<vmem_shared>>
      %dma_wait3A_49 = arith.constant 0 : i32
      %dma_wait3A_50 = arith.constant 0 : i32
      %dma_wait3A_51 = tpu.memref_slice %arg10[%dma_wait3A_49, %dma_wait3A_50] : memref<80x128xf32, #tpu.memory_space<vmem>> -> memref<72x128xf32, #tpu.memory_space<vmem>>
      tpu.wait_dma2 semaphore(%run_scoped3A : memref<!tpu.dma_semaphore, #tpu.memory_space<semaphore_mem>>) src(%dma_wait3A_51 : memref<72x128xf32, #tpu.memory_space<vmem>>) dst(%dma_wait3A_48 : memref<72x128xf32, #tpu.memory_space<vmem_shared>>)
      tpu.yield
    }) : () -> ()
    %barrier3A = arith.constant 0 : index
    tpu.barrier barrier_id(%barrier3A)
    %scan3A_26 = arith.constant 0 : i32
    %scan3A_27 = arith.constant 0 : i32
    %scan3A_28 = arith.constant 125 : i32
    %scan3A_29 = arith.addi %scan3A_27, %scan3A_28 : i32
    %scan3A_30 = arith.constant 1 : i32
    %scan3A_31 = scf.for %scan3A_34 = %scan3A_27 to %scan3A_29 step %scan3A_30 iter_args(%scan3A_35 = %scan3A_26) -> (i32)  : i32 {
      %mul3A_36 = arith.constant 10000 : i32
      %mul3A_37 = arith.muli %add3A, %mul3A_36 : i32
      %mul3A_38 = arith.constant 80 : i32
      %mul3A_39 = arith.muli %scan3A_34, %mul3A_38 : i32
      %add3A_40 = arith.addi %mul3A_37, %mul3A_39 : i32
      "tpu.region"() ({
        %run_scoped3A = tpu.sem_alloc : memref<!tpu.dma_semaphore, #tpu.memory_space<semaphore_mem>>
        %dma_start3A_53 = tpu.memref_slice %arg3[%add3A_40] : memref<320000xi32, #tpu.memory_space<hbm>> -> memref<80xi32, #tpu.memory_space<hbm>>
        %dma_start3A_54 = tpu.memref_slice %arg3[%add3A_40] : memref<320000xi32, #tpu.memory_space<hbm>> -> memref<80xi32, #tpu.memory_space<hbm>>
        tpu.enqueue_dma source(%dma_start3A_54 : memref<80xi32, #tpu.memory_space<hbm>>) target(%arg8 : memref<80xi32, #tpu.memory_space<vmem>>) target_semaphore(%run_scoped3A : memref<!tpu.dma_semaphore, #tpu.memory_space<semaphore_mem>>)
        %dma_wait3A_55 = tpu.memref_slice %arg3[%add3A_40] : memref<320000xi32, #tpu.memory_space<hbm>> -> memref<80xi32, #tpu.memory_space<hbm>>
        %dma_wait3A_56 = tpu.memref_slice %arg3[%add3A_40] : memref<320000xi32, #tpu.memory_space<hbm>> -> memref<80xi32, #tpu.memory_space<hbm>>
        tpu.wait_dma2 semaphore(%run_scoped3A : memref<!tpu.dma_semaphore, #tpu.memory_space<semaphore_mem>>) src(%dma_wait3A_56 : memref<80xi32, #tpu.memory_space<hbm>>) dst(%arg8 : memref<80xi32, #tpu.memory_space<vmem>>)
        tpu.yield
      }) : () -> ()
      "tpu.region"() ({
        %run_scoped3A = tpu.sem_alloc : memref<!tpu.dma_semaphore, #tpu.memory_space<semaphore_mem>>
        %dma_start3A_53 = tpu.memref_slice %arg4[%add3A_40] : memref<320000xi32, #tpu.memory_space<hbm>> -> memref<80xi32, #tpu.memory_space<hbm>>
        %dma_start3A_54 = tpu.memref_slice %arg4[%add3A_40] : memref<320000xi32, #tpu.memory_space<hbm>> -> memref<80xi32, #tpu.memory_space<hbm>>
        tpu.enqueue_dma source(%dma_start3A_54 : memref<80xi32, #tpu.memory_space<hbm>>) target(%arg9 : memref<80xi32, #tpu.memory_space<vmem>>) target_semaphore(%run_scoped3A : memref<!tpu.dma_semaphore, #tpu.memory_space<semaphore_mem>>)
        %dma_wait3A_55 = tpu.memref_slice %arg4[%add3A_40] : memref<320000xi32, #tpu.memory_space<hbm>> -> memref<80xi32, #tpu.memory_space<hbm>>
        %dma_wait3A_56 = tpu.memref_slice %arg4[%add3A_40] : memref<320000xi32, #tpu.memory_space<hbm>> -> memref<80xi32, #tpu.memory_space<hbm>>
        tpu.wait_dma2 semaphore(%run_scoped3A : memref<!tpu.dma_semaphore, #tpu.memory_space<semaphore_mem>>) src(%dma_wait3A_56 : memref<80xi32, #tpu.memory_space<hbm>>) dst(%arg9 : memref<80xi32, #tpu.memory_space<vmem>>)
        tpu.yield
      }) : () -> ()
      "tpu.region"() ({
        %run_scoped3A = tpu.sem_alloc : memref<!tpu.dma_semaphore, #tpu.memory_space<semaphore_mem>>
        %dma_start3A_53 = tpu.memref_slice %arg5[%add3A_40] : memref<320000xf32, #tpu.memory_space<hbm>> -> memref<80xf32, #tpu.memory_space<hbm>>
        %dma_start3A_54 = tpu.memref_slice %arg5[%add3A_40] : memref<320000xf32, #tpu.memory_space<hbm>> -> memref<80xf32, #tpu.memory_space<hbm>>
        tpu.enqueue_dma source(%dma_start3A_54 : memref<80xf32, #tpu.memory_space<hbm>>) target(%arg11 : memref<80xf32, #tpu.memory_space<vmem>>) target_semaphore(%run_scoped3A : memref<!tpu.dma_semaphore, #tpu.memory_space<semaphore_mem>>)
        %dma_wait3A_55 = tpu.memref_slice %arg5[%add3A_40] : memref<320000xf32, #tpu.memory_space<hbm>> -> memref<80xf32, #tpu.memory_space<hbm>>
        %dma_wait3A_56 = tpu.memref_slice %arg5[%add3A_40] : memref<320000xf32, #tpu.memory_space<hbm>> -> memref<80xf32, #tpu.memory_space<hbm>>
        tpu.wait_dma2 semaphore(%run_scoped3A : memref<!tpu.dma_semaphore, #tpu.memory_space<semaphore_mem>>) src(%dma_wait3A_56 : memref<80xf32, #tpu.memory_space<hbm>>) dst(%arg11 : memref<80xf32, #tpu.memory_space<vmem>>)
        tpu.yield
      }) : () -> ()
      %dma_start3A = arith.constant 0 : i32
      %dma_start3A_41 = arith.constant 0 : i32
      %dma_start3A_42 = tpu.memref_slice %arg2[%dma_start3A, %dma_start3A_41] : memref<10000x128xf32, #tpu.memory_space<hbm>> -> memref<10000x128xf32, #tpu.memory_space<hbm>>
      tpu.enqueue_indirect_dma source(%dma_start3A_42 : memref<10000x128xf32, #tpu.memory_space<hbm>>) target(%arg10 : memref<80x128xf32, #tpu.memory_space<vmem>>) offsets(%arg9 : memref<80xi32, #tpu.memory_space<vmem>>) semaphore(%arg12 : memref<!tpu.dma_semaphore, #tpu.memory_space<semaphore_mem>>)
      %dma_wait3A = arith.constant 0 : i32
      %dma_wait3A_43 = arith.constant 0 : i32
      %dma_wait3A_44 = tpu.memref_slice %arg2[%dma_wait3A, %dma_wait3A_43] : memref<10000x128xf32, #tpu.memory_space<hbm>> -> memref<10000x128xf32, #tpu.memory_space<hbm>>
      tpu.wait_indirect_dma semaphore(%arg12 : memref<!tpu.dma_semaphore, #tpu.memory_space<semaphore_mem>>) src(%dma_wait3A_44 : memref<10000x128xf32, #tpu.memory_space<hbm>>) dst(%arg10 : memref<80x128xf32, #tpu.memory_space<vmem>>)
      %scan3A_45 = arith.constant 0 : i32
      %scan3A_46 = arith.constant 0 : i32
      %scan3A_47 = arith.constant 80 : i32
      %scan3A_48 = arith.addi %scan3A_46, %scan3A_47 : i32
      %scan3A_49 = arith.constant 1 : i32
      %scan3A_50 = scf.for %scan3A_53 = %scan3A_46 to %scan3A_48 step %scan3A_49 iter_args(%scan3A_54 = %scan3A_45) -> (i32)  : i32 {
        %broadcast_in_dim3A_55 = arith.constant 0 : i32
        %broadcast_in_dim3A_56 = vector.broadcast %broadcast_in_dim3A_55 : i32 to vector<16xi32>
        %add3A_57 = vector.broadcast %scan3A_53 : i32 to vector<16xi32>
        %add3A_58 = arith.addi %broadcast_in_dim3A_56, %add3A_57 : vector<16xi32>
        %gather3A = tpu.vector_load_idx %arg11[%add3A_58] : memref<80xf32, #tpu.memory_space<vmem>>[vector<16xi32>], vector<16xf32>,
        %get3A = arith.index_cast %scan3A_53 : i32 to index
        %get3A_59 = arith.constant 0 : index
        %get3A_60 = tpu.vector_load %arg10[%get3A, %get3A_59] {strides = array<i32>} : memref<80x128xf32, #tpu.memory_space<vmem>>, vector<16xf32>,
        %mul3A_61 = arith.mulf %get3A_60, %gather3A : vector<16xf32>
        %swap3A = arith.index_cast %scan3A_53 : i32 to index
        %swap3A_62 = arith.constant 0 : index
        %swap3A_63 = tpu.vector_load %arg10[%swap3A, %swap3A_62] {strides = array<i32>} : memref<80x128xf32, #tpu.memory_space<vmem>>, vector<16xf32>,
        tpu.vector_store %arg10[%swap3A, %swap3A_62], %mul3A_61 {strides = array<i32>} : memref<80x128xf32, #tpu.memory_space<vmem>>, vector<16xf32>,
        %get3A_64 = arith.index_cast %scan3A_53 : i32 to index
        %get3A_65 = arith.constant 16 : index
        %get3A_66 = tpu.vector_load %arg10[%get3A_64, %get3A_65] {strides = array<i32>} : memref<80x128xf32, #tpu.memory_space<vmem>>, vector<16xf32>,
        %mul3A_67 = arith.mulf %get3A_66, %gather3A : vector<16xf32>
        %swap3A_68 = arith.index_cast %scan3A_53 : i32 to index
        %swap3A_69 = arith.constant 16 : index
        %swap3A_70 = tpu.vector_load %arg10[%swap3A_68, %swap3A_69] {strides = array<i32>} : memref<80x128xf32, #tpu.memory_space<vmem>>, vector<16xf32>,
        tpu.vector_store %arg10[%swap3A_68, %swap3A_69], %mul3A_67 {strides = array<i32>} : memref<80x128xf32, #tpu.memory_space<vmem>>, vector<16xf32>,
        %get3A_71 = arith.index_cast %scan3A_53 : i32 to index
        %get3A_72 = arith.constant 32 : index
        %get3A_73 = tpu.vector_load %arg10[%get3A_71, %get3A_72] {strides = array<i32>} : memref<80x128xf32, #tpu.memory_space<vmem>>, vector<16xf32>,
        %mul3A_74 = arith.mulf %get3A_73, %gather3A : vector<16xf32>
        %swap3A_75 = arith.index_cast %scan3A_53 : i32 to index
        %swap3A_76 = arith.constant 32 : index
        %swap3A_77 = tpu.vector_load %arg10[%swap3A_75, %swap3A_76] {strides = array<i32>} : memref<80x128xf32, #tpu.memory_space<vmem>>, vector<16xf32>,
        tpu.vector_store %arg10[%swap3A_75, %swap3A_76], %mul3A_74 {strides = array<i32>} : memref<80x128xf32, #tpu.memory_space<vmem>>, vector<16xf32>,
        %get3A_78 = arith.index_cast %scan3A_53 : i32 to index
        %get3A_79 = arith.constant 48 : index
        %get3A_80 = tpu.vector_load %arg10[%get3A_78, %get3A_79] {strides = array<i32>} : memref<80x128xf32, #tpu.memory_space<vmem>>, vector<16xf32>,
        %mul3A_81 = arith.mulf %get3A_80, %gather3A : vector<16xf32>
        %swap3A_82 = arith.index_cast %scan3A_53 : i32 to index
        %swap3A_83 = arith.constant 48 : index
        %swap3A_84 = tpu.vector_load %arg10[%swap3A_82, %swap3A_83] {strides = array<i32>} : memref<80x128xf32, #tpu.memory_space<vmem>>, vector<16xf32>,
        tpu.vector_store %arg10[%swap3A_82, %swap3A_83], %mul3A_81 {strides = array<i32>} : memref<80x128xf32, #tpu.memory_space<vmem>>, vector<16xf32>,
        %get3A_85 = arith.index_cast %scan3A_53 : i32 to index
        %get3A_86 = arith.constant 64 : index
        %get3A_87 = tpu.vector_load %arg10[%get3A_85, %get3A_86] {strides = array<i32>} : memref<80x128xf32, #tpu.memory_space<vmem>>, vector<16xf32>,
        %mul3A_88 = arith.mulf %get3A_87, %gather3A : vector<16xf32>
        %swap3A_89 = arith.index_cast %scan3A_53 : i32 to index
        %swap3A_90 = arith.constant 64 : index
        %swap3A_91 = tpu.vector_load %arg10[%swap3A_89, %swap3A_90] {strides = array<i32>} : memref<80x128xf32, #tpu.memory_space<vmem>>, vector<16xf32>,
        tpu.vector_store %arg10[%swap3A_89, %swap3A_90], %mul3A_88 {strides = array<i32>} : memref<80x128xf32, #tpu.memory_space<vmem>>, vector<16xf32>,
        %get3A_92 = arith.index_cast %scan3A_53 : i32 to index
        %get3A_93 = arith.constant 80 : index
        %get3A_94 = tpu.vector_load %arg10[%get3A_92, %get3A_93] {strides = array<i32>} : memref<80x128xf32, #tpu.memory_space<vmem>>, vector<16xf32>,
        %mul3A_95 = arith.mulf %get3A_94, %gather3A : vector<16xf32>
        %swap3A_96 = arith.index_cast %scan3A_53 : i32 to index
        %swap3A_97 = arith.constant 80 : index
        %swap3A_98 = tpu.vector_load %arg10[%swap3A_96, %swap3A_97] {strides = array<i32>} : memref<80x128xf32, #tpu.memory_space<vmem>>, vector<16xf32>,
        tpu.vector_store %arg10[%swap3A_96, %swap3A_97], %mul3A_95 {strides = array<i32>} : memref<80x128xf32, #tpu.memory_space<vmem>>, vector<16xf32>,
        %get3A_99 = arith.index_cast %scan3A_53 : i32 to index
        %get3A_100 = arith.constant 96 : index
        %get3A_101 = tpu.vector_load %arg10[%get3A_99, %get3A_100] {strides = array<i32>} : memref<80x128xf32, #tpu.memory_space<vmem>>, vector<16xf32>,
        %mul3A_102 = arith.mulf %get3A_101, %gather3A : vector<16xf32>
        %swap3A_103 = arith.index_cast %scan3A_53 : i32 to index
        %swap3A_104 = arith.constant 96 : index
        %swap3A_105 = tpu.vector_load %arg10[%swap3A_103, %swap3A_104] {strides = array<i32>} : memref<80x128xf32, #tpu.memory_space<vmem>>, vector<16xf32>,
        tpu.vector_store %arg10[%swap3A_103, %swap3A_104], %mul3A_102 {strides = array<i32>} : memref<80x128xf32, #tpu.memory_space<vmem>>, vector<16xf32>,
        %get3A_106 = arith.index_cast %scan3A_53 : i32 to index
        %get3A_107 = arith.constant 112 : index
        %get3A_108 = tpu.vector_load %arg10[%get3A_106, %get3A_107] {strides = array<i32>} : memref<80x128xf32, #tpu.memory_space<vmem>>, vector<16xf32>,
        %mul3A_109 = arith.mulf %get3A_108, %gather3A : vector<16xf32>
        %swap3A_110 = arith.index_cast %scan3A_53 : i32 to index
        %swap3A_111 = arith.constant 112 : index
        %swap3A_112 = tpu.vector_load %arg10[%swap3A_110, %swap3A_111] {strides = array<i32>} : memref<80x128xf32, #tpu.memory_space<vmem>>, vector<16xf32>,
        tpu.vector_store %arg10[%swap3A_110, %swap3A_111], %mul3A_109 {strides = array<i32>} : memref<80x128xf32, #tpu.memory_space<vmem>>, vector<16xf32>,
        %scan3A_113 = arith.constant 0 : i32
        scf.yield %scan3A_113 : i32
      }
      %scan3A_51 = arith.constant 80 : i32
      "tpu.region"() ({
        %run_scoped3A = tpu.sem_alloc : memref<!tpu.dma_semaphore, #tpu.memory_space<semaphore_mem>>
        %dma_start3A_53 = arith.constant 0 : i32
        %dma_start3A_54 = arith.constant 0 : i32
        %dma_start3A_55 = tpu.memref_slice %arg7[%dma_start3A_53, %dma_start3A_54] : memref<10112x128xf32, #tpu.memory_space<vmem_shared>> -> memref<10112x128xf32, #tpu.memory_space<vmem_shared>>
        tpu.enqueue_indirect_dma source(%arg10 : memref<80x128xf32, #tpu.memory_space<vmem>>) target(%dma_start3A_55 : memref<10112x128xf32, #tpu.memory_space<vmem_shared>>) offsets(%arg8 : memref<80xi32, #tpu.memory_space<vmem>>) semaphore(%run_scoped3A : memref<!tpu.dma_semaphore, #tpu.memory_space<semaphore_mem>>) {add = true}
        %dma_wait3A_56 = arith.constant 0 : i32
        %dma_wait3A_57 = arith.constant 0 : i32
        %dma_wait3A_58 = tpu.memref_slice %arg7[%dma_wait3A_56, %dma_wait3A_57] : memref<10112x128xf32, #tpu.memory_space<vmem_shared>> -> memref<10112x128xf32, #tpu.memory_space<vmem_shared>>
        tpu.wait_indirect_dma semaphore(%run_scoped3A : memref<!tpu.dma_semaphore, #tpu.memory_space<semaphore_mem>>) src(%arg10 : memref<80x128xf32, #tpu.memory_space<vmem>>) dst(%dma_wait3A_58 : memref<10112x128xf32, #tpu.memory_space<vmem_shared>>)
        tpu.yield
      }) : () -> ()
      %scan3A_52 = arith.constant 0 : i32
      scf.yield %scan3A_52 : i32
    }
    %scan3A_32 = arith.constant 125 : i32
    %barrier3A_33 = arith.constant 0 : index
    tpu.barrier barrier_id(%barrier3A_33)
    "tpu.region"() ({
      %run_scoped3A = tpu.sem_alloc : memref<!tpu.dma_semaphore, #tpu.memory_space<semaphore_mem>>
      %dma_start3A = arith.constant 0 : i32
      %dma_start3A_34 = tpu.memref_slice %arg6[%arg0, %mul3A_9, %dma_start3A] : memref<2x10112x128xf32, #tpu.memory_space<hbm>> -> memref<1x632x128xf32, #tpu.memory_space<hbm>>
      %dma_start3A_35 = tpu.memref_squeeze %dma_start3A_34 : memref<1x632x128xf32, #tpu.memory_space<hbm>> -> memref<632x128xf32, #tpu.memory_space<hbm>>
      %dma_start3A_36 = arith.constant 0 : i32
      %dma_start3A_37 = tpu.memref_slice %arg7[%mul3A_9, %dma_start3A_36] : memref<10112x128xf32, #tpu.memory_space<vmem_shared>> -> memref<632x128xf32, #tpu.memory_space<vmem_shared>>
      tpu.enqueue_dma source(%dma_start3A_37 : memref<632x128xf32, #tpu.memory_space<vmem_shared>>) target(%dma_start3A_35 : memref<632x128xf32, #tpu.memory_space<hbm>>) target_semaphore(%run_scoped3A : memref<!tpu.dma_semaphore, #tpu.memory_space<semaphore_mem>>)
      %dma_wait3A = arith.constant 0 : i32
      %dma_wait3A_38 = tpu.memref_slice %arg6[%arg0, %mul3A_9, %dma_wait3A] : memref<2x10112x128xf32, #tpu.memory_space<hbm>> -> memref<1x632x128xf32, #tpu.memory_space<hbm>>
      %dma_wait3A_39 = tpu.memref_squeeze %dma_wait3A_38 : memref<1x632x128xf32, #tpu.memory_space<hbm>> -> memref<632x128xf32, #tpu.memory_space<hbm>>
      %dma_wait3A_40 = arith.constant 0 : i32
      %dma_wait3A_41 = tpu.memref_slice %arg7[%mul3A_9, %dma_wait3A_40] : memref<10112x128xf32, #tpu.memory_space<vmem_shared>> -> memref<632x128xf32, #tpu.memory_space<vmem_shared>>
      tpu.wait_dma2 semaphore(%run_scoped3A : memref<!tpu.dma_semaphore, #tpu.memory_space<semaphore_mem>>) src(%dma_wait3A_41 : memref<632x128xf32, #tpu.memory_space<vmem_shared>>) dst(%dma_wait3A_39 : memref<632x128xf32, #tpu.memory_space<hbm>>)
      tpu.yield
    }) : () -> ()
    return
  }
}

#map = affine_map<(d0, d1) -> (0, 0)>
#map1 = affine_map<(d0, d1) -> (0)>
#map2 = affine_map<(d0, d1) -> (0, 0, 0)>
module attributes {stable_mosaic.version = 14 : i64} {
  func.func @_body(%arg0: i32, %arg1: i32, %arg2: memref<10000x128xf32, #tpu.memory_space<hbm>>, %arg3: memref<320000xi32, #tpu.memory_space<hbm>>, %arg4: memref<320000xi32, #tpu.memory_space<hbm>>, %arg5: memref<320000xf32, #tpu.memory_space<hbm>>, %arg6: memref<2x10112x128xf32, #tpu.memory_space<hbm>>, %arg7: memref<10112x128xf32, #tpu.memory_space<vmem_shared>>, %arg8: memref<80xi32, #tpu.memory_space<vmem>>, %arg9: memref<80xi32, #tpu.memory_space<vmem>>, %arg10: memref<80xf32, #tpu.memory_space<vmem>>, %arg11: memref<80x128xf32, #tpu.memory_space<vmem>>, %arg12: memref<!tpu.dma_semaphore, #tpu.memory_space<semaphore_mem>>) attributes {dimension_semantics = [#tpu.dimension_semantics<core_parallel>, #tpu.dimension_semantics<subcore_parallel>], iteration_bounds = array<i64: 2, 16>, scalar_prefetch = 0 : i64, scratch_operands = 6 : i64, tpu.core_type = #tpu.core_type<sc_vector_subcore>, window_params = [{transform_indices = #map}, {transform_indices = #map1}, {transform_indices = #map1}, {transform_indices = #map1}, {transform_indices = #map2}]} {
    %mul3A = arith.constant 2 : i32
    %mul3A_0 = arith.muli %arg1, %mul3A : i32
    %add3A = arith.addi %mul3A_0, %arg0 : i32
    %broadcast_in_dim3A = arith.constant 0.000000e+00 : f32
    %broadcast_in_dim3A_1 = vector.broadcast %broadcast_in_dim3A : f32 to vector<16xf32>
    %scan3A = arith.constant 0 : i32
    %scan3A_2 = arith.constant 0 : i32
    %scan3A_3 = arith.constant 80 : i32
    %scan3A_4 = arith.addi %scan3A_2, %scan3A_3 : i32
    %scan3A_5 = arith.constant 1 : i32
    %scan3A_6 = scf.for %scan3A_34 = %scan3A_2 to %scan3A_4 step %scan3A_5 iter_args(%scan3A_35 = %scan3A) -> (i32)  : i32 {
      %swap3A = arith.index_cast %scan3A_34 : i32 to index
      %swap3A_36 = arith.constant 0 : index
      %swap3A_37 = tpu.vector_load %arg11[%swap3A, %swap3A_36] {strides = array<i32>} : memref<80x128xf32, #tpu.memory_space<vmem>>, vector<16xf32>,
      tpu.vector_store %arg11[%swap3A, %swap3A_36], %broadcast_in_dim3A_1 {strides = array<i32>} : memref<80x128xf32, #tpu.memory_space<vmem>>, vector<16xf32>,
      %swap3A_38 = arith.index_cast %scan3A_34 : i32 to index
      %swap3A_39 = arith.constant 16 : index
      %swap3A_40 = tpu.vector_load %arg11[%swap3A_38, %swap3A_39] {strides = array<i32>} : memref<80x128xf32, #tpu.memory_space<vmem>>, vector<16xf32>,
      tpu.vector_store %arg11[%swap3A_38, %swap3A_39], %broadcast_in_dim3A_1 {strides = array<i32>} : memref<80x128xf32, #tpu.memory_space<vmem>>, vector<16xf32>,
      %swap3A_41 = arith.index_cast %scan3A_34 : i32 to index
      %swap3A_42 = arith.constant 32 : index
      %swap3A_43 = tpu.vector_load %arg11[%swap3A_41, %swap3A_42] {strides = array<i32>} : memref<80x128xf32, #tpu.memory_space<vmem>>, vector<16xf32>,
      tpu.vector_store %arg11[%swap3A_41, %swap3A_42], %broadcast_in_dim3A_1 {strides = array<i32>} : memref<80x128xf32, #tpu.memory_space<vmem>>, vector<16xf32>,
      %swap3A_44 = arith.index_cast %scan3A_34 : i32 to index
      %swap3A_45 = arith.constant 48 : index
      %swap3A_46 = tpu.vector_load %arg11[%swap3A_44, %swap3A_45] {strides = array<i32>} : memref<80x128xf32, #tpu.memory_space<vmem>>, vector<16xf32>,
      tpu.vector_store %arg11[%swap3A_44, %swap3A_45], %broadcast_in_dim3A_1 {strides = array<i32>} : memref<80x128xf32, #tpu.memory_space<vmem>>, vector<16xf32>,
      %swap3A_47 = arith.index_cast %scan3A_34 : i32 to index
      %swap3A_48 = arith.constant 64 : index
      %swap3A_49 = tpu.vector_load %arg11[%swap3A_47, %swap3A_48] {strides = array<i32>} : memref<80x128xf32, #tpu.memory_space<vmem>>, vector<16xf32>,
      tpu.vector_store %arg11[%swap3A_47, %swap3A_48], %broadcast_in_dim3A_1 {strides = array<i32>} : memref<80x128xf32, #tpu.memory_space<vmem>>, vector<16xf32>,
      %swap3A_50 = arith.index_cast %scan3A_34 : i32 to index
      %swap3A_51 = arith.constant 80 : index
      %swap3A_52 = tpu.vector_load %arg11[%swap3A_50, %swap3A_51] {strides = array<i32>} : memref<80x128xf32, #tpu.memory_space<vmem>>, vector<16xf32>,
      tpu.vector_store %arg11[%swap3A_50, %swap3A_51], %broadcast_in_dim3A_1 {strides = array<i32>} : memref<80x128xf32, #tpu.memory_space<vmem>>, vector<16xf32>,
      %swap3A_53 = arith.index_cast %scan3A_34 : i32 to index
      %swap3A_54 = arith.constant 96 : index
      %swap3A_55 = tpu.vector_load %arg11[%swap3A_53, %swap3A_54] {strides = array<i32>} : memref<80x128xf32, #tpu.memory_space<vmem>>, vector<16xf32>,
      tpu.vector_store %arg11[%swap3A_53, %swap3A_54], %broadcast_in_dim3A_1 {strides = array<i32>} : memref<80x128xf32, #tpu.memory_space<vmem>>, vector<16xf32>,
      %swap3A_56 = arith.index_cast %scan3A_34 : i32 to index
      %swap3A_57 = arith.constant 112 : index
      %swap3A_58 = tpu.vector_load %arg11[%swap3A_56, %swap3A_57] {strides = array<i32>} : memref<80x128xf32, #tpu.memory_space<vmem>>, vector<16xf32>,
      tpu.vector_store %arg11[%swap3A_56, %swap3A_57], %broadcast_in_dim3A_1 {strides = array<i32>} : memref<80x128xf32, #tpu.memory_space<vmem>>, vector<16xf32>,
      %scan3A_59 = arith.constant 0 : i32
      scf.yield %scan3A_59 : i32
    }
    %scan3A_7 = arith.constant 80 : i32
    %mul3A_8 = arith.constant 632 : i32
    %mul3A_9 = arith.muli %arg1, %mul3A_8 : i32
    %add3A_10 = arith.constant 0 : i32
    %add3A_11 = arith.addi %mul3A_9, %add3A_10 : i32
    "tpu.region"() ({
      %run_scoped3A = tpu.sem_alloc : memref<!tpu.dma_semaphore, #tpu.memory_space<semaphore_mem>>
      %dma_start3A = arith.constant 0 : i32
      %dma_start3A_34 = arith.constant 0 : i32
      %dma_start3A_35 = tpu.memref_slice %arg11[%dma_start3A, %dma_start3A_34] : memref<80x128xf32, #tpu.memory_space<vmem>> -> memref<80x128xf32, #tpu.memory_space<vmem>>
      %dma_start3A_36 = arith.constant 0 : i32
      %dma_start3A_37 = tpu.memref_slice %arg7[%add3A_11, %dma_start3A_36] : memref<10112x128xf32, #tpu.memory_space<vmem_shared>> -> memref<80x128xf32, #tpu.memory_space<vmem_shared>>
      %dma_start3A_38 = arith.constant 0 : i32
      %dma_start3A_39 = tpu.memref_slice %arg7[%add3A_11, %dma_start3A_38] : memref<10112x128xf32, #tpu.memory_space<vmem_shared>> -> memref<80x128xf32, #tpu.memory_space<vmem_shared>>
      %dma_start3A_40 = arith.constant 0 : i32
      %dma_start3A_41 = arith.constant 0 : i32
      %dma_start3A_42 = tpu.memref_slice %arg11[%dma_start3A_40, %dma_start3A_41] : memref<80x128xf32, #tpu.memory_space<vmem>> -> memref<80x128xf32, #tpu.memory_space<vmem>>
      tpu.enqueue_dma source(%dma_start3A_42 : memref<80x128xf32, #tpu.memory_space<vmem>>) target(%dma_start3A_39 : memref<80x128xf32, #tpu.memory_space<vmem_shared>>) target_semaphore(%run_scoped3A : memref<!tpu.dma_semaphore, #tpu.memory_space<semaphore_mem>>)
      %dma_wait3A = arith.constant 0 : i32
      %dma_wait3A_43 = arith.constant 0 : i32
      %dma_wait3A_44 = tpu.memref_slice %arg11[%dma_wait3A, %dma_wait3A_43] : memref<80x128xf32, #tpu.memory_space<vmem>> -> memref<80x128xf32, #tpu.memory_space<vmem>>
      %dma_wait3A_45 = arith.constant 0 : i32
      %dma_wait3A_46 = tpu.memref_slice %arg7[%add3A_11, %dma_wait3A_45] : memref<10112x128xf32, #tpu.memory_space<vmem_shared>> -> memref<80x128xf32, #tpu.memory_space<vmem_shared>>
      %dma_wait3A_47 = arith.constant 0 : i32
      %dma_wait3A_48 = tpu.memref_slice %arg7[%add3A_11, %dma_wait3A_47] : memref<10112x128xf32, #tpu.memory_space<vmem_shared>> -> memref<80x128xf32, #tpu.memory_space<vmem_shared>>
      %dma_wait3A_49 = arith.constant 0 : i32
      %dma_wait3A_50 = arith.constant 0 : i32
      %dma_wait3A_51 = tpu.memref_slice %arg11[%dma_wait3A_49, %dma_wait3A_50] : memref<80x128xf32, #tpu.memory_space<vmem>> -> memref<80x128xf32, #tpu.memory_space<vmem>>
      tpu.wait_dma2 semaphore(%run_scoped3A : memref<!tpu.dma_semaphore, #tpu.memory_space<semaphore_mem>>) src(%dma_wait3A_51 : memref<80x128xf32, #tpu.memory_space<vmem>>) dst(%dma_wait3A_48 : memref<80x128xf32, #tpu.memory_space<vmem_shared>>)
      tpu.yield
    }) : () -> ()
    %add3A_12 = arith.constant 80 : i32
    %add3A_13 = arith.addi %mul3A_9, %add3A_12 : i32
    "tpu.region"() ({
      %run_scoped3A = tpu.sem_alloc : memref<!tpu.dma_semaphore, #tpu.memory_space<semaphore_mem>>
      %dma_start3A = arith.constant 0 : i32
      %dma_start3A_34 = arith.constant 0 : i32
      %dma_start3A_35 = tpu.memref_slice %arg11[%dma_start3A, %dma_start3A_34] : memref<80x128xf32, #tpu.memory_space<vmem>> -> memref<80x128xf32, #tpu.memory_space<vmem>>
      %dma_start3A_36 = arith.constant 0 : i32
      %dma_start3A_37 = tpu.memref_slice %arg7[%add3A_13, %dma_start3A_36] : memref<10112x128xf32, #tpu.memory_space<vmem_shared>> -> memref<80x128xf32, #tpu.memory_space<vmem_shared>>
      %dma_start3A_38 = arith.constant 0 : i32
      %dma_start3A_39 = tpu.memref_slice %arg7[%add3A_13, %dma_start3A_38] : memref<10112x128xf32, #tpu.memory_space<vmem_shared>> -> memref<80x128xf32, #tpu.memory_space<vmem_shared>>
      %dma_start3A_40 = arith.constant 0 : i32
      %dma_start3A_41 = arith.constant 0 : i32
      %dma_start3A_42 = tpu.memref_slice %arg11[%dma_start3A_40, %dma_start3A_41] : memref<80x128xf32, #tpu.memory_space<vmem>> -> memref<80x128xf32, #tpu.memory_space<vmem>>
      tpu.enqueue_dma source(%dma_start3A_42 : memref<80x128xf32, #tpu.memory_space<vmem>>) target(%dma_start3A_39 : memref<80x128xf32, #tpu.memory_space<vmem_shared>>) target_semaphore(%run_scoped3A : memref<!tpu.dma_semaphore, #tpu.memory_space<semaphore_mem>>)
      %dma_wait3A = arith.constant 0 : i32
      %dma_wait3A_43 = arith.constant 0 : i32
      %dma_wait3A_44 = tpu.memref_slice %arg11[%dma_wait3A, %dma_wait3A_43] : memref<80x128xf32, #tpu.memory_space<vmem>> -> memref<80x128xf32, #tpu.memory_space<vmem>>
      %dma_wait3A_45 = arith.constant 0 : i32
      %dma_wait3A_46 = tpu.memref_slice %arg7[%add3A_13, %dma_wait3A_45] : memref<10112x128xf32, #tpu.memory_space<vmem_shared>> -> memref<80x128xf32, #tpu.memory_space<vmem_shared>>
      %dma_wait3A_47 = arith.constant 0 : i32
      %dma_wait3A_48 = tpu.memref_slice %arg7[%add3A_13, %dma_wait3A_47] : memref<10112x128xf32, #tpu.memory_space<vmem_shared>> -> memref<80x128xf32, #tpu.memory_space<vmem_shared>>
      %dma_wait3A_49 = arith.constant 0 : i32
      %dma_wait3A_50 = arith.constant 0 : i32
      %dma_wait3A_51 = tpu.memref_slice %arg11[%dma_wait3A_49, %dma_wait3A_50] : memref<80x128xf32, #tpu.memory_space<vmem>> -> memref<80x128xf32, #tpu.memory_space<vmem>>
      tpu.wait_dma2 semaphore(%run_scoped3A : memref<!tpu.dma_semaphore, #tpu.memory_space<semaphore_mem>>) src(%dma_wait3A_51 : memref<80x128xf32, #tpu.memory_space<vmem>>) dst(%dma_wait3A_48 : memref<80x128xf32, #tpu.memory_space<vmem_shared>>)
      tpu.yield
    }) : () -> ()
    %add3A_14 = arith.constant 160 : i32
    %add3A_15 = arith.addi %mul3A_9, %add3A_14 : i32
    "tpu.region"() ({
      %run_scoped3A = tpu.sem_alloc : memref<!tpu.dma_semaphore, #tpu.memory_space<semaphore_mem>>
      %dma_start3A = arith.constant 0 : i32
      %dma_start3A_34 = arith.constant 0 : i32
      %dma_start3A_35 = tpu.memref_slice %arg11[%dma_start3A, %dma_start3A_34] : memref<80x128xf32, #tpu.memory_space<vmem>> -> memref<80x128xf32, #tpu.memory_space<vmem>>
      %dma_start3A_36 = arith.constant 0 : i32
      %dma_start3A_37 = tpu.memref_slice %arg7[%add3A_15, %dma_start3A_36] : memref<10112x128xf32, #tpu.memory_space<vmem_shared>> -> memref<80x128xf32, #tpu.memory_space<vmem_shared>>
      %dma_start3A_38 = arith.constant 0 : i32
      %dma_start3A_39 = tpu.memref_slice %arg7[%add3A_15, %dma_start3A_38] : memref<10112x128xf32, #tpu.memory_space<vmem_shared>> -> memref<80x128xf32, #tpu.memory_space<vmem_shared>>
      %dma_start3A_40 = arith.constant 0 : i32
      %dma_start3A_41 = arith.constant 0 : i32
      %dma_start3A_42 = tpu.memref_slice %arg11[%dma_start3A_40, %dma_start3A_41] : memref<80x128xf32, #tpu.memory_space<vmem>> -> memref<80x128xf32, #tpu.memory_space<vmem>>
      tpu.enqueue_dma source(%dma_start3A_42 : memref<80x128xf32, #tpu.memory_space<vmem>>) target(%dma_start3A_39 : memref<80x128xf32, #tpu.memory_space<vmem_shared>>) target_semaphore(%run_scoped3A : memref<!tpu.dma_semaphore, #tpu.memory_space<semaphore_mem>>)
      %dma_wait3A = arith.constant 0 : i32
      %dma_wait3A_43 = arith.constant 0 : i32
      %dma_wait3A_44 = tpu.memref_slice %arg11[%dma_wait3A, %dma_wait3A_43] : memref<80x128xf32, #tpu.memory_space<vmem>> -> memref<80x128xf32, #tpu.memory_space<vmem>>
      %dma_wait3A_45 = arith.constant 0 : i32
      %dma_wait3A_46 = tpu.memref_slice %arg7[%add3A_15, %dma_wait3A_45] : memref<10112x128xf32, #tpu.memory_space<vmem_shared>> -> memref<80x128xf32, #tpu.memory_space<vmem_shared>>
      %dma_wait3A_47 = arith.constant 0 : i32
      %dma_wait3A_48 = tpu.memref_slice %arg7[%add3A_15, %dma_wait3A_47] : memref<10112x128xf32, #tpu.memory_space<vmem_shared>> -> memref<80x128xf32, #tpu.memory_space<vmem_shared>>
      %dma_wait3A_49 = arith.constant 0 : i32
      %dma_wait3A_50 = arith.constant 0 : i32
      %dma_wait3A_51 = tpu.memref_slice %arg11[%dma_wait3A_49, %dma_wait3A_50] : memref<80x128xf32, #tpu.memory_space<vmem>> -> memref<80x128xf32, #tpu.memory_space<vmem>>
      tpu.wait_dma2 semaphore(%run_scoped3A : memref<!tpu.dma_semaphore, #tpu.memory_space<semaphore_mem>>) src(%dma_wait3A_51 : memref<80x128xf32, #tpu.memory_space<vmem>>) dst(%dma_wait3A_48 : memref<80x128xf32, #tpu.memory_space<vmem_shared>>)
      tpu.yield
    }) : () -> ()
    %add3A_16 = arith.constant 240 : i32
    %add3A_17 = arith.addi %mul3A_9, %add3A_16 : i32
    "tpu.region"() ({
      %run_scoped3A = tpu.sem_alloc : memref<!tpu.dma_semaphore, #tpu.memory_space<semaphore_mem>>
      %dma_start3A = arith.constant 0 : i32
      %dma_start3A_34 = arith.constant 0 : i32
      %dma_start3A_35 = tpu.memref_slice %arg11[%dma_start3A, %dma_start3A_34] : memref<80x128xf32, #tpu.memory_space<vmem>> -> memref<80x128xf32, #tpu.memory_space<vmem>>
      %dma_start3A_36 = arith.constant 0 : i32
      %dma_start3A_37 = tpu.memref_slice %arg7[%add3A_17, %dma_start3A_36] : memref<10112x128xf32, #tpu.memory_space<vmem_shared>> -> memref<80x128xf32, #tpu.memory_space<vmem_shared>>
      %dma_start3A_38 = arith.constant 0 : i32
      %dma_start3A_39 = tpu.memref_slice %arg7[%add3A_17, %dma_start3A_38] : memref<10112x128xf32, #tpu.memory_space<vmem_shared>> -> memref<80x128xf32, #tpu.memory_space<vmem_shared>>
      %dma_start3A_40 = arith.constant 0 : i32
      %dma_start3A_41 = arith.constant 0 : i32
      %dma_start3A_42 = tpu.memref_slice %arg11[%dma_start3A_40, %dma_start3A_41] : memref<80x128xf32, #tpu.memory_space<vmem>> -> memref<80x128xf32, #tpu.memory_space<vmem>>
      tpu.enqueue_dma source(%dma_start3A_42 : memref<80x128xf32, #tpu.memory_space<vmem>>) target(%dma_start3A_39 : memref<80x128xf32, #tpu.memory_space<vmem_shared>>) target_semaphore(%run_scoped3A : memref<!tpu.dma_semaphore, #tpu.memory_space<semaphore_mem>>)
      %dma_wait3A = arith.constant 0 : i32
      %dma_wait3A_43 = arith.constant 0 : i32
      %dma_wait3A_44 = tpu.memref_slice %arg11[%dma_wait3A, %dma_wait3A_43] : memref<80x128xf32, #tpu.memory_space<vmem>> -> memref<80x128xf32, #tpu.memory_space<vmem>>
      %dma_wait3A_45 = arith.constant 0 : i32
      %dma_wait3A_46 = tpu.memref_slice %arg7[%add3A_17, %dma_wait3A_45] : memref<10112x128xf32, #tpu.memory_space<vmem_shared>> -> memref<80x128xf32, #tpu.memory_space<vmem_shared>>
      %dma_wait3A_47 = arith.constant 0 : i32
      %dma_wait3A_48 = tpu.memref_slice %arg7[%add3A_17, %dma_wait3A_47] : memref<10112x128xf32, #tpu.memory_space<vmem_shared>> -> memref<80x128xf32, #tpu.memory_space<vmem_shared>>
      %dma_wait3A_49 = arith.constant 0 : i32
      %dma_wait3A_50 = arith.constant 0 : i32
      %dma_wait3A_51 = tpu.memref_slice %arg11[%dma_wait3A_49, %dma_wait3A_50] : memref<80x128xf32, #tpu.memory_space<vmem>> -> memref<80x128xf32, #tpu.memory_space<vmem>>
      tpu.wait_dma2 semaphore(%run_scoped3A : memref<!tpu.dma_semaphore, #tpu.memory_space<semaphore_mem>>) src(%dma_wait3A_51 : memref<80x128xf32, #tpu.memory_space<vmem>>) dst(%dma_wait3A_48 : memref<80x128xf32, #tpu.memory_space<vmem_shared>>)
      tpu.yield
    }) : () -> ()
    %add3A_18 = arith.constant 320 : i32
    %add3A_19 = arith.addi %mul3A_9, %add3A_18 : i32
    "tpu.region"() ({
      %run_scoped3A = tpu.sem_alloc : memref<!tpu.dma_semaphore, #tpu.memory_space<semaphore_mem>>
      %dma_start3A = arith.constant 0 : i32
      %dma_start3A_34 = arith.constant 0 : i32
      %dma_start3A_35 = tpu.memref_slice %arg11[%dma_start3A, %dma_start3A_34] : memref<80x128xf32, #tpu.memory_space<vmem>> -> memref<80x128xf32, #tpu.memory_space<vmem>>
      %dma_start3A_36 = arith.constant 0 : i32
      %dma_start3A_37 = tpu.memref_slice %arg7[%add3A_19, %dma_start3A_36] : memref<10112x128xf32, #tpu.memory_space<vmem_shared>> -> memref<80x128xf32, #tpu.memory_space<vmem_shared>>
      %dma_start3A_38 = arith.constant 0 : i32
      %dma_start3A_39 = tpu.memref_slice %arg7[%add3A_19, %dma_start3A_38] : memref<10112x128xf32, #tpu.memory_space<vmem_shared>> -> memref<80x128xf32, #tpu.memory_space<vmem_shared>>
      %dma_start3A_40 = arith.constant 0 : i32
      %dma_start3A_41 = arith.constant 0 : i32
      %dma_start3A_42 = tpu.memref_slice %arg11[%dma_start3A_40, %dma_start3A_41] : memref<80x128xf32, #tpu.memory_space<vmem>> -> memref<80x128xf32, #tpu.memory_space<vmem>>
      tpu.enqueue_dma source(%dma_start3A_42 : memref<80x128xf32, #tpu.memory_space<vmem>>) target(%dma_start3A_39 : memref<80x128xf32, #tpu.memory_space<vmem_shared>>) target_semaphore(%run_scoped3A : memref<!tpu.dma_semaphore, #tpu.memory_space<semaphore_mem>>)
      %dma_wait3A = arith.constant 0 : i32
      %dma_wait3A_43 = arith.constant 0 : i32
      %dma_wait3A_44 = tpu.memref_slice %arg11[%dma_wait3A, %dma_wait3A_43] : memref<80x128xf32, #tpu.memory_space<vmem>> -> memref<80x128xf32, #tpu.memory_space<vmem>>
      %dma_wait3A_45 = arith.constant 0 : i32
      %dma_wait3A_46 = tpu.memref_slice %arg7[%add3A_19, %dma_wait3A_45] : memref<10112x128xf32, #tpu.memory_space<vmem_shared>> -> memref<80x128xf32, #tpu.memory_space<vmem_shared>>
      %dma_wait3A_47 = arith.constant 0 : i32
      %dma_wait3A_48 = tpu.memref_slice %arg7[%add3A_19, %dma_wait3A_47] : memref<10112x128xf32, #tpu.memory_space<vmem_shared>> -> memref<80x128xf32, #tpu.memory_space<vmem_shared>>
      %dma_wait3A_49 = arith.constant 0 : i32
      %dma_wait3A_50 = arith.constant 0 : i32
      %dma_wait3A_51 = tpu.memref_slice %arg11[%dma_wait3A_49, %dma_wait3A_50] : memref<80x128xf32, #tpu.memory_space<vmem>> -> memref<80x128xf32, #tpu.memory_space<vmem>>
      tpu.wait_dma2 semaphore(%run_scoped3A : memref<!tpu.dma_semaphore, #tpu.memory_space<semaphore_mem>>) src(%dma_wait3A_51 : memref<80x128xf32, #tpu.memory_space<vmem>>) dst(%dma_wait3A_48 : memref<80x128xf32, #tpu.memory_space<vmem_shared>>)
      tpu.yield
    }) : () -> ()
    %add3A_20 = arith.constant 400 : i32
    %add3A_21 = arith.addi %mul3A_9, %add3A_20 : i32
    "tpu.region"() ({
      %run_scoped3A = tpu.sem_alloc : memref<!tpu.dma_semaphore, #tpu.memory_space<semaphore_mem>>
      %dma_start3A = arith.constant 0 : i32
      %dma_start3A_34 = arith.constant 0 : i32
      %dma_start3A_35 = tpu.memref_slice %arg11[%dma_start3A, %dma_start3A_34] : memref<80x128xf32, #tpu.memory_space<vmem>> -> memref<80x128xf32, #tpu.memory_space<vmem>>
      %dma_start3A_36 = arith.constant 0 : i32
      %dma_start3A_37 = tpu.memref_slice %arg7[%add3A_21, %dma_start3A_36] : memref<10112x128xf32, #tpu.memory_space<vmem_shared>> -> memref<80x128xf32, #tpu.memory_space<vmem_shared>>
      %dma_start3A_38 = arith.constant 0 : i32
      %dma_start3A_39 = tpu.memref_slice %arg7[%add3A_21, %dma_start3A_38] : memref<10112x128xf32, #tpu.memory_space<vmem_shared>> -> memref<80x128xf32, #tpu.memory_space<vmem_shared>>
      %dma_start3A_40 = arith.constant 0 : i32
      %dma_start3A_41 = arith.constant 0 : i32
      %dma_start3A_42 = tpu.memref_slice %arg11[%dma_start3A_40, %dma_start3A_41] : memref<80x128xf32, #tpu.memory_space<vmem>> -> memref<80x128xf32, #tpu.memory_space<vmem>>
      tpu.enqueue_dma source(%dma_start3A_42 : memref<80x128xf32, #tpu.memory_space<vmem>>) target(%dma_start3A_39 : memref<80x128xf32, #tpu.memory_space<vmem_shared>>) target_semaphore(%run_scoped3A : memref<!tpu.dma_semaphore, #tpu.memory_space<semaphore_mem>>)
      %dma_wait3A = arith.constant 0 : i32
      %dma_wait3A_43 = arith.constant 0 : i32
      %dma_wait3A_44 = tpu.memref_slice %arg11[%dma_wait3A, %dma_wait3A_43] : memref<80x128xf32, #tpu.memory_space<vmem>> -> memref<80x128xf32, #tpu.memory_space<vmem>>
      %dma_wait3A_45 = arith.constant 0 : i32
      %dma_wait3A_46 = tpu.memref_slice %arg7[%add3A_21, %dma_wait3A_45] : memref<10112x128xf32, #tpu.memory_space<vmem_shared>> -> memref<80x128xf32, #tpu.memory_space<vmem_shared>>
      %dma_wait3A_47 = arith.constant 0 : i32
      %dma_wait3A_48 = tpu.memref_slice %arg7[%add3A_21, %dma_wait3A_47] : memref<10112x128xf32, #tpu.memory_space<vmem_shared>> -> memref<80x128xf32, #tpu.memory_space<vmem_shared>>
      %dma_wait3A_49 = arith.constant 0 : i32
      %dma_wait3A_50 = arith.constant 0 : i32
      %dma_wait3A_51 = tpu.memref_slice %arg11[%dma_wait3A_49, %dma_wait3A_50] : memref<80x128xf32, #tpu.memory_space<vmem>> -> memref<80x128xf32, #tpu.memory_space<vmem>>
      tpu.wait_dma2 semaphore(%run_scoped3A : memref<!tpu.dma_semaphore, #tpu.memory_space<semaphore_mem>>) src(%dma_wait3A_51 : memref<80x128xf32, #tpu.memory_space<vmem>>) dst(%dma_wait3A_48 : memref<80x128xf32, #tpu.memory_space<vmem_shared>>)
      tpu.yield
    }) : () -> ()
    %add3A_22 = arith.constant 480 : i32
    %add3A_23 = arith.addi %mul3A_9, %add3A_22 : i32
    "tpu.region"() ({
      %run_scoped3A = tpu.sem_alloc : memref<!tpu.dma_semaphore, #tpu.memory_space<semaphore_mem>>
      %dma_start3A = arith.constant 0 : i32
      %dma_start3A_34 = arith.constant 0 : i32
      %dma_start3A_35 = tpu.memref_slice %arg11[%dma_start3A, %dma_start3A_34] : memref<80x128xf32, #tpu.memory_space<vmem>> -> memref<80x128xf32, #tpu.memory_space<vmem>>
      %dma_start3A_36 = arith.constant 0 : i32
      %dma_start3A_37 = tpu.memref_slice %arg7[%add3A_23, %dma_start3A_36] : memref<10112x128xf32, #tpu.memory_space<vmem_shared>> -> memref<80x128xf32, #tpu.memory_space<vmem_shared>>
      %dma_start3A_38 = arith.constant 0 : i32
      %dma_start3A_39 = tpu.memref_slice %arg7[%add3A_23, %dma_start3A_38] : memref<10112x128xf32, #tpu.memory_space<vmem_shared>> -> memref<80x128xf32, #tpu.memory_space<vmem_shared>>
      %dma_start3A_40 = arith.constant 0 : i32
      %dma_start3A_41 = arith.constant 0 : i32
      %dma_start3A_42 = tpu.memref_slice %arg11[%dma_start3A_40, %dma_start3A_41] : memref<80x128xf32, #tpu.memory_space<vmem>> -> memref<80x128xf32, #tpu.memory_space<vmem>>
      tpu.enqueue_dma source(%dma_start3A_42 : memref<80x128xf32, #tpu.memory_space<vmem>>) target(%dma_start3A_39 : memref<80x128xf32, #tpu.memory_space<vmem_shared>>) target_semaphore(%run_scoped3A : memref<!tpu.dma_semaphore, #tpu.memory_space<semaphore_mem>>)
      %dma_wait3A = arith.constant 0 : i32
      %dma_wait3A_43 = arith.constant 0 : i32
      %dma_wait3A_44 = tpu.memref_slice %arg11[%dma_wait3A, %dma_wait3A_43] : memref<80x128xf32, #tpu.memory_space<vmem>> -> memref<80x128xf32, #tpu.memory_space<vmem>>
      %dma_wait3A_45 = arith.constant 0 : i32
      %dma_wait3A_46 = tpu.memref_slice %arg7[%add3A_23, %dma_wait3A_45] : memref<10112x128xf32, #tpu.memory_space<vmem_shared>> -> memref<80x128xf32, #tpu.memory_space<vmem_shared>>
      %dma_wait3A_47 = arith.constant 0 : i32
      %dma_wait3A_48 = tpu.memref_slice %arg7[%add3A_23, %dma_wait3A_47] : memref<10112x128xf32, #tpu.memory_space<vmem_shared>> -> memref<80x128xf32, #tpu.memory_space<vmem_shared>>
      %dma_wait3A_49 = arith.constant 0 : i32
      %dma_wait3A_50 = arith.constant 0 : i32
      %dma_wait3A_51 = tpu.memref_slice %arg11[%dma_wait3A_49, %dma_wait3A_50] : memref<80x128xf32, #tpu.memory_space<vmem>> -> memref<80x128xf32, #tpu.memory_space<vmem>>
      tpu.wait_dma2 semaphore(%run_scoped3A : memref<!tpu.dma_semaphore, #tpu.memory_space<semaphore_mem>>) src(%dma_wait3A_51 : memref<80x128xf32, #tpu.memory_space<vmem>>) dst(%dma_wait3A_48 : memref<80x128xf32, #tpu.memory_space<vmem_shared>>)
      tpu.yield
    }) : () -> ()
    %add3A_24 = arith.constant 560 : i32
    %add3A_25 = arith.addi %mul3A_9, %add3A_24 : i32
    "tpu.region"() ({
      %run_scoped3A = tpu.sem_alloc : memref<!tpu.dma_semaphore, #tpu.memory_space<semaphore_mem>>
      %dma_start3A = arith.constant 0 : i32
      %dma_start3A_34 = arith.constant 0 : i32
      %dma_start3A_35 = tpu.memref_slice %arg11[%dma_start3A, %dma_start3A_34] : memref<80x128xf32, #tpu.memory_space<vmem>> -> memref<72x128xf32, #tpu.memory_space<vmem>>
      %dma_start3A_36 = arith.constant 0 : i32
      %dma_start3A_37 = tpu.memref_slice %arg7[%add3A_25, %dma_start3A_36] : memref<10112x128xf32, #tpu.memory_space<vmem_shared>> -> memref<72x128xf32, #tpu.memory_space<vmem_shared>>
      %dma_start3A_38 = arith.constant 0 : i32
      %dma_start3A_39 = tpu.memref_slice %arg7[%add3A_25, %dma_start3A_38] : memref<10112x128xf32, #tpu.memory_space<vmem_shared>> -> memref<72x128xf32, #tpu.memory_space<vmem_shared>>
      %dma_start3A_40 = arith.constant 0 : i32
      %dma_start3A_41 = arith.constant 0 : i32
      %dma_start3A_42 = tpu.memref_slice %arg11[%dma_start3A_40, %dma_start3A_41] : memref<80x128xf32, #tpu.memory_space<vmem>> -> memref<72x128xf32, #tpu.memory_space<vmem>>
      tpu.enqueue_dma source(%dma_start3A_42 : memref<72x128xf32, #tpu.memory_space<vmem>>) target(%dma_start3A_39 : memref<72x128xf32, #tpu.memory_space<vmem_shared>>) target_semaphore(%run_scoped3A : memref<!tpu.dma_semaphore, #tpu.memory_space<semaphore_mem>>)
      %dma_wait3A = arith.constant 0 : i32
      %dma_wait3A_43 = arith.constant 0 : i32
      %dma_wait3A_44 = tpu.memref_slice %arg11[%dma_wait3A, %dma_wait3A_43] : memref<80x128xf32, #tpu.memory_space<vmem>> -> memref<72x128xf32, #tpu.memory_space<vmem>>
      %dma_wait3A_45 = arith.constant 0 : i32
      %dma_wait3A_46 = tpu.memref_slice %arg7[%add3A_25, %dma_wait3A_45] : memref<10112x128xf32, #tpu.memory_space<vmem_shared>> -> memref<72x128xf32, #tpu.memory_space<vmem_shared>>
      %dma_wait3A_47 = arith.constant 0 : i32
      %dma_wait3A_48 = tpu.memref_slice %arg7[%add3A_25, %dma_wait3A_47] : memref<10112x128xf32, #tpu.memory_space<vmem_shared>> -> memref<72x128xf32, #tpu.memory_space<vmem_shared>>
      %dma_wait3A_49 = arith.constant 0 : i32
      %dma_wait3A_50 = arith.constant 0 : i32
      %dma_wait3A_51 = tpu.memref_slice %arg11[%dma_wait3A_49, %dma_wait3A_50] : memref<80x128xf32, #tpu.memory_space<vmem>> -> memref<72x128xf32, #tpu.memory_space<vmem>>
      tpu.wait_dma2 semaphore(%run_scoped3A : memref<!tpu.dma_semaphore, #tpu.memory_space<semaphore_mem>>) src(%dma_wait3A_51 : memref<72x128xf32, #tpu.memory_space<vmem>>) dst(%dma_wait3A_48 : memref<72x128xf32, #tpu.memory_space<vmem_shared>>)
      tpu.yield
    }) : () -> ()
    %barrier3A = arith.constant 0 : index
    tpu.barrier barrier_id(%barrier3A)
    %scan3A_26 = arith.constant 0 : i32
    %scan3A_27 = arith.constant 0 : i32
    %scan3A_28 = arith.constant 125 : i32
    %scan3A_29 = arith.addi %scan3A_27, %scan3A_28 : i32
    %scan3A_30 = arith.constant 1 : i32
    %scan3A_31 = scf.for %scan3A_34 = %scan3A_27 to %scan3A_29 step %scan3A_30 iter_args(%scan3A_35 = %scan3A_26) -> (i32)  : i32 {
      %mul3A_36 = arith.constant 10000 : i32
      %mul3A_37 = arith.muli %add3A, %mul3A_36 : i32
      %mul3A_38 = arith.constant 80 : i32
      %mul3A_39 = arith.muli %scan3A_34, %mul3A_38 : i32
      %add3A_40 = arith.addi %mul3A_37, %mul3A_39 : i32
      "tpu.region"() ({
        %run_scoped3A = tpu.sem_alloc : memref<!tpu.dma_semaphore, #tpu.memory_space<semaphore_mem>>
        %dma_start3A_53 = tpu.memref_slice %arg3[%add3A_40] : memref<320000xi32, #tpu.memory_space<hbm>> -> memref<80xi32, #tpu.memory_space<hbm>>
        %dma_start3A_54 = tpu.memref_slice %arg3[%add3A_40] : memref<320000xi32, #tpu.memory_space<hbm>> -> memref<80xi32, #tpu.memory_space<hbm>>
        tpu.enqueue_dma source(%dma_start3A_54 : memref<80xi32, #tpu.memory_space<hbm>>) target(%arg8 : memref<80xi32, #tpu.memory_space<vmem>>) target_semaphore(%run_scoped3A : memref<!tpu.dma_semaphore, #tpu.memory_space<semaphore_mem>>)
        %dma_wait3A_55 = tpu.memref_slice %arg3[%add3A_40] : memref<320000xi32, #tpu.memory_space<hbm>> -> memref<80xi32, #tpu.memory_space<hbm>>
        %dma_wait3A_56 = tpu.memref_slice %arg3[%add3A_40] : memref<320000xi32, #tpu.memory_space<hbm>> -> memref<80xi32, #tpu.memory_space<hbm>>
        tpu.wait_dma2 semaphore(%run_scoped3A : memref<!tpu.dma_semaphore, #tpu.memory_space<semaphore_mem>>) src(%dma_wait3A_56 : memref<80xi32, #tpu.memory_space<hbm>>) dst(%arg8 : memref<80xi32, #tpu.memory_space<vmem>>)
        tpu.yield
      }) : () -> ()
      "tpu.region"() ({
        %run_scoped3A = tpu.sem_alloc : memref<!tpu.dma_semaphore, #tpu.memory_space<semaphore_mem>>
        %dma_start3A_53 = tpu.memref_slice %arg4[%add3A_40] : memref<320000xi32, #tpu.memory_space<hbm>> -> memref<80xi32, #tpu.memory_space<hbm>>
        %dma_start3A_54 = tpu.memref_slice %arg4[%add3A_40] : memref<320000xi32, #tpu.memory_space<hbm>> -> memref<80xi32, #tpu.memory_space<hbm>>
        tpu.enqueue_dma source(%dma_start3A_54 : memref<80xi32, #tpu.memory_space<hbm>>) target(%arg9 : memref<80xi32, #tpu.memory_space<vmem>>) target_semaphore(%run_scoped3A : memref<!tpu.dma_semaphore, #tpu.memory_space<semaphore_mem>>)
        %dma_wait3A_55 = tpu.memref_slice %arg4[%add3A_40] : memref<320000xi32, #tpu.memory_space<hbm>> -> memref<80xi32, #tpu.memory_space<hbm>>
        %dma_wait3A_56 = tpu.memref_slice %arg4[%add3A_40] : memref<320000xi32, #tpu.memory_space<hbm>> -> memref<80xi32, #tpu.memory_space<hbm>>
        tpu.wait_dma2 semaphore(%run_scoped3A : memref<!tpu.dma_semaphore, #tpu.memory_space<semaphore_mem>>) src(%dma_wait3A_56 : memref<80xi32, #tpu.memory_space<hbm>>) dst(%arg9 : memref<80xi32, #tpu.memory_space<vmem>>)
        tpu.yield
      }) : () -> ()
      "tpu.region"() ({
        %run_scoped3A = tpu.sem_alloc : memref<!tpu.dma_semaphore, #tpu.memory_space<semaphore_mem>>
        %dma_start3A_53 = tpu.memref_slice %arg5[%add3A_40] : memref<320000xf32, #tpu.memory_space<hbm>> -> memref<80xf32, #tpu.memory_space<hbm>>
        %dma_start3A_54 = tpu.memref_slice %arg5[%add3A_40] : memref<320000xf32, #tpu.memory_space<hbm>> -> memref<80xf32, #tpu.memory_space<hbm>>
        tpu.enqueue_dma source(%dma_start3A_54 : memref<80xf32, #tpu.memory_space<hbm>>) target(%arg10 : memref<80xf32, #tpu.memory_space<vmem>>) target_semaphore(%run_scoped3A : memref<!tpu.dma_semaphore, #tpu.memory_space<semaphore_mem>>)
        %dma_wait3A_55 = tpu.memref_slice %arg5[%add3A_40] : memref<320000xf32, #tpu.memory_space<hbm>> -> memref<80xf32, #tpu.memory_space<hbm>>
        %dma_wait3A_56 = tpu.memref_slice %arg5[%add3A_40] : memref<320000xf32, #tpu.memory_space<hbm>> -> memref<80xf32, #tpu.memory_space<hbm>>
        tpu.wait_dma2 semaphore(%run_scoped3A : memref<!tpu.dma_semaphore, #tpu.memory_space<semaphore_mem>>) src(%dma_wait3A_56 : memref<80xf32, #tpu.memory_space<hbm>>) dst(%arg10 : memref<80xf32, #tpu.memory_space<vmem>>)
        tpu.yield
      }) : () -> ()
      %dma_start3A = arith.constant 0 : i32
      %dma_start3A_41 = arith.constant 0 : i32
      %dma_start3A_42 = tpu.memref_slice %arg2[%dma_start3A, %dma_start3A_41] : memref<10000x128xf32, #tpu.memory_space<hbm>> -> memref<10000x128xf32, #tpu.memory_space<hbm>>
      tpu.enqueue_indirect_dma source(%dma_start3A_42 : memref<10000x128xf32, #tpu.memory_space<hbm>>) target(%arg11 : memref<80x128xf32, #tpu.memory_space<vmem>>) offsets(%arg9 : memref<80xi32, #tpu.memory_space<vmem>>) semaphore(%arg12 : memref<!tpu.dma_semaphore, #tpu.memory_space<semaphore_mem>>)
      %dma_wait3A = arith.constant 0 : i32
      %dma_wait3A_43 = arith.constant 0 : i32
      %dma_wait3A_44 = tpu.memref_slice %arg2[%dma_wait3A, %dma_wait3A_43] : memref<10000x128xf32, #tpu.memory_space<hbm>> -> memref<10000x128xf32, #tpu.memory_space<hbm>>
      tpu.wait_indirect_dma semaphore(%arg12 : memref<!tpu.dma_semaphore, #tpu.memory_space<semaphore_mem>>) src(%dma_wait3A_44 : memref<10000x128xf32, #tpu.memory_space<hbm>>) dst(%arg11 : memref<80x128xf32, #tpu.memory_space<vmem>>)
      %scan3A_45 = arith.constant 0 : i32
      %scan3A_46 = arith.constant 0 : i32
      %scan3A_47 = arith.constant 80 : i32
      %scan3A_48 = arith.addi %scan3A_46, %scan3A_47 : i32
      %scan3A_49 = arith.constant 1 : i32
      %scan3A_50 = scf.for %scan3A_53 = %scan3A_46 to %scan3A_48 step %scan3A_49 iter_args(%scan3A_54 = %scan3A_45) -> (i32)  : i32 {
        %broadcast_in_dim3A_55 = arith.constant 0 : i32
        %broadcast_in_dim3A_56 = vector.broadcast %broadcast_in_dim3A_55 : i32 to vector<16xi32>
        %add3A_57 = vector.broadcast %scan3A_53 : i32 to vector<16xi32>
        %add3A_58 = arith.addi %broadcast_in_dim3A_56, %add3A_57 : vector<16xi32>
        %gather3A = tpu.vector_load_idx %arg10[%add3A_58] : memref<80xf32, #tpu.memory_space<vmem>>[vector<16xi32>], vector<16xf32>,
        %get3A = arith.index_cast %scan3A_53 : i32 to index
        %get3A_59 = arith.constant 0 : index
        %get3A_60 = tpu.vector_load %arg11[%get3A, %get3A_59] {strides = array<i32>} : memref<80x128xf32, #tpu.memory_space<vmem>>, vector<16xf32>,
        %mul3A_61 = arith.mulf %get3A_60, %gather3A : vector<16xf32>
        %swap3A = arith.index_cast %scan3A_53 : i32 to index
        %swap3A_62 = arith.constant 0 : index
        %swap3A_63 = tpu.vector_load %arg11[%swap3A, %swap3A_62] {strides = array<i32>} : memref<80x128xf32, #tpu.memory_space<vmem>>, vector<16xf32>,
        tpu.vector_store %arg11[%swap3A, %swap3A_62], %mul3A_61 {strides = array<i32>} : memref<80x128xf32, #tpu.memory_space<vmem>>, vector<16xf32>,
        %get3A_64 = arith.index_cast %scan3A_53 : i32 to index
        %get3A_65 = arith.constant 16 : index
        %get3A_66 = tpu.vector_load %arg11[%get3A_64, %get3A_65] {strides = array<i32>} : memref<80x128xf32, #tpu.memory_space<vmem>>, vector<16xf32>,
        %mul3A_67 = arith.mulf %get3A_66, %gather3A : vector<16xf32>
        %swap3A_68 = arith.index_cast %scan3A_53 : i32 to index
        %swap3A_69 = arith.constant 16 : index
        %swap3A_70 = tpu.vector_load %arg11[%swap3A_68, %swap3A_69] {strides = array<i32>} : memref<80x128xf32, #tpu.memory_space<vmem>>, vector<16xf32>,
        tpu.vector_store %arg11[%swap3A_68, %swap3A_69], %mul3A_67 {strides = array<i32>} : memref<80x128xf32, #tpu.memory_space<vmem>>, vector<16xf32>,
        %get3A_71 = arith.index_cast %scan3A_53 : i32 to index
        %get3A_72 = arith.constant 32 : index
        %get3A_73 = tpu.vector_load %arg11[%get3A_71, %get3A_72] {strides = array<i32>} : memref<80x128xf32, #tpu.memory_space<vmem>>, vector<16xf32>,
        %mul3A_74 = arith.mulf %get3A_73, %gather3A : vector<16xf32>
        %swap3A_75 = arith.index_cast %scan3A_53 : i32 to index
        %swap3A_76 = arith.constant 32 : index
        %swap3A_77 = tpu.vector_load %arg11[%swap3A_75, %swap3A_76] {strides = array<i32>} : memref<80x128xf32, #tpu.memory_space<vmem>>, vector<16xf32>,
        tpu.vector_store %arg11[%swap3A_75, %swap3A_76], %mul3A_74 {strides = array<i32>} : memref<80x128xf32, #tpu.memory_space<vmem>>, vector<16xf32>,
        %get3A_78 = arith.index_cast %scan3A_53 : i32 to index
        %get3A_79 = arith.constant 48 : index
        %get3A_80 = tpu.vector_load %arg11[%get3A_78, %get3A_79] {strides = array<i32>} : memref<80x128xf32, #tpu.memory_space<vmem>>, vector<16xf32>,
        %mul3A_81 = arith.mulf %get3A_80, %gather3A : vector<16xf32>
        %swap3A_82 = arith.index_cast %scan3A_53 : i32 to index
        %swap3A_83 = arith.constant 48 : index
        %swap3A_84 = tpu.vector_load %arg11[%swap3A_82, %swap3A_83] {strides = array<i32>} : memref<80x128xf32, #tpu.memory_space<vmem>>, vector<16xf32>,
        tpu.vector_store %arg11[%swap3A_82, %swap3A_83], %mul3A_81 {strides = array<i32>} : memref<80x128xf32, #tpu.memory_space<vmem>>, vector<16xf32>,
        %get3A_85 = arith.index_cast %scan3A_53 : i32 to index
        %get3A_86 = arith.constant 64 : index
        %get3A_87 = tpu.vector_load %arg11[%get3A_85, %get3A_86] {strides = array<i32>} : memref<80x128xf32, #tpu.memory_space<vmem>>, vector<16xf32>,
        %mul3A_88 = arith.mulf %get3A_87, %gather3A : vector<16xf32>
        %swap3A_89 = arith.index_cast %scan3A_53 : i32 to index
        %swap3A_90 = arith.constant 64 : index
        %swap3A_91 = tpu.vector_load %arg11[%swap3A_89, %swap3A_90] {strides = array<i32>} : memref<80x128xf32, #tpu.memory_space<vmem>>, vector<16xf32>,
        tpu.vector_store %arg11[%swap3A_89, %swap3A_90], %mul3A_88 {strides = array<i32>} : memref<80x128xf32, #tpu.memory_space<vmem>>, vector<16xf32>,
        %get3A_92 = arith.index_cast %scan3A_53 : i32 to index
        %get3A_93 = arith.constant 80 : index
        %get3A_94 = tpu.vector_load %arg11[%get3A_92, %get3A_93] {strides = array<i32>} : memref<80x128xf32, #tpu.memory_space<vmem>>, vector<16xf32>,
        %mul3A_95 = arith.mulf %get3A_94, %gather3A : vector<16xf32>
        %swap3A_96 = arith.index_cast %scan3A_53 : i32 to index
        %swap3A_97 = arith.constant 80 : index
        %swap3A_98 = tpu.vector_load %arg11[%swap3A_96, %swap3A_97] {strides = array<i32>} : memref<80x128xf32, #tpu.memory_space<vmem>>, vector<16xf32>,
        tpu.vector_store %arg11[%swap3A_96, %swap3A_97], %mul3A_95 {strides = array<i32>} : memref<80x128xf32, #tpu.memory_space<vmem>>, vector<16xf32>,
        %get3A_99 = arith.index_cast %scan3A_53 : i32 to index
        %get3A_100 = arith.constant 96 : index
        %get3A_101 = tpu.vector_load %arg11[%get3A_99, %get3A_100] {strides = array<i32>} : memref<80x128xf32, #tpu.memory_space<vmem>>, vector<16xf32>,
        %mul3A_102 = arith.mulf %get3A_101, %gather3A : vector<16xf32>
        %swap3A_103 = arith.index_cast %scan3A_53 : i32 to index
        %swap3A_104 = arith.constant 96 : index
        %swap3A_105 = tpu.vector_load %arg11[%swap3A_103, %swap3A_104] {strides = array<i32>} : memref<80x128xf32, #tpu.memory_space<vmem>>, vector<16xf32>,
        tpu.vector_store %arg11[%swap3A_103, %swap3A_104], %mul3A_102 {strides = array<i32>} : memref<80x128xf32, #tpu.memory_space<vmem>>, vector<16xf32>,
        %get3A_106 = arith.index_cast %scan3A_53 : i32 to index
        %get3A_107 = arith.constant 112 : index
        %get3A_108 = tpu.vector_load %arg11[%get3A_106, %get3A_107] {strides = array<i32>} : memref<80x128xf32, #tpu.memory_space<vmem>>, vector<16xf32>,
        %mul3A_109 = arith.mulf %get3A_108, %gather3A : vector<16xf32>
        %swap3A_110 = arith.index_cast %scan3A_53 : i32 to index
        %swap3A_111 = arith.constant 112 : index
        %swap3A_112 = tpu.vector_load %arg11[%swap3A_110, %swap3A_111] {strides = array<i32>} : memref<80x128xf32, #tpu.memory_space<vmem>>, vector<16xf32>,
        tpu.vector_store %arg11[%swap3A_110, %swap3A_111], %mul3A_109 {strides = array<i32>} : memref<80x128xf32, #tpu.memory_space<vmem>>, vector<16xf32>,
        %scan3A_113 = arith.constant 0 : i32
        scf.yield %scan3A_113 : i32
      }
      %scan3A_51 = arith.constant 80 : i32
      "tpu.region"() ({
        %run_scoped3A = tpu.sem_alloc : memref<!tpu.dma_semaphore, #tpu.memory_space<semaphore_mem>>
        %dma_start3A_53 = arith.constant 0 : i32
        %dma_start3A_54 = arith.constant 0 : i32
        %dma_start3A_55 = tpu.memref_slice %arg7[%dma_start3A_53, %dma_start3A_54] : memref<10112x128xf32, #tpu.memory_space<vmem_shared>> -> memref<10112x128xf32, #tpu.memory_space<vmem_shared>>
        tpu.enqueue_indirect_dma source(%arg11 : memref<80x128xf32, #tpu.memory_space<vmem>>) target(%dma_start3A_55 : memref<10112x128xf32, #tpu.memory_space<vmem_shared>>) offsets(%arg8 : memref<80xi32, #tpu.memory_space<vmem>>) semaphore(%run_scoped3A : memref<!tpu.dma_semaphore, #tpu.memory_space<semaphore_mem>>) {add = true}
        %dma_wait3A_56 = arith.constant 0 : i32
        %dma_wait3A_57 = arith.constant 0 : i32
        %dma_wait3A_58 = tpu.memref_slice %arg7[%dma_wait3A_56, %dma_wait3A_57] : memref<10112x128xf32, #tpu.memory_space<vmem_shared>> -> memref<10112x128xf32, #tpu.memory_space<vmem_shared>>
        tpu.wait_indirect_dma semaphore(%run_scoped3A : memref<!tpu.dma_semaphore, #tpu.memory_space<semaphore_mem>>) src(%arg11 : memref<80x128xf32, #tpu.memory_space<vmem>>) dst(%dma_wait3A_58 : memref<10112x128xf32, #tpu.memory_space<vmem_shared>>)
        tpu.yield
      }) : () -> ()
      %scan3A_52 = arith.constant 0 : i32
      scf.yield %scan3A_52 : i32
    }
    %scan3A_32 = arith.constant 125 : i32
    %barrier3A_33 = arith.constant 0 : index
    tpu.barrier barrier_id(%barrier3A_33)
    "tpu.region"() ({
      %run_scoped3A = tpu.sem_alloc : memref<!tpu.dma_semaphore, #tpu.memory_space<semaphore_mem>>
      %dma_start3A = arith.constant 0 : i32
      %dma_start3A_34 = tpu.memref_slice %arg6[%arg0, %mul3A_9, %dma_start3A] : memref<2x10112x128xf32, #tpu.memory_space<hbm>> -> memref<1x632x128xf32, #tpu.memory_space<hbm>>
      %dma_start3A_35 = tpu.memref_squeeze %dma_start3A_34 : memref<1x632x128xf32, #tpu.memory_space<hbm>> -> memref<632x128xf32, #tpu.memory_space<hbm>>
      %dma_start3A_36 = arith.constant 0 : i32
      %dma_start3A_37 = tpu.memref_slice %arg7[%mul3A_9, %dma_start3A_36] : memref<10112x128xf32, #tpu.memory_space<vmem_shared>> -> memref<632x128xf32, #tpu.memory_space<vmem_shared>>
      tpu.enqueue_dma source(%dma_start3A_37 : memref<632x128xf32, #tpu.memory_space<vmem_shared>>) target(%dma_start3A_35 : memref<632x128xf32, #tpu.memory_space<hbm>>) target_semaphore(%run_scoped3A : memref<!tpu.dma_semaphore, #tpu.memory_space<semaphore_mem>>)
      %dma_wait3A = arith.constant 0 : i32
      %dma_wait3A_38 = tpu.memref_slice %arg6[%arg0, %mul3A_9, %dma_wait3A] : memref<2x10112x128xf32, #tpu.memory_space<hbm>> -> memref<1x632x128xf32, #tpu.memory_space<hbm>>
      %dma_wait3A_39 = tpu.memref_squeeze %dma_wait3A_38 : memref<1x632x128xf32, #tpu.memory_space<hbm>> -> memref<632x128xf32, #tpu.memory_space<hbm>>
      %dma_wait3A_40 = arith.constant 0 : i32
      %dma_wait3A_41 = tpu.memref_slice %arg7[%mul3A_9, %dma_wait3A_40] : memref<10112x128xf32, #tpu.memory_space<vmem_shared>> -> memref<632x128xf32, #tpu.memory_space<vmem_shared>>
      tpu.wait_dma2 semaphore(%run_scoped3A : memref<!tpu.dma_semaphore, #tpu.memory_space<semaphore_mem>>) src(%dma_wait3A_41 : memref<632x128xf32, #tpu.memory_space<vmem_shared>>) dst(%dma_wait3A_39 : memref<632x128xf32, #tpu.memory_space<hbm>>)
      tpu.yield
    }) : () -> ()
    return
  }
}

#map = affine_map<(d0, d1) -> (0, 0)>
#map1 = affine_map<(d0, d1) -> (0)>
#map2 = affine_map<(d0, d1) -> (0, 0, 0)>
module attributes {stable_mosaic.version = 14 : i64} {
  func.func @_body(%arg0: i32, %arg1: i32, %arg2: memref<10000x128xf32, #tpu.memory_space<hbm>>, %arg3: memref<320000xi32, #tpu.memory_space<hbm>>, %arg4: memref<320000xi32, #tpu.memory_space<hbm>>, %arg5: memref<320000xf32, #tpu.memory_space<hbm>>, %arg6: memref<2x10112x128xf32, #tpu.memory_space<hbm>>, %arg7: memref<10112x128xf32, #tpu.memory_space<vmem_shared>>, %arg8: memref<80xi32, #tpu.memory_space<vmem>>, %arg9: memref<80xi32, #tpu.memory_space<vmem>>, %arg10: memref<80xf32, #tpu.memory_space<vmem>>, %arg11: memref<80x128xf32, #tpu.memory_space<vmem>>, %arg12: memref<!tpu.dma_semaphore, #tpu.memory_space<semaphore_mem>>) attributes {dimension_semantics = [#tpu.dimension_semantics<core_parallel>, #tpu.dimension_semantics<subcore_parallel>], iteration_bounds = array<i64: 2, 16>, scalar_prefetch = 0 : i64, scratch_operands = 6 : i64, tpu.core_type = #tpu.core_type<sc_vector_subcore>, window_params = [{transform_indices = #map}, {transform_indices = #map1}, {transform_indices = #map1}, {transform_indices = #map1}, {transform_indices = #map2}]} {
    %mul3A = arith.constant 2 : i32
    %mul3A_0 = arith.muli %arg1, %mul3A : i32
    %add3A = arith.addi %mul3A_0, %arg0 : i32
    %broadcast_in_dim3A = arith.constant 0.000000e+00 : f32
    %broadcast_in_dim3A_1 = vector.broadcast %broadcast_in_dim3A : f32 to vector<16xf32>
    %scan3A = arith.constant 0 : i32
    %scan3A_2 = arith.constant 0 : i32
    %scan3A_3 = arith.constant 80 : i32
    %scan3A_4 = arith.addi %scan3A_2, %scan3A_3 : i32
    %scan3A_5 = arith.constant 1 : i32
    %scan3A_6 = scf.for %scan3A_34 = %scan3A_2 to %scan3A_4 step %scan3A_5 iter_args(%scan3A_35 = %scan3A) -> (i32)  : i32 {
      %swap3A = arith.index_cast %scan3A_34 : i32 to index
      %swap3A_36 = arith.constant 0 : index
      %swap3A_37 = tpu.vector_load %arg11[%swap3A, %swap3A_36] {strides = array<i32>} : memref<80x128xf32, #tpu.memory_space<vmem>>, vector<16xf32>,
      tpu.vector_store %arg11[%swap3A, %swap3A_36], %broadcast_in_dim3A_1 {strides = array<i32>} : memref<80x128xf32, #tpu.memory_space<vmem>>, vector<16xf32>,
      %swap3A_38 = arith.index_cast %scan3A_34 : i32 to index
      %swap3A_39 = arith.constant 16 : index
      %swap3A_40 = tpu.vector_load %arg11[%swap3A_38, %swap3A_39] {strides = array<i32>} : memref<80x128xf32, #tpu.memory_space<vmem>>, vector<16xf32>,
      tpu.vector_store %arg11[%swap3A_38, %swap3A_39], %broadcast_in_dim3A_1 {strides = array<i32>} : memref<80x128xf32, #tpu.memory_space<vmem>>, vector<16xf32>,
      %swap3A_41 = arith.index_cast %scan3A_34 : i32 to index
      %swap3A_42 = arith.constant 32 : index
      %swap3A_43 = tpu.vector_load %arg11[%swap3A_41, %swap3A_42] {strides = array<i32>} : memref<80x128xf32, #tpu.memory_space<vmem>>, vector<16xf32>,
      tpu.vector_store %arg11[%swap3A_41, %swap3A_42], %broadcast_in_dim3A_1 {strides = array<i32>} : memref<80x128xf32, #tpu.memory_space<vmem>>, vector<16xf32>,
      %swap3A_44 = arith.index_cast %scan3A_34 : i32 to index
      %swap3A_45 = arith.constant 48 : index
      %swap3A_46 = tpu.vector_load %arg11[%swap3A_44, %swap3A_45] {strides = array<i32>} : memref<80x128xf32, #tpu.memory_space<vmem>>, vector<16xf32>,
      tpu.vector_store %arg11[%swap3A_44, %swap3A_45], %broadcast_in_dim3A_1 {strides = array<i32>} : memref<80x128xf32, #tpu.memory_space<vmem>>, vector<16xf32>,
      %swap3A_47 = arith.index_cast %scan3A_34 : i32 to index
      %swap3A_48 = arith.constant 64 : index
      %swap3A_49 = tpu.vector_load %arg11[%swap3A_47, %swap3A_48] {strides = array<i32>} : memref<80x128xf32, #tpu.memory_space<vmem>>, vector<16xf32>,
      tpu.vector_store %arg11[%swap3A_47, %swap3A_48], %broadcast_in_dim3A_1 {strides = array<i32>} : memref<80x128xf32, #tpu.memory_space<vmem>>, vector<16xf32>,
      %swap3A_50 = arith.index_cast %scan3A_34 : i32 to index
      %swap3A_51 = arith.constant 80 : index
      %swap3A_52 = tpu.vector_load %arg11[%swap3A_50, %swap3A_51] {strides = array<i32>} : memref<80x128xf32, #tpu.memory_space<vmem>>, vector<16xf32>,
      tpu.vector_store %arg11[%swap3A_50, %swap3A_51], %broadcast_in_dim3A_1 {strides = array<i32>} : memref<80x128xf32, #tpu.memory_space<vmem>>, vector<16xf32>,
      %swap3A_53 = arith.index_cast %scan3A_34 : i32 to index
      %swap3A_54 = arith.constant 96 : index
      %swap3A_55 = tpu.vector_load %arg11[%swap3A_53, %swap3A_54] {strides = array<i32>} : memref<80x128xf32, #tpu.memory_space<vmem>>, vector<16xf32>,
      tpu.vector_store %arg11[%swap3A_53, %swap3A_54], %broadcast_in_dim3A_1 {strides = array<i32>} : memref<80x128xf32, #tpu.memory_space<vmem>>, vector<16xf32>,
      %swap3A_56 = arith.index_cast %scan3A_34 : i32 to index
      %swap3A_57 = arith.constant 112 : index
      %swap3A_58 = tpu.vector_load %arg11[%swap3A_56, %swap3A_57] {strides = array<i32>} : memref<80x128xf32, #tpu.memory_space<vmem>>, vector<16xf32>,
      tpu.vector_store %arg11[%swap3A_56, %swap3A_57], %broadcast_in_dim3A_1 {strides = array<i32>} : memref<80x128xf32, #tpu.memory_space<vmem>>, vector<16xf32>,
      %scan3A_59 = arith.constant 0 : i32
      scf.yield %scan3A_59 : i32
    }
    %scan3A_7 = arith.constant 80 : i32
    %mul3A_8 = arith.constant 632 : i32
    %mul3A_9 = arith.muli %arg1, %mul3A_8 : i32
    %add3A_10 = arith.constant 0 : i32
    %add3A_11 = arith.addi %mul3A_9, %add3A_10 : i32
    "tpu.region"() ({
      %run_scoped3A = tpu.sem_alloc : memref<!tpu.dma_semaphore, #tpu.memory_space<semaphore_mem>>
      %dma_start3A = arith.constant 0 : i32
      %dma_start3A_34 = arith.constant 0 : i32
      %dma_start3A_35 = tpu.memref_slice %arg11[%dma_start3A, %dma_start3A_34] : memref<80x128xf32, #tpu.memory_space<vmem>> -> memref<80x128xf32, #tpu.memory_space<vmem>>
      %dma_start3A_36 = arith.constant 0 : i32
      %dma_start3A_37 = tpu.memref_slice %arg7[%add3A_11, %dma_start3A_36] : memref<10112x128xf32, #tpu.memory_space<vmem_shared>> -> memref<80x128xf32, #tpu.memory_space<vmem_shared>>
      %dma_start3A_38 = arith.constant 0 : i32
      %dma_start3A_39 = tpu.memref_slice %arg7[%add3A_11, %dma_start3A_38] : memref<10112x128xf32, #tpu.memory_space<vmem_shared>> -> memref<80x128xf32, #tpu.memory_space<vmem_shared>>
      %dma_start3A_40 = arith.constant 0 : i32
      %dma_start3A_41 = arith.constant 0 : i32
      %dma_start3A_42 = tpu.memref_slice %arg11[%dma_start3A_40, %dma_start3A_41] : memref<80x128xf32, #tpu.memory_space<vmem>> -> memref<80x128xf32, #tpu.memory_space<vmem>>
      tpu.enqueue_dma source(%dma_start3A_42 : memref<80x128xf32, #tpu.memory_space<vmem>>) target(%dma_start3A_39 : memref<80x128xf32, #tpu.memory_space<vmem_shared>>) target_semaphore(%run_scoped3A : memref<!tpu.dma_semaphore, #tpu.memory_space<semaphore_mem>>)
      %dma_wait3A = arith.constant 0 : i32
      %dma_wait3A_43 = arith.constant 0 : i32
      %dma_wait3A_44 = tpu.memref_slice %arg11[%dma_wait3A, %dma_wait3A_43] : memref<80x128xf32, #tpu.memory_space<vmem>> -> memref<80x128xf32, #tpu.memory_space<vmem>>
      %dma_wait3A_45 = arith.constant 0 : i32
      %dma_wait3A_46 = tpu.memref_slice %arg7[%add3A_11, %dma_wait3A_45] : memref<10112x128xf32, #tpu.memory_space<vmem_shared>> -> memref<80x128xf32, #tpu.memory_space<vmem_shared>>
      %dma_wait3A_47 = arith.constant 0 : i32
      %dma_wait3A_48 = tpu.memref_slice %arg7[%add3A_11, %dma_wait3A_47] : memref<10112x128xf32, #tpu.memory_space<vmem_shared>> -> memref<80x128xf32, #tpu.memory_space<vmem_shared>>
      %dma_wait3A_49 = arith.constant 0 : i32
      %dma_wait3A_50 = arith.constant 0 : i32
      %dma_wait3A_51 = tpu.memref_slice %arg11[%dma_wait3A_49, %dma_wait3A_50] : memref<80x128xf32, #tpu.memory_space<vmem>> -> memref<80x128xf32, #tpu.memory_space<vmem>>
      tpu.wait_dma2 semaphore(%run_scoped3A : memref<!tpu.dma_semaphore, #tpu.memory_space<semaphore_mem>>) src(%dma_wait3A_51 : memref<80x128xf32, #tpu.memory_space<vmem>>) dst(%dma_wait3A_48 : memref<80x128xf32, #tpu.memory_space<vmem_shared>>)
      tpu.yield
    }) : () -> ()
    %add3A_12 = arith.constant 80 : i32
    %add3A_13 = arith.addi %mul3A_9, %add3A_12 : i32
    "tpu.region"() ({
      %run_scoped3A = tpu.sem_alloc : memref<!tpu.dma_semaphore, #tpu.memory_space<semaphore_mem>>
      %dma_start3A = arith.constant 0 : i32
      %dma_start3A_34 = arith.constant 0 : i32
      %dma_start3A_35 = tpu.memref_slice %arg11[%dma_start3A, %dma_start3A_34] : memref<80x128xf32, #tpu.memory_space<vmem>> -> memref<80x128xf32, #tpu.memory_space<vmem>>
      %dma_start3A_36 = arith.constant 0 : i32
      %dma_start3A_37 = tpu.memref_slice %arg7[%add3A_13, %dma_start3A_36] : memref<10112x128xf32, #tpu.memory_space<vmem_shared>> -> memref<80x128xf32, #tpu.memory_space<vmem_shared>>
      %dma_start3A_38 = arith.constant 0 : i32
      %dma_start3A_39 = tpu.memref_slice %arg7[%add3A_13, %dma_start3A_38] : memref<10112x128xf32, #tpu.memory_space<vmem_shared>> -> memref<80x128xf32, #tpu.memory_space<vmem_shared>>
      %dma_start3A_40 = arith.constant 0 : i32
      %dma_start3A_41 = arith.constant 0 : i32
      %dma_start3A_42 = tpu.memref_slice %arg11[%dma_start3A_40, %dma_start3A_41] : memref<80x128xf32, #tpu.memory_space<vmem>> -> memref<80x128xf32, #tpu.memory_space<vmem>>
      tpu.enqueue_dma source(%dma_start3A_42 : memref<80x128xf32, #tpu.memory_space<vmem>>) target(%dma_start3A_39 : memref<80x128xf32, #tpu.memory_space<vmem_shared>>) target_semaphore(%run_scoped3A : memref<!tpu.dma_semaphore, #tpu.memory_space<semaphore_mem>>)
      %dma_wait3A = arith.constant 0 : i32
      %dma_wait3A_43 = arith.constant 0 : i32
      %dma_wait3A_44 = tpu.memref_slice %arg11[%dma_wait3A, %dma_wait3A_43] : memref<80x128xf32, #tpu.memory_space<vmem>> -> memref<80x128xf32, #tpu.memory_space<vmem>>
      %dma_wait3A_45 = arith.constant 0 : i32
      %dma_wait3A_46 = tpu.memref_slice %arg7[%add3A_13, %dma_wait3A_45] : memref<10112x128xf32, #tpu.memory_space<vmem_shared>> -> memref<80x128xf32, #tpu.memory_space<vmem_shared>>
      %dma_wait3A_47 = arith.constant 0 : i32
      %dma_wait3A_48 = tpu.memref_slice %arg7[%add3A_13, %dma_wait3A_47] : memref<10112x128xf32, #tpu.memory_space<vmem_shared>> -> memref<80x128xf32, #tpu.memory_space<vmem_shared>>
      %dma_wait3A_49 = arith.constant 0 : i32
      %dma_wait3A_50 = arith.constant 0 : i32
      %dma_wait3A_51 = tpu.memref_slice %arg11[%dma_wait3A_49, %dma_wait3A_50] : memref<80x128xf32, #tpu.memory_space<vmem>> -> memref<80x128xf32, #tpu.memory_space<vmem>>
      tpu.wait_dma2 semaphore(%run_scoped3A : memref<!tpu.dma_semaphore, #tpu.memory_space<semaphore_mem>>) src(%dma_wait3A_51 : memref<80x128xf32, #tpu.memory_space<vmem>>) dst(%dma_wait3A_48 : memref<80x128xf32, #tpu.memory_space<vmem_shared>>)
      tpu.yield
    }) : () -> ()
    %add3A_14 = arith.constant 160 : i32
    %add3A_15 = arith.addi %mul3A_9, %add3A_14 : i32
    "tpu.region"() ({
      %run_scoped3A = tpu.sem_alloc : memref<!tpu.dma_semaphore, #tpu.memory_space<semaphore_mem>>
      %dma_start3A = arith.constant 0 : i32
      %dma_start3A_34 = arith.constant 0 : i32
      %dma_start3A_35 = tpu.memref_slice %arg11[%dma_start3A, %dma_start3A_34] : memref<80x128xf32, #tpu.memory_space<vmem>> -> memref<80x128xf32, #tpu.memory_space<vmem>>
      %dma_start3A_36 = arith.constant 0 : i32
      %dma_start3A_37 = tpu.memref_slice %arg7[%add3A_15, %dma_start3A_36] : memref<10112x128xf32, #tpu.memory_space<vmem_shared>> -> memref<80x128xf32, #tpu.memory_space<vmem_shared>>
      %dma_start3A_38 = arith.constant 0 : i32
      %dma_start3A_39 = tpu.memref_slice %arg7[%add3A_15, %dma_start3A_38] : memref<10112x128xf32, #tpu.memory_space<vmem_shared>> -> memref<80x128xf32, #tpu.memory_space<vmem_shared>>
      %dma_start3A_40 = arith.constant 0 : i32
      %dma_start3A_41 = arith.constant 0 : i32
      %dma_start3A_42 = tpu.memref_slice %arg11[%dma_start3A_40, %dma_start3A_41] : memref<80x128xf32, #tpu.memory_space<vmem>> -> memref<80x128xf32, #tpu.memory_space<vmem>>
      tpu.enqueue_dma source(%dma_start3A_42 : memref<80x128xf32, #tpu.memory_space<vmem>>) target(%dma_start3A_39 : memref<80x128xf32, #tpu.memory_space<vmem_shared>>) target_semaphore(%run_scoped3A : memref<!tpu.dma_semaphore, #tpu.memory_space<semaphore_mem>>)
      %dma_wait3A = arith.constant 0 : i32
      %dma_wait3A_43 = arith.constant 0 : i32
      %dma_wait3A_44 = tpu.memref_slice %arg11[%dma_wait3A, %dma_wait3A_43] : memref<80x128xf32, #tpu.memory_space<vmem>> -> memref<80x128xf32, #tpu.memory_space<vmem>>
      %dma_wait3A_45 = arith.constant 0 : i32
      %dma_wait3A_46 = tpu.memref_slice %arg7[%add3A_15, %dma_wait3A_45] : memref<10112x128xf32, #tpu.memory_space<vmem_shared>> -> memref<80x128xf32, #tpu.memory_space<vmem_shared>>
      %dma_wait3A_47 = arith.constant 0 : i32
      %dma_wait3A_48 = tpu.memref_slice %arg7[%add3A_15, %dma_wait3A_47] : memref<10112x128xf32, #tpu.memory_space<vmem_shared>> -> memref<80x128xf32, #tpu.memory_space<vmem_shared>>
      %dma_wait3A_49 = arith.constant 0 : i32
      %dma_wait3A_50 = arith.constant 0 : i32
      %dma_wait3A_51 = tpu.memref_slice %arg11[%dma_wait3A_49, %dma_wait3A_50] : memref<80x128xf32, #tpu.memory_space<vmem>> -> memref<80x128xf32, #tpu.memory_space<vmem>>
      tpu.wait_dma2 semaphore(%run_scoped3A : memref<!tpu.dma_semaphore, #tpu.memory_space<semaphore_mem>>) src(%dma_wait3A_51 : memref<80x128xf32, #tpu.memory_space<vmem>>) dst(%dma_wait3A_48 : memref<80x128xf32, #tpu.memory_space<vmem_shared>>)
      tpu.yield
    }) : () -> ()
    %add3A_16 = arith.constant 240 : i32
    %add3A_17 = arith.addi %mul3A_9, %add3A_16 : i32
    "tpu.region"() ({
      %run_scoped3A = tpu.sem_alloc : memref<!tpu.dma_semaphore, #tpu.memory_space<semaphore_mem>>
      %dma_start3A = arith.constant 0 : i32
      %dma_start3A_34 = arith.constant 0 : i32
      %dma_start3A_35 = tpu.memref_slice %arg11[%dma_start3A, %dma_start3A_34] : memref<80x128xf32, #tpu.memory_space<vmem>> -> memref<80x128xf32, #tpu.memory_space<vmem>>
      %dma_start3A_36 = arith.constant 0 : i32
      %dma_start3A_37 = tpu.memref_slice %arg7[%add3A_17, %dma_start3A_36] : memref<10112x128xf32, #tpu.memory_space<vmem_shared>> -> memref<80x128xf32, #tpu.memory_space<vmem_shared>>
      %dma_start3A_38 = arith.constant 0 : i32
      %dma_start3A_39 = tpu.memref_slice %arg7[%add3A_17, %dma_start3A_38] : memref<10112x128xf32, #tpu.memory_space<vmem_shared>> -> memref<80x128xf32, #tpu.memory_space<vmem_shared>>
      %dma_start3A_40 = arith.constant 0 : i32
      %dma_start3A_41 = arith.constant 0 : i32
      %dma_start3A_42 = tpu.memref_slice %arg11[%dma_start3A_40, %dma_start3A_41] : memref<80x128xf32, #tpu.memory_space<vmem>> -> memref<80x128xf32, #tpu.memory_space<vmem>>
      tpu.enqueue_dma source(%dma_start3A_42 : memref<80x128xf32, #tpu.memory_space<vmem>>) target(%dma_start3A_39 : memref<80x128xf32, #tpu.memory_space<vmem_shared>>) target_semaphore(%run_scoped3A : memref<!tpu.dma_semaphore, #tpu.memory_space<semaphore_mem>>)
      %dma_wait3A = arith.constant 0 : i32
      %dma_wait3A_43 = arith.constant 0 : i32
      %dma_wait3A_44 = tpu.memref_slice %arg11[%dma_wait3A, %dma_wait3A_43] : memref<80x128xf32, #tpu.memory_space<vmem>> -> memref<80x128xf32, #tpu.memory_space<vmem>>
      %dma_wait3A_45 = arith.constant 0 : i32
      %dma_wait3A_46 = tpu.memref_slice %arg7[%add3A_17, %dma_wait3A_45] : memref<10112x128xf32, #tpu.memory_space<vmem_shared>> -> memref<80x128xf32, #tpu.memory_space<vmem_shared>>
      %dma_wait3A_47 = arith.constant 0 : i32
      %dma_wait3A_48 = tpu.memref_slice %arg7[%add3A_17, %dma_wait3A_47] : memref<10112x128xf32, #tpu.memory_space<vmem_shared>> -> memref<80x128xf32, #tpu.memory_space<vmem_shared>>
      %dma_wait3A_49 = arith.constant 0 : i32
      %dma_wait3A_50 = arith.constant 0 : i32
      %dma_wait3A_51 = tpu.memref_slice %arg11[%dma_wait3A_49, %dma_wait3A_50] : memref<80x128xf32, #tpu.memory_space<vmem>> -> memref<80x128xf32, #tpu.memory_space<vmem>>
      tpu.wait_dma2 semaphore(%run_scoped3A : memref<!tpu.dma_semaphore, #tpu.memory_space<semaphore_mem>>) src(%dma_wait3A_51 : memref<80x128xf32, #tpu.memory_space<vmem>>) dst(%dma_wait3A_48 : memref<80x128xf32, #tpu.memory_space<vmem_shared>>)
      tpu.yield
    }) : () -> ()
    %add3A_18 = arith.constant 320 : i32
    %add3A_19 = arith.addi %mul3A_9, %add3A_18 : i32
    "tpu.region"() ({
      %run_scoped3A = tpu.sem_alloc : memref<!tpu.dma_semaphore, #tpu.memory_space<semaphore_mem>>
      %dma_start3A = arith.constant 0 : i32
      %dma_start3A_34 = arith.constant 0 : i32
      %dma_start3A_35 = tpu.memref_slice %arg11[%dma_start3A, %dma_start3A_34] : memref<80x128xf32, #tpu.memory_space<vmem>> -> memref<80x128xf32, #tpu.memory_space<vmem>>
      %dma_start3A_36 = arith.constant 0 : i32
      %dma_start3A_37 = tpu.memref_slice %arg7[%add3A_19, %dma_start3A_36] : memref<10112x128xf32, #tpu.memory_space<vmem_shared>> -> memref<80x128xf32, #tpu.memory_space<vmem_shared>>
      %dma_start3A_38 = arith.constant 0 : i32
      %dma_start3A_39 = tpu.memref_slice %arg7[%add3A_19, %dma_start3A_38] : memref<10112x128xf32, #tpu.memory_space<vmem_shared>> -> memref<80x128xf32, #tpu.memory_space<vmem_shared>>
      %dma_start3A_40 = arith.constant 0 : i32
      %dma_start3A_41 = arith.constant 0 : i32
      %dma_start3A_42 = tpu.memref_slice %arg11[%dma_start3A_40, %dma_start3A_41] : memref<80x128xf32, #tpu.memory_space<vmem>> -> memref<80x128xf32, #tpu.memory_space<vmem>>
      tpu.enqueue_dma source(%dma_start3A_42 : memref<80x128xf32, #tpu.memory_space<vmem>>) target(%dma_start3A_39 : memref<80x128xf32, #tpu.memory_space<vmem_shared>>) target_semaphore(%run_scoped3A : memref<!tpu.dma_semaphore, #tpu.memory_space<semaphore_mem>>)
      %dma_wait3A = arith.constant 0 : i32
      %dma_wait3A_43 = arith.constant 0 : i32
      %dma_wait3A_44 = tpu.memref_slice %arg11[%dma_wait3A, %dma_wait3A_43] : memref<80x128xf32, #tpu.memory_space<vmem>> -> memref<80x128xf32, #tpu.memory_space<vmem>>
      %dma_wait3A_45 = arith.constant 0 : i32
      %dma_wait3A_46 = tpu.memref_slice %arg7[%add3A_19, %dma_wait3A_45] : memref<10112x128xf32, #tpu.memory_space<vmem_shared>> -> memref<80x128xf32, #tpu.memory_space<vmem_shared>>
      %dma_wait3A_47 = arith.constant 0 : i32
      %dma_wait3A_48 = tpu.memref_slice %arg7[%add3A_19, %dma_wait3A_47] : memref<10112x128xf32, #tpu.memory_space<vmem_shared>> -> memref<80x128xf32, #tpu.memory_space<vmem_shared>>
      %dma_wait3A_49 = arith.constant 0 : i32
      %dma_wait3A_50 = arith.constant 0 : i32
      %dma_wait3A_51 = tpu.memref_slice %arg11[%dma_wait3A_49, %dma_wait3A_50] : memref<80x128xf32, #tpu.memory_space<vmem>> -> memref<80x128xf32, #tpu.memory_space<vmem>>
      tpu.wait_dma2 semaphore(%run_scoped3A : memref<!tpu.dma_semaphore, #tpu.memory_space<semaphore_mem>>) src(%dma_wait3A_51 : memref<80x128xf32, #tpu.memory_space<vmem>>) dst(%dma_wait3A_48 : memref<80x128xf32, #tpu.memory_space<vmem_shared>>)
      tpu.yield
    }) : () -> ()
    %add3A_20 = arith.constant 400 : i32
    %add3A_21 = arith.addi %mul3A_9, %add3A_20 : i32
    "tpu.region"() ({
      %run_scoped3A = tpu.sem_alloc : memref<!tpu.dma_semaphore, #tpu.memory_space<semaphore_mem>>
      %dma_start3A = arith.constant 0 : i32
      %dma_start3A_34 = arith.constant 0 : i32
      %dma_start3A_35 = tpu.memref_slice %arg11[%dma_start3A, %dma_start3A_34] : memref<80x128xf32, #tpu.memory_space<vmem>> -> memref<80x128xf32, #tpu.memory_space<vmem>>
      %dma_start3A_36 = arith.constant 0 : i32
      %dma_start3A_37 = tpu.memref_slice %arg7[%add3A_21, %dma_start3A_36] : memref<10112x128xf32, #tpu.memory_space<vmem_shared>> -> memref<80x128xf32, #tpu.memory_space<vmem_shared>>
      %dma_start3A_38 = arith.constant 0 : i32
      %dma_start3A_39 = tpu.memref_slice %arg7[%add3A_21, %dma_start3A_38] : memref<10112x128xf32, #tpu.memory_space<vmem_shared>> -> memref<80x128xf32, #tpu.memory_space<vmem_shared>>
      %dma_start3A_40 = arith.constant 0 : i32
      %dma_start3A_41 = arith.constant 0 : i32
      %dma_start3A_42 = tpu.memref_slice %arg11[%dma_start3A_40, %dma_start3A_41] : memref<80x128xf32, #tpu.memory_space<vmem>> -> memref<80x128xf32, #tpu.memory_space<vmem>>
      tpu.enqueue_dma source(%dma_start3A_42 : memref<80x128xf32, #tpu.memory_space<vmem>>) target(%dma_start3A_39 : memref<80x128xf32, #tpu.memory_space<vmem_shared>>) target_semaphore(%run_scoped3A : memref<!tpu.dma_semaphore, #tpu.memory_space<semaphore_mem>>)
      %dma_wait3A = arith.constant 0 : i32
      %dma_wait3A_43 = arith.constant 0 : i32
      %dma_wait3A_44 = tpu.memref_slice %arg11[%dma_wait3A, %dma_wait3A_43] : memref<80x128xf32, #tpu.memory_space<vmem>> -> memref<80x128xf32, #tpu.memory_space<vmem>>
      %dma_wait3A_45 = arith.constant 0 : i32
      %dma_wait3A_46 = tpu.memref_slice %arg7[%add3A_21, %dma_wait3A_45] : memref<10112x128xf32, #tpu.memory_space<vmem_shared>> -> memref<80x128xf32, #tpu.memory_space<vmem_shared>>
      %dma_wait3A_47 = arith.constant 0 : i32
      %dma_wait3A_48 = tpu.memref_slice %arg7[%add3A_21, %dma_wait3A_47] : memref<10112x128xf32, #tpu.memory_space<vmem_shared>> -> memref<80x128xf32, #tpu.memory_space<vmem_shared>>
      %dma_wait3A_49 = arith.constant 0 : i32
      %dma_wait3A_50 = arith.constant 0 : i32
      %dma_wait3A_51 = tpu.memref_slice %arg11[%dma_wait3A_49, %dma_wait3A_50] : memref<80x128xf32, #tpu.memory_space<vmem>> -> memref<80x128xf32, #tpu.memory_space<vmem>>
      tpu.wait_dma2 semaphore(%run_scoped3A : memref<!tpu.dma_semaphore, #tpu.memory_space<semaphore_mem>>) src(%dma_wait3A_51 : memref<80x128xf32, #tpu.memory_space<vmem>>) dst(%dma_wait3A_48 : memref<80x128xf32, #tpu.memory_space<vmem_shared>>)
      tpu.yield
    }) : () -> ()
    %add3A_22 = arith.constant 480 : i32
    %add3A_23 = arith.addi %mul3A_9, %add3A_22 : i32
    "tpu.region"() ({
      %run_scoped3A = tpu.sem_alloc : memref<!tpu.dma_semaphore, #tpu.memory_space<semaphore_mem>>
      %dma_start3A = arith.constant 0 : i32
      %dma_start3A_34 = arith.constant 0 : i32
      %dma_start3A_35 = tpu.memref_slice %arg11[%dma_start3A, %dma_start3A_34] : memref<80x128xf32, #tpu.memory_space<vmem>> -> memref<80x128xf32, #tpu.memory_space<vmem>>
      %dma_start3A_36 = arith.constant 0 : i32
      %dma_start3A_37 = tpu.memref_slice %arg7[%add3A_23, %dma_start3A_36] : memref<10112x128xf32, #tpu.memory_space<vmem_shared>> -> memref<80x128xf32, #tpu.memory_space<vmem_shared>>
      %dma_start3A_38 = arith.constant 0 : i32
      %dma_start3A_39 = tpu.memref_slice %arg7[%add3A_23, %dma_start3A_38] : memref<10112x128xf32, #tpu.memory_space<vmem_shared>> -> memref<80x128xf32, #tpu.memory_space<vmem_shared>>
      %dma_start3A_40 = arith.constant 0 : i32
      %dma_start3A_41 = arith.constant 0 : i32
      %dma_start3A_42 = tpu.memref_slice %arg11[%dma_start3A_40, %dma_start3A_41] : memref<80x128xf32, #tpu.memory_space<vmem>> -> memref<80x128xf32, #tpu.memory_space<vmem>>
      tpu.enqueue_dma source(%dma_start3A_42 : memref<80x128xf32, #tpu.memory_space<vmem>>) target(%dma_start3A_39 : memref<80x128xf32, #tpu.memory_space<vmem_shared>>) target_semaphore(%run_scoped3A : memref<!tpu.dma_semaphore, #tpu.memory_space<semaphore_mem>>)
      %dma_wait3A = arith.constant 0 : i32
      %dma_wait3A_43 = arith.constant 0 : i32
      %dma_wait3A_44 = tpu.memref_slice %arg11[%dma_wait3A, %dma_wait3A_43] : memref<80x128xf32, #tpu.memory_space<vmem>> -> memref<80x128xf32, #tpu.memory_space<vmem>>
      %dma_wait3A_45 = arith.constant 0 : i32
      %dma_wait3A_46 = tpu.memref_slice %arg7[%add3A_23, %dma_wait3A_45] : memref<10112x128xf32, #tpu.memory_space<vmem_shared>> -> memref<80x128xf32, #tpu.memory_space<vmem_shared>>
      %dma_wait3A_47 = arith.constant 0 : i32
      %dma_wait3A_48 = tpu.memref_slice %arg7[%add3A_23, %dma_wait3A_47] : memref<10112x128xf32, #tpu.memory_space<vmem_shared>> -> memref<80x128xf32, #tpu.memory_space<vmem_shared>>
      %dma_wait3A_49 = arith.constant 0 : i32
      %dma_wait3A_50 = arith.constant 0 : i32
      %dma_wait3A_51 = tpu.memref_slice %arg11[%dma_wait3A_49, %dma_wait3A_50] : memref<80x128xf32, #tpu.memory_space<vmem>> -> memref<80x128xf32, #tpu.memory_space<vmem>>
      tpu.wait_dma2 semaphore(%run_scoped3A : memref<!tpu.dma_semaphore, #tpu.memory_space<semaphore_mem>>) src(%dma_wait3A_51 : memref<80x128xf32, #tpu.memory_space<vmem>>) dst(%dma_wait3A_48 : memref<80x128xf32, #tpu.memory_space<vmem_shared>>)
      tpu.yield
    }) : () -> ()
    %add3A_24 = arith.constant 560 : i32
    %add3A_25 = arith.addi %mul3A_9, %add3A_24 : i32
    "tpu.region"() ({
      %run_scoped3A = tpu.sem_alloc : memref<!tpu.dma_semaphore, #tpu.memory_space<semaphore_mem>>
      %dma_start3A = arith.constant 0 : i32
      %dma_start3A_34 = arith.constant 0 : i32
      %dma_start3A_35 = tpu.memref_slice %arg11[%dma_start3A, %dma_start3A_34] : memref<80x128xf32, #tpu.memory_space<vmem>> -> memref<72x128xf32, #tpu.memory_space<vmem>>
      %dma_start3A_36 = arith.constant 0 : i32
      %dma_start3A_37 = tpu.memref_slice %arg7[%add3A_25, %dma_start3A_36] : memref<10112x128xf32, #tpu.memory_space<vmem_shared>> -> memref<72x128xf32, #tpu.memory_space<vmem_shared>>
      %dma_start3A_38 = arith.constant 0 : i32
      %dma_start3A_39 = tpu.memref_slice %arg7[%add3A_25, %dma_start3A_38] : memref<10112x128xf32, #tpu.memory_space<vmem_shared>> -> memref<72x128xf32, #tpu.memory_space<vmem_shared>>
      %dma_start3A_40 = arith.constant 0 : i32
      %dma_start3A_41 = arith.constant 0 : i32
      %dma_start3A_42 = tpu.memref_slice %arg11[%dma_start3A_40, %dma_start3A_41] : memref<80x128xf32, #tpu.memory_space<vmem>> -> memref<72x128xf32, #tpu.memory_space<vmem>>
      tpu.enqueue_dma source(%dma_start3A_42 : memref<72x128xf32, #tpu.memory_space<vmem>>) target(%dma_start3A_39 : memref<72x128xf32, #tpu.memory_space<vmem_shared>>) target_semaphore(%run_scoped3A : memref<!tpu.dma_semaphore, #tpu.memory_space<semaphore_mem>>)
      %dma_wait3A = arith.constant 0 : i32
      %dma_wait3A_43 = arith.constant 0 : i32
      %dma_wait3A_44 = tpu.memref_slice %arg11[%dma_wait3A, %dma_wait3A_43] : memref<80x128xf32, #tpu.memory_space<vmem>> -> memref<72x128xf32, #tpu.memory_space<vmem>>
      %dma_wait3A_45 = arith.constant 0 : i32
      %dma_wait3A_46 = tpu.memref_slice %arg7[%add3A_25, %dma_wait3A_45] : memref<10112x128xf32, #tpu.memory_space<vmem_shared>> -> memref<72x128xf32, #tpu.memory_space<vmem_shared>>
      %dma_wait3A_47 = arith.constant 0 : i32
      %dma_wait3A_48 = tpu.memref_slice %arg7[%add3A_25, %dma_wait3A_47] : memref<10112x128xf32, #tpu.memory_space<vmem_shared>> -> memref<72x128xf32, #tpu.memory_space<vmem_shared>>
      %dma_wait3A_49 = arith.constant 0 : i32
      %dma_wait3A_50 = arith.constant 0 : i32
      %dma_wait3A_51 = tpu.memref_slice %arg11[%dma_wait3A_49, %dma_wait3A_50] : memref<80x128xf32, #tpu.memory_space<vmem>> -> memref<72x128xf32, #tpu.memory_space<vmem>>
      tpu.wait_dma2 semaphore(%run_scoped3A : memref<!tpu.dma_semaphore, #tpu.memory_space<semaphore_mem>>) src(%dma_wait3A_51 : memref<72x128xf32, #tpu.memory_space<vmem>>) dst(%dma_wait3A_48 : memref<72x128xf32, #tpu.memory_space<vmem_shared>>)
      tpu.yield
    }) : () -> ()
    %barrier3A = arith.constant 0 : index
    tpu.barrier barrier_id(%barrier3A)
    %scan3A_26 = arith.constant 0 : i32
    %scan3A_27 = arith.constant 0 : i32
    %scan3A_28 = arith.constant 125 : i32
    %scan3A_29 = arith.addi %scan3A_27, %scan3A_28 : i32
    %scan3A_30 = arith.constant 1 : i32
    %scan3A_31 = scf.for %scan3A_34 = %scan3A_27 to %scan3A_29 step %scan3A_30 iter_args(%scan3A_35 = %scan3A_26) -> (i32)  : i32 {
      %mul3A_36 = arith.constant 10000 : i32
      %mul3A_37 = arith.muli %add3A, %mul3A_36 : i32
      %mul3A_38 = arith.constant 80 : i32
      %mul3A_39 = arith.muli %scan3A_34, %mul3A_38 : i32
      %add3A_40 = arith.addi %mul3A_37, %mul3A_39 : i32
      "tpu.region"() ({
        %run_scoped3A = tpu.sem_alloc : memref<!tpu.dma_semaphore, #tpu.memory_space<semaphore_mem>>
        %dma_start3A_53 = tpu.memref_slice %arg3[%add3A_40] : memref<320000xi32, #tpu.memory_space<hbm>> -> memref<80xi32, #tpu.memory_space<hbm>>
        %dma_start3A_54 = tpu.memref_slice %arg3[%add3A_40] : memref<320000xi32, #tpu.memory_space<hbm>> -> memref<80xi32, #tpu.memory_space<hbm>>
        tpu.enqueue_dma source(%dma_start3A_54 : memref<80xi32, #tpu.memory_space<hbm>>) target(%arg8 : memref<80xi32, #tpu.memory_space<vmem>>) target_semaphore(%run_scoped3A : memref<!tpu.dma_semaphore, #tpu.memory_space<semaphore_mem>>)
        %dma_wait3A_55 = tpu.memref_slice %arg3[%add3A_40] : memref<320000xi32, #tpu.memory_space<hbm>> -> memref<80xi32, #tpu.memory_space<hbm>>
        %dma_wait3A_56 = tpu.memref_slice %arg3[%add3A_40] : memref<320000xi32, #tpu.memory_space<hbm>> -> memref<80xi32, #tpu.memory_space<hbm>>
        tpu.wait_dma2 semaphore(%run_scoped3A : memref<!tpu.dma_semaphore, #tpu.memory_space<semaphore_mem>>) src(%dma_wait3A_56 : memref<80xi32, #tpu.memory_space<hbm>>) dst(%arg8 : memref<80xi32, #tpu.memory_space<vmem>>)
        tpu.yield
      }) : () -> ()
      "tpu.region"() ({
        %run_scoped3A = tpu.sem_alloc : memref<!tpu.dma_semaphore, #tpu.memory_space<semaphore_mem>>
        %dma_start3A_53 = tpu.memref_slice %arg4[%add3A_40] : memref<320000xi32, #tpu.memory_space<hbm>> -> memref<80xi32, #tpu.memory_space<hbm>>
        %dma_start3A_54 = tpu.memref_slice %arg4[%add3A_40] : memref<320000xi32, #tpu.memory_space<hbm>> -> memref<80xi32, #tpu.memory_space<hbm>>
        tpu.enqueue_dma source(%dma_start3A_54 : memref<80xi32, #tpu.memory_space<hbm>>) target(%arg9 : memref<80xi32, #tpu.memory_space<vmem>>) target_semaphore(%run_scoped3A : memref<!tpu.dma_semaphore, #tpu.memory_space<semaphore_mem>>)
        %dma_wait3A_55 = tpu.memref_slice %arg4[%add3A_40] : memref<320000xi32, #tpu.memory_space<hbm>> -> memref<80xi32, #tpu.memory_space<hbm>>
        %dma_wait3A_56 = tpu.memref_slice %arg4[%add3A_40] : memref<320000xi32, #tpu.memory_space<hbm>> -> memref<80xi32, #tpu.memory_space<hbm>>
        tpu.wait_dma2 semaphore(%run_scoped3A : memref<!tpu.dma_semaphore, #tpu.memory_space<semaphore_mem>>) src(%dma_wait3A_56 : memref<80xi32, #tpu.memory_space<hbm>>) dst(%arg9 : memref<80xi32, #tpu.memory_space<vmem>>)
        tpu.yield
      }) : () -> ()
      "tpu.region"() ({
        %run_scoped3A = tpu.sem_alloc : memref<!tpu.dma_semaphore, #tpu.memory_space<semaphore_mem>>
        %dma_start3A_53 = tpu.memref_slice %arg5[%add3A_40] : memref<320000xf32, #tpu.memory_space<hbm>> -> memref<80xf32, #tpu.memory_space<hbm>>
        %dma_start3A_54 = tpu.memref_slice %arg5[%add3A_40] : memref<320000xf32, #tpu.memory_space<hbm>> -> memref<80xf32, #tpu.memory_space<hbm>>
        tpu.enqueue_dma source(%dma_start3A_54 : memref<80xf32, #tpu.memory_space<hbm>>) target(%arg10 : memref<80xf32, #tpu.memory_space<vmem>>) target_semaphore(%run_scoped3A : memref<!tpu.dma_semaphore, #tpu.memory_space<semaphore_mem>>)
        %dma_wait3A_55 = tpu.memref_slice %arg5[%add3A_40] : memref<320000xf32, #tpu.memory_space<hbm>> -> memref<80xf32, #tpu.memory_space<hbm>>
        %dma_wait3A_56 = tpu.memref_slice %arg5[%add3A_40] : memref<320000xf32, #tpu.memory_space<hbm>> -> memref<80xf32, #tpu.memory_space<hbm>>
        tpu.wait_dma2 semaphore(%run_scoped3A : memref<!tpu.dma_semaphore, #tpu.memory_space<semaphore_mem>>) src(%dma_wait3A_56 : memref<80xf32, #tpu.memory_space<hbm>>) dst(%arg10 : memref<80xf32, #tpu.memory_space<vmem>>)
        tpu.yield
      }) : () -> ()
      %dma_start3A = arith.constant 0 : i32
      %dma_start3A_41 = arith.constant 0 : i32
      %dma_start3A_42 = tpu.memref_slice %arg2[%dma_start3A, %dma_start3A_41] : memref<10000x128xf32, #tpu.memory_space<hbm>> -> memref<10000x128xf32, #tpu.memory_space<hbm>>
      tpu.enqueue_indirect_dma source(%dma_start3A_42 : memref<10000x128xf32, #tpu.memory_space<hbm>>) target(%arg11 : memref<80x128xf32, #tpu.memory_space<vmem>>) offsets(%arg9 : memref<80xi32, #tpu.memory_space<vmem>>) semaphore(%arg12 : memref<!tpu.dma_semaphore, #tpu.memory_space<semaphore_mem>>)
      %dma_wait3A = arith.constant 0 : i32
      %dma_wait3A_43 = arith.constant 0 : i32
      %dma_wait3A_44 = tpu.memref_slice %arg2[%dma_wait3A, %dma_wait3A_43] : memref<10000x128xf32, #tpu.memory_space<hbm>> -> memref<10000x128xf32, #tpu.memory_space<hbm>>
      tpu.wait_indirect_dma semaphore(%arg12 : memref<!tpu.dma_semaphore, #tpu.memory_space<semaphore_mem>>) src(%dma_wait3A_44 : memref<10000x128xf32, #tpu.memory_space<hbm>>) dst(%arg11 : memref<80x128xf32, #tpu.memory_space<vmem>>)
      %scan3A_45 = arith.constant 0 : i32
      %scan3A_46 = arith.constant 0 : i32
      %scan3A_47 = arith.constant 80 : i32
      %scan3A_48 = arith.addi %scan3A_46, %scan3A_47 : i32
      %scan3A_49 = arith.constant 1 : i32
      %scan3A_50 = scf.for %scan3A_53 = %scan3A_46 to %scan3A_48 step %scan3A_49 iter_args(%scan3A_54 = %scan3A_45) -> (i32)  : i32 {
        %broadcast_in_dim3A_55 = arith.constant 0 : i32
        %broadcast_in_dim3A_56 = vector.broadcast %broadcast_in_dim3A_55 : i32 to vector<16xi32>
        %add3A_57 = vector.broadcast %scan3A_53 : i32 to vector<16xi32>
        %add3A_58 = arith.addi %broadcast_in_dim3A_56, %add3A_57 : vector<16xi32>
        %gather3A = tpu.vector_load_idx %arg10[%add3A_58] : memref<80xf32, #tpu.memory_space<vmem>>[vector<16xi32>], vector<16xf32>,
        %get3A = arith.index_cast %scan3A_53 : i32 to index
        %get3A_59 = arith.constant 0 : index
        %get3A_60 = tpu.vector_load %arg11[%get3A, %get3A_59] {strides = array<i32>} : memref<80x128xf32, #tpu.memory_space<vmem>>, vector<16xf32>,
        %mul3A_61 = arith.mulf %get3A_60, %gather3A : vector<16xf32>
        %swap3A = arith.index_cast %scan3A_53 : i32 to index
        %swap3A_62 = arith.constant 0 : index
        %swap3A_63 = tpu.vector_load %arg11[%swap3A, %swap3A_62] {strides = array<i32>} : memref<80x128xf32, #tpu.memory_space<vmem>>, vector<16xf32>,
        tpu.vector_store %arg11[%swap3A, %swap3A_62], %mul3A_61 {strides = array<i32>} : memref<80x128xf32, #tpu.memory_space<vmem>>, vector<16xf32>,
        %get3A_64 = arith.index_cast %scan3A_53 : i32 to index
        %get3A_65 = arith.constant 16 : index
        %get3A_66 = tpu.vector_load %arg11[%get3A_64, %get3A_65] {strides = array<i32>} : memref<80x128xf32, #tpu.memory_space<vmem>>, vector<16xf32>,
        %mul3A_67 = arith.mulf %get3A_66, %gather3A : vector<16xf32>
        %swap3A_68 = arith.index_cast %scan3A_53 : i32 to index
        %swap3A_69 = arith.constant 16 : index
        %swap3A_70 = tpu.vector_load %arg11[%swap3A_68, %swap3A_69] {strides = array<i32>} : memref<80x128xf32, #tpu.memory_space<vmem>>, vector<16xf32>,
        tpu.vector_store %arg11[%swap3A_68, %swap3A_69], %mul3A_67 {strides = array<i32>} : memref<80x128xf32, #tpu.memory_space<vmem>>, vector<16xf32>,
        %get3A_71 = arith.index_cast %scan3A_53 : i32 to index
        %get3A_72 = arith.constant 32 : index
        %get3A_73 = tpu.vector_load %arg11[%get3A_71, %get3A_72] {strides = array<i32>} : memref<80x128xf32, #tpu.memory_space<vmem>>, vector<16xf32>,
        %mul3A_74 = arith.mulf %get3A_73, %gather3A : vector<16xf32>
        %swap3A_75 = arith.index_cast %scan3A_53 : i32 to index
        %swap3A_76 = arith.constant 32 : index
        %swap3A_77 = tpu.vector_load %arg11[%swap3A_75, %swap3A_76] {strides = array<i32>} : memref<80x128xf32, #tpu.memory_space<vmem>>, vector<16xf32>,
        tpu.vector_store %arg11[%swap3A_75, %swap3A_76], %mul3A_74 {strides = array<i32>} : memref<80x128xf32, #tpu.memory_space<vmem>>, vector<16xf32>,
        %get3A_78 = arith.index_cast %scan3A_53 : i32 to index
        %get3A_79 = arith.constant 48 : index
        %get3A_80 = tpu.vector_load %arg11[%get3A_78, %get3A_79] {strides = array<i32>} : memref<80x128xf32, #tpu.memory_space<vmem>>, vector<16xf32>,
        %mul3A_81 = arith.mulf %get3A_80, %gather3A : vector<16xf32>
        %swap3A_82 = arith.index_cast %scan3A_53 : i32 to index
        %swap3A_83 = arith.constant 48 : index
        %swap3A_84 = tpu.vector_load %arg11[%swap3A_82, %swap3A_83] {strides = array<i32>} : memref<80x128xf32, #tpu.memory_space<vmem>>, vector<16xf32>,
        tpu.vector_store %arg11[%swap3A_82, %swap3A_83], %mul3A_81 {strides = array<i32>} : memref<80x128xf32, #tpu.memory_space<vmem>>, vector<16xf32>,
        %get3A_85 = arith.index_cast %scan3A_53 : i32 to index
        %get3A_86 = arith.constant 64 : index
        %get3A_87 = tpu.vector_load %arg11[%get3A_85, %get3A_86] {strides = array<i32>} : memref<80x128xf32, #tpu.memory_space<vmem>>, vector<16xf32>,
        %mul3A_88 = arith.mulf %get3A_87, %gather3A : vector<16xf32>
        %swap3A_89 = arith.index_cast %scan3A_53 : i32 to index
        %swap3A_90 = arith.constant 64 : index
        %swap3A_91 = tpu.vector_load %arg11[%swap3A_89, %swap3A_90] {strides = array<i32>} : memref<80x128xf32, #tpu.memory_space<vmem>>, vector<16xf32>,
        tpu.vector_store %arg11[%swap3A_89, %swap3A_90], %mul3A_88 {strides = array<i32>} : memref<80x128xf32, #tpu.memory_space<vmem>>, vector<16xf32>,
        %get3A_92 = arith.index_cast %scan3A_53 : i32 to index
        %get3A_93 = arith.constant 80 : index
        %get3A_94 = tpu.vector_load %arg11[%get3A_92, %get3A_93] {strides = array<i32>} : memref<80x128xf32, #tpu.memory_space<vmem>>, vector<16xf32>,
        %mul3A_95 = arith.mulf %get3A_94, %gather3A : vector<16xf32>
        %swap3A_96 = arith.index_cast %scan3A_53 : i32 to index
        %swap3A_97 = arith.constant 80 : index
        %swap3A_98 = tpu.vector_load %arg11[%swap3A_96, %swap3A_97] {strides = array<i32>} : memref<80x128xf32, #tpu.memory_space<vmem>>, vector<16xf32>,
        tpu.vector_store %arg11[%swap3A_96, %swap3A_97], %mul3A_95 {strides = array<i32>} : memref<80x128xf32, #tpu.memory_space<vmem>>, vector<16xf32>,
        %get3A_99 = arith.index_cast %scan3A_53 : i32 to index
        %get3A_100 = arith.constant 96 : index
        %get3A_101 = tpu.vector_load %arg11[%get3A_99, %get3A_100] {strides = array<i32>} : memref<80x128xf32, #tpu.memory_space<vmem>>, vector<16xf32>,
        %mul3A_102 = arith.mulf %get3A_101, %gather3A : vector<16xf32>
        %swap3A_103 = arith.index_cast %scan3A_53 : i32 to index
        %swap3A_104 = arith.constant 96 : index
        %swap3A_105 = tpu.vector_load %arg11[%swap3A_103, %swap3A_104] {strides = array<i32>} : memref<80x128xf32, #tpu.memory_space<vmem>>, vector<16xf32>,
        tpu.vector_store %arg11[%swap3A_103, %swap3A_104], %mul3A_102 {strides = array<i32>} : memref<80x128xf32, #tpu.memory_space<vmem>>, vector<16xf32>,
        %get3A_106 = arith.index_cast %scan3A_53 : i32 to index
        %get3A_107 = arith.constant 112 : index
        %get3A_108 = tpu.vector_load %arg11[%get3A_106, %get3A_107] {strides = array<i32>} : memref<80x128xf32, #tpu.memory_space<vmem>>, vector<16xf32>,
        %mul3A_109 = arith.mulf %get3A_108, %gather3A : vector<16xf32>
        %swap3A_110 = arith.index_cast %scan3A_53 : i32 to index
        %swap3A_111 = arith.constant 112 : index
        %swap3A_112 = tpu.vector_load %arg11[%swap3A_110, %swap3A_111] {strides = array<i32>} : memref<80x128xf32, #tpu.memory_space<vmem>>, vector<16xf32>,
        tpu.vector_store %arg11[%swap3A_110, %swap3A_111], %mul3A_109 {strides = array<i32>} : memref<80x128xf32, #tpu.memory_space<vmem>>, vector<16xf32>,
        %scan3A_113 = arith.constant 0 : i32
        scf.yield %scan3A_113 : i32
      }
      %scan3A_51 = arith.constant 80 : i32
      "tpu.region"() ({
        %run_scoped3A = tpu.sem_alloc : memref<!tpu.dma_semaphore, #tpu.memory_space<semaphore_mem>>
        %dma_start3A_53 = arith.constant 0 : i32
        %dma_start3A_54 = arith.constant 0 : i32
        %dma_start3A_55 = tpu.memref_slice %arg7[%dma_start3A_53, %dma_start3A_54] : memref<10112x128xf32, #tpu.memory_space<vmem_shared>> -> memref<10112x128xf32, #tpu.memory_space<vmem_shared>>
        tpu.enqueue_indirect_dma source(%arg11 : memref<80x128xf32, #tpu.memory_space<vmem>>) target(%dma_start3A_55 : memref<10112x128xf32, #tpu.memory_space<vmem_shared>>) offsets(%arg8 : memref<80xi32, #tpu.memory_space<vmem>>) semaphore(%run_scoped3A : memref<!tpu.dma_semaphore, #tpu.memory_space<semaphore_mem>>) {add = true}
        %dma_wait3A_56 = arith.constant 0 : i32
        %dma_wait3A_57 = arith.constant 0 : i32
        %dma_wait3A_58 = tpu.memref_slice %arg7[%dma_wait3A_56, %dma_wait3A_57] : memref<10112x128xf32, #tpu.memory_space<vmem_shared>> -> memref<10112x128xf32, #tpu.memory_space<vmem_shared>>
        tpu.wait_indirect_dma semaphore(%run_scoped3A : memref<!tpu.dma_semaphore, #tpu.memory_space<semaphore_mem>>) src(%arg11 : memref<80x128xf32, #tpu.memory_space<vmem>>) dst(%dma_wait3A_58 : memref<10112x128xf32, #tpu.memory_space<vmem_shared>>)
        tpu.yield
      }) : () -> ()
      %scan3A_52 = arith.constant 0 : i32
      scf.yield %scan3A_52 : i32
    }
    %scan3A_32 = arith.constant 125 : i32
    %barrier3A_33 = arith.constant 0 : index
    tpu.barrier barrier_id(%barrier3A_33)
    "tpu.region"() ({
      %run_scoped3A = tpu.sem_alloc : memref<!tpu.dma_semaphore, #tpu.memory_space<semaphore_mem>>
      %dma_start3A = arith.constant 0 : i32
      %dma_start3A_34 = tpu.memref_slice %arg6[%arg0, %mul3A_9, %dma_start3A] : memref<2x10112x128xf32, #tpu.memory_space<hbm>> -> memref<1x632x128xf32, #tpu.memory_space<hbm>>
      %dma_start3A_35 = tpu.memref_squeeze %dma_start3A_34 : memref<1x632x128xf32, #tpu.memory_space<hbm>> -> memref<632x128xf32, #tpu.memory_space<hbm>>
      %dma_start3A_36 = arith.constant 0 : i32
      %dma_start3A_37 = tpu.memref_slice %arg7[%mul3A_9, %dma_start3A_36] : memref<10112x128xf32, #tpu.memory_space<vmem_shared>> -> memref<632x128xf32, #tpu.memory_space<vmem_shared>>
      tpu.enqueue_dma source(%dma_start3A_37 : memref<632x128xf32, #tpu.memory_space<vmem_shared>>) target(%dma_start3A_35 : memref<632x128xf32, #tpu.memory_space<hbm>>) target_semaphore(%run_scoped3A : memref<!tpu.dma_semaphore, #tpu.memory_space<semaphore_mem>>)
      %dma_wait3A = arith.constant 0 : i32
      %dma_wait3A_38 = tpu.memref_slice %arg6[%arg0, %mul3A_9, %dma_wait3A] : memref<2x10112x128xf32, #tpu.memory_space<hbm>> -> memref<1x632x128xf32, #tpu.memory_space<hbm>>
      %dma_wait3A_39 = tpu.memref_squeeze %dma_wait3A_38 : memref<1x632x128xf32, #tpu.memory_space<hbm>> -> memref<632x128xf32, #tpu.memory_space<hbm>>
      %dma_wait3A_40 = arith.constant 0 : i32
      %dma_wait3A_41 = tpu.memref_slice %arg7[%mul3A_9, %dma_wait3A_40] : memref<10112x128xf32, #tpu.memory_space<vmem_shared>> -> memref<632x128xf32, #tpu.memory_space<vmem_shared>>
      tpu.wait_dma2 semaphore(%run_scoped3A : memref<!tpu.dma_semaphore, #tpu.memory_space<semaphore_mem>>) src(%dma_wait3A_41 : memref<632x128xf32, #tpu.memory_space<vmem_shared>>) dst(%dma_wait3A_39 : memref<632x128xf32, #tpu.memory_space<hbm>>)
      tpu.yield
    }) : () -> ()
    return
  }
}

#map = affine_map<(d0, d1) -> (0, 0)>
#map1 = affine_map<(d0, d1) -> (0)>
#map2 = affine_map<(d0, d1) -> (0, 0, 0)>
module attributes {stable_mosaic.version = 14 : i64} {
  func.func @_attn1_body(%arg0: i32, %arg1: i32, %arg2: memref<10000x128xf32, #tpu.memory_space<hbm>>, %arg3: memref<10000x128xf32, #tpu.memory_space<hbm>>, %arg4: memref<320000xi32, #tpu.memory_space<hbm>>, %arg5: memref<320000xi32, #tpu.memory_space<hbm>>, %arg6: memref<320000xf32, #tpu.memory_space<hbm>>, %arg7: memref<2x10112x128xf32, #tpu.memory_space<hbm>>, %arg8: memref<10112x128xf32, #tpu.memory_space<vmem_shared>>, %arg9: memref<80xi32, #tpu.memory_space<vmem>>, %arg10: memref<80xi32, #tpu.memory_space<vmem>>, %arg11: memref<80x128xf32, #tpu.memory_space<vmem>>, %arg12: memref<80x128xf32, #tpu.memory_space<vmem>>, %arg13: memref<1280xf32, #tpu.memory_space<vmem>>, %arg14: memref<80xf32, #tpu.memory_space<vmem>>, %arg15: memref<80x128xf32, #tpu.memory_space<vmem>>, %arg16: memref<!tpu.dma_semaphore, #tpu.memory_space<semaphore_mem>>) attributes {dimension_semantics = [#tpu.dimension_semantics<core_parallel>, #tpu.dimension_semantics<subcore_parallel>], iteration_bounds = array<i64: 2, 16>, scalar_prefetch = 0 : i64, scratch_operands = 9 : i64, tpu.core_type = #tpu.core_type<sc_vector_subcore>, window_params = [{transform_indices = #map}, {transform_indices = #map}, {transform_indices = #map1}, {transform_indices = #map1}, {transform_indices = #map1}, {transform_indices = #map2}]} {
    %mul3A = arith.constant 2 : i32
    %mul3A_0 = arith.muli %arg1, %mul3A : i32
    %add3A = arith.addi %mul3A_0, %arg0 : i32
    %iota3A = tpu.iota {dimensions = array<i32: 0>} : vector<16xi32>
    %eq3A = arith.constant 0 : i32
    %eq3A_1 = vector.broadcast %eq3A : i32 to vector<16xi32>
    %eq3A_2 = arith.cmpi eq, %iota3A, %eq3A_1 : vector<16xi32>
    %jit3A = arith.constant 1.000000e+00 : f32
    %jit3A_3 = arith.constant 0.000000e+00 : f32
    %broadcast_in_dim3A = vector.broadcast %jit3A : f32 to vector<16xf32>
    %broadcast_in_dim3A_4 = vector.broadcast %jit3A_3 : f32 to vector<16xf32>
    %select_n3A = arith.select %eq3A_2, %broadcast_in_dim3A, %broadcast_in_dim3A_4 : vector<16xi1>, vector<16xf32>
    %broadcast_in_dim3A_5 = arith.constant 0.000000e+00 : f32
    %broadcast_in_dim3A_6 = vector.broadcast %broadcast_in_dim3A_5 : f32 to vector<16xf32>
    %scan3A = arith.constant 0 : i32
    %scan3A_7 = arith.constant 0 : i32
    %scan3A_8 = arith.constant 80 : i32
    %scan3A_9 = arith.addi %scan3A_7, %scan3A_8 : i32
    %scan3A_10 = arith.constant 1 : i32
    %scan3A_11 = scf.for %scan3A_39 = %scan3A_7 to %scan3A_9 step %scan3A_10 iter_args(%scan3A_40 = %scan3A) -> (i32)  : i32 {
      %swap3A = arith.index_cast %scan3A_39 : i32 to index
      %swap3A_41 = arith.constant 0 : index
      %swap3A_42 = tpu.vector_load %arg15[%swap3A, %swap3A_41] {strides = array<i32>} : memref<80x128xf32, #tpu.memory_space<vmem>>, vector<16xf32>,
      tpu.vector_store %arg15[%swap3A, %swap3A_41], %broadcast_in_dim3A_6 {strides = array<i32>} : memref<80x128xf32, #tpu.memory_space<vmem>>, vector<16xf32>,
      %swap3A_43 = arith.index_cast %scan3A_39 : i32 to index
      %swap3A_44 = arith.constant 16 : index
      %swap3A_45 = tpu.vector_load %arg15[%swap3A_43, %swap3A_44] {strides = array<i32>} : memref<80x128xf32, #tpu.memory_space<vmem>>, vector<16xf32>,
      tpu.vector_store %arg15[%swap3A_43, %swap3A_44], %broadcast_in_dim3A_6 {strides = array<i32>} : memref<80x128xf32, #tpu.memory_space<vmem>>, vector<16xf32>,
      %swap3A_46 = arith.index_cast %scan3A_39 : i32 to index
      %swap3A_47 = arith.constant 32 : index
      %swap3A_48 = tpu.vector_load %arg15[%swap3A_46, %swap3A_47] {strides = array<i32>} : memref<80x128xf32, #tpu.memory_space<vmem>>, vector<16xf32>,
      tpu.vector_store %arg15[%swap3A_46, %swap3A_47], %broadcast_in_dim3A_6 {strides = array<i32>} : memref<80x128xf32, #tpu.memory_space<vmem>>, vector<16xf32>,
      %swap3A_49 = arith.index_cast %scan3A_39 : i32 to index
      %swap3A_50 = arith.constant 48 : index
      %swap3A_51 = tpu.vector_load %arg15[%swap3A_49, %swap3A_50] {strides = array<i32>} : memref<80x128xf32, #tpu.memory_space<vmem>>, vector<16xf32>,
      tpu.vector_store %arg15[%swap3A_49, %swap3A_50], %broadcast_in_dim3A_6 {strides = array<i32>} : memref<80x128xf32, #tpu.memory_space<vmem>>, vector<16xf32>,
      %swap3A_52 = arith.index_cast %scan3A_39 : i32 to index
      %swap3A_53 = arith.constant 64 : index
      %swap3A_54 = tpu.vector_load %arg15[%swap3A_52, %swap3A_53] {strides = array<i32>} : memref<80x128xf32, #tpu.memory_space<vmem>>, vector<16xf32>,
      tpu.vector_store %arg15[%swap3A_52, %swap3A_53], %broadcast_in_dim3A_6 {strides = array<i32>} : memref<80x128xf32, #tpu.memory_space<vmem>>, vector<16xf32>,
      %swap3A_55 = arith.index_cast %scan3A_39 : i32 to index
      %swap3A_56 = arith.constant 80 : index
      %swap3A_57 = tpu.vector_load %arg15[%swap3A_55, %swap3A_56] {strides = array<i32>} : memref<80x128xf32, #tpu.memory_space<vmem>>, vector<16xf32>,
      tpu.vector_store %arg15[%swap3A_55, %swap3A_56], %broadcast_in_dim3A_6 {strides = array<i32>} : memref<80x128xf32, #tpu.memory_space<vmem>>, vector<16xf32>,
      %swap3A_58 = arith.index_cast %scan3A_39 : i32 to index
      %swap3A_59 = arith.constant 96 : index
      %swap3A_60 = tpu.vector_load %arg15[%swap3A_58, %swap3A_59] {strides = array<i32>} : memref<80x128xf32, #tpu.memory_space<vmem>>, vector<16xf32>,
      tpu.vector_store %arg15[%swap3A_58, %swap3A_59], %broadcast_in_dim3A_6 {strides = array<i32>} : memref<80x128xf32, #tpu.memory_space<vmem>>, vector<16xf32>,
      %swap3A_61 = arith.index_cast %scan3A_39 : i32 to index
      %swap3A_62 = arith.constant 112 : index
      %swap3A_63 = tpu.vector_load %arg15[%swap3A_61, %swap3A_62] {strides = array<i32>} : memref<80x128xf32, #tpu.memory_space<vmem>>, vector<16xf32>,
      tpu.vector_store %arg15[%swap3A_61, %swap3A_62], %broadcast_in_dim3A_6 {strides = array<i32>} : memref<80x128xf32, #tpu.memory_space<vmem>>, vector<16xf32>,
      %scan3A_64 = arith.constant 0 : i32
      scf.yield %scan3A_64 : i32
    }
    %scan3A_12 = arith.constant 80 : i32
    %mul3A_13 = arith.constant 632 : i32
    %mul3A_14 = arith.muli %arg1, %mul3A_13 : i32
    %add3A_15 = arith.constant 0 : i32
    %add3A_16 = arith.addi %mul3A_14, %add3A_15 : i32
    "tpu.region"() ({
      %run_scoped3A = tpu.sem_alloc : memref<!tpu.dma_semaphore, #tpu.memory_space<semaphore_mem>>
      %dma_start3A = arith.constant 0 : i32
      %dma_start3A_39 = arith.constant 0 : i32
      %dma_start3A_40 = tpu.memref_slice %arg15[%dma_start3A, %dma_start3A_39] : memref<80x128xf32, #tpu.memory_space<vmem>> -> memref<80x128xf32, #tpu.memory_space<vmem>>
      %dma_start3A_41 = arith.constant 0 : i32
      %dma_start3A_42 = tpu.memref_slice %arg8[%add3A_16, %dma_start3A_41] : memref<10112x128xf32, #tpu.memory_space<vmem_shared>> -> memref<80x128xf32, #tpu.memory_space<vmem_shared>>
      %dma_start3A_43 = arith.constant 0 : i32
      %dma_start3A_44 = tpu.memref_slice %arg8[%add3A_16, %dma_start3A_43] : memref<10112x128xf32, #tpu.memory_space<vmem_shared>> -> memref<80x128xf32, #tpu.memory_space<vmem_shared>>
      %dma_start3A_45 = arith.constant 0 : i32
      %dma_start3A_46 = arith.constant 0 : i32
      %dma_start3A_47 = tpu.memref_slice %arg15[%dma_start3A_45, %dma_start3A_46] : memref<80x128xf32, #tpu.memory_space<vmem>> -> memref<80x128xf32, #tpu.memory_space<vmem>>
      tpu.enqueue_dma source(%dma_start3A_47 : memref<80x128xf32, #tpu.memory_space<vmem>>) target(%dma_start3A_44 : memref<80x128xf32, #tpu.memory_space<vmem_shared>>) target_semaphore(%run_scoped3A : memref<!tpu.dma_semaphore, #tpu.memory_space<semaphore_mem>>)
      %dma_wait3A = arith.constant 0 : i32
      %dma_wait3A_48 = arith.constant 0 : i32
      %dma_wait3A_49 = tpu.memref_slice %arg15[%dma_wait3A, %dma_wait3A_48] : memref<80x128xf32, #tpu.memory_space<vmem>> -> memref<80x128xf32, #tpu.memory_space<vmem>>
      %dma_wait3A_50 = arith.constant 0 : i32
      %dma_wait3A_51 = tpu.memref_slice %arg8[%add3A_16, %dma_wait3A_50] : memref<10112x128xf32, #tpu.memory_space<vmem_shared>> -> memref<80x128xf32, #tpu.memory_space<vmem_shared>>
      %dma_wait3A_52 = arith.constant 0 : i32
      %dma_wait3A_53 = tpu.memref_slice %arg8[%add3A_16, %dma_wait3A_52] : memref<10112x128xf32, #tpu.memory_space<vmem_shared>> -> memref<80x128xf32, #tpu.memory_space<vmem_shared>>
      %dma_wait3A_54 = arith.constant 0 : i32
      %dma_wait3A_55 = arith.constant 0 : i32
      %dma_wait3A_56 = tpu.memref_slice %arg15[%dma_wait3A_54, %dma_wait3A_55] : memref<80x128xf32, #tpu.memory_space<vmem>> -> memref<80x128xf32, #tpu.memory_space<vmem>>
      tpu.wait_dma2 semaphore(%run_scoped3A : memref<!tpu.dma_semaphore, #tpu.memory_space<semaphore_mem>>) src(%dma_wait3A_56 : memref<80x128xf32, #tpu.memory_space<vmem>>) dst(%dma_wait3A_53 : memref<80x128xf32, #tpu.memory_space<vmem_shared>>)
      tpu.yield
    }) : () -> ()
    %add3A_17 = arith.constant 80 : i32
    %add3A_18 = arith.addi %mul3A_14, %add3A_17 : i32
    "tpu.region"() ({
      %run_scoped3A = tpu.sem_alloc : memref<!tpu.dma_semaphore, #tpu.memory_space<semaphore_mem>>
      %dma_start3A = arith.constant 0 : i32
      %dma_start3A_39 = arith.constant 0 : i32
      %dma_start3A_40 = tpu.memref_slice %arg15[%dma_start3A, %dma_start3A_39] : memref<80x128xf32, #tpu.memory_space<vmem>> -> memref<80x128xf32, #tpu.memory_space<vmem>>
      %dma_start3A_41 = arith.constant 0 : i32
      %dma_start3A_42 = tpu.memref_slice %arg8[%add3A_18, %dma_start3A_41] : memref<10112x128xf32, #tpu.memory_space<vmem_shared>> -> memref<80x128xf32, #tpu.memory_space<vmem_shared>>
      %dma_start3A_43 = arith.constant 0 : i32
      %dma_start3A_44 = tpu.memref_slice %arg8[%add3A_18, %dma_start3A_43] : memref<10112x128xf32, #tpu.memory_space<vmem_shared>> -> memref<80x128xf32, #tpu.memory_space<vmem_shared>>
      %dma_start3A_45 = arith.constant 0 : i32
      %dma_start3A_46 = arith.constant 0 : i32
      %dma_start3A_47 = tpu.memref_slice %arg15[%dma_start3A_45, %dma_start3A_46] : memref<80x128xf32, #tpu.memory_space<vmem>> -> memref<80x128xf32, #tpu.memory_space<vmem>>
      tpu.enqueue_dma source(%dma_start3A_47 : memref<80x128xf32, #tpu.memory_space<vmem>>) target(%dma_start3A_44 : memref<80x128xf32, #tpu.memory_space<vmem_shared>>) target_semaphore(%run_scoped3A : memref<!tpu.dma_semaphore, #tpu.memory_space<semaphore_mem>>)
      %dma_wait3A = arith.constant 0 : i32
      %dma_wait3A_48 = arith.constant 0 : i32
      %dma_wait3A_49 = tpu.memref_slice %arg15[%dma_wait3A, %dma_wait3A_48] : memref<80x128xf32, #tpu.memory_space<vmem>> -> memref<80x128xf32, #tpu.memory_space<vmem>>
      %dma_wait3A_50 = arith.constant 0 : i32
      %dma_wait3A_51 = tpu.memref_slice %arg8[%add3A_18, %dma_wait3A_50] : memref<10112x128xf32, #tpu.memory_space<vmem_shared>> -> memref<80x128xf32, #tpu.memory_space<vmem_shared>>
      %dma_wait3A_52 = arith.constant 0 : i32
      %dma_wait3A_53 = tpu.memref_slice %arg8[%add3A_18, %dma_wait3A_52] : memref<10112x128xf32, #tpu.memory_space<vmem_shared>> -> memref<80x128xf32, #tpu.memory_space<vmem_shared>>
      %dma_wait3A_54 = arith.constant 0 : i32
      %dma_wait3A_55 = arith.constant 0 : i32
      %dma_wait3A_56 = tpu.memref_slice %arg15[%dma_wait3A_54, %dma_wait3A_55] : memref<80x128xf32, #tpu.memory_space<vmem>> -> memref<80x128xf32, #tpu.memory_space<vmem>>
      tpu.wait_dma2 semaphore(%run_scoped3A : memref<!tpu.dma_semaphore, #tpu.memory_space<semaphore_mem>>) src(%dma_wait3A_56 : memref<80x128xf32, #tpu.memory_space<vmem>>) dst(%dma_wait3A_53 : memref<80x128xf32, #tpu.memory_space<vmem_shared>>)
      tpu.yield
    }) : () -> ()
    %add3A_19 = arith.constant 160 : i32
    %add3A_20 = arith.addi %mul3A_14, %add3A_19 : i32
    "tpu.region"() ({
      %run_scoped3A = tpu.sem_alloc : memref<!tpu.dma_semaphore, #tpu.memory_space<semaphore_mem>>
      %dma_start3A = arith.constant 0 : i32
      %dma_start3A_39 = arith.constant 0 : i32
      %dma_start3A_40 = tpu.memref_slice %arg15[%dma_start3A, %dma_start3A_39] : memref<80x128xf32, #tpu.memory_space<vmem>> -> memref<80x128xf32, #tpu.memory_space<vmem>>
      %dma_start3A_41 = arith.constant 0 : i32
      %dma_start3A_42 = tpu.memref_slice %arg8[%add3A_20, %dma_start3A_41] : memref<10112x128xf32, #tpu.memory_space<vmem_shared>> -> memref<80x128xf32, #tpu.memory_space<vmem_shared>>
      %dma_start3A_43 = arith.constant 0 : i32
      %dma_start3A_44 = tpu.memref_slice %arg8[%add3A_20, %dma_start3A_43] : memref<10112x128xf32, #tpu.memory_space<vmem_shared>> -> memref<80x128xf32, #tpu.memory_space<vmem_shared>>
      %dma_start3A_45 = arith.constant 0 : i32
      %dma_start3A_46 = arith.constant 0 : i32
      %dma_start3A_47 = tpu.memref_slice %arg15[%dma_start3A_45, %dma_start3A_46] : memref<80x128xf32, #tpu.memory_space<vmem>> -> memref<80x128xf32, #tpu.memory_space<vmem>>
      tpu.enqueue_dma source(%dma_start3A_47 : memref<80x128xf32, #tpu.memory_space<vmem>>) target(%dma_start3A_44 : memref<80x128xf32, #tpu.memory_space<vmem_shared>>) target_semaphore(%run_scoped3A : memref<!tpu.dma_semaphore, #tpu.memory_space<semaphore_mem>>)
      %dma_wait3A = arith.constant 0 : i32
      %dma_wait3A_48 = arith.constant 0 : i32
      %dma_wait3A_49 = tpu.memref_slice %arg15[%dma_wait3A, %dma_wait3A_48] : memref<80x128xf32, #tpu.memory_space<vmem>> -> memref<80x128xf32, #tpu.memory_space<vmem>>
      %dma_wait3A_50 = arith.constant 0 : i32
      %dma_wait3A_51 = tpu.memref_slice %arg8[%add3A_20, %dma_wait3A_50] : memref<10112x128xf32, #tpu.memory_space<vmem_shared>> -> memref<80x128xf32, #tpu.memory_space<vmem_shared>>
      %dma_wait3A_52 = arith.constant 0 : i32
      %dma_wait3A_53 = tpu.memref_slice %arg8[%add3A_20, %dma_wait3A_52] : memref<10112x128xf32, #tpu.memory_space<vmem_shared>> -> memref<80x128xf32, #tpu.memory_space<vmem_shared>>
      %dma_wait3A_54 = arith.constant 0 : i32
      %dma_wait3A_55 = arith.constant 0 : i32
      %dma_wait3A_56 = tpu.memref_slice %arg15[%dma_wait3A_54, %dma_wait3A_55] : memref<80x128xf32, #tpu.memory_space<vmem>> -> memref<80x128xf32, #tpu.memory_space<vmem>>
      tpu.wait_dma2 semaphore(%run_scoped3A : memref<!tpu.dma_semaphore, #tpu.memory_space<semaphore_mem>>) src(%dma_wait3A_56 : memref<80x128xf32, #tpu.memory_space<vmem>>) dst(%dma_wait3A_53 : memref<80x128xf32, #tpu.memory_space<vmem_shared>>)
      tpu.yield
    }) : () -> ()
    %add3A_21 = arith.constant 240 : i32
    %add3A_22 = arith.addi %mul3A_14, %add3A_21 : i32
    "tpu.region"() ({
      %run_scoped3A = tpu.sem_alloc : memref<!tpu.dma_semaphore, #tpu.memory_space<semaphore_mem>>
      %dma_start3A = arith.constant 0 : i32
      %dma_start3A_39 = arith.constant 0 : i32
      %dma_start3A_40 = tpu.memref_slice %arg15[%dma_start3A, %dma_start3A_39] : memref<80x128xf32, #tpu.memory_space<vmem>> -> memref<80x128xf32, #tpu.memory_space<vmem>>
      %dma_start3A_41 = arith.constant 0 : i32
      %dma_start3A_42 = tpu.memref_slice %arg8[%add3A_22, %dma_start3A_41] : memref<10112x128xf32, #tpu.memory_space<vmem_shared>> -> memref<80x128xf32, #tpu.memory_space<vmem_shared>>
      %dma_start3A_43 = arith.constant 0 : i32
      %dma_start3A_44 = tpu.memref_slice %arg8[%add3A_22, %dma_start3A_43] : memref<10112x128xf32, #tpu.memory_space<vmem_shared>> -> memref<80x128xf32, #tpu.memory_space<vmem_shared>>
      %dma_start3A_45 = arith.constant 0 : i32
      %dma_start3A_46 = arith.constant 0 : i32
      %dma_start3A_47 = tpu.memref_slice %arg15[%dma_start3A_45, %dma_start3A_46] : memref<80x128xf32, #tpu.memory_space<vmem>> -> memref<80x128xf32, #tpu.memory_space<vmem>>
      tpu.enqueue_dma source(%dma_start3A_47 : memref<80x128xf32, #tpu.memory_space<vmem>>) target(%dma_start3A_44 : memref<80x128xf32, #tpu.memory_space<vmem_shared>>) target_semaphore(%run_scoped3A : memref<!tpu.dma_semaphore, #tpu.memory_space<semaphore_mem>>)
      %dma_wait3A = arith.constant 0 : i32
      %dma_wait3A_48 = arith.constant 0 : i32
      %dma_wait3A_49 = tpu.memref_slice %arg15[%dma_wait3A, %dma_wait3A_48] : memref<80x128xf32, #tpu.memory_space<vmem>> -> memref<80x128xf32, #tpu.memory_space<vmem>>
      %dma_wait3A_50 = arith.constant 0 : i32
      %dma_wait3A_51 = tpu.memref_slice %arg8[%add3A_22, %dma_wait3A_50] : memref<10112x128xf32, #tpu.memory_space<vmem_shared>> -> memref<80x128xf32, #tpu.memory_space<vmem_shared>>
      %dma_wait3A_52 = arith.constant 0 : i32
      %dma_wait3A_53 = tpu.memref_slice %arg8[%add3A_22, %dma_wait3A_52] : memref<10112x128xf32, #tpu.memory_space<vmem_shared>> -> memref<80x128xf32, #tpu.memory_space<vmem_shared>>
      %dma_wait3A_54 = arith.constant 0 : i32
      %dma_wait3A_55 = arith.constant 0 : i32
      %dma_wait3A_56 = tpu.memref_slice %arg15[%dma_wait3A_54, %dma_wait3A_55] : memref<80x128xf32, #tpu.memory_space<vmem>> -> memref<80x128xf32, #tpu.memory_space<vmem>>
      tpu.wait_dma2 semaphore(%run_scoped3A : memref<!tpu.dma_semaphore, #tpu.memory_space<semaphore_mem>>) src(%dma_wait3A_56 : memref<80x128xf32, #tpu.memory_space<vmem>>) dst(%dma_wait3A_53 : memref<80x128xf32, #tpu.memory_space<vmem_shared>>)
      tpu.yield
    }) : () -> ()
    %add3A_23 = arith.constant 320 : i32
    %add3A_24 = arith.addi %mul3A_14, %add3A_23 : i32
    "tpu.region"() ({
      %run_scoped3A = tpu.sem_alloc : memref<!tpu.dma_semaphore, #tpu.memory_space<semaphore_mem>>
      %dma_start3A = arith.constant 0 : i32
      %dma_start3A_39 = arith.constant 0 : i32
      %dma_start3A_40 = tpu.memref_slice %arg15[%dma_start3A, %dma_start3A_39] : memref<80x128xf32, #tpu.memory_space<vmem>> -> memref<80x128xf32, #tpu.memory_space<vmem>>
      %dma_start3A_41 = arith.constant 0 : i32
      %dma_start3A_42 = tpu.memref_slice %arg8[%add3A_24, %dma_start3A_41] : memref<10112x128xf32, #tpu.memory_space<vmem_shared>> -> memref<80x128xf32, #tpu.memory_space<vmem_shared>>
      %dma_start3A_43 = arith.constant 0 : i32
      %dma_start3A_44 = tpu.memref_slice %arg8[%add3A_24, %dma_start3A_43] : memref<10112x128xf32, #tpu.memory_space<vmem_shared>> -> memref<80x128xf32, #tpu.memory_space<vmem_shared>>
      %dma_start3A_45 = arith.constant 0 : i32
      %dma_start3A_46 = arith.constant 0 : i32
      %dma_start3A_47 = tpu.memref_slice %arg15[%dma_start3A_45, %dma_start3A_46] : memref<80x128xf32, #tpu.memory_space<vmem>> -> memref<80x128xf32, #tpu.memory_space<vmem>>
      tpu.enqueue_dma source(%dma_start3A_47 : memref<80x128xf32, #tpu.memory_space<vmem>>) target(%dma_start3A_44 : memref<80x128xf32, #tpu.memory_space<vmem_shared>>) target_semaphore(%run_scoped3A : memref<!tpu.dma_semaphore, #tpu.memory_space<semaphore_mem>>)
      %dma_wait3A = arith.constant 0 : i32
      %dma_wait3A_48 = arith.constant 0 : i32
      %dma_wait3A_49 = tpu.memref_slice %arg15[%dma_wait3A, %dma_wait3A_48] : memref<80x128xf32, #tpu.memory_space<vmem>> -> memref<80x128xf32, #tpu.memory_space<vmem>>
      %dma_wait3A_50 = arith.constant 0 : i32
      %dma_wait3A_51 = tpu.memref_slice %arg8[%add3A_24, %dma_wait3A_50] : memref<10112x128xf32, #tpu.memory_space<vmem_shared>> -> memref<80x128xf32, #tpu.memory_space<vmem_shared>>
      %dma_wait3A_52 = arith.constant 0 : i32
      %dma_wait3A_53 = tpu.memref_slice %arg8[%add3A_24, %dma_wait3A_52] : memref<10112x128xf32, #tpu.memory_space<vmem_shared>> -> memref<80x128xf32, #tpu.memory_space<vmem_shared>>
      %dma_wait3A_54 = arith.constant 0 : i32
      %dma_wait3A_55 = arith.constant 0 : i32
      %dma_wait3A_56 = tpu.memref_slice %arg15[%dma_wait3A_54, %dma_wait3A_55] : memref<80x128xf32, #tpu.memory_space<vmem>> -> memref<80x128xf32, #tpu.memory_space<vmem>>
      tpu.wait_dma2 semaphore(%run_scoped3A : memref<!tpu.dma_semaphore, #tpu.memory_space<semaphore_mem>>) src(%dma_wait3A_56 : memref<80x128xf32, #tpu.memory_space<vmem>>) dst(%dma_wait3A_53 : memref<80x128xf32, #tpu.memory_space<vmem_shared>>)
      tpu.yield
    }) : () -> ()
    %add3A_25 = arith.constant 400 : i32
    %add3A_26 = arith.addi %mul3A_14, %add3A_25 : i32
    "tpu.region"() ({
      %run_scoped3A = tpu.sem_alloc : memref<!tpu.dma_semaphore, #tpu.memory_space<semaphore_mem>>
      %dma_start3A = arith.constant 0 : i32
      %dma_start3A_39 = arith.constant 0 : i32
      %dma_start3A_40 = tpu.memref_slice %arg15[%dma_start3A, %dma_start3A_39] : memref<80x128xf32, #tpu.memory_space<vmem>> -> memref<80x128xf32, #tpu.memory_space<vmem>>
      %dma_start3A_41 = arith.constant 0 : i32
      %dma_start3A_42 = tpu.memref_slice %arg8[%add3A_26, %dma_start3A_41] : memref<10112x128xf32, #tpu.memory_space<vmem_shared>> -> memref<80x128xf32, #tpu.memory_space<vmem_shared>>
      %dma_start3A_43 = arith.constant 0 : i32
      %dma_start3A_44 = tpu.memref_slice %arg8[%add3A_26, %dma_start3A_43] : memref<10112x128xf32, #tpu.memory_space<vmem_shared>> -> memref<80x128xf32, #tpu.memory_space<vmem_shared>>
      %dma_start3A_45 = arith.constant 0 : i32
      %dma_start3A_46 = arith.constant 0 : i32
      %dma_start3A_47 = tpu.memref_slice %arg15[%dma_start3A_45, %dma_start3A_46] : memref<80x128xf32, #tpu.memory_space<vmem>> -> memref<80x128xf32, #tpu.memory_space<vmem>>
      tpu.enqueue_dma source(%dma_start3A_47 : memref<80x128xf32, #tpu.memory_space<vmem>>) target(%dma_start3A_44 : memref<80x128xf32, #tpu.memory_space<vmem_shared>>) target_semaphore(%run_scoped3A : memref<!tpu.dma_semaphore, #tpu.memory_space<semaphore_mem>>)
      %dma_wait3A = arith.constant 0 : i32
      %dma_wait3A_48 = arith.constant 0 : i32
      %dma_wait3A_49 = tpu.memref_slice %arg15[%dma_wait3A, %dma_wait3A_48] : memref<80x128xf32, #tpu.memory_space<vmem>> -> memref<80x128xf32, #tpu.memory_space<vmem>>
      %dma_wait3A_50 = arith.constant 0 : i32
      %dma_wait3A_51 = tpu.memref_slice %arg8[%add3A_26, %dma_wait3A_50] : memref<10112x128xf32, #tpu.memory_space<vmem_shared>> -> memref<80x128xf32, #tpu.memory_space<vmem_shared>>
      %dma_wait3A_52 = arith.constant 0 : i32
      %dma_wait3A_53 = tpu.memref_slice %arg8[%add3A_26, %dma_wait3A_52] : memref<10112x128xf32, #tpu.memory_space<vmem_shared>> -> memref<80x128xf32, #tpu.memory_space<vmem_shared>>
      %dma_wait3A_54 = arith.constant 0 : i32
      %dma_wait3A_55 = arith.constant 0 : i32
      %dma_wait3A_56 = tpu.memref_slice %arg15[%dma_wait3A_54, %dma_wait3A_55] : memref<80x128xf32, #tpu.memory_space<vmem>> -> memref<80x128xf32, #tpu.memory_space<vmem>>
      tpu.wait_dma2 semaphore(%run_scoped3A : memref<!tpu.dma_semaphore, #tpu.memory_space<semaphore_mem>>) src(%dma_wait3A_56 : memref<80x128xf32, #tpu.memory_space<vmem>>) dst(%dma_wait3A_53 : memref<80x128xf32, #tpu.memory_space<vmem_shared>>)
      tpu.yield
    }) : () -> ()
    %add3A_27 = arith.constant 480 : i32
    %add3A_28 = arith.addi %mul3A_14, %add3A_27 : i32
    "tpu.region"() ({
      %run_scoped3A = tpu.sem_alloc : memref<!tpu.dma_semaphore, #tpu.memory_space<semaphore_mem>>
      %dma_start3A = arith.constant 0 : i32
      %dma_start3A_39 = arith.constant 0 : i32
      %dma_start3A_40 = tpu.memref_slice %arg15[%dma_start3A, %dma_start3A_39] : memref<80x128xf32, #tpu.memory_space<vmem>> -> memref<80x128xf32, #tpu.memory_space<vmem>>
      %dma_start3A_41 = arith.constant 0 : i32
      %dma_start3A_42 = tpu.memref_slice %arg8[%add3A_28, %dma_start3A_41] : memref<10112x128xf32, #tpu.memory_space<vmem_shared>> -> memref<80x128xf32, #tpu.memory_space<vmem_shared>>
      %dma_start3A_43 = arith.constant 0 : i32
      %dma_start3A_44 = tpu.memref_slice %arg8[%add3A_28, %dma_start3A_43] : memref<10112x128xf32, #tpu.memory_space<vmem_shared>> -> memref<80x128xf32, #tpu.memory_space<vmem_shared>>
      %dma_start3A_45 = arith.constant 0 : i32
      %dma_start3A_46 = arith.constant 0 : i32
      %dma_start3A_47 = tpu.memref_slice %arg15[%dma_start3A_45, %dma_start3A_46] : memref<80x128xf32, #tpu.memory_space<vmem>> -> memref<80x128xf32, #tpu.memory_space<vmem>>
      tpu.enqueue_dma source(%dma_start3A_47 : memref<80x128xf32, #tpu.memory_space<vmem>>) target(%dma_start3A_44 : memref<80x128xf32, #tpu.memory_space<vmem_shared>>) target_semaphore(%run_scoped3A : memref<!tpu.dma_semaphore, #tpu.memory_space<semaphore_mem>>)
      %dma_wait3A = arith.constant 0 : i32
      %dma_wait3A_48 = arith.constant 0 : i32
      %dma_wait3A_49 = tpu.memref_slice %arg15[%dma_wait3A, %dma_wait3A_48] : memref<80x128xf32, #tpu.memory_space<vmem>> -> memref<80x128xf32, #tpu.memory_space<vmem>>
      %dma_wait3A_50 = arith.constant 0 : i32
      %dma_wait3A_51 = tpu.memref_slice %arg8[%add3A_28, %dma_wait3A_50] : memref<10112x128xf32, #tpu.memory_space<vmem_shared>> -> memref<80x128xf32, #tpu.memory_space<vmem_shared>>
      %dma_wait3A_52 = arith.constant 0 : i32
      %dma_wait3A_53 = tpu.memref_slice %arg8[%add3A_28, %dma_wait3A_52] : memref<10112x128xf32, #tpu.memory_space<vmem_shared>> -> memref<80x128xf32, #tpu.memory_space<vmem_shared>>
      %dma_wait3A_54 = arith.constant 0 : i32
      %dma_wait3A_55 = arith.constant 0 : i32
      %dma_wait3A_56 = tpu.memref_slice %arg15[%dma_wait3A_54, %dma_wait3A_55] : memref<80x128xf32, #tpu.memory_space<vmem>> -> memref<80x128xf32, #tpu.memory_space<vmem>>
      tpu.wait_dma2 semaphore(%run_scoped3A : memref<!tpu.dma_semaphore, #tpu.memory_space<semaphore_mem>>) src(%dma_wait3A_56 : memref<80x128xf32, #tpu.memory_space<vmem>>) dst(%dma_wait3A_53 : memref<80x128xf32, #tpu.memory_space<vmem_shared>>)
      tpu.yield
    }) : () -> ()
    %add3A_29 = arith.constant 560 : i32
    %add3A_30 = arith.addi %mul3A_14, %add3A_29 : i32
    "tpu.region"() ({
      %run_scoped3A = tpu.sem_alloc : memref<!tpu.dma_semaphore, #tpu.memory_space<semaphore_mem>>
      %dma_start3A = arith.constant 0 : i32
      %dma_start3A_39 = arith.constant 0 : i32
      %dma_start3A_40 = tpu.memref_slice %arg15[%dma_start3A, %dma_start3A_39] : memref<80x128xf32, #tpu.memory_space<vmem>> -> memref<72x128xf32, #tpu.memory_space<vmem>>
      %dma_start3A_41 = arith.constant 0 : i32
      %dma_start3A_42 = tpu.memref_slice %arg8[%add3A_30, %dma_start3A_41] : memref<10112x128xf32, #tpu.memory_space<vmem_shared>> -> memref<72x128xf32, #tpu.memory_space<vmem_shared>>
      %dma_start3A_43 = arith.constant 0 : i32
      %dma_start3A_44 = tpu.memref_slice %arg8[%add3A_30, %dma_start3A_43] : memref<10112x128xf32, #tpu.memory_space<vmem_shared>> -> memref<72x128xf32, #tpu.memory_space<vmem_shared>>
      %dma_start3A_45 = arith.constant 0 : i32
      %dma_start3A_46 = arith.constant 0 : i32
      %dma_start3A_47 = tpu.memref_slice %arg15[%dma_start3A_45, %dma_start3A_46] : memref<80x128xf32, #tpu.memory_space<vmem>> -> memref<72x128xf32, #tpu.memory_space<vmem>>
      tpu.enqueue_dma source(%dma_start3A_47 : memref<72x128xf32, #tpu.memory_space<vmem>>) target(%dma_start3A_44 : memref<72x128xf32, #tpu.memory_space<vmem_shared>>) target_semaphore(%run_scoped3A : memref<!tpu.dma_semaphore, #tpu.memory_space<semaphore_mem>>)
      %dma_wait3A = arith.constant 0 : i32
      %dma_wait3A_48 = arith.constant 0 : i32
      %dma_wait3A_49 = tpu.memref_slice %arg15[%dma_wait3A, %dma_wait3A_48] : memref<80x128xf32, #tpu.memory_space<vmem>> -> memref<72x128xf32, #tpu.memory_space<vmem>>
      %dma_wait3A_50 = arith.constant 0 : i32
      %dma_wait3A_51 = tpu.memref_slice %arg8[%add3A_30, %dma_wait3A_50] : memref<10112x128xf32, #tpu.memory_space<vmem_shared>> -> memref<72x128xf32, #tpu.memory_space<vmem_shared>>
      %dma_wait3A_52 = arith.constant 0 : i32
      %dma_wait3A_53 = tpu.memref_slice %arg8[%add3A_30, %dma_wait3A_52] : memref<10112x128xf32, #tpu.memory_space<vmem_shared>> -> memref<72x128xf32, #tpu.memory_space<vmem_shared>>
      %dma_wait3A_54 = arith.constant 0 : i32
      %dma_wait3A_55 = arith.constant 0 : i32
      %dma_wait3A_56 = tpu.memref_slice %arg15[%dma_wait3A_54, %dma_wait3A_55] : memref<80x128xf32, #tpu.memory_space<vmem>> -> memref<72x128xf32, #tpu.memory_space<vmem>>
      tpu.wait_dma2 semaphore(%run_scoped3A : memref<!tpu.dma_semaphore, #tpu.memory_space<semaphore_mem>>) src(%dma_wait3A_56 : memref<72x128xf32, #tpu.memory_space<vmem>>) dst(%dma_wait3A_53 : memref<72x128xf32, #tpu.memory_space<vmem_shared>>)
      tpu.yield
    }) : () -> ()
    %barrier3A = arith.constant 0 : index
    tpu.barrier barrier_id(%barrier3A)
    %scan3A_31 = arith.constant 0 : i32
    %scan3A_32 = arith.constant 0 : i32
    %scan3A_33 = arith.constant 125 : i32
    %scan3A_34 = arith.addi %scan3A_32, %scan3A_33 : i32
    %scan3A_35 = arith.constant 1 : i32
    %scan3A_36 = scf.for %scan3A_39 = %scan3A_32 to %scan3A_34 step %scan3A_35 iter_args(%scan3A_40 = %scan3A_31) -> (i32)  : i32 {
      %mul3A_41 = arith.constant 10000 : i32
      %mul3A_42 = arith.muli %add3A, %mul3A_41 : i32
      %mul3A_43 = arith.constant 80 : i32
      %mul3A_44 = arith.muli %scan3A_39, %mul3A_43 : i32
      %add3A_45 = arith.addi %mul3A_42, %mul3A_44 : i32
      "tpu.region"() ({
        %run_scoped3A = tpu.sem_alloc : memref<!tpu.dma_semaphore, #tpu.memory_space<semaphore_mem>>
        %dma_start3A_78 = tpu.memref_slice %arg4[%add3A_45] : memref<320000xi32, #tpu.memory_space<hbm>> -> memref<80xi32, #tpu.memory_space<hbm>>
        %dma_start3A_79 = tpu.memref_slice %arg4[%add3A_45] : memref<320000xi32, #tpu.memory_space<hbm>> -> memref<80xi32, #tpu.memory_space<hbm>>
        tpu.enqueue_dma source(%dma_start3A_79 : memref<80xi32, #tpu.memory_space<hbm>>) target(%arg9 : memref<80xi32, #tpu.memory_space<vmem>>) target_semaphore(%run_scoped3A : memref<!tpu.dma_semaphore, #tpu.memory_space<semaphore_mem>>)
        %dma_wait3A_80 = tpu.memref_slice %arg4[%add3A_45] : memref<320000xi32, #tpu.memory_space<hbm>> -> memref<80xi32, #tpu.memory_space<hbm>>
        %dma_wait3A_81 = tpu.memref_slice %arg4[%add3A_45] : memref<320000xi32, #tpu.memory_space<hbm>> -> memref<80xi32, #tpu.memory_space<hbm>>
        tpu.wait_dma2 semaphore(%run_scoped3A : memref<!tpu.dma_semaphore, #tpu.memory_space<semaphore_mem>>) src(%dma_wait3A_81 : memref<80xi32, #tpu.memory_space<hbm>>) dst(%arg9 : memref<80xi32, #tpu.memory_space<vmem>>)
        tpu.yield
      }) : () -> ()
      "tpu.region"() ({
        %run_scoped3A = tpu.sem_alloc : memref<!tpu.dma_semaphore, #tpu.memory_space<semaphore_mem>>
        %dma_start3A_78 = tpu.memref_slice %arg5[%add3A_45] : memref<320000xi32, #tpu.memory_space<hbm>> -> memref<80xi32, #tpu.memory_space<hbm>>
        %dma_start3A_79 = tpu.memref_slice %arg5[%add3A_45] : memref<320000xi32, #tpu.memory_space<hbm>> -> memref<80xi32, #tpu.memory_space<hbm>>
        tpu.enqueue_dma source(%dma_start3A_79 : memref<80xi32, #tpu.memory_space<hbm>>) target(%arg10 : memref<80xi32, #tpu.memory_space<vmem>>) target_semaphore(%run_scoped3A : memref<!tpu.dma_semaphore, #tpu.memory_space<semaphore_mem>>)
        %dma_wait3A_80 = tpu.memref_slice %arg5[%add3A_45] : memref<320000xi32, #tpu.memory_space<hbm>> -> memref<80xi32, #tpu.memory_space<hbm>>
        %dma_wait3A_81 = tpu.memref_slice %arg5[%add3A_45] : memref<320000xi32, #tpu.memory_space<hbm>> -> memref<80xi32, #tpu.memory_space<hbm>>
        tpu.wait_dma2 semaphore(%run_scoped3A : memref<!tpu.dma_semaphore, #tpu.memory_space<semaphore_mem>>) src(%dma_wait3A_81 : memref<80xi32, #tpu.memory_space<hbm>>) dst(%arg10 : memref<80xi32, #tpu.memory_space<vmem>>)
        tpu.yield
      }) : () -> ()
      %dma_start3A = arith.constant 0 : i32
      %dma_start3A_46 = arith.constant 0 : i32
      %dma_start3A_47 = tpu.memref_slice %arg2[%dma_start3A, %dma_start3A_46] : memref<10000x128xf32, #tpu.memory_space<hbm>> -> memref<10000x128xf32, #tpu.memory_space<hbm>>
      tpu.enqueue_indirect_dma source(%dma_start3A_47 : memref<10000x128xf32, #tpu.memory_space<hbm>>) target(%arg11 : memref<80x128xf32, #tpu.memory_space<vmem>>) offsets(%arg9 : memref<80xi32, #tpu.memory_space<vmem>>) semaphore(%arg16 : memref<!tpu.dma_semaphore, #tpu.memory_space<semaphore_mem>>)
      %dma_wait3A = arith.constant 0 : i32
      %dma_wait3A_48 = arith.constant 0 : i32
      %dma_wait3A_49 = tpu.memref_slice %arg2[%dma_wait3A, %dma_wait3A_48] : memref<10000x128xf32, #tpu.memory_space<hbm>> -> memref<10000x128xf32, #tpu.memory_space<hbm>>
      tpu.wait_indirect_dma semaphore(%arg16 : memref<!tpu.dma_semaphore, #tpu.memory_space<semaphore_mem>>) src(%dma_wait3A_49 : memref<10000x128xf32, #tpu.memory_space<hbm>>) dst(%arg11 : memref<80x128xf32, #tpu.memory_space<vmem>>)
      %dma_start3A_50 = arith.constant 0 : i32
      %dma_start3A_51 = arith.constant 0 : i32
      %dma_start3A_52 = tpu.memref_slice %arg3[%dma_start3A_50, %dma_start3A_51] : memref<10000x128xf32, #tpu.memory_space<hbm>> -> memref<10000x128xf32, #tpu.memory_space<hbm>>
      tpu.enqueue_indirect_dma source(%dma_start3A_52 : memref<10000x128xf32, #tpu.memory_space<hbm>>) target(%arg12 : memref<80x128xf32, #tpu.memory_space<vmem>>) offsets(%arg10 : memref<80xi32, #tpu.memory_space<vmem>>) semaphore(%arg16 : memref<!tpu.dma_semaphore, #tpu.memory_space<semaphore_mem>>)
      %dma_wait3A_53 = arith.constant 0 : i32
      %dma_wait3A_54 = arith.constant 0 : i32
      %dma_wait3A_55 = tpu.memref_slice %arg3[%dma_wait3A_53, %dma_wait3A_54] : memref<10000x128xf32, #tpu.memory_space<hbm>> -> memref<10000x128xf32, #tpu.memory_space<hbm>>
      tpu.wait_indirect_dma semaphore(%arg16 : memref<!tpu.dma_semaphore, #tpu.memory_space<semaphore_mem>>) src(%dma_wait3A_55 : memref<10000x128xf32, #tpu.memory_space<hbm>>) dst(%arg12 : memref<80x128xf32, #tpu.memory_space<vmem>>)
      %scan3A_56 = arith.constant 0 : i32
      %scan3A_57 = arith.constant 0 : i32
      %scan3A_58 = arith.constant 80 : i32
      %scan3A_59 = arith.addi %scan3A_57, %scan3A_58 : i32
      %scan3A_60 = arith.constant 1 : i32
      %scan3A_61 = scf.for %scan3A_78 = %scan3A_57 to %scan3A_59 step %scan3A_60 iter_args(%scan3A_79 = %scan3A_56) -> (i32)  : i32 {
        %get3A = arith.index_cast %scan3A_78 : i32 to index
        %get3A_80 = arith.constant 0 : index
        %get3A_81 = tpu.vector_load %arg11[%get3A, %get3A_80] {strides = array<i32>} : memref<80x128xf32, #tpu.memory_space<vmem>>, vector<16xf32>,
        %get3A_82 = arith.index_cast %scan3A_78 : i32 to index
        %get3A_83 = arith.constant 0 : index
        %get3A_84 = tpu.vector_load %arg12[%get3A_82, %get3A_83] {strides = array<i32>} : memref<80x128xf32, #tpu.memory_space<vmem>>, vector<16xf32>,
        %mul3A_85 = arith.mulf %get3A_81, %get3A_84 : vector<16xf32>
        %get3A_86 = arith.index_cast %scan3A_78 : i32 to index
        %get3A_87 = arith.constant 16 : index
        %get3A_88 = tpu.vector_load %arg11[%get3A_86, %get3A_87] {strides = array<i32>} : memref<80x128xf32, #tpu.memory_space<vmem>>, vector<16xf32>,
        %get3A_89 = arith.index_cast %scan3A_78 : i32 to index
        %get3A_90 = arith.constant 16 : index
        %get3A_91 = tpu.vector_load %arg12[%get3A_89, %get3A_90] {strides = array<i32>} : memref<80x128xf32, #tpu.memory_space<vmem>>, vector<16xf32>,
        %mul3A_92 = arith.mulf %get3A_88, %get3A_91 : vector<16xf32>
        %add3A_93 = arith.addf %mul3A_85, %mul3A_92 : vector<16xf32>
        %get3A_94 = arith.index_cast %scan3A_78 : i32 to index
        %get3A_95 = arith.constant 32 : index
        %get3A_96 = tpu.vector_load %arg11[%get3A_94, %get3A_95] {strides = array<i32>} : memref<80x128xf32, #tpu.memory_space<vmem>>, vector<16xf32>,
        %get3A_97 = arith.index_cast %scan3A_78 : i32 to index
        %get3A_98 = arith.constant 32 : index
        %get3A_99 = tpu.vector_load %arg12[%get3A_97, %get3A_98] {strides = array<i32>} : memref<80x128xf32, #tpu.memory_space<vmem>>, vector<16xf32>,
        %mul3A_100 = arith.mulf %get3A_96, %get3A_99 : vector<16xf32>
        %add3A_101 = arith.addf %add3A_93, %mul3A_100 : vector<16xf32>
        %get3A_102 = arith.index_cast %scan3A_78 : i32 to index
        %get3A_103 = arith.constant 48 : index
        %get3A_104 = tpu.vector_load %arg11[%get3A_102, %get3A_103] {strides = array<i32>} : memref<80x128xf32, #tpu.memory_space<vmem>>, vector<16xf32>,
        %get3A_105 = arith.index_cast %scan3A_78 : i32 to index
        %get3A_106 = arith.constant 48 : index
        %get3A_107 = tpu.vector_load %arg12[%get3A_105, %get3A_106] {strides = array<i32>} : memref<80x128xf32, #tpu.memory_space<vmem>>, vector<16xf32>,
        %mul3A_108 = arith.mulf %get3A_104, %get3A_107 : vector<16xf32>
        %add3A_109 = arith.addf %add3A_101, %mul3A_108 : vector<16xf32>
        %get3A_110 = arith.index_cast %scan3A_78 : i32 to index
        %get3A_111 = arith.constant 64 : index
        %get3A_112 = tpu.vector_load %arg11[%get3A_110, %get3A_111] {strides = array<i32>} : memref<80x128xf32, #tpu.memory_space<vmem>>, vector<16xf32>,
        %get3A_113 = arith.index_cast %scan3A_78 : i32 to index
        %get3A_114 = arith.constant 64 : index
        %get3A_115 = tpu.vector_load %arg12[%get3A_113, %get3A_114] {strides = array<i32>} : memref<80x128xf32, #tpu.memory_space<vmem>>, vector<16xf32>,
        %mul3A_116 = arith.mulf %get3A_112, %get3A_115 : vector<16xf32>
        %add3A_117 = arith.addf %add3A_109, %mul3A_116 : vector<16xf32>
        %get3A_118 = arith.index_cast %scan3A_78 : i32 to index
        %get3A_119 = arith.constant 80 : index
        %get3A_120 = tpu.vector_load %arg11[%get3A_118, %get3A_119] {strides = array<i32>} : memref<80x128xf32, #tpu.memory_space<vmem>>, vector<16xf32>,
        %get3A_121 = arith.index_cast %scan3A_78 : i32 to index
        %get3A_122 = arith.constant 80 : index
        %get3A_123 = tpu.vector_load %arg12[%get3A_121, %get3A_122] {strides = array<i32>} : memref<80x128xf32, #tpu.memory_space<vmem>>, vector<16xf32>,
        %mul3A_124 = arith.mulf %get3A_120, %get3A_123 : vector<16xf32>
        %add3A_125 = arith.addf %add3A_117, %mul3A_124 : vector<16xf32>
        %get3A_126 = arith.index_cast %scan3A_78 : i32 to index
        %get3A_127 = arith.constant 96 : index
        %get3A_128 = tpu.vector_load %arg11[%get3A_126, %get3A_127] {strides = array<i32>} : memref<80x128xf32, #tpu.memory_space<vmem>>, vector<16xf32>,
        %get3A_129 = arith.index_cast %scan3A_78 : i32 to index
        %get3A_130 = arith.constant 96 : index
        %get3A_131 = tpu.vector_load %arg12[%get3A_129, %get3A_130] {strides = array<i32>} : memref<80x128xf32, #tpu.memory_space<vmem>>, vector<16xf32>,
        %mul3A_132 = arith.mulf %get3A_128, %get3A_131 : vector<16xf32>
        %add3A_133 = arith.addf %add3A_125, %mul3A_132 : vector<16xf32>
        %get3A_134 = arith.index_cast %scan3A_78 : i32 to index
        %get3A_135 = arith.constant 112 : index
        %get3A_136 = tpu.vector_load %arg11[%get3A_134, %get3A_135] {strides = array<i32>} : memref<80x128xf32, #tpu.memory_space<vmem>>, vector<16xf32>,
        %get3A_137 = arith.index_cast %scan3A_78 : i32 to index
        %get3A_138 = arith.constant 112 : index
        %get3A_139 = tpu.vector_load %arg12[%get3A_137, %get3A_138] {strides = array<i32>} : memref<80x128xf32, #tpu.memory_space<vmem>>, vector<16xf32>,
        %mul3A_140 = arith.mulf %get3A_136, %get3A_139 : vector<16xf32>
        %add3A_141 = arith.addf %add3A_133, %mul3A_140 : vector<16xf32>
        %mul3A_142 = arith.constant 16 : i32
        %mul3A_143 = arith.muli %scan3A_78, %mul3A_142 : i32
        %swap3A = arith.index_cast %mul3A_143 : i32 to index
        %swap3A_144 = tpu.vector_load %arg13[%swap3A] {strides = array<i32>} : memref<1280xf32, #tpu.memory_space<vmem>>, vector<16xf32>,
        tpu.vector_store %arg13[%swap3A], %add3A_141 {strides = array<i32>} : memref<1280xf32, #tpu.memory_space<vmem>>, vector<16xf32>,
        %scan3A_145 = arith.constant 0 : i32
        scf.yield %scan3A_145 : i32
      }
      %scan3A_62 = arith.constant 80 : i32
      %scan3A_63 = arith.constant 0 : i32
      %scan3A_64 = arith.constant 0 : i32
      %scan3A_65 = arith.constant 5 : i32
      %scan3A_66 = arith.addi %scan3A_64, %scan3A_65 : i32
      %scan3A_67 = arith.constant 1 : i32
      %scan3A_68 = scf.for %scan3A_78 = %scan3A_64 to %scan3A_66 step %scan3A_67 iter_args(%scan3A_79 = %scan3A_63) -> (i32)  : i32 {
        %mul3A_80 = arith.constant 256 : i32
        %mul3A_81 = arith.muli %scan3A_78, %mul3A_80 : i32
        %mul3A_82 = arith.constant 16 : i32
        %mul3A_83 = vector.broadcast %mul3A_82 : i32 to vector<16xi32>
        %mul3A_84 = arith.muli %iota3A, %mul3A_83 : vector<16xi32>
        %add3A_85 = vector.broadcast %mul3A_81 : i32 to vector<16xi32>
        %add3A_86 = arith.addi %add3A_85, %mul3A_84 : vector<16xi32>
        %gather3A = tpu.vector_load_idx %arg13[%add3A_86] : memref<1280xf32, #tpu.memory_space<vmem>>[vector<16xi32>], vector<16xf32>,
        %add3A_87 = arith.constant 1 : i32
        %add3A_88 = vector.broadcast %add3A_87 : i32 to vector<16xi32>
        %add3A_89 = arith.addi %add3A_86, %add3A_88 : vector<16xi32>
        %gather3A_90 = tpu.vector_load_idx %arg13[%add3A_89] : memref<1280xf32, #tpu.memory_space<vmem>>[vector<16xi32>], vector<16xf32>,
        %add3A_91 = arith.addf %gather3A, %gather3A_90 : vector<16xf32>
        %add3A_92 = arith.constant 2 : i32
        %add3A_93 = vector.broadcast %add3A_92 : i32 to vector<16xi32>
        %add3A_94 = arith.addi %add3A_86, %add3A_93 : vector<16xi32>
        %gather3A_95 = tpu.vector_load_idx %arg13[%add3A_94] : memref<1280xf32, #tpu.memory_space<vmem>>[vector<16xi32>], vector<16xf32>,
        %add3A_96 = arith.addf %add3A_91, %gather3A_95 : vector<16xf32>
        %add3A_97 = arith.constant 3 : i32
        %add3A_98 = vector.broadcast %add3A_97 : i32 to vector<16xi32>
        %add3A_99 = arith.addi %add3A_86, %add3A_98 : vector<16xi32>
        %gather3A_100 = tpu.vector_load_idx %arg13[%add3A_99] : memref<1280xf32, #tpu.memory_space<vmem>>[vector<16xi32>], vector<16xf32>,
        %add3A_101 = arith.addf %add3A_96, %gather3A_100 : vector<16xf32>
        %add3A_102 = arith.constant 4 : i32
        %add3A_103 = vector.broadcast %add3A_102 : i32 to vector<16xi32>
        %add3A_104 = arith.addi %add3A_86, %add3A_103 : vector<16xi32>
        %gather3A_105 = tpu.vector_load_idx %arg13[%add3A_104] : memref<1280xf32, #tpu.memory_space<vmem>>[vector<16xi32>], vector<16xf32>,
        %add3A_106 = arith.addf %add3A_101, %gather3A_105 : vector<16xf32>
        %add3A_107 = arith.constant 5 : i32
        %add3A_108 = vector.broadcast %add3A_107 : i32 to vector<16xi32>
        %add3A_109 = arith.addi %add3A_86, %add3A_108 : vector<16xi32>
        %gather3A_110 = tpu.vector_load_idx %arg13[%add3A_109] : memref<1280xf32, #tpu.memory_space<vmem>>[vector<16xi32>], vector<16xf32>,
        %add3A_111 = arith.addf %add3A_106, %gather3A_110 : vector<16xf32>
        %add3A_112 = arith.constant 6 : i32
        %add3A_113 = vector.broadcast %add3A_112 : i32 to vector<16xi32>
        %add3A_114 = arith.addi %add3A_86, %add3A_113 : vector<16xi32>
        %gather3A_115 = tpu.vector_load_idx %arg13[%add3A_114] : memref<1280xf32, #tpu.memory_space<vmem>>[vector<16xi32>], vector<16xf32>,
        %add3A_116 = arith.addf %add3A_111, %gather3A_115 : vector<16xf32>
        %add3A_117 = arith.constant 7 : i32
        %add3A_118 = vector.broadcast %add3A_117 : i32 to vector<16xi32>
        %add3A_119 = arith.addi %add3A_86, %add3A_118 : vector<16xi32>
        %gather3A_120 = tpu.vector_load_idx %arg13[%add3A_119] : memref<1280xf32, #tpu.memory_space<vmem>>[vector<16xi32>], vector<16xf32>,
        %add3A_121 = arith.addf %add3A_116, %gather3A_120 : vector<16xf32>
        %add3A_122 = arith.constant 8 : i32
        %add3A_123 = vector.broadcast %add3A_122 : i32 to vector<16xi32>
        %add3A_124 = arith.addi %add3A_86, %add3A_123 : vector<16xi32>
        %gather3A_125 = tpu.vector_load_idx %arg13[%add3A_124] : memref<1280xf32, #tpu.memory_space<vmem>>[vector<16xi32>], vector<16xf32>,
        %add3A_126 = arith.addf %add3A_121, %gather3A_125 : vector<16xf32>
        %add3A_127 = arith.constant 9 : i32
        %add3A_128 = vector.broadcast %add3A_127 : i32 to vector<16xi32>
        %add3A_129 = arith.addi %add3A_86, %add3A_128 : vector<16xi32>
        %gather3A_130 = tpu.vector_load_idx %arg13[%add3A_129] : memref<1280xf32, #tpu.memory_space<vmem>>[vector<16xi32>], vector<16xf32>,
        %add3A_131 = arith.addf %add3A_126, %gather3A_130 : vector<16xf32>
        %add3A_132 = arith.constant 10 : i32
        %add3A_133 = vector.broadcast %add3A_132 : i32 to vector<16xi32>
        %add3A_134 = arith.addi %add3A_86, %add3A_133 : vector<16xi32>
        %gather3A_135 = tpu.vector_load_idx %arg13[%add3A_134] : memref<1280xf32, #tpu.memory_space<vmem>>[vector<16xi32>], vector<16xf32>,
        %add3A_136 = arith.addf %add3A_131, %gather3A_135 : vector<16xf32>
        %add3A_137 = arith.constant 11 : i32
        %add3A_138 = vector.broadcast %add3A_137 : i32 to vector<16xi32>
        %add3A_139 = arith.addi %add3A_86, %add3A_138 : vector<16xi32>
        %gather3A_140 = tpu.vector_load_idx %arg13[%add3A_139] : memref<1280xf32, #tpu.memory_space<vmem>>[vector<16xi32>], vector<16xf32>,
        %add3A_141 = arith.addf %add3A_136, %gather3A_140 : vector<16xf32>
        %add3A_142 = arith.constant 12 : i32
        %add3A_143 = vector.broadcast %add3A_142 : i32 to vector<16xi32>
        %add3A_144 = arith.addi %add3A_86, %add3A_143 : vector<16xi32>
        %gather3A_145 = tpu.vector_load_idx %arg13[%add3A_144] : memref<1280xf32, #tpu.memory_space<vmem>>[vector<16xi32>], vector<16xf32>,
        %add3A_146 = arith.addf %add3A_141, %gather3A_145 : vector<16xf32>
        %add3A_147 = arith.constant 13 : i32
        %add3A_148 = vector.broadcast %add3A_147 : i32 to vector<16xi32>
        %add3A_149 = arith.addi %add3A_86, %add3A_148 : vector<16xi32>
        %gather3A_150 = tpu.vector_load_idx %arg13[%add3A_149] : memref<1280xf32, #tpu.memory_space<vmem>>[vector<16xi32>], vector<16xf32>,
        %add3A_151 = arith.addf %add3A_146, %gather3A_150 : vector<16xf32>
        %add3A_152 = arith.constant 14 : i32
        %add3A_153 = vector.broadcast %add3A_152 : i32 to vector<16xi32>
        %add3A_154 = arith.addi %add3A_86, %add3A_153 : vector<16xi32>
        %gather3A_155 = tpu.vector_load_idx %arg13[%add3A_154] : memref<1280xf32, #tpu.memory_space<vmem>>[vector<16xi32>], vector<16xf32>,
        %add3A_156 = arith.addf %add3A_151, %gather3A_155 : vector<16xf32>
        %add3A_157 = arith.constant 15 : i32
        %add3A_158 = vector.broadcast %add3A_157 : i32 to vector<16xi32>
        %add3A_159 = arith.addi %add3A_86, %add3A_158 : vector<16xi32>
        %gather3A_160 = tpu.vector_load_idx %arg13[%add3A_159] : memref<1280xf32, #tpu.memory_space<vmem>>[vector<16xi32>], vector<16xf32>,
        %add3A_161 = arith.addf %add3A_156, %gather3A_160 : vector<16xf32>
        %exp3A = math.exp %add3A_161 : vector<16xf32>
        %mul3A_162 = arith.constant 16 : i32
        %mul3A_163 = arith.muli %scan3A_78, %mul3A_162 : i32
        %swap3A = arith.index_cast %mul3A_163 : i32 to index
        %swap3A_164 = tpu.vector_load %arg14[%swap3A] {strides = array<i32>} : memref<80xf32, #tpu.memory_space<vmem>>, vector<16xf32>,
        tpu.vector_store %arg14[%swap3A], %exp3A {strides = array<i32>} : memref<80xf32, #tpu.memory_space<vmem>>, vector<16xf32>,
        %scan3A_165 = arith.constant 0 : i32
        scf.yield %scan3A_165 : i32
      }
      %scan3A_69 = arith.constant 5 : i32
      %scan3A_70 = arith.constant 0 : i32
      %scan3A_71 = arith.constant 0 : i32
      %scan3A_72 = arith.constant 80 : i32
      %scan3A_73 = arith.addi %scan3A_71, %scan3A_72 : i32
      %scan3A_74 = arith.constant 1 : i32
      %scan3A_75 = scf.for %scan3A_78 = %scan3A_71 to %scan3A_73 step %scan3A_74 iter_args(%scan3A_79 = %scan3A_70) -> (i32)  : i32 {
        %broadcast_in_dim3A_80 = arith.constant 0 : i32
        %broadcast_in_dim3A_81 = vector.broadcast %broadcast_in_dim3A_80 : i32 to vector<16xi32>
        %add3A_82 = vector.broadcast %scan3A_78 : i32 to vector<16xi32>
        %add3A_83 = arith.addi %broadcast_in_dim3A_81, %add3A_82 : vector<16xi32>
        %gather3A = tpu.vector_load_idx %arg14[%add3A_83] : memref<80xf32, #tpu.memory_space<vmem>>[vector<16xi32>], vector<16xf32>,
        %mul3A_84 = arith.mulf %gather3A, %select_n3A : vector<16xf32>
        %swap3A = arith.index_cast %scan3A_78 : i32 to index
        %swap3A_85 = arith.constant 0 : index
        %swap3A_86 = tpu.vector_load %arg15[%swap3A, %swap3A_85] {strides = array<i32>} : memref<80x128xf32, #tpu.memory_space<vmem>>, vector<16xf32>,
        tpu.vector_store %arg15[%swap3A, %swap3A_85], %mul3A_84 {strides = array<i32>} : memref<80x128xf32, #tpu.memory_space<vmem>>, vector<16xf32>,
        %scan3A_87 = arith.constant 0 : i32
        scf.yield %scan3A_87 : i32
      }
      %scan3A_76 = arith.constant 80 : i32
      "tpu.region"() ({
        %run_scoped3A = tpu.sem_alloc : memref<!tpu.dma_semaphore, #tpu.memory_space<semaphore_mem>>
        %dma_start3A_78 = tpu.memref_slice %arg6[%add3A_45] : memref<320000xf32, #tpu.memory_space<hbm>> -> memref<80xf32, #tpu.memory_space<hbm>>
        %dma_start3A_79 = tpu.memref_slice %arg6[%add3A_45] : memref<320000xf32, #tpu.memory_space<hbm>> -> memref<80xf32, #tpu.memory_space<hbm>>
        tpu.enqueue_dma source(%arg14 : memref<80xf32, #tpu.memory_space<vmem>>) target(%dma_start3A_79 : memref<80xf32, #tpu.memory_space<hbm>>) target_semaphore(%run_scoped3A : memref<!tpu.dma_semaphore, #tpu.memory_space<semaphore_mem>>)
        %dma_wait3A_80 = tpu.memref_slice %arg6[%add3A_45] : memref<320000xf32, #tpu.memory_space<hbm>> -> memref<80xf32, #tpu.memory_space<hbm>>
        %dma_wait3A_81 = tpu.memref_slice %arg6[%add3A_45] : memref<320000xf32, #tpu.memory_space<hbm>> -> memref<80xf32, #tpu.memory_space<hbm>>
        tpu.wait_dma2 semaphore(%run_scoped3A : memref<!tpu.dma_semaphore, #tpu.memory_space<semaphore_mem>>) src(%arg14 : memref<80xf32, #tpu.memory_space<vmem>>) dst(%dma_wait3A_81 : memref<80xf32, #tpu.memory_space<hbm>>)
        tpu.yield
      }) : () -> ()
      "tpu.region"() ({
        %run_scoped3A = tpu.sem_alloc : memref<!tpu.dma_semaphore, #tpu.memory_space<semaphore_mem>>
        %dma_start3A_78 = arith.constant 0 : i32
        %dma_start3A_79 = arith.constant 0 : i32
        %dma_start3A_80 = tpu.memref_slice %arg8[%dma_start3A_78, %dma_start3A_79] : memref<10112x128xf32, #tpu.memory_space<vmem_shared>> -> memref<10112x128xf32, #tpu.memory_space<vmem_shared>>
        tpu.enqueue_indirect_dma source(%arg15 : memref<80x128xf32, #tpu.memory_space<vmem>>) target(%dma_start3A_80 : memref<10112x128xf32, #tpu.memory_space<vmem_shared>>) offsets(%arg9 : memref<80xi32, #tpu.memory_space<vmem>>) semaphore(%run_scoped3A : memref<!tpu.dma_semaphore, #tpu.memory_space<semaphore_mem>>) {add = true}
        %dma_wait3A_81 = arith.constant 0 : i32
        %dma_wait3A_82 = arith.constant 0 : i32
        %dma_wait3A_83 = tpu.memref_slice %arg8[%dma_wait3A_81, %dma_wait3A_82] : memref<10112x128xf32, #tpu.memory_space<vmem_shared>> -> memref<10112x128xf32, #tpu.memory_space<vmem_shared>>
        tpu.wait_indirect_dma semaphore(%run_scoped3A : memref<!tpu.dma_semaphore, #tpu.memory_space<semaphore_mem>>) src(%arg15 : memref<80x128xf32, #tpu.memory_space<vmem>>) dst(%dma_wait3A_83 : memref<10112x128xf32, #tpu.memory_space<vmem_shared>>)
        tpu.yield
      }) : () -> ()
      %scan3A_77 = arith.constant 0 : i32
      scf.yield %scan3A_77 : i32
    }
    %scan3A_37 = arith.constant 125 : i32
    %barrier3A_38 = arith.constant 0 : index
    tpu.barrier barrier_id(%barrier3A_38)
    "tpu.region"() ({
      %run_scoped3A = tpu.sem_alloc : memref<!tpu.dma_semaphore, #tpu.memory_space<semaphore_mem>>
      %dma_start3A = arith.constant 0 : i32
      %dma_start3A_39 = tpu.memref_slice %arg7[%arg0, %mul3A_14, %dma_start3A] : memref<2x10112x128xf32, #tpu.memory_space<hbm>> -> memref<1x632x128xf32, #tpu.memory_space<hbm>>
      %dma_start3A_40 = tpu.memref_squeeze %dma_start3A_39 : memref<1x632x128xf32, #tpu.memory_space<hbm>> -> memref<632x128xf32, #tpu.memory_space<hbm>>
      %dma_start3A_41 = arith.constant 0 : i32
      %dma_start3A_42 = tpu.memref_slice %arg8[%mul3A_14, %dma_start3A_41] : memref<10112x128xf32, #tpu.memory_space<vmem_shared>> -> memref<632x128xf32, #tpu.memory_space<vmem_shared>>
      tpu.enqueue_dma source(%dma_start3A_42 : memref<632x128xf32, #tpu.memory_space<vmem_shared>>) target(%dma_start3A_40 : memref<632x128xf32, #tpu.memory_space<hbm>>) target_semaphore(%run_scoped3A : memref<!tpu.dma_semaphore, #tpu.memory_space<semaphore_mem>>)
      %dma_wait3A = arith.constant 0 : i32
      %dma_wait3A_43 = tpu.memref_slice %arg7[%arg0, %mul3A_14, %dma_wait3A] : memref<2x10112x128xf32, #tpu.memory_space<hbm>> -> memref<1x632x128xf32, #tpu.memory_space<hbm>>
      %dma_wait3A_44 = tpu.memref_squeeze %dma_wait3A_43 : memref<1x632x128xf32, #tpu.memory_space<hbm>> -> memref<632x128xf32, #tpu.memory_space<hbm>>
      %dma_wait3A_45 = arith.constant 0 : i32
      %dma_wait3A_46 = tpu.memref_slice %arg8[%mul3A_14, %dma_wait3A_45] : memref<10112x128xf32, #tpu.memory_space<vmem_shared>> -> memref<632x128xf32, #tpu.memory_space<vmem_shared>>
      tpu.wait_dma2 semaphore(%run_scoped3A : memref<!tpu.dma_semaphore, #tpu.memory_space<semaphore_mem>>) src(%dma_wait3A_46 : memref<632x128xf32, #tpu.memory_space<vmem_shared>>) dst(%dma_wait3A_44 : memref<632x128xf32, #tpu.memory_space<hbm>>)
      tpu.yield
    }) : () -> ()
    return
  }
}

#map = affine_map<(d0, d1) -> (0, 0)>
#map1 = affine_map<(d0, d1) -> (0)>
module attributes {stable_mosaic.version = 14 : i64} {
  func.func @_gather_body(%arg0: i32, %arg1: i32, %arg2: memref<10000x128xf32, #tpu.memory_space<hbm>>, %arg3: memref<2048xi32, #tpu.memory_space<hbm>>, %arg4: memref<2048x128xf32, #tpu.memory_space<hbm>>, %arg5: memref<64xi32, #tpu.memory_space<vmem>>, %arg6: memref<64x128xf32, #tpu.memory_space<vmem>>, %arg7: memref<!tpu.dma_semaphore, #tpu.memory_space<semaphore_mem>>) attributes {dimension_semantics = [#tpu.dimension_semantics<core_parallel>, #tpu.dimension_semantics<subcore_parallel>], iteration_bounds = array<i64: 2, 16>, scalar_prefetch = 0 : i64, scratch_operands = 3 : i64, tpu.core_type = #tpu.core_type<sc_vector_subcore>, window_params = [{transform_indices = #map}, {transform_indices = #map1}, {transform_indices = #map}]} {
    %mul3A = arith.constant 2 : i32
    %mul3A_0 = arith.muli %arg1, %mul3A : i32
    %add3A = arith.addi %mul3A_0, %arg0 : i32
    %mul3A_1 = arith.constant 64 : i32
    %mul3A_2 = arith.muli %add3A, %mul3A_1 : i32
    "tpu.region"() ({
      %run_scoped3A = tpu.sem_alloc : memref<!tpu.dma_semaphore, #tpu.memory_space<semaphore_mem>>
      %dma_start3A_7 = tpu.memref_slice %arg3[%mul3A_2] : memref<2048xi32, #tpu.memory_space<hbm>> -> memref<64xi32, #tpu.memory_space<hbm>>
      %dma_start3A_8 = tpu.memref_slice %arg3[%mul3A_2] : memref<2048xi32, #tpu.memory_space<hbm>> -> memref<64xi32, #tpu.memory_space<hbm>>
      tpu.enqueue_dma source(%dma_start3A_8 : memref<64xi32, #tpu.memory_space<hbm>>) target(%arg5 : memref<64xi32, #tpu.memory_space<vmem>>) target_semaphore(%run_scoped3A : memref<!tpu.dma_semaphore, #tpu.memory_space<semaphore_mem>>)
      %dma_wait3A_9 = tpu.memref_slice %arg3[%mul3A_2] : memref<2048xi32, #tpu.memory_space<hbm>> -> memref<64xi32, #tpu.memory_space<hbm>>
      %dma_wait3A_10 = tpu.memref_slice %arg3[%mul3A_2] : memref<2048xi32, #tpu.memory_space<hbm>> -> memref<64xi32, #tpu.memory_space<hbm>>
      tpu.wait_dma2 semaphore(%run_scoped3A : memref<!tpu.dma_semaphore, #tpu.memory_space<semaphore_mem>>) src(%dma_wait3A_10 : memref<64xi32, #tpu.memory_space<hbm>>) dst(%arg5 : memref<64xi32, #tpu.memory_space<vmem>>)
      tpu.yield
    }) : () -> ()
    %dma_start3A = arith.constant 0 : i32
    %dma_start3A_3 = arith.constant 0 : i32
    %dma_start3A_4 = tpu.memref_slice %arg2[%dma_start3A, %dma_start3A_3] : memref<10000x128xf32, #tpu.memory_space<hbm>> -> memref<10000x128xf32, #tpu.memory_space<hbm>>
    tpu.enqueue_indirect_dma source(%dma_start3A_4 : memref<10000x128xf32, #tpu.memory_space<hbm>>) target(%arg6 : memref<64x128xf32, #tpu.memory_space<vmem>>) offsets(%arg5 : memref<64xi32, #tpu.memory_space<vmem>>) semaphore(%arg7 : memref<!tpu.dma_semaphore, #tpu.memory_space<semaphore_mem>>)
    %dma_wait3A = arith.constant 0 : i32
    %dma_wait3A_5 = arith.constant 0 : i32
    %dma_wait3A_6 = tpu.memref_slice %arg2[%dma_wait3A, %dma_wait3A_5] : memref<10000x128xf32, #tpu.memory_space<hbm>> -> memref<10000x128xf32, #tpu.memory_space<hbm>>
    tpu.wait_indirect_dma semaphore(%arg7 : memref<!tpu.dma_semaphore, #tpu.memory_space<semaphore_mem>>) src(%dma_wait3A_6 : memref<10000x128xf32, #tpu.memory_space<hbm>>) dst(%arg6 : memref<64x128xf32, #tpu.memory_space<vmem>>)
    "tpu.region"() ({
      %run_scoped3A = tpu.sem_alloc : memref<!tpu.dma_semaphore, #tpu.memory_space<semaphore_mem>>
      %dma_start3A_7 = arith.constant 0 : i32
      %dma_start3A_8 = tpu.memref_slice %arg4[%mul3A_2, %dma_start3A_7] : memref<2048x128xf32, #tpu.memory_space<hbm>> -> memref<64x128xf32, #tpu.memory_space<hbm>>
      %dma_start3A_9 = arith.constant 0 : i32
      %dma_start3A_10 = tpu.memref_slice %arg4[%mul3A_2, %dma_start3A_9] : memref<2048x128xf32, #tpu.memory_space<hbm>> -> memref<64x128xf32, #tpu.memory_space<hbm>>
      tpu.enqueue_dma source(%arg6 : memref<64x128xf32, #tpu.memory_space<vmem>>) target(%dma_start3A_10 : memref<64x128xf32, #tpu.memory_space<hbm>>) target_semaphore(%run_scoped3A : memref<!tpu.dma_semaphore, #tpu.memory_space<semaphore_mem>>)
      %dma_wait3A_11 = arith.constant 0 : i32
      %dma_wait3A_12 = tpu.memref_slice %arg4[%mul3A_2, %dma_wait3A_11] : memref<2048x128xf32, #tpu.memory_space<hbm>> -> memref<64x128xf32, #tpu.memory_space<hbm>>
      %dma_wait3A_13 = arith.constant 0 : i32
      %dma_wait3A_14 = tpu.memref_slice %arg4[%mul3A_2, %dma_wait3A_13] : memref<2048x128xf32, #tpu.memory_space<hbm>> -> memref<64x128xf32, #tpu.memory_space<hbm>>
      tpu.wait_dma2 semaphore(%run_scoped3A : memref<!tpu.dma_semaphore, #tpu.memory_space<semaphore_mem>>) src(%arg6 : memref<64x128xf32, #tpu.memory_space<vmem>>) dst(%dma_wait3A_14 : memref<64x128xf32, #tpu.memory_space<hbm>>)
      tpu.yield
    }) : () -> ()
    return
  }
}

module attributes {stable_mosaic.version = 14 : i64} {
  func.func @_proj_body(%arg0: i32, %arg1: memref<1000x128xf32, #tpu.memory_space<vmem>>, %arg2: memref<128x128xf32, #tpu.memory_space<vmem>>, %arg3: memref<1x128xf32, #tpu.memory_space<vmem>>, %arg4: memref<128x128xf32, #tpu.memory_space<vmem>>, %arg5: memref<1x128xf32, #tpu.memory_space<vmem>>, %arg6: memref<128x128xf32, #tpu.memory_space<vmem>>, %arg7: memref<1x128xf32, #tpu.memory_space<vmem>>, %arg8: memref<128x128xf32, #tpu.memory_space<vmem>>, %arg9: memref<1x128xf32, #tpu.memory_space<vmem>>, %arg10: memref<128x128xf32, #tpu.memory_space<vmem>>, %arg11: memref<128x128xf32, #tpu.memory_space<vmem>>, %arg12: memref<1000x128xf32, #tpu.memory_space<vmem>>, %arg13: memref<1000x128xf32, #tpu.memory_space<vmem>>, %arg14: memref<1000x128xf32, #tpu.memory_space<vmem>>, %arg15: memref<1000x128xf32, #tpu.memory_space<vmem>>) attributes {dimension_semantics = [#tpu.dimension_semantics<arbitrary>], iteration_bounds = array<i64: 10>, scalar_prefetch = 0 : i64, scratch_operands = 0 : i64, tpu.core_type = #tpu.core_type<tc>, window_params = [{transform_indices = @transform_0, window_bounds = array<i64: 1000, 128>}, {pipeline_mode = #tpu.pipeline_mode<synchronous>, transform_indices = @transform_1, window_bounds = array<i64: 128, 128>}, {pipeline_mode = #tpu.pipeline_mode<synchronous>, transform_indices = @transform_2, window_bounds = array<i64: 1, 128>}, {pipeline_mode = #tpu.pipeline_mode<synchronous>, transform_indices = @transform_3, window_bounds = array<i64: 128, 128>}, {pipeline_mode = #tpu.pipeline_mode<synchronous>, transform_indices = @transform_4, window_bounds = array<i64: 1, 128>}, {pipeline_mode = #tpu.pipeline_mode<synchronous>, transform_indices = @transform_5, window_bounds = array<i64: 128, 128>}, {pipeline_mode = #tpu.pipeline_mode<synchronous>, transform_indices = @transform_6, window_bounds = array<i64: 1, 128>}, {pipeline_mode = #tpu.pipeline_mode<synchronous>, transform_indices = @transform_7, window_bounds = array<i64: 128, 128>}, {pipeline_mode = #tpu.pipeline_mode<synchronous>, transform_indices = @transform_8, window_bounds = array<i64: 1, 128>}, {pipeline_mode = #tpu.pipeline_mode<synchronous>, transform_indices = @transform_9, window_bounds = array<i64: 128, 128>}, {pipeline_mode = #tpu.pipeline_mode<synchronous>, transform_indices = @transform_10, window_bounds = array<i64: 128, 128>}, {transform_indices = @transform_11, window_bounds = array<i64: 1000, 128>}, {transform_indices = @transform_12, window_bounds = array<i64: 1000, 128>}, {transform_indices = @transform_13, window_bounds = array<i64: 1000, 128>}, {transform_indices = @transform_14, window_bounds = array<i64: 1000, 128>}]} {
    %get3A = arith.constant 0 : index
    %get3A_0 = arith.constant 0 : index
    %get3A_1 = vector.load %arg1[%get3A, %get3A_0] : memref<1000x128xf32, #tpu.memory_space<vmem>>, vector<1000x128xf32>
    %get3A_2 = arith.constant 0 : index
    %get3A_3 = arith.constant 0 : index
    %get3A_4 = vector.load %arg2[%get3A_2, %get3A_3] : memref<128x128xf32, #tpu.memory_space<vmem>>, vector<128x128xf32>
    %dot_general3A = arith.constant dense<0.000000e+00> : vector<1000x128xf32>
    %dot_general3A_5 = tpu.matmul %get3A_1, %get3A_4, %dot_general3A {dimension_numbers = #tpu.dot_dimension_numbers<[1], [0], [0], [1], [0, 0, 1, 1], [], []>, transpose_lhs_hint = false} : vector<1000x128xf32>, vector<128x128xf32>, vector<1000x128xf32> -> vector<1000x128xf32>
    %get3A_6 = arith.constant 0 : index
    %get3A_7 = arith.constant 0 : index
    %get3A_8 = vector.load %arg3[%get3A_6, %get3A_7] : memref<1x128xf32, #tpu.memory_space<vmem>>, vector<1x128xf32>
    %add3A = vector.broadcast %get3A_8 : vector<1x128xf32> to vector<1000x128xf32>
    %add3A_9 = arith.addf %dot_general3A_5, %add3A : vector<1000x128xf32>
    %get3A_10 = arith.constant 0 : index
    %get3A_11 = arith.constant 0 : index
    %get3A_12 = vector.load %arg4[%get3A_10, %get3A_11] : memref<128x128xf32, #tpu.memory_space<vmem>>, vector<128x128xf32>
    %dot_general3A_13 = arith.constant dense<0.000000e+00> : vector<1000x128xf32>
    %dot_general3A_14 = tpu.matmul %add3A_9, %get3A_12, %dot_general3A_13 {dimension_numbers = #tpu.dot_dimension_numbers<[1], [0], [0], [1], [0, 0, 1, 1], [], []>, transpose_lhs_hint = false} : vector<1000x128xf32>, vector<128x128xf32>, vector<1000x128xf32> -> vector<1000x128xf32>
    %get3A_15 = arith.constant 0 : index
    %get3A_16 = arith.constant 0 : index
    %get3A_17 = vector.load %arg5[%get3A_15, %get3A_16] : memref<1x128xf32, #tpu.memory_space<vmem>>, vector<1x128xf32>
    %add3A_18 = vector.broadcast %get3A_17 : vector<1x128xf32> to vector<1000x128xf32>
    %add3A_19 = arith.addf %dot_general3A_14, %add3A_18 : vector<1000x128xf32>
    %get3A_20 = arith.constant 0 : index
    %get3A_21 = arith.constant 0 : index
    %get3A_22 = vector.load %arg6[%get3A_20, %get3A_21] : memref<128x128xf32, #tpu.memory_space<vmem>>, vector<128x128xf32>
    %dot_general3A_23 = arith.constant dense<0.000000e+00> : vector<1000x128xf32>
    %dot_general3A_24 = tpu.matmul %add3A_9, %get3A_22, %dot_general3A_23 {dimension_numbers = #tpu.dot_dimension_numbers<[1], [0], [0], [1], [0, 0, 1, 1], [], []>, transpose_lhs_hint = false} : vector<1000x128xf32>, vector<128x128xf32>, vector<1000x128xf32> -> vector<1000x128xf32>
    %get3A_25 = arith.constant 0 : index
    %get3A_26 = arith.constant 0 : index
    %get3A_27 = vector.load %arg7[%get3A_25, %get3A_26] : memref<1x128xf32, #tpu.memory_space<vmem>>, vector<1x128xf32>
    %add3A_28 = vector.broadcast %get3A_27 : vector<1x128xf32> to vector<1000x128xf32>
    %add3A_29 = arith.addf %dot_general3A_24, %add3A_28 : vector<1000x128xf32>
    %get3A_30 = arith.constant 0 : index
    %get3A_31 = arith.constant 0 : index
    %get3A_32 = vector.load %arg8[%get3A_30, %get3A_31] : memref<128x128xf32, #tpu.memory_space<vmem>>, vector<128x128xf32>
    %dot_general3A_33 = arith.constant dense<0.000000e+00> : vector<1000x128xf32>
    %dot_general3A_34 = tpu.matmul %add3A_9, %get3A_32, %dot_general3A_33 {dimension_numbers = #tpu.dot_dimension_numbers<[1], [0], [0], [1], [0, 0, 1, 1], [], []>, transpose_lhs_hint = false} : vector<1000x128xf32>, vector<128x128xf32>, vector<1000x128xf32> -> vector<1000x128xf32>
    %get3A_35 = arith.constant 0 : index
    %get3A_36 = arith.constant 0 : index
    %get3A_37 = vector.load %arg9[%get3A_35, %get3A_36] : memref<1x128xf32, #tpu.memory_space<vmem>>, vector<1x128xf32>
    %add3A_38 = vector.broadcast %get3A_37 : vector<1x128xf32> to vector<1000x128xf32>
    %add3A_39 = arith.addf %dot_general3A_34, %add3A_38 : vector<1000x128xf32>
    %swap3A = arith.constant 0 : index
    %swap3A_40 = arith.constant 0 : index
    %swap3A_41 = vector.load %arg12[%swap3A, %swap3A_40] : memref<1000x128xf32, #tpu.memory_space<vmem>>, vector<1000x128xf32>
    tpu.vector_store %arg12[%swap3A, %swap3A_40], %add3A_9 {strides = array<i32>} : memref<1000x128xf32, #tpu.memory_space<vmem>>, vector<1000x128xf32>,
    %swap3A_42 = arith.constant 0 : index
    %swap3A_43 = arith.constant 0 : index
    %swap3A_44 = vector.load %arg13[%swap3A_42, %swap3A_43] : memref<1000x128xf32, #tpu.memory_space<vmem>>, vector<1000x128xf32>
    tpu.vector_store %arg13[%swap3A_42, %swap3A_43], %add3A_29 {strides = array<i32>} : memref<1000x128xf32, #tpu.memory_space<vmem>>, vector<1000x128xf32>,
    %get3A_45 = arith.constant 0 : index
    %get3A_46 = arith.constant 0 : index
    %get3A_47 = vector.load %arg10[%get3A_45, %get3A_46] : memref<128x128xf32, #tpu.memory_space<vmem>>, vector<128x128xf32>
    %dot_general3A_48 = arith.constant dense<0.000000e+00> : vector<1000x128xf32>
    %dot_general3A_49 = tpu.matmul %add3A_19, %get3A_47, %dot_general3A_48 {dimension_numbers = #tpu.dot_dimension_numbers<[1], [0], [0], [1], [0, 0, 1, 1], [], []>, transpose_lhs_hint = false} : vector<1000x128xf32>, vector<128x128xf32>, vector<1000x128xf32> -> vector<1000x128xf32>
    %swap3A_50 = arith.constant 0 : index
    %swap3A_51 = arith.constant 0 : index
    %swap3A_52 = vector.load %arg14[%swap3A_50, %swap3A_51] : memref<1000x128xf32, #tpu.memory_space<vmem>>, vector<1000x128xf32>
    tpu.vector_store %arg14[%swap3A_50, %swap3A_51], %dot_general3A_49 {strides = array<i32>} : memref<1000x128xf32, #tpu.memory_space<vmem>>, vector<1000x128xf32>,
    %get3A_53 = arith.constant 0 : index
    %get3A_54 = arith.constant 0 : index
    %get3A_55 = vector.load %arg11[%get3A_53, %get3A_54] : memref<128x128xf32, #tpu.memory_space<vmem>>, vector<128x128xf32>
    %dot_general3A_56 = arith.constant dense<0.000000e+00> : vector<1000x128xf32>
    %dot_general3A_57 = tpu.matmul %add3A_39, %get3A_55, %dot_general3A_56 {dimension_numbers = #tpu.dot_dimension_numbers<[1], [0], [0], [1], [0, 0, 1, 1], [], []>, transpose_lhs_hint = false} : vector<1000x128xf32>, vector<128x128xf32>, vector<1000x128xf32> -> vector<1000x128xf32>
    %swap3A_58 = arith.constant 0 : index
    %swap3A_59 = arith.constant 0 : index
    %swap3A_60 = vector.load %arg15[%swap3A_58, %swap3A_59] : memref<1000x128xf32, #tpu.memory_space<vmem>>, vector<1000x128xf32>
    tpu.vector_store %arg15[%swap3A_58, %swap3A_59], %dot_general3A_57 {strides = array<i32>} : memref<1000x128xf32, #tpu.memory_space<vmem>>, vector<1000x128xf32>,
    return
  }
  func.func @transform_0(%arg0: i32) -> (i32, i32) {
    %c0_i32 = arith.constant 0 : i32
    %c0_i32_0 = arith.constant 0 : i32
    return %arg0, %c0_i32 : i32, i32
  }
  func.func @transform_1(%arg0: i32) -> (i32, i32) {
    %c0_i32 = arith.constant 0 : i32
    %c0_i32_0 = arith.constant 0 : i32
    %c0_i32_1 = arith.constant 0 : i32
    return %c0_i32, %c0_i32_0 : i32, i32
  }
  func.func @transform_2(%arg0: i32) -> (i32, i32) {
    %c0_i32 = arith.constant 0 : i32
    %c0_i32_0 = arith.constant 0 : i32
    %c0_i32_1 = arith.constant 0 : i32
    return %c0_i32, %c0_i32_0 : i32, i32
  }
  func.func @transform_3(%arg0: i32) -> (i32, i32) {
    %c0_i32 = arith.constant 0 : i32
    %c0_i32_0 = arith.constant 0 : i32
    %c0_i32_1 = arith.constant 0 : i32
    return %c0_i32, %c0_i32_0 : i32, i32
  }
  func.func @transform_4(%arg0: i32) -> (i32, i32) {
    %c0_i32 = arith.constant 0 : i32
    %c0_i32_0 = arith.constant 0 : i32
    %c0_i32_1 = arith.constant 0 : i32
    return %c0_i32, %c0_i32_0 : i32, i32
  }
  func.func @transform_5(%arg0: i32) -> (i32, i32) {
    %c0_i32 = arith.constant 0 : i32
    %c0_i32_0 = arith.constant 0 : i32
    %c0_i32_1 = arith.constant 0 : i32
    return %c0_i32, %c0_i32_0 : i32, i32
  }
  func.func @transform_6(%arg0: i32) -> (i32, i32) {
    %c0_i32 = arith.constant 0 : i32
    %c0_i32_0 = arith.constant 0 : i32
    %c0_i32_1 = arith.constant 0 : i32
    return %c0_i32, %c0_i32_0 : i32, i32
  }
  func.func @transform_7(%arg0: i32) -> (i32, i32) {
    %c0_i32 = arith.constant 0 : i32
    %c0_i32_0 = arith.constant 0 : i32
    %c0_i32_1 = arith.constant 0 : i32
    return %c0_i32, %c0_i32_0 : i32, i32
  }
  func.func @transform_8(%arg0: i32) -> (i32, i32) {
    %c0_i32 = arith.constant 0 : i32
    %c0_i32_0 = arith.constant 0 : i32
    %c0_i32_1 = arith.constant 0 : i32
    return %c0_i32, %c0_i32_0 : i32, i32
  }
  func.func @transform_9(%arg0: i32) -> (i32, i32) {
    %c0_i32 = arith.constant 0 : i32
    %c0_i32_0 = arith.constant 0 : i32
    %c0_i32_1 = arith.constant 0 : i32
    return %c0_i32, %c0_i32_0 : i32, i32
  }
  func.func @transform_10(%arg0: i32) -> (i32, i32) {
    %c0_i32 = arith.constant 0 : i32
    %c0_i32_0 = arith.constant 0 : i32
    %c0_i32_1 = arith.constant 0 : i32
    return %c0_i32, %c0_i32_0 : i32, i32
  }
  func.func @transform_11(%arg0: i32) -> (i32, i32) {
    %c0_i32 = arith.constant 0 : i32
    %c0_i32_0 = arith.constant 0 : i32
    return %arg0, %c0_i32 : i32, i32
  }
  func.func @transform_12(%arg0: i32) -> (i32, i32) {
    %c0_i32 = arith.constant 0 : i32
    %c0_i32_0 = arith.constant 0 : i32
    return %arg0, %c0_i32 : i32, i32
  }
  func.func @transform_13(%arg0: i32) -> (i32, i32) {
    %c0_i32 = arith.constant 0 : i32
    %c0_i32_0 = arith.constant 0 : i32
    return %arg0, %c0_i32 : i32, i32
  }
  func.func @transform_14(%arg0: i32) -> (i32, i32) {
    %c0_i32 = arith.constant 0 : i32
    %c0_i32_0 = arith.constant 0 : i32
    return %arg0, %c0_i32 : i32, i32
  }
}

module attributes {stable_mosaic.version = 14 : i64} {
  func.func @_combine_body(%arg0: i32, %arg1: memref<1000x128xf32, #tpu.memory_space<vmem>>, %arg2: memref<1000x128xf32, #tpu.memory_space<vmem>>, %arg3: memref<1000x128xf32, #tpu.memory_space<vmem>>, %arg4: memref<1000x128xf32, #tpu.memory_space<vmem>>, %arg5: memref<1000x128xf32, #tpu.memory_space<vmem>>, %arg6: memref<128x128xf32, #tpu.memory_space<vmem>>, %arg7: memref<1x128xf32, #tpu.memory_space<vmem>>, %arg8: memref<1x128xf32, #tpu.memory_space<vmem>>, %arg9: memref<128x128xf32, #tpu.memory_space<vmem>>, %arg10: memref<1000x128xf32, #tpu.memory_space<vmem>>) attributes {dimension_semantics = [#tpu.dimension_semantics<arbitrary>], iteration_bounds = array<i64: 10>, scalar_prefetch = 0 : i64, scratch_operands = 0 : i64, tpu.core_type = #tpu.core_type<tc>, window_params = [{transform_indices = @transform_0, window_bounds = array<i64: 1000, 128>}, {transform_indices = @transform_1, window_bounds = array<i64: 1000, 128>}, {transform_indices = @transform_2, window_bounds = array<i64: 1000, 128>}, {transform_indices = @transform_3, window_bounds = array<i64: 1000, 128>}, {transform_indices = @transform_4, window_bounds = array<i64: 1000, 128>}, {pipeline_mode = #tpu.pipeline_mode<synchronous>, transform_indices = @transform_5, window_bounds = array<i64: 128, 128>}, {pipeline_mode = #tpu.pipeline_mode<synchronous>, transform_indices = @transform_6, window_bounds = array<i64: 1, 128>}, {pipeline_mode = #tpu.pipeline_mode<synchronous>, transform_indices = @transform_7, window_bounds = array<i64: 1, 128>}, {pipeline_mode = #tpu.pipeline_mode<synchronous>, transform_indices = @transform_8, window_bounds = array<i64: 128, 128>}, {transform_indices = @transform_9, window_bounds = array<i64: 1000, 128>}]} {
    %get3A = arith.constant 0 : index
    %get3A_0 = arith.constant 0 : index
    %get3A_1 = vector.load %arg1[%get3A, %get3A_0] : memref<1000x128xf32, #tpu.memory_space<vmem>>, vector<1000x128xf32>
    %get3A_2 = arith.constant 0 : index
    %get3A_3 = arith.constant 0 : index
    %get3A_4 = vector.load %arg2[%get3A_2, %get3A_3] : memref<1000x128xf32, #tpu.memory_space<vmem>>, vector<1000x128xf32>
    %add3A = arith.addf %get3A_1, %get3A_4 : vector<1000x128xf32>
    %get3A_5 = arith.constant 0 : index
    %get3A_6 = arith.constant 0 : index
    %get3A_7 = vector.load %arg3[%get3A_5, %get3A_6] : memref<1000x128xf32, #tpu.memory_space<vmem>>, vector<1000x128xf32>
    %get3A_8 = arith.constant 0 : index
    %get3A_9 = arith.constant 0 : index
    %get3A_10 = vector.load %arg4[%get3A_8, %get3A_9] : memref<1000x128xf32, #tpu.memory_space<vmem>>, vector<1000x128xf32>
    %add3A_11 = arith.addf %get3A_7, %get3A_10 : vector<1000x128xf32>
    %slice3A = vector.extract_strided_slice %add3A_11 {offsets = [0, 0], sizes = [1000, 1], strides = [1, 1]} : vector<1000x128xf32> to vector<1000x1xf32>
    %add3A_12 = arith.constant 1.000000e-16 : f32
    %add3A_13 = vector.broadcast %add3A_12 : f32 to vector<1000x1xf32>
    %add3A_14 = arith.addf %slice3A, %add3A_13 : vector<1000x1xf32>
    %div3A = vector.broadcast %add3A_14 : vector<1000x1xf32> to vector<1000x128xf32>
    %div3A_15 = arith.divf %add3A, %div3A : vector<1000x128xf32>
    %integer_pow3A = arith.mulf %div3A_15, %div3A_15 : vector<1000x128xf32>
    %integer_pow3A_16 = arith.mulf %div3A_15, %integer_pow3A : vector<1000x128xf32>
    %mul3A = arith.constant 4.471500e-02 : f32
    %mul3A_17 = vector.broadcast %mul3A : f32 to vector<1000x128xf32>
    %mul3A_18 = arith.mulf %mul3A_17, %integer_pow3A_16 : vector<1000x128xf32>
    %add3A_19 = arith.addf %div3A_15, %mul3A_18 : vector<1000x128xf32>
    %mul3A_20 = arith.constant 0.797884583 : f32
    %mul3A_21 = vector.broadcast %mul3A_20 : f32 to vector<1000x128xf32>
    %mul3A_22 = arith.mulf %mul3A_21, %add3A_19 : vector<1000x128xf32>
    %tanh3A = math.tanh %mul3A_22 : vector<1000x128xf32>
    %add3A_23 = arith.constant 1.000000e+00 : f32
    %add3A_24 = vector.broadcast %add3A_23 : f32 to vector<1000x128xf32>
    %add3A_25 = arith.addf %add3A_24, %tanh3A : vector<1000x128xf32>
    %mul3A_26 = arith.constant 5.000000e-01 : f32
    %mul3A_27 = vector.broadcast %mul3A_26 : f32 to vector<1000x128xf32>
    %mul3A_28 = arith.mulf %mul3A_27, %add3A_25 : vector<1000x128xf32>
    %mul3A_29 = arith.mulf %div3A_15, %mul3A_28 : vector<1000x128xf32>
    %get3A_30 = arith.constant 0 : index
    %get3A_31 = arith.constant 0 : index
    %get3A_32 = vector.load %arg6[%get3A_30, %get3A_31] : memref<128x128xf32, #tpu.memory_space<vmem>>, vector<128x128xf32>
    %dot_general3A = arith.constant dense<0.000000e+00> : vector<1000x128xf32>
    %dot_general3A_33 = tpu.matmul %mul3A_29, %get3A_32, %dot_general3A {dimension_numbers = #tpu.dot_dimension_numbers<[1], [0], [0], [1], [0, 0, 1, 1], [], []>, transpose_lhs_hint = false} : vector<1000x128xf32>, vector<128x128xf32>, vector<1000x128xf32> -> vector<1000x128xf32>
    %get3A_34 = arith.constant 0 : index
    %get3A_35 = arith.constant 0 : index
    %get3A_36 = vector.load %arg7[%get3A_34, %get3A_35] : memref<1x128xf32, #tpu.memory_space<vmem>>, vector<1x128xf32>
    %add3A_37 = vector.broadcast %get3A_36 : vector<1x128xf32> to vector<1000x128xf32>
    %add3A_38 = arith.addf %dot_general3A_33, %add3A_37 : vector<1000x128xf32>
    %get3A_39 = arith.constant 0 : index
    %get3A_40 = arith.constant 0 : index
    %get3A_41 = vector.load %arg8[%get3A_39, %get3A_40] : memref<1x128xf32, #tpu.memory_space<vmem>>, vector<1x128xf32>
    %get3A_42 = arith.constant 0 : index
    %get3A_43 = arith.constant 0 : index
    %get3A_44 = vector.load %arg5[%get3A_42, %get3A_43] : memref<1000x128xf32, #tpu.memory_space<vmem>>, vector<1000x128xf32>
    %mul3A_45 = vector.broadcast %get3A_41 : vector<1x128xf32> to vector<1000x128xf32>
    %mul3A_46 = arith.mulf %mul3A_45, %get3A_44 : vector<1000x128xf32>
    %add3A_47 = arith.addf %add3A_38, %mul3A_46 : vector<1000x128xf32>
    %get3A_48 = arith.constant 0 : index
    %get3A_49 = arith.constant 0 : index
    %get3A_50 = vector.load %arg9[%get3A_48, %get3A_49] : memref<128x128xf32, #tpu.memory_space<vmem>>, vector<128x128xf32>
    %dot_general3A_51 = arith.constant dense<0.000000e+00> : vector<1000x128xf32>
    %dot_general3A_52 = tpu.matmul %add3A_47, %get3A_50, %dot_general3A_51 {dimension_numbers = #tpu.dot_dimension_numbers<[1], [0], [0], [1], [0, 0, 1, 1], [], []>, transpose_lhs_hint = false} : vector<1000x128xf32>, vector<128x128xf32>, vector<1000x128xf32> -> vector<1000x128xf32>
    %swap3A = arith.constant 0 : index
    %swap3A_53 = arith.constant 0 : index
    %swap3A_54 = vector.load %arg10[%swap3A, %swap3A_53] : memref<1000x128xf32, #tpu.memory_space<vmem>>, vector<1000x128xf32>
    tpu.vector_store %arg10[%swap3A, %swap3A_53], %dot_general3A_52 {strides = array<i32>} : memref<1000x128xf32, #tpu.memory_space<vmem>>, vector<1000x128xf32>,
    return
  }
  func.func @transform_0(%arg0: i32) -> (i32, i32) {
    %c0_i32 = arith.constant 0 : i32
    %c0_i32_0 = arith.constant 0 : i32
    return %arg0, %c0_i32 : i32, i32
  }
  func.func @transform_1(%arg0: i32) -> (i32, i32) {
    %c0_i32 = arith.constant 0 : i32
    %c0_i32_0 = arith.constant 0 : i32
    return %arg0, %c0_i32 : i32, i32
  }
  func.func @transform_2(%arg0: i32) -> (i32, i32) {
    %c0_i32 = arith.constant 0 : i32
    %c0_i32_0 = arith.constant 0 : i32
    return %arg0, %c0_i32 : i32, i32
  }
  func.func @transform_3(%arg0: i32) -> (i32, i32) {
    %c0_i32 = arith.constant 0 : i32
    %c0_i32_0 = arith.constant 0 : i32
    return %arg0, %c0_i32 : i32, i32
  }
  func.func @transform_4(%arg0: i32) -> (i32, i32) {
    %c0_i32 = arith.constant 0 : i32
    %c0_i32_0 = arith.constant 0 : i32
    return %arg0, %c0_i32 : i32, i32
  }
  func.func @transform_5(%arg0: i32) -> (i32, i32) {
    %c0_i32 = arith.constant 0 : i32
    %c0_i32_0 = arith.constant 0 : i32
    %c0_i32_1 = arith.constant 0 : i32
    return %c0_i32, %c0_i32_0 : i32, i32
  }
  func.func @transform_6(%arg0: i32) -> (i32, i32) {
    %c0_i32 = arith.constant 0 : i32
    %c0_i32_0 = arith.constant 0 : i32
    %c0_i32_1 = arith.constant 0 : i32
    return %c0_i32, %c0_i32_0 : i32, i32
  }
  func.func @transform_7(%arg0: i32) -> (i32, i32) {
    %c0_i32 = arith.constant 0 : i32
    %c0_i32_0 = arith.constant 0 : i32
    %c0_i32_1 = arith.constant 0 : i32
    return %c0_i32, %c0_i32_0 : i32, i32
  }
  func.func @transform_8(%arg0: i32) -> (i32, i32) {
    %c0_i32 = arith.constant 0 : i32
    %c0_i32_0 = arith.constant 0 : i32
    %c0_i32_1 = arith.constant 0 : i32
    return %c0_i32, %c0_i32_0 : i32, i32
  }
  func.func @transform_9(%arg0: i32) -> (i32, i32) {
    %c0_i32 = arith.constant 0 : i32
    %c0_i32_0 = arith.constant 0 : i32
    return %arg0, %c0_i32 : i32, i32
  }
}

module attributes {stable_mosaic.version = 14 : i64} {
  func.func @_zh_body(%arg0: i32, %arg1: memref<1000x128xf32, #tpu.memory_space<vmem>>, %arg2: memref<1000x128xf32, #tpu.memory_space<vmem>>, %arg3: memref<128x128xf32, #tpu.memory_space<vmem>>, %arg4: memref<1000x128xf32, #tpu.memory_space<vmem>>) attributes {dimension_semantics = [#tpu.dimension_semantics<arbitrary>], iteration_bounds = array<i64: 10>, scalar_prefetch = 0 : i64, scratch_operands = 0 : i64, tpu.core_type = #tpu.core_type<tc>, window_params = [{transform_indices = @transform_0, window_bounds = array<i64: 1000, 128>}, {transform_indices = @transform_1, window_bounds = array<i64: 1000, 128>}, {pipeline_mode = #tpu.pipeline_mode<synchronous>, transform_indices = @transform_2, window_bounds = array<i64: 128, 128>}, {transform_indices = @transform_3, window_bounds = array<i64: 1000, 128>}]} {
    %get3A = arith.constant 0 : index
    %get3A_0 = arith.constant 0 : index
    %get3A_1 = vector.load %arg1[%get3A, %get3A_0] : memref<1000x128xf32, #tpu.memory_space<vmem>>, vector<1000x128xf32>
    %get3A_2 = arith.constant 0 : index
    %get3A_3 = arith.constant 0 : index
    %get3A_4 = vector.load %arg2[%get3A_2, %get3A_3] : memref<1000x128xf32, #tpu.memory_space<vmem>>, vector<1000x128xf32>
    %add3A = arith.addf %get3A_1, %get3A_4 : vector<1000x128xf32>
    %get3A_5 = arith.constant 0 : index
    %get3A_6 = arith.constant 0 : index
    %get3A_7 = vector.load %arg3[%get3A_5, %get3A_6] : memref<128x128xf32, #tpu.memory_space<vmem>>, vector<128x128xf32>
    %dot_general3A = arith.constant dense<0.000000e+00> : vector<1000x128xf32>
    %dot_general3A_8 = tpu.matmul %add3A, %get3A_7, %dot_general3A {dimension_numbers = #tpu.dot_dimension_numbers<[1], [0], [0], [1], [0, 0, 1, 1], [], []>, transpose_lhs_hint = false} : vector<1000x128xf32>, vector<128x128xf32>, vector<1000x128xf32> -> vector<1000x128xf32>
    %swap3A = arith.constant 0 : index
    %swap3A_9 = arith.constant 0 : index
    %swap3A_10 = vector.load %arg4[%swap3A, %swap3A_9] : memref<1000x128xf32, #tpu.memory_space<vmem>>, vector<1000x128xf32>
    tpu.vector_store %arg4[%swap3A, %swap3A_9], %dot_general3A_8 {strides = array<i32>} : memref<1000x128xf32, #tpu.memory_space<vmem>>, vector<1000x128xf32>,
    return
  }
  func.func @transform_0(%arg0: i32) -> (i32, i32) {
    %c0_i32 = arith.constant 0 : i32
    %c0_i32_0 = arith.constant 0 : i32
    return %arg0, %c0_i32 : i32, i32
  }
  func.func @transform_1(%arg0: i32) -> (i32, i32) {
    %c0_i32 = arith.constant 0 : i32
    %c0_i32_0 = arith.constant 0 : i32
    return %arg0, %c0_i32 : i32, i32
  }
  func.func @transform_2(%arg0: i32) -> (i32, i32) {
    %c0_i32 = arith.constant 0 : i32
    %c0_i32_0 = arith.constant 0 : i32
    %c0_i32_1 = arith.constant 0 : i32
    return %c0_i32, %c0_i32_0 : i32, i32
  }
  func.func @transform_3(%arg0: i32) -> (i32, i32) {
    %c0_i32 = arith.constant 0 : i32
    %c0_i32_0 = arith.constant 0 : i32
    return %arg0, %c0_i32 : i32, i32
  }
}

module attributes {stable_mosaic.version = 14 : i64} {
  func.func @_zm_body(%arg0: i32, %arg1: memref<1000x128xf32, #tpu.memory_space<vmem>>, %arg2: memref<1000x128xf32, #tpu.memory_space<vmem>>, %arg3: memref<1000x128xf32, #tpu.memory_space<vmem>>) attributes {dimension_semantics = [#tpu.dimension_semantics<arbitrary>], iteration_bounds = array<i64: 10>, scalar_prefetch = 0 : i64, scratch_operands = 0 : i64, tpu.core_type = #tpu.core_type<tc>, window_params = [{transform_indices = @transform_0, window_bounds = array<i64: 1000, 128>}, {transform_indices = @transform_1, window_bounds = array<i64: 1000, 128>}, {transform_indices = @transform_2, window_bounds = array<i64: 1000, 128>}]} {
    %get3A = arith.constant 0 : index
    %get3A_0 = arith.constant 0 : index
    %get3A_1 = vector.load %arg1[%get3A, %get3A_0] : memref<1000x128xf32, #tpu.memory_space<vmem>>, vector<1000x128xf32>
    %get3A_2 = arith.constant 0 : index
    %get3A_3 = arith.constant 0 : index
    %get3A_4 = vector.load %arg2[%get3A_2, %get3A_3] : memref<1000x128xf32, #tpu.memory_space<vmem>>, vector<1000x128xf32>
    %add3A = arith.addf %get3A_1, %get3A_4 : vector<1000x128xf32>
    %swap3A = arith.constant 0 : index
    %swap3A_5 = arith.constant 0 : index
    %swap3A_6 = vector.load %arg3[%swap3A, %swap3A_5] : memref<1000x128xf32, #tpu.memory_space<vmem>>, vector<1000x128xf32>
    tpu.vector_store %arg3[%swap3A, %swap3A_5], %add3A {strides = array<i32>} : memref<1000x128xf32, #tpu.memory_space<vmem>>, vector<1000x128xf32>,
    return
  }
  func.func @transform_0(%arg0: i32) -> (i32, i32) {
    %c0_i32 = arith.constant 0 : i32
    %c0_i32_0 = arith.constant 0 : i32
    return %arg0, %c0_i32 : i32, i32
  }
  func.func @transform_1(%arg0: i32) -> (i32, i32) {
    %c0_i32 = arith.constant 0 : i32
    %c0_i32_0 = arith.constant 0 : i32
    return %arg0, %c0_i32 : i32, i32
  }
  func.func @transform_2(%arg0: i32) -> (i32, i32) {
    %c0_i32 = arith.constant 0 : i32
    %c0_i32_0 = arith.constant 0 : i32
    return %arg0, %c0_i32 : i32, i32
  }
}

module attributes {stable_mosaic.version = 14 : i64} {
  func.func @_gram_body(%arg0: i32, %arg1: i32, %arg2: memref<512x128xf32, #tpu.memory_space<vmem>>, %arg3: memref<512x128xf32, #tpu.memory_space<vmem>>, %arg4: memref<1x1xf32, #tpu.memory_space<vmem>>, %arg5: memref<512x512xf32, #tpu.memory_space<vmem>>, %arg6: memref<512x512xf32, #tpu.memory_space<vmem>>) attributes {dimension_semantics = [#tpu.dimension_semantics<arbitrary>, #tpu.dimension_semantics<arbitrary>], iteration_bounds = array<i64: 4, 4>, scalar_prefetch = 0 : i64, scratch_operands = 0 : i64, tpu.core_type = #tpu.core_type<tc>, window_params = [{transform_indices = @transform_0, window_bounds = array<i64: 512, 128>}, {transform_indices = @transform_1, window_bounds = array<i64: 512, 128>}, {pipeline_mode = #tpu.pipeline_mode<synchronous>, transform_indices = @transform_2, window_bounds = array<i64: 1, 1>}, {transform_indices = @transform_3, window_bounds = array<i64: 512, 512>}, {transform_indices = @transform_4, window_bounds = array<i64: 512, 512>}]} {
    %get3A = arith.constant 0 : index
    %get3A_0 = arith.constant 0 : index
    %get3A_1 = vector.load %arg2[%get3A, %get3A_0] : memref<512x128xf32, #tpu.memory_space<vmem>>, vector<512x128xf32>
    %get3A_2 = arith.constant 0 : index
    %get3A_3 = arith.constant 0 : index
    %get3A_4 = vector.load %arg3[%get3A_2, %get3A_3] : memref<512x128xf32, #tpu.memory_space<vmem>>, vector<512x128xf32>
    %dot_general3A = arith.constant dense<0.000000e+00> : vector<512x512xf32>
    %dot_general3A_5 = tpu.matmul %get3A_1, %get3A_4, %dot_general3A {dimension_numbers = #tpu.dot_dimension_numbers<[1], [1], [0], [0], [0, 0, 1, 0], [], []>, transpose_lhs_hint = false} : vector<512x128xf32>, vector<512x128xf32>, vector<512x512xf32> -> vector<512x512xf32>
    %mul3A = arith.mulf %get3A_1, %get3A_1 : vector<512x128xf32>
    %reduce_sum3A = arith.constant dense<0.000000e+00> : vector<512xf32>
    %reduce_sum3A_6 = vector.multi_reduction <add>, %mul3A, %reduce_sum3A [1] : vector<512x128xf32> to vector<512xf32>
    %broadcast_in_dim3A = vector.shape_cast %reduce_sum3A_6 : vector<512xf32> to vector<512x1xf32>
    %mul3A_7 = arith.mulf %get3A_4, %get3A_4 : vector<512x128xf32>
    %reduce_sum3A_8 = arith.constant dense<0.000000e+00> : vector<512xf32>
    %reduce_sum3A_9 = vector.multi_reduction <add>, %mul3A_7, %reduce_sum3A_8 [1] : vector<512x128xf32> to vector<512xf32>
    %broadcast_in_dim3A_10 = vector.shape_cast %reduce_sum3A_9 : vector<512xf32> to vector<1x512xf32>
    %add3A = vector.broadcast %broadcast_in_dim3A : vector<512x1xf32> to vector<512x512xf32>
    %add3A_11 = vector.broadcast %broadcast_in_dim3A_10 : vector<1x512xf32> to vector<512x512xf32>
    %add3A_12 = arith.addf %add3A, %add3A_11 : vector<512x512xf32>
    %mul3A_13 = arith.constant 2.000000e+00 : f32
    %mul3A_14 = vector.broadcast %mul3A_13 : f32 to vector<512x512xf32>
    %mul3A_15 = arith.mulf %mul3A_14, %dot_general3A_5 : vector<512x512xf32>
    %sub3A = arith.subf %add3A_12, %mul3A_15 : vector<512x512xf32>
    %swap3A = arith.constant 0 : index
    %swap3A_16 = arith.constant 0 : index
    %swap3A_17 = vector.load %arg5[%swap3A, %swap3A_16] : memref<512x512xf32, #tpu.memory_space<vmem>>, vector<512x512xf32>
    tpu.vector_store %arg5[%swap3A, %swap3A_16], %dot_general3A_5 {strides = array<i32>} : memref<512x512xf32, #tpu.memory_space<vmem>>, vector<512x512xf32>,
    %get3A_18 = arith.constant 0 : index
    %get3A_19 = arith.constant 0 : index
    %get3A_20 = vector.load %arg4[%get3A_18, %get3A_19] : memref<1x1xf32, #tpu.memory_space<vmem>>, vector<1x1xf32>
    %get3A_21 = vector.extract %get3A_20[0, 0] : f32 from vector<1x1xf32>
    %max3A = arith.constant 0.000000e+00 : f32
    %max3A_22 = vector.broadcast %max3A : f32 to vector<512x512xf32>
    %max3A_23 = arith.maximumf %sub3A, %max3A_22 : vector<512x512xf32>
    %mul3A_24 = vector.broadcast %get3A_21 : f32 to vector<512x512xf32>
    %mul3A_25 = arith.mulf %mul3A_24, %max3A_23 : vector<512x512xf32>
    %swap3A_26 = arith.constant 0 : index
    %swap3A_27 = arith.constant 0 : index
    %swap3A_28 = vector.load %arg6[%swap3A_26, %swap3A_27] : memref<512x512xf32, #tpu.memory_space<vmem>>, vector<512x512xf32>
    tpu.vector_store %arg6[%swap3A_26, %swap3A_27], %mul3A_25 {strides = array<i32>} : memref<512x512xf32, #tpu.memory_space<vmem>>, vector<512x512xf32>,
    return
  }
  func.func @transform_0(%arg0: i32, %arg1: i32) -> (i32, i32) {
    %c0_i32 = arith.constant 0 : i32
    %c0_i32_0 = arith.constant 0 : i32
    return %arg0, %c0_i32 : i32, i32
  }
  func.func @transform_1(%arg0: i32, %arg1: i32) -> (i32, i32) {
    %c0_i32 = arith.constant 0 : i32
    %c0_i32_0 = arith.constant 0 : i32
    return %arg1, %c0_i32 : i32, i32
  }
  func.func @transform_2(%arg0: i32, %arg1: i32) -> (i32, i32) {
    %c0_i32 = arith.constant 0 : i32
    %c0_i32_0 = arith.constant 0 : i32
    %c0_i32_1 = arith.constant 0 : i32
    return %c0_i32, %c0_i32_0 : i32, i32
  }
  func.func @transform_3(%arg0: i32, %arg1: i32) -> (i32, i32) {
    %c0_i32 = arith.constant 0 : i32
    return %arg0, %arg1 : i32, i32
  }
  func.func @transform_4(%arg0: i32, %arg1: i32) -> (i32, i32) {
    %c0_i32 = arith.constant 0 : i32
    return %arg0, %arg1 : i32, i32
  }
}

</mosaic_0001>

<sc_bundles>
// kernel: kernel.12.cloned.1.call-start
scs
__scs_entry_jumppad:
0x0: {  	(pc) =	sbr.rel $0x88, $3  }
0x1: {  	(tag) =	ssettag $0x0;
	lr =	simm.s32 $0x1  }
0x2: {  	[smem:$0x3F8A] =	sst lr;
	_ =	strace $0xD0000000  }
0x3: {  	_ = 	snop  }
0x4: {  	_ = 	snop  }
0x5: {  	_ = 	snop  }
0x6: {  	_ = 	snop  }
0x7: {  	_ = 	snop  }
__scs_overlays_trampoline_lowered:
0x8: {  	[smem:$0x3F99] =	sst s0  }
0x9: {  	[smem:$0x3F9A] =	sst s1  }
0xa: {  	[smem:$0x3F9B] =	sst s2  }
0xb: {  	[smem:$0x3F9C] =	sst s3  }
0xc: {  	[smem:$0x3F9D] =	sst s4  }
0xd: {  	[smem:$0x3F9E] =	sst s5  }
0xe: {  	[smem:$0x3F9F] =	sst s6  }
0xf: {  	[smem:$0x3FA0] =	sst s7  }
0x10: {  	[smem:$0x3FA1] =	sst s8  }
0x11: {  	[smem:$0x3FA2] =	sst s9;
	s0 =	simm.s32 @!p0 $0x0  }
0x12: {  	s1 =	sld [smem:$0x3F88];
	s0 =	simm.s32 @p0 $0x1  }
0x13: {  	[smem:$0x3FA3] =	sst s0;
	s0 =	simm.s32 @!p1 $0x0  }
0x14: {  	s2 =	sld [smem:$0x3F87];
	s0 =	simm.s32 @p1 $0x1  }
0x15: {  	[smem:$0x3FA4] =	sst s0;
	s0 =	simm.s32 @!p2 $0x0  }
0x16: {  	s3 =	sld [smem:$0x3FDB];
	s0 =	simm.s32 @p2 $0x1  }
0x17: {  	s4 =	simm.s32 $0x1BF5;
	[smem:$0x3FA6] =	sst s0  }
0x18: {  	s0 =	sld [smem:$0x3F89];
	_ =	swait.ge [sflag:s4], $0x0  }
0x19: {  	s7 =	sld [smem:$0x3F8A]  }
0x1a: {  	s8 =	sadd.s32 $0xFFFFE003, lr  }
0x1b: {  	s9 =	sadd.s32 $0xFFFFFEF7, lr;
	s5 =	simm.s32 $0xFFFFFFFF;
	p2 =	slt.u32 s8, $0xFFFFF086  }
0x1c: {  	p1 =	slt.u32 s9, $0xF7A;
	s5 =	simm.s32 @!p2 $0x0  }
0x1d: {  	s5 =	simm.s32 @p1 $0x1;
	p0 =	seq.s32 s7, s2  }
0x1e: {  	s7 =	smul.u32 @!p0 $0xF7A, s2;
	p2 =	seq.s32 @!p0 s5, $0x0  }
0x1f: {  	s9 =	smul.u32 $0xF7A, s1;
	s8 =	simm.s32 @!p0 $0x1BF5;
	p2 =	por !p2, p0  }
0x20: {  	[sflag:s8] =	ssyncset.s32 @!p0 $0xFFFFF086;
	s6 =	sadd.s32 @!p0 s3, s7;
	s7 =	simm.s32 @!p0 $0x108  }
0x21: {  	s3 =	sadd.s32 s3, s9;
	s6 =	sadd.s32 @!p0 $0x88, s6;
	s7 =	simm.s32 @p2 $0x1082  }
0x22: {  	[simem:s7], [sflag:s8] =	dma.local @!p0 [hbm:s6], $0xF7A  }
0x23: {  	s9 =	sor.u32 $0xD0000000, s2;
	s6 =	simm.s32 $0x108;
	_ =	swait.ge @!p0 [sflag:s8], $0x0  }
0x24: {  	s3 =	sadd.s32 $0x88, s3;
	s6 =	simm.s32 @!p1 $0x1082;
	[sflag:s4] =	ssyncset.s32 $0xFFFFF086  }
0x25: {  	[simem:s6], [sflag:s4] =	dma.local [hbm:s3], $0xF7A  }
0x26: {  	[smem:$0x3F8A] =	sst s1;
	(tag) =	ssettag s2;
	_ =	strace s9  }
0x27: {  	s1 =	sld [smem:$0x3F9A]  }
0x28: {  	s2 =	sld [smem:$0x3F9B]  }
0x29: {  	s4 =	sld [smem:$0x3F9D]  }
0x2a: {  	p0 =	seq.s32 s5, $0x0;
	s5 =	sld [smem:$0x3F9E]  }
0x2b: {  	s6 =	sld [smem:$0x3F9F]  }
0x2c: {  	s7 =	sld [smem:$0x3FA0]  }
0x2d: {  	s3 =	simm.s32 $0x108;
	s8 =	sld [smem:$0x3FA1]  }
0x2e: {  	s3 =	simm.s32 @!p0 $0x1082;
	s9 =	sld [smem:$0x3FA2]  }
0x2f: {  	lr =	sadd.s32 s0, s3;
	s0 =	sld [smem:$0x3F99]  }
0x30: {  	s3 =	sld [smem:$0x3F9C]  }
0x31: {  	[smem:$0x3FA5] =	sst s10  }
0x32: {  	s10 =	sld [smem:$0x3FA3];
	_ =	sdelay $0x3  }
0x33: {  	p0 =	seq.s32 s10, $0x1;
	s10 =	sld [smem:$0x3FA5];
	_ =	sdelay $0x3  }
0x34: {  	[smem:$0x3FA5] =	sst s10  }
0x35: {  	s10 =	sld [smem:$0x3FA4];
	_ =	sdelay $0x3  }
0x36: {  	p1 =	seq.s32 s10, $0x1;
	s10 =	sld [smem:$0x3FA5];
	_ =	sdelay $0x3  }
0x37: {  	[smem:$0x3FA5] =	sst s10  }
0x38: {  	s10 =	sld [smem:$0x3FA6]  }
0x39: {  	_ = 	snop;
	(pc) =	sbr.ind lr, $3  }
0x3a: {  	_ = 	snop  }
0x3b: {  	_ = 	snop  }
0x3c: {  	p2 =	seq.s32 s10, $0x1;
	s10 =	sld [smem:$0x3FA5]  }
0x3d: {  	_ =	shalt  }
0x3e: {  	_ =	shalt  }
0x3f: {  	_ =	shalt  }
0x40: {  	_ =	shalt  }
0x41: {  	_ =	shalt  }
0x42: {  	_ =	shalt  }
0x43: {  	_ =	shalt  }
0x44: {  	_ =	shalt  }
0x45: {  	_ =	shalt  }
0x46: {  	_ =	shalt  }
0x47: {  	_ =	shalt  }
0x48: {  	_ =	shalt  }
0x49: {  	_ =	shalt  }
0x4a: {  	_ =	shalt  }
0x4b: {  	_ =	shalt  }
0x4c: {  	_ =	shalt  }
0x4d: {  	_ =	shalt  }
0x4e: {  	_ =	shalt  }
0x4f: {  	_ =	shalt  }
0x50: {  	_ =	shalt  }
0x51: {  	_ =	shalt  }
0x52: {  	_ =	shalt  }
0x53: {  	_ =	shalt  }
0x54: {  	_ =	shalt  }
0x55: {  	_ =	shalt  }
0x56: {  	_ =	shalt  }
0x57: {  	_ =	shalt  }
0x58: {  	_ =	shalt  }
0x59: {  	_ =	shalt  }
0x5a: {  	_ =	shalt  }
0x5b: {  	_ =	shalt  }
0x5c: {  	_ =	shalt  }
0x5d: {  	_ =	shalt  }
0x5e: {  	_ =	shalt  }
0x5f: {  	_ =	shalt  }
0x60: {  	_ =	shalt  }
0x61: {  	_ =	shalt  }
0x62: {  	_ =	shalt  }
0x63: {  	_ =	shalt  }
0x64: {  	_ =	shalt  }
0x65: {  	_ =	shalt  }
0x66: {  	_ =	shalt  }
0x67: {  	_ =	shalt  }
0x68: {  	_ =	shalt  }
0x69: {  	_ =	shalt  }
0x6a: {  	_ =	shalt  }
0x6b: {  	_ =	shalt  }
0x6c: {  	_ =	shalt  }
0x6d: {  	_ =	shalt  }
0x6e: {  	_ =	shalt  }
0x6f: {  	_ =	shalt  }
0x70: {  	_ =	shalt  }
0x71: {  	_ =	shalt  }
0x72: {  	_ =	shalt  }
0x73: {  	_ =	shalt  }
0x74: {  	_ =	shalt  }
0x75: {  	_ =	shalt  }
0x76: {  	_ =	shalt  }
0x77: {  	_ =	shalt  }
0x78: {  	_ =	shalt  }
0x79: {  	_ =	shalt  }
0x7a: {  	_ =	shalt  }
0x7b: {  	_ =	shalt  }
0x7c: {  	_ =	shalt  }
0x7d: {  	_ =	shalt  }
0x7e: {  	_ =	shalt  }
0x7f: {  	_ =	shalt  }
0x80: {  	_ =	shalt  }
0x81: {  	_ =	shalt  }
0x82: {  	_ =	shalt  }
0x83: {  	_ =	shalt  }
0x84: {  	_ =	shalt  }
0x85: {  	_ =	shalt  }
0x86: {  	_ =	shalt  }
0x87: {  	_ =	shalt  }
.Lfunc_end0:
.L_simem_size_0:
called_computation_lowered:
.L_overlay_start_0:
0x88: {  	s2 =	sld [smem:$0x3FD9]  }
0x89: {  	s3 =	sld [smem:$0x3FFE];
	_ =	sdelay $0x1  }
0x8a: {  	s1 =	srdreg.scid  }
0x8b: {  	s0 =	sand.u32 $0x1, s1  }
0x8c: {  	s14 =	sshll.u32 s0, $0xA;
	s2 =	sadd.s32 s3, s2  }
0x8d: {  	s2 =	sadd.s32 s2, s14  }
0x8e: {  	[smem:$0x3FB1] =	sst s2  }
0x8f: {  	_ = 	snop  }
0x90: {  	s2 =	sld [smem:$0x3FD0];
	_ =	sdelay $0x2  }
0x91: {  	s15 =	simm.s32 $0xA;
	s4 =	simm.s32 $0x10  }
0x92: {  	[smem:s4], [sflag:s15] =	dma.local [hbm:s2], $0x1  }
0x93: {  	_ =	swait.eq [sflag:s15], $0x1  }
0x94: {  	s16 =	sld [smem:$0x10];
	[sflag:s15] =	ssyncset.done $0x0  }
0x95: {  	s17 =	sld [smem:$0x11];
	[sflag:s15] =	ssyncadd.s32 $0xFFFFFFFF  }
0x96: {  	s18 =	sld [smem:$0x12];
	(tm) =	ssettm $0x1  }
0x97: {  	s5 =	sld [smem:$0x3FFB];
	_ =	sdelay $0x3  }
0x98: {  	_ =	strace s5  }
0x99: {  	s5 =	sld [smem:$0x3FFC];
	_ =	sdelay $0x3  }
0x9a: {  	_ =	strace s5  }
0x9b: {  	s5 =	sld [smem:$0x3FFD];
	_ =	sdelay $0x3  }
0x9c: {  	_ =	strace s5  }
0x9d: {  	_ =	strace $0x8FFFFFFF  }
0x9e: {  	s19 =	sld [smem:$0x3FDB];
	_ =	sdelay $0x1  }
0x9f: {  	s6 =	simm.s32 $_scs_section_size  }
0xa0: {  	s7 =	simm.s32 $_size__tile_overlayer_lowered;
	s8 =	simm.s32 $_tile_overlayer_lowered  }
0xa1: {  	s22 =	simm.s32 $0x1BFF;
	s21 =	sshll.u32 s8, $0x1;
	s5 =	sadd.s32 s6, s19  }
0xa2: {  	s9 =	simm.s32 $0x0;
	s20 =	sshll.u32 s7, $0x1;
	s7 =	sadd.s32 s21, s5  }
0xa3: {  	[timem:s9], [sflag:s22] =	dma.local [hbm:s7], s20  }
0xa4: {  	_ =	swait.ge [sflag:s22], s20  }
0xa5: {  	s6 =	ssub.s32 $0x0, s20;
	[sflag:s22] =	ssyncset.done $0x0  }
0xa6: {  	[sflag:s22] =	ssyncadd.s32 s6;
	_ =	sdelay $0x1  }
0xa7: {  	s23 =	simm.s32 $0x1B8B  }
0xa8: {  	_ =	swait.ge [sflag:s23], $0x1  }
0xa9: {  	[sflag:s23] =	ssyncset.done $0x0  }
0xaa: {  	s25 =	simm.s32 $0x1B8E;
	s24 =	sld [smem:$0x3FFE];
	[sflag:s23] =	ssyncadd.s32 $0xFFFFFFFF  }
0xab: {  	s26 =	simm.s32 $execute0_lowered;
	[smem:$0x3FD2] =	sst s25  }
0xac: {  	s7 =	sshll.u32 s26, $0x1;
	_ =	strace $0x80000046;
	[dreg:$0x1] =	wrdreg $0xFFFFFFFF  }
0xad: {  	s28 =	simm.s32 $_size_execute0_lowered;
	s5 =	sadd.s32 s5, s7;
	[dreg:$0x0] =	wrdreg $0x0  }
0xae: {  	s7 =	sshll.u32 s28, $0x1;
	[dreg:$0x2] =	wrdreg s5  }
0xaf: {  	[dreg:$0x3] =	wrdreg s7  }
0xb0: {  	[dreg:$0x4] =	wrdreg $0xC0  }
0xb1: {  	_ =	task [dreg:s9], $0x5FFFF  }
0xb2: {  	[dreg:$0x1] =	wrdreg $0xFFFFFFFF  }
0xb3: {  	[dreg:$0x0] =	wrdreg $0x60  }
0xb4: {  	[dreg:$0x2] =	wrdreg s17  }
0xb5: {  	[dreg:$0x3] =	wrdreg s24  }
0xb6: {  	[dreg:$0x4] =	wrdreg s18  }
0xb7: {  	[dreg:$0x5] =	wrdreg s16  }
0xb8: {  	[dreg:$0x6] =	wrdreg $0x0  }
0xb9: {  	[dreg:$0x7] =	wrdreg $0x9  }
0xba: {  	_ =	task.clear_ibuf [dreg:s9], $0x8FFFF;
	_ =	strace $0x90000046  }
0xbb: {  	s29 =	simm.s32 $0x9;
	_ =	strace $0x80000048  }
0xbc: {  	_ =	swait.ge [sflag:s29], $0x1  }
0xbd: {  	[sflag:s29] =	ssyncadd.s32 $0xFFFFFFFF  }
0xbe: {  	_ =	strace $0x90000048  }
0xbf: {  	_ =	sfence  }
0xc0: {  	s30 =	sld [smem:$0x0];
	_ =	sdelay $0x2  }
0xc1: {  	s31 =	sshll.u32 s1, $0xD;
	s1 =	sshrl.u32 s1, $0x2  }
0xc2: {  	s3 =	sand.u32 $0x4000, s31;
	s1 =	sadd.s32 s1, s30  }
0xc3: {  	s0 =	sor.u32 s3, s0;
	s1 =	sshll.u32 s1, $0x11  }
0xc4: {  	s0 =	sor.u32 s1, s0  }
0xc5: {  	s0 =	sadd.s32 $0x8F2B, s0  }
0xc6: {  	[sflag:s0] =	ssyncadd.remote.s32 $0x1  }
0xc7: {  	_ =	sfence.sel $0xFFFF  }
0xc8: {  	[dreg:$0x0] =	wrdreg $0xFFFFFFFF;
	(pc) =	sbr.abs _section_cstart, $3  }
0xc9: {  	[dreg:$0x1] =	wrdreg $0xFFFFFFFF  }
0xca: {  	_ =	task.clear_ibuf [dreg:s9], $0x2FFFF;
	_ =	strace $0x9FFFFFFF  }
0xcb: {  	(tm) =	ssettm $0x7FFFFFFF  }
tec
execute0_lowered:
.L_overlay_start_1:
0x0: {  	(tag) =	ssettag $0x1  }
0x1: {  	s1 =	rddreg [dreg:$0x0]  }
0x2: {  	s0 =	rddreg [dreg:$0x1]  }
0x3: {  	s2 =	rddreg [dreg:$0x2]  }
0x4: {  	s4 =	rddreg [dreg:$0x3]  }
0x5: {  	s3 =	rddreg [dreg:$0x4];
	s5 =	simm.s32 $0x0;
	s6 =	srdreg.scid  }
0x6: {  	s13 =	stileid.u32;
	s28 =	simm.s32 $0x16500;
	s29 =	simm.s32 $0x18D00  }
0x7: {  	s30 =	simm.s32 $0x19200;
	s31 =	simm.s32 $0x0;
	[smem:$0x7FF] =	sst s5  }
0x8: {  	s10 =	sand.u32 $0x1, s6;
	s6 =	sadd.s32 $0xE400, s0;
	s11 =	smul.u32 $0x4F000, s13  }
0x9: {  	s7 =	sadd.s32 $0x4600, s0;
	s8 =	sadd.s32 $0x5C800, s0;
	s12 =	sshll.u32 s13, $0x1  }
0xa: {  	s13 =	smul.u32 $0x13C00, s13;
	_ =	strace $0x80000047;
	s9 =	ssub.s32 $0x2, s10  }
0xb: {  	s21 =	smul.u32 $0x13C000, s10;
	s19 =	sshrl.u32 s9, $0x1;
	s20 =	sshrl.u32 s11, $0x2  }
0xc: {  	v0 =	vlaneseq.u32;
	s10 =	sor.u32 s10, s12;
	s0 =	ssub.s32 s9, s19;
	s9 =	sadd.s32 s20, s3  }
0xd: {  	v1 =	vand.u32 $0x7, v0;
	v0 =	vmul.u32 $0x10, v0;
	s17 =	smul.u32 $0x2710, s10;
	s11 =	sadd.s32 s13, s21;
	s22 =	sadd.s32 $0x2800, s9  }
0xe: {  	vm0 =	vcmask $0x300;
	v2 =	vmul.u32 $0x10, v1;
	s20 =	simm.s32 $0x19280;
	s23 =	sadd.s32 $0x5000, s9;
	[dreg:$0x6] =	wrdreg s22  }
0xf: {  	v1 =	vimm.f32 $0.0e+00;
	v3 =	vor.u32 $0x1, v0;
	v4 =	vor.u32 $0x2, v0;
	s21 =	simm.s32 $0x2;
	s24 =	sadd.s32 $0x7800, s9;
	[dreg:$0x7] =	wrdreg s23  }
0x10: {  	v5 =	vor.u32 $0x3, v0;
	v6 =	vor.u32 $0x4, v0;
	v7 =	vor.u32 $0x5, v0;
	s25 =	sadd.s32 $0xA000, s9;
	s26 =	sadd.s32 $0xC800, s9;
	[dreg:$0x8] =	wrdreg s24  }
0x11: {  	v8 =	vor.u32 $0x6, v0;
	v9 =	vor.u32 $0x7, v0;
	v10 =	vor.u32 $0x8, v0;
	s15 =	sadd.s32 $0xF000, s9;
	s11 =	sshrl.u32 s11, $0x3;
	[dreg:$0x9] =	wrdreg s25  }
0x12: {  	v11 =	vor.u32 $0x9, v0;
	v12 =	vor.u32 $0xA, v0;
	v13 =	vor.u32 $0xB, v0;
	s16 =	sadd.s32 $0x11800, s9;
	s19 =	smax.u32 s0, $0x1;
	[dreg:$0xa] =	wrdreg s26  }
0x13: {  	v14 =	vor.u32 $0xC, v0;
	v15 =	vor.u32 $0xD, v0;
	v16 =	vor.u32 $0xE, v0;
	s18 =	sadd.s32 s4, s11;
	s22 =	simm.s32 $0x13C00;
	s23 =	simm.s32 $0x13C80  }
0x14: {  	v17 =	vor.u32 $0xF, v0;
	v18 =	vsel vm0, $0x3F800000, v1;
	v2 =	vor.u32 $0xFFFFFF80, v2;
	s24 =	simm.s32 $0x50;
	s25 =	simm.s32 $0x13D00;
	s26 =	simm.s32 $0x1  }
.LBB2_1:
0x15: {  	s0 =	simm.s32 $0x0;
	s4 =	simm.s32 $0x200  }
.LBB2_2:
0x16: {  	p0 =	sne.s32 s4, $0x9E00;
	[tilespmem:s0+$0x192F0] =	vst v1  }
0x17: {  	[tilespmem:s0+$0x19280] =	vst v1  }
0x18: {  	[tilespmem:s0+$0x19290] =	vst v1  }
.Ltmp0:
0x19: {  	[tilespmem:s0+$0x192A0] =	vst v1;
	(pc) =	sbr.rel @p0 .LBB2_2-.Ltmp0, $4  }
0x1a: {  	[tilespmem:s0+$0x192B0] =	vst v1  }
0x1b: {  	[tilespmem:s0+$0x192C0] =	vst v1  }
0x1c: {  	[tilespmem:s0+$0x192D0] =	vst v1  }
0x1d: {  	[tilespmem:s0+$0x192E0] =	vst v1;
	s0 =	sshra.s32 s4, $0x2;
	s4 =	sadd.s32 $0x200, s4  }
0x1e: {  	[tilespmem:s0+$0x192F0] =	vst v1  }
0x1f: {  	[tilespmem:s0+$0x19280] =	vst v1  }
0x20: {  	[tilespmem:s0+$0x19290] =	vst v1  }
0x21: {  	[tilespmem:s0+$0x192A0] =	vst v1  }
0x22: {  	[tilespmem:s0+$0x192B0] =	vst v1  }
0x23: {  	[tilespmem:s0+$0x192C0] =	vst v1  }
0x24: {  	[tilespmem:s0+$0x192D0] =	vst v1  }
0x25: {  	[tilespmem:s0+$0x192E0] =	vst v1  }
0x26: {  	[spmem:s9] =	stream.linear.scatter [tilespmem:s20], [sflag:$0x2], $0x2800, $0x38;
	[tilespmem:$0x1BA80] =	vst v63  }
0x27: {  	_ =	swait.ge [sflag:s21], $0x2800  }
0x28: {  	[sflag:s21] =	ssyncset.done $0x0  }
0x29: {  	s10 =	rddreg [dreg:$0x6];
	[sflag:s21] =	ssyncadd.s32 $0xFFFFD800  }
0x2a: {  	[spmem:s10] =	stream.linear.scatter [tilespmem:s20], [sflag:$0x2], $0x2800, $0x38;
	[tilespmem:$0x1BA80] =	vst v63  }
0x2b: {  	_ =	swait.ge [sflag:s21], $0x2800  }
0x2c: {  	[sflag:s21] =	ssyncset.done $0x0  }
0x2d: {  	s11 =	rddreg [dreg:$0x7];
	[sflag:s21] =	ssyncadd.s32 $0xFFFFD800  }
0x2e: {  	[spmem:s11] =	stream.linear.scatter [tilespmem:s20], [sflag:$0x2], $0x2800, $0x38;
	[tilespmem:$0x1BA80] =	vst v63  }
0x2f: {  	_ =	swait.ge [sflag:s21], $0x2800  }
0x30: {  	[sflag:s21] =	ssyncset.done $0x0  }
0x31: {  	s12 =	rddreg [dreg:$0x8];
	[sflag:s21] =	ssyncadd.s32 $0xFFFFD800  }
0x32: {  	[spmem:s12] =	stream.linear.scatter [tilespmem:s20], [sflag:$0x2], $0x2800, $0x38;
	[tilespmem:$0x1BA80] =	vst v63  }
0x33: {  	_ =	swait.ge [sflag:s21], $0x2800  }
0x34: {  	[sflag:s21] =	ssyncset.done $0x0  }
0x35: {  	s13 =	rddreg [dreg:$0x9];
	[sflag:s21] =	ssyncadd.s32 $0xFFFFD800  }
0x36: {  	[spmem:s13] =	stream.linear.scatter [tilespmem:s20], [sflag:$0x2], $0x2800, $0x38;
	[tilespmem:$0x1BA80] =	vst v63  }
0x37: {  	_ =	swait.ge [sflag:s21], $0x2800  }
0x38: {  	[sflag:s21] =	ssyncset.done $0x0  }
0x39: {  	s14 =	rddreg [dreg:$0xa];
	[sflag:s21] =	ssyncadd.s32 $0xFFFFD800  }
0x3a: {  	[spmem:s14] =	stream.linear.scatter [tilespmem:s20], [sflag:$0x2], $0x2800, $0x38;
	[tilespmem:$0x1BA80] =	vst v63  }
0x3b: {  	_ =	swait.ge [sflag:s21], $0x2800  }
0x3c: {  	[sflag:s21] =	ssyncset.done $0x0  }
0x3d: {  	[sflag:s21] =	ssyncadd.s32 $0xFFFFD800  }
0x3e: {  	[spmem:s15] =	stream.linear.scatter [tilespmem:s20], [sflag:$0x2], $0x2800, $0x38;
	[tilespmem:$0x1BA80] =	vst v63  }
0x3f: {  	_ =	swait.ge [sflag:s21], $0x2800  }
0x40: {  	[sflag:s21] =	ssyncset.done $0x0  }
0x41: {  	[sflag:s21] =	ssyncadd.s32 $0xFFFFD800  }
0x42: {  	[spmem:s16] =	stream.linear.scatter [tilespmem:s20], [sflag:$0x2], $0x2400, $0x38;
	[tilespmem:$0x1BA80] =	vst v63  }
0x43: {  	_ =	swait.ge [sflag:s21], $0x2400  }
0x44: {  	[sflag:s21] =	ssyncset.done $0x0  }
0x45: {  	[sflag:s21] =	ssyncadd.s32 $0xFFFFDC00  }
0x46: {  	s0 =	simm.s32 $0x0;
	s4 =	simm.s32 $0x0;
	[bflag:$0x0] =	sbarrier.arrive $0xFFFF  }
.LBB2_4:
0x47: {  	s10 =	smul.u32 $0x50, s4;
	_ =	sdelay $0x1  }
0x48: {  	s10 =	sadd.s32 s17, s10  }
0x49: {  	s10 =	sshrl.u32 s10, $0x3  }
0x4a: {  	s11 =	sadd.s32 s7, s10  }
0x4b: {  	[tilespmem:s22], [sflag:$0x2] =	stream.linear.gather [hbm4b:s11+s0], $0x50, $0x38;
	[tilespmem:$0x1BA80] =	vst v63  }
0x4c: {  	_ =	swait.ge [sflag:s21], $0x50  }
0x4d: {  	[sflag:s21] =	ssyncset.done $0x0  }
0x4e: {  	s13 =	sadd.s32 s2, s10;
	[sflag:s21] =	ssyncadd.s32 $0xFFFFFFB0  }
0x4f: {  	[tilespmem:s23], [sflag:$0x2] =	stream.linear.gather [hbm4b:s13+s0], $0x50, $0x38;
	[tilespmem:$0x1BA80] =	vst v63  }
0x50: {  	_ =	swait.ge [sflag:s21], $0x50  }
0x51: {  	[sflag:s21] =	ssyncset.done $0x0  }
0x52: {  	[sflag:s21] =	ssyncadd.s32 $0xFFFFFFB0  }
0x53: {  	[tilespmem:s25], [sflag:$0x1] =	stream.indirect.gather [hbm4b:s1+s24], $0x80, s22, s24, $0xb8;
	[tilespmem:$0x1BA80] =	vst v63  }
0x54: {  	_ =	swait.ge [sflag:s26], $0x2800  }
0x55: {  	[sflag:s26] =	ssyncset.done $0x0  }
0x56: {  	[sflag:s26] =	ssyncadd.s32 $0xFFFFD800  }
0x57: {  	[tilespmem:s28], [sflag:$0x1] =	stream.indirect.gather [hbm4b:s6+s24], $0x80, s23, s24, $0xb8;
	[tilespmem:$0x1BA80] =	vst v63  }
0x58: {  	_ =	swait.ge [sflag:s26], $0x2800  }
0x59: {  	[sflag:s26] =	ssyncset.done $0x0  }
0x5a: {  	s14 =	simm.s32 $0x0;
	[sflag:s26] =	ssyncadd.s32 $0xFFFFD800  }
0x5b: {  	v19 =	vld [tilespmem:s14+$0x16500]  }
0x5c: {  	v20 =	vld [tilespmem:s14+$0x13D00]  }
0x5d: {  	v21 =	vld [tilespmem:s14+$0x13D10]  }
0x5e: {  	v22 =	vld [tilespmem:s14+$0x16510]  }
0x5f: {  	v23 =	vld [tilespmem:s14+$0x13D20]  }
0x60: {  	v24 =	vld [tilespmem:s14+$0x16520]  }
0x61: {  	v25 =	vld [tilespmem:s14+$0x13D30]  }
0x62: {  	v26 =	vld [tilespmem:s14+$0x16530]  }
0x63: {  	v19 =	vmul.f32 v19, v20;
	v20 =	vmul.f32 v22, v21;
	v21 =	vld [tilespmem:s14+$0x13D40]  }
0x64: {  	v22 =	vld [tilespmem:s14+$0x16540]  }
0x65: {  	v61 =	vld [tilespmem:s14+$0x16550];
	v19 =	vadd.f32 v20, v19;
	v20 =	vmul.f32 v24, v23  }
0x66: {  	v23 =	vld [tilespmem:s14+$0x13D50]  }
0x67: {  	v62 =	vld [tilespmem:s14+$0x13D60];
	v19 =	vadd.f32 v20, v19;
	v20 =	vmul.f32 v26, v25  }
0x68: {  	v63 =	vld [tilespmem:s14+$0x16560]  }
0x69: {  	v19 =	vadd.f32 v20, v19;
	v20 =	vmul.f32 v22, v21;
	v21 =	vld [tilespmem:s14+$0x13D70]  }
0x6a: {  	v22 =	vld [tilespmem:s14+$0x16570]  }
0x6b: {  	v19 =	vadd.f32 v20, v19;
	v20 =	vmul.f32 v61, v23;
	_ =	sdelay $0x1  }
0x6c: {  	v19 =	vadd.f32 v20, v19;
	v20 =	vmul.f32 v63, v62;
	_ =	sdelay $0x1  }
0x6d: {  	v19 =	vadd.f32 v20, v19;
	v20 =	vmul.f32 v22, v21;
	_ =	sdelay $0x1  }
0x6e: {  	v19 =	vadd.f32 v20, v19  }
0x6f: {  	s12 =	simm.s32 $0x18D00  }
0x70: {  	s11 =	simm.s32 $0x80;
	[tilespmem:s12+$0x0] =	vst v19  }
0x71: {  	v19 =	vld [tilespmem:s11+$0x16500]  }
0x72: {  	v20 =	vld [tilespmem:s11+$0x13D00]  }
0x73: {  	s13 =	simm.s32 $0x400;
	v21 =	vld [tilespmem:s11+$0x13D10]  }
.LBB2_5:
0x74: {  	p0 =	sne.s32 s13, $0x9E00;
	v22 =	vld [tilespmem:s11+$0x16510]  }
0x75: {  	v23 =	vld [tilespmem:s11+$0x13D20]  }
0x76: {  	v24 =	vld [tilespmem:s11+$0x16520]  }
0x77: {  	v25 =	vld [tilespmem:s11+$0x13D30]  }
0x78: {  	v26 =	vld [tilespmem:s11+$0x16530]  }
0x79: {  	v19 =	vmul.f32 v19, v20;
	v20 =	vmul.f32 v22, v21;
	v21 =	vld [tilespmem:s11+$0x13D40]  }
0x7a: {  	v22 =	vld [tilespmem:s11+$0x16540]  }
0x7b: {  	v19 =	vadd.f32 v20, v19;
	v20 =	vmul.f32 v24, v23;
	v23 =	vld [tilespmem:s11+$0x13D50]  }
0x7c: {  	v24 =	vld [tilespmem:s11+$0x16550]  }
0x7d: {  	v19 =	vadd.f32 v20, v19;
	v20 =	vmul.f32 v26, v25;
	v25 =	vld [tilespmem:s11+$0x13D60]  }
0x7e: {  	v26 =	vld [tilespmem:s11+$0x16560]  }
0x7f: {  	v19 =	vadd.f32 v20, v19;
	v20 =	vmul.f32 v22, v21;
	v21 =	vld [tilespmem:s11+$0x13D70]  }
0x80: {  	v22 =	vld [tilespmem:s11+$0x16570]  }
0x81: {  	v19 =	vadd.f32 v20, v19;
	v20 =	vmul.f32 v24, v23;
	_ =	sdelay $0x1  }
0x82: {  	v19 =	vadd.f32 v20, v19;
	v20 =	vmul.f32 v26, v25;
	_ =	sdelay $0x1  }
0x83: {  	v19 =	vadd.f32 v20, v19;
	v20 =	vmul.f32 v22, v21;
	_ =	sdelay $0x1  }
0x84: {  	v19 =	vadd.f32 v20, v19  }
.Ltmp1:
0x85: {  	s12 =	sadd.s32 $0x10, s12;
	(pc) =	sbr.rel @p0 .LBB2_5-.Ltmp1, $4  }
0x86: {  	s11 =	sshra.s32 s13, $0x2;
	[tilespmem:s12+$0x0] =	vst v19  }
0x87: {  	v19 =	vld [tilespmem:s11+$0x16500]  }
0x88: {  	v20 =	vld [tilespmem:s11+$0x13D00]  }
0x89: {  	s13 =	sadd.s32 $0x200, s13;
	v21 =	vld [tilespmem:s11+$0x13D10]  }
0x8a: {  	v22 =	vld [tilespmem:s11+$0x16510]  }
0x8b: {  	v23 =	vld [tilespmem:s11+$0x13D20]  }
0x8c: {  	v24 =	vld [tilespmem:s11+$0x16520]  }
0x8d: {  	v25 =	vld [tilespmem:s11+$0x13D30]  }
0x8e: {  	v26 =	vld [tilespmem:s11+$0x16530]  }
0x8f: {  	v19 =	vmul.f32 v19, v20;
	v20 =	vmul.f32 v22, v21;
	v21 =	vld [tilespmem:s11+$0x13D40]  }
0x90: {  	v22 =	vld [tilespmem:s11+$0x16540]  }
0x91: {  	v45 =	vld [tilespmem:s11+$0x16550];
	v19 =	vadd.f32 v20, v19;
	v20 =	vmul.f32 v24, v23  }
0x92: {  	v23 =	vld [tilespmem:s11+$0x13D50]  }
0x93: {  	v46 =	vld [tilespmem:s11+$0x13D60];
	v19 =	vadd.f32 v20, v19;
	v20 =	vmul.f32 v26, v25  }
0x94: {  	v47 =	vld [tilespmem:s11+$0x16560]  }
0x95: {  	v19 =	vadd.f32 v20, v19;
	v20 =	vmul.f32 v22, v21  }
0x96: {  	v21 =	vld [tilespmem:s11+$0x13D70]  }
0x97: {  	v22 =	vld [tilespmem:s11+$0x16570];
	v19 =	vadd.f32 v20, v19;
	v20 =	vmul.f32 v45, v23;
	_ =	sdelay $0x1  }
0x98: {  	v19 =	vadd.f32 v20, v19;
	v20 =	vmul.f32 v47, v46;
	_ =	sdelay $0x1  }
0x99: {  	s11 =	simm.s32 $0x0;
	v19 =	vadd.f32 v20, v19  }
0x9a: {  	v20 =	vmul.f32 v22, v21;
	v21 =	vor.u32 s11, v0;
	v22 =	vor.u32 s11, v3  }
0x9b: {  	v21 =	vand.u32 v2, v21  }
0x9c: {  	v19 =	vadd.f32 v20, v19  }
0x9d: {  	s12 =	sadd.s32 $0x10, s12;
	v20 =	vor.u32 s11, v4  }
0x9e: {  	[tilespmem:s12+$0x0] =	vst v19  }
0x9f: {  	v19 =	vld.idx.msk [tilespmem:v22+s29+$0x0], $0xffff;
	v22 =	vor.u32 s11, v5  }
0xa0: {  	v21 =	vld.idx.msk [tilespmem:v21+s29+$0x0], $0xffff  }
0xa1: {  	v23 =	vor.u32 s11, v6  }
0xa2: {  	v20 =	vld.idx.msk [tilespmem:v20+s29+$0x0], $0xffff  }
0xa3: {  	v48 =	vor.u32 s11, v7  }
0xa4: {  	v22 =	vld.idx.msk [tilespmem:v22+s29+$0x0], $0xffff  }
0xa5: {  	v49 =	vor.u32 s11, v8;
	v19 =	vadd.f32 v19, v21  }
0xa6: {  	v21 =	vld.idx.msk [tilespmem:v23+s29+$0x0], $0xffff  }
0xa7: {  	v23 =	vor.u32 s11, v9;
	v19 =	vadd.f32 v20, v19  }
0xa8: {  	v20 =	vld.idx.msk [tilespmem:v48+s29+$0x0], $0xffff  }
0xa9: {  	v50 =	vor.u32 s11, v10;
	v19 =	vadd.f32 v22, v19  }
0xaa: {  	v22 =	vld.idx.msk [tilespmem:v49+s29+$0x0], $0xffff  }
0xab: {  	v51 =	vor.u32 s11, v11;
	v19 =	vadd.f32 v21, v19  }
0xac: {  	v21 =	vld.idx.msk [tilespmem:v23+s29+$0x0], $0xffff  }
0xad: {  	v23 =	vor.u32 s11, v12;
	v19 =	vadd.f32 v20, v19  }
0xae: {  	v20 =	vld.idx.msk [tilespmem:v50+s29+$0x0], $0xffff  }
0xaf: {  	v52 =	vor.u32 s11, v13;
	v19 =	vadd.f32 v22, v19  }
0xb0: {  	v22 =	vld.idx.msk [tilespmem:v51+s29+$0x0], $0xffff  }
0xb1: {  	v53 =	vor.u32 s11, v14;
	v19 =	vadd.f32 v21, v19  }
0xb2: {  	v21 =	vld.idx.msk [tilespmem:v23+s29+$0x0], $0xffff  }
0xb3: {  	v23 =	vor.u32 s11, v15;
	v19 =	vadd.f32 v20, v19  }
0xb4: {  	v20 =	vld.idx.msk [tilespmem:v52+s29+$0x0], $0xffff  }
0xb5: {  	v54 =	vor.u32 s11, v16;
	v19 =	vadd.f32 v22, v19  }
0xb6: {  	v22 =	vld.idx.msk [tilespmem:v53+s29+$0x0], $0xffff  }
0xb7: {  	v55 =	vor.u32 s11, v17;
	v19 =	vadd.f32 v21, v19  }
0xb8: {  	v21 =	vld.idx.msk [tilespmem:v23+s29+$0x0], $0xffff  }
0xb9: {  	v19 =	vadd.f32 v20, v19  }
0xba: {  	v20 =	vld.idx.msk [tilespmem:v54+s29+$0x0], $0xffff  }
0xbb: {  	v19 =	vadd.f32 v22, v19  }
0xbc: {  	v22 =	vld.idx.msk [tilespmem:v55+s29+$0x0], $0xffff  }
0xbd: {  	v19 =	vadd.f32 v21, v19;
	_ =	sdelay $0x1  }
0xbe: {  	v19 =	vadd.f32 v20, v19;
	_ =	sdelay $0x1  }
0xbf: {  	v19 =	vadd.f32 v22, v19;
	_ =	sdelay $0x1  }
0xc0: {  	v19 =	vmul.f32 $1.442695020e+00, v19;
	_ =	sdelay $0x1  }
0xc1: {  	(erf) = vpow2.f32 v19;
	_ =	sdelay $0x4  }
0xc2: {  	s13 =	simm.s32 $0x100  }
0xc3: {  	v20 =	vor.u32 s13, v3;
	v19 =	vor.u32 s13, v0  }
0xc4: {  	v19 =	vand.u32 v2, v19;
	_ =	sdelay $0x1  }
0xc5: {  	s12 =	simm.s32 $0x19200;
	v21 =	vor.u32 s13, v4;
	v22 =	vpop (erf)  }
0xc6: {  	[tilespmem:s12+$0x0] =	vst v22  }
0xc7: {  	v22 =	vor.u32 s13, v5;
	v20 =	vld.idx.msk [tilespmem:v20+s29+$0x0], $0xffff  }
0xc8: {  	v19 =	vld.idx.msk [tilespmem:v19+s29+$0x0], $0xffff  }
0xc9: {  	v23 =	vor.u32 s13, v6  }
0xca: {  	v21 =	vld.idx.msk [tilespmem:v21+s29+$0x0], $0xffff  }
0xcb: {  	v56 =	vor.u32 s13, v7  }
0xcc: {  	v22 =	vld.idx.msk [tilespmem:v22+s29+$0x0], $0xffff  }
0xcd: {  	v57 =	vor.u32 s13, v8;
	v19 =	vadd.f32 v20, v19  }
0xce: {  	v20 =	vld.idx.msk [tilespmem:v23+s29+$0x0], $0xffff  }
0xcf: {  	v23 =	vor.u32 s13, v9;
	v19 =	vadd.f32 v21, v19  }
0xd0: {  	v21 =	vld.idx.msk [tilespmem:v56+s29+$0x0], $0xffff  }
0xd1: {  	v58 =	vor.u32 s13, v10;
	v19 =	vadd.f32 v22, v19  }
0xd2: {  	v22 =	vld.idx.msk [tilespmem:v57+s29+$0x0], $0xffff  }
0xd3: {  	v59 =	vor.u32 s13, v11;
	v19 =	vadd.f32 v20, v19  }
0xd4: {  	v20 =	vld.idx.msk [tilespmem:v23+s29+$0x0], $0xffff  }
0xd5: {  	v23 =	vor.u32 s13, v12;
	v19 =	vadd.f32 v21, v19  }
0xd6: {  	v21 =	vld.idx.msk [tilespmem:v58+s29+$0x0], $0xffff  }
0xd7: {  	v60 =	vor.u32 s13, v13;
	v19 =	vadd.f32 v22, v19  }
0xd8: {  	v22 =	vld.idx.msk [tilespmem:v59+s29+$0x0], $0xffff  }
0xd9: {  	v61 =	vor.u32 s13, v14;
	v19 =	vadd.f32 v20, v19  }
0xda: {  	v20 =	vld.idx.msk [tilespmem:v23+s29+$0x0], $0xffff  }
0xdb: {  	v23 =	vor.u32 s13, v15;
	v19 =	vadd.f32 v21, v19  }
0xdc: {  	v21 =	vld.idx.msk [tilespmem:v60+s29+$0x0], $0xffff  }
0xdd: {  	v62 =	vor.u32 s13, v16;
	v19 =	vadd.f32 v22, v19  }
0xde: {  	v22 =	vld.idx.msk [tilespmem:v61+s29+$0x0], $0xffff  }
0xdf: {  	v63 =	vor.u32 s13, v17;
	v19 =	vadd.f32 v20, v19  }
0xe0: {  	v20 =	vld.idx.msk [tilespmem:v23+s29+$0x0], $0xffff  }
0xe1: {  	v19 =	vadd.f32 v21, v19  }
0xe2: {  	v21 =	vld.idx.msk [tilespmem:v62+s29+$0x0], $0xffff  }
0xe3: {  	v19 =	vadd.f32 v22, v19  }
0xe4: {  	v22 =	vld.idx.msk [tilespmem:v63+s29+$0x0], $0xffff  }
0xe5: {  	v19 =	vadd.f32 v20, v19;
	_ =	sdelay $0x1  }
0xe6: {  	v19 =	vadd.f32 v21, v19;
	_ =	sdelay $0x1  }
0xe7: {  	v19 =	vadd.f32 v22, v19;
	_ =	sdelay $0x1  }
0xe8: {  	v19 =	vmul.f32 $1.442695020e+00, v19;
	_ =	sdelay $0x1  }
0xe9: {  	(erf) = vpow2.f32 v19;
	_ =	sdelay $0x4  }
0xea: {  	s13 =	simm.s32 $0x200  }
0xeb: {  	s14 =	simm.s32 $0x300;
	v20 =	vor.u32 s13, v0;
	v19 =	vor.u32 s13, v3  }
.LBB2_7:
0xec: {  	p0 =	sne.s32 s14, $0x400;
	v20 =	vand.u32 v2, v20;
	_ =	sdelay $0x1  }
0xed: {  	v21 =	vor.u32 s13, v4;
	s12 =	sadd.s32 $0x10, s12;
	v22 =	vpop (erf)  }
0xee: {  	[tilespmem:s12+$0x0] =	vst v22  }
0xef: {  	v22 =	vor.u32 s13, v5;
	v19 =	vld.idx.msk [tilespmem:v19+s29+$0x0], $0xffff  }
0xf0: {  	v20 =	vld.idx.msk [tilespmem:v20+s29+$0x0], $0xffff  }
0xf1: {  	v23 =	vor.u32 s13, v6  }
0xf2: {  	v21 =	vld.idx.msk [tilespmem:v21+s29+$0x0], $0xffff  }
0xf3: {  	v24 =	vor.u32 s13, v7  }
0xf4: {  	v22 =	vld.idx.msk [tilespmem:v22+s29+$0x0], $0xffff  }
0xf5: {  	v25 =	vor.u32 s13, v8  }
0xf6: {  	v19 =	vadd.f32 v19, v20;
	v20 =	vld.idx.msk [tilespmem:v23+s29+$0x0], $0xffff  }
0xf7: {  	v23 =	vor.u32 s13, v9  }
0xf8: {  	v19 =	vadd.f32 v21, v19;
	v21 =	vld.idx.msk [tilespmem:v24+s29+$0x0], $0xffff  }
0xf9: {  	v24 =	vor.u32 s13, v10  }
0xfa: {  	v19 =	vadd.f32 v22, v19;
	v22 =	vld.idx.msk [tilespmem:v25+s29+$0x0], $0xffff  }
0xfb: {  	v25 =	vor.u32 s13, v11  }
0xfc: {  	v19 =	vadd.f32 v20, v19;
	v20 =	vld.idx.msk [tilespmem:v23+s29+$0x0], $0xffff  }
0xfd: {  	v23 =	vor.u32 s13, v12  }
0xfe: {  	v19 =	vadd.f32 v21, v19;
	v21 =	vld.idx.msk [tilespmem:v24+s29+$0x0], $0xffff  }
0xff: {  	v24 =	vor.u32 s13, v13  }
0x100: {  	v19 =	vadd.f32 v22, v19;
	v22 =	vld.idx.msk [tilespmem:v25+s29+$0x0], $0xffff  }
0x101: {  	v25 =	vor.u32 s13, v14  }
0x102: {  	v19 =	vadd.f32 v20, v19;
	v20 =	vld.idx.msk [tilespmem:v23+s29+$0x0], $0xffff  }
0x103: {  	v23 =	vor.u32 s13, v15  }
0x104: {  	v19 =	vadd.f32 v21, v19;
	v21 =	vld.idx.msk [tilespmem:v24+s29+$0x0], $0xffff  }
0x105: {  	v24 =	vor.u32 s13, v16  }
0x106: {  	v19 =	vadd.f32 v22, v19;
	v22 =	vld.idx.msk [tilespmem:v25+s29+$0x0], $0xffff  }
0x107: {  	v25 =	vor.u32 s13, v17;
	s13 =	smov.u32 s14  }
0x108: {  	v19 =	vadd.f32 v20, v19;
	v20 =	vld.idx.msk [tilespmem:v23+s29+$0x0], $0xffff;
	_ =	sdelay $0x1  }
0x109: {  	v19 =	vadd.f32 v21, v19;
	v21 =	vld.idx.msk [tilespmem:v24+s29+$0x0], $0xffff;
	_ =	sdelay $0x1  }
0x10a: {  	v19 =	vadd.f32 v22, v19;
	v22 =	vld.idx.msk [tilespmem:v25+s29+$0x0], $0xffff;
	_ =	sdelay $0x1  }
0x10b: {  	v19 =	vadd.f32 v20, v19;
	_ =	sdelay $0x1  }
0x10c: {  	v19 =	vadd.f32 v21, v19;
	_ =	sdelay $0x1  }
0x10d: {  	v19 =	vadd.f32 v22, v19;
	_ =	sdelay $0x1  }
0x10e: {  	v19 =	vmul.f32 $1.442695020e+00, v19;
	_ =	sdelay $0x1  }
0x10f: {  	(erf) = vpow2.f32 v19;
	_ =	sdelay $0x1  }
.Ltmp2:
0x110: {  	(pc) =	sbr.rel @p0 .LBB2_7-.Ltmp2, $2  }
0x111: {  	_ =	sdelay $0x2  }
0x112: {  	s14 =	sadd.s32 $0x100, s14;
	v20 =	vor.u32 s13, v0;
	v19 =	vor.u32 s13, v3  }
0x113: {  	v20 =	vand.u32 v2, v20;
	_ =	sdelay $0x1  }
0x114: {  	v21 =	vor.u32 s13, v4;
	s12 =	sadd.s32 $0x10, s12;
	v22 =	vpop (erf)  }
0x115: {  	[tilespmem:s12+$0x0] =	vst v22  }
0x116: {  	v22 =	vor.u32 s13, v5;
	v19 =	vld.idx.msk [tilespmem:v19+s29+$0x0], $0xffff  }
0x117: {  	v20 =	vld.idx.msk [tilespmem:v20+s29+$0x0], $0xffff  }
0x118: {  	v23 =	vor.u32 s13, v6  }
0x119: {  	v21 =	vld.idx.msk [tilespmem:v21+s29+$0x0], $0xffff  }
0x11a: {  	v24 =	vor.u32 s13, v7  }
0x11b: {  	v22 =	vld.idx.msk [tilespmem:v22+s29+$0x0], $0xffff  }
0x11c: {  	v25 =	vor.u32 s13, v8;
	v19 =	vadd.f32 v19, v20  }
0x11d: {  	v20 =	vld.idx.msk [tilespmem:v23+s29+$0x0], $0xffff  }
0x11e: {  	v23 =	vor.u32 s13, v9;
	v19 =	vadd.f32 v21, v19  }
0x11f: {  	v21 =	vld.idx.msk [tilespmem:v24+s29+$0x0], $0xffff  }
0x120: {  	v58 =	vor.u32 s13, v10;
	v19 =	vadd.f32 v22, v19  }
0x121: {  	v22 =	vld.idx.msk [tilespmem:v25+s29+$0x0], $0xffff  }
0x122: {  	v59 =	vor.u32 s13, v11;
	v19 =	vadd.f32 v20, v19  }
0x123: {  	v20 =	vld.idx.msk [tilespmem:v23+s29+$0x0], $0xffff  }
0x124: {  	v23 =	vor.u32 s13, v12;
	v19 =	vadd.f32 v21, v19  }
0x125: {  	v21 =	vld.idx.msk [tilespmem:v58+s29+$0x0], $0xffff  }
0x126: {  	v60 =	vor.u32 s13, v13;
	v19 =	vadd.f32 v22, v19  }
0x127: {  	v22 =	vld.idx.msk [tilespmem:v59+s29+$0x0], $0xffff  }
0x128: {  	v61 =	vor.u32 s13, v14;
	v19 =	vadd.f32 v20, v19  }
0x129: {  	v20 =	vld.idx.msk [tilespmem:v23+s29+$0x0], $0xffff  }
0x12a: {  	v23 =	vor.u32 s13, v15;
	v19 =	vadd.f32 v21, v19  }
0x12b: {  	v21 =	vld.idx.msk [tilespmem:v60+s29+$0x0], $0xffff  }
0x12c: {  	v62 =	vor.u32 s13, v16;
	v19 =	vadd.f32 v22, v19  }
0x12d: {  	v22 =	vld.idx.msk [tilespmem:v61+s29+$0x0], $0xffff  }
0x12e: {  	v63 =	vor.u32 s13, v17;
	v19 =	vadd.f32 v20, v19  }
0x12f: {  	v20 =	vld.idx.msk [tilespmem:v23+s29+$0x0], $0xffff  }
0x130: {  	v19 =	vadd.f32 v21, v19  }
0x131: {  	v21 =	vld.idx.msk [tilespmem:v62+s29+$0x0], $0xffff  }
0x132: {  	v19 =	vadd.f32 v22, v19  }
0x133: {  	v22 =	vld.idx.msk [tilespmem:v63+s29+$0x0], $0xffff  }
0x134: {  	v19 =	vadd.f32 v20, v19;
	_ =	sdelay $0x1  }
0x135: {  	v19 =	vadd.f32 v21, v19;
	_ =	sdelay $0x1  }
0x136: {  	v19 =	vadd.f32 v22, v19;
	_ =	sdelay $0x1  }
0x137: {  	v19 =	vmul.f32 $1.442695020e+00, v19;
	_ =	sdelay $0x1  }
0x138: {  	(erf) = vpow2.f32 v19;
	_ =	sdelay $0x5  }
0x139: {  	v19 =	vmov s11;
	_ =	sdelay $0x2  }
0x13a: {  	s12 =	sadd.s32 $0x10, s12;
	v20 =	vpop (erf)  }
0x13b: {  	[tilespmem:s12+$0x0] =	vst v20  }
0x13c: {  	v19 =	vld.idx.msk [tilespmem:v19+s30+$0x0], $0xffff;
	_ =	sdelay $0x1  }
0x13d: {  	s13 =	simm.s32 $0x1  }
0x13e: {  	v20 =	vmov s13;
	_ =	sdelay $0x1  }
0x13f: {  	v19 =	vmul.f32 v18, v19  }
0x140: {  	s11 =	simm.s32 $0x19280  }
0x141: {  	[tilespmem:s11+$0x0] =	vst v19  }
0x142: {  	v20 =	vld.idx.msk [tilespmem:v20+s30+$0x0], $0xffff;
	_ =	sdelay $0x1  }
0x143: {  	s14 =	simm.s32 $0x2  }
0x144: {  	s12 =	simm.s32 $0x3;
	v19 =	vmov s14  }
.LBB2_9:
0x145: {  	p0 =	sne.s32 s12, $0x4F  }
0x146: {  	v20 =	vmul.f32 v18, v20  }
0x147: {  	s11 =	sadd.s32 $0x80, s11  }
0x148: {  	[tilespmem:s11+$0x0] =	vst v20  }
.Ltmp3:
0x149: {  	v20 =	vld.idx.msk [tilespmem:v19+s30+$0x0], $0xffff;
	(pc) =	sbr.rel @p0 .LBB2_9-.Ltmp3, $2  }
0x14a: {  	_ =	sdelay $0x2  }
0x14b: {  	v19 =	vmov s12;
	s12 =	sadd.s32 $0x1, s12  }
0x14c: {  	_ = 	snop  }
0x14d: {  	v20 =	vmul.f32 v18, v20  }
0x14e: {  	s11 =	sadd.s32 $0x80, s11  }
0x14f: {  	[tilespmem:s11+$0x0] =	vst v20  }
0x150: {  	v19 =	vld.idx.msk [tilespmem:v19+s30+$0x0], $0xffff;
	_ =	sdelay $0x4  }
0x151: {  	v19 =	vmul.f32 v18, v19  }
0x152: {  	s11 =	sadd.s32 $0x80, s11  }
0x153: {  	s10 =	sadd.s32 s8, s10;
	[tilespmem:s11+$0x0] =	vst v19  }
0x154: {  	[hbm4b:s10+s5] =	stream.linear.scatter [tilespmem:s30], [sflag:$0x2], $0x50, $0x38;
	[tilespmem:$0x1BA80] =	vst v63  }
0x155: {  	s4 =	sadd.s32 $0x1, s4;
	_ =	swait.ge [sflag:s21], $0x50  }
0x156: {  	p0 =	sne.s32 s4, $0x7D;
	[sflag:s21] =	ssyncset.done $0x0  }
.Ltmp4:
0x157: {  	[sflag:s21] =	ssyncadd.s32 $0xFFFFFFB0;
	(pc) =	sbr.rel @p0 .LBB2_4-.Ltmp4, $4  }
0x158: {  	[spmem:s3] =	stream.indirect.scatter.add.f32 [tilespmem:s20], [sflag:$0x2], $0x80, s22, s24, $0xb8;
	[tilespmem:$0x1BA80] =	vst v63  }
0x159: {  	_ =	swait.ge [sflag:s21], $0x2800  }
0x15a: {  	[sflag:s21] =	ssyncset.done $0x0  }
0x15b: {  	[sflag:s21] =	ssyncadd.s32 $0xFFFFD800  }
0x15c: {  	s0 =	stileid.u32;
	s31 =	sadd.s32 $0x1, s31  }
0x15d: {  	[bflag:$0x0] =	sbarrier.arrive $0xFFFF;
	s0 =	sshll.u32 s0, $0x6;
	p0 =	sne.s32 s31, s19  }
.Ltmp5:
0x15e: {  	s4 =	sshrl.u32 s9, $0x3;
	s0 =	sor.u32 $0x1C02, s0;
	(pc) =	sbr.rel @p0 .LBB2_1-.Ltmp5, $4  }
0x15f: {  	[hbm:s18], [sflag:s0] =	dma.local [spmem:s4], $0x2780  }
0x160: {  	_ =	swait.ge [sflag:s21], $0x2780  }
0x161: {  	[sflag:s21] =	ssyncset.done $0x0  }
0x162: {  	[sflag:s21] =	ssyncadd.s32 $0xFFFFD880  }
0x163: {  	_ =	sfence.sel $0x180000  }
0x164: {  	[bflag:$0x0] =	sbarrier.arrive $0xFFFF  }
0x165: {  	_ =	strace $0x90000047  }
0x166: {  	s0 =	stileid.u32;
	[bflag:$0x2] =	sbarrier.arrive $0xFFFF  }
0x167: {  	p0 =	sne.s32 s0, $0x0;
	s0 =	rddreg [dreg:$0x5]  }
0x168: {  	s0 =	sadd.s32 @!p0 $0x100000, s0  }
0x169: {  	[sflag:s0] =	ssyncadd.tile.s32 @!p0 $0x1;
	_ =	shalt  }
.Lfunc_end2:
_tile_overlayer_lowered:
.L_overlay_start_2:
0x16a: {  	(tag) =	ssettag $0x2  }
0x16b: {  	s0 =	rddreg [dreg:$0x0];
	s2 =	stileid.u32  }
0x16c: {  	s1 =	rddreg [dreg:$0x1];
	p0 =	sne.s32 s2, $0x0  }
0x16d: {  	s3 =	rddreg [dreg:$0x2];
	[bflag:$0x3] =	sbarrier.arrive $0xFFFF;
	s2 =	simm.s32 @!p0 $0x1C02  }
0x16e: {  	[timem:s3], [sflag:s2] =	dma.local @!p0 [hbm:s0], s1  }
0x16f: {  	s0 =	simm.s32 @!p0 $0x2  }
0x170: {  	_ =	swait.ge @!p0 [sflag:s0], s1  }
0x171: {  	s1 =	ssub.s32 @!p0 $0x0, s1;
	[sflag:s0] =	ssyncset.done @!p0 $0x0  }
0x172: {  	[sflag:s0] =	ssyncadd.s32 @!p0 s1  }
0x173: {  	[bflag:$0x3] =	sbarrier.arrive $0xFFFF  }
0x174: {  	_ =	shalt  }

// kernel: kernel.15.cloned.1.call-start
scs
__scs_entry_jumppad:
0x0: {  	(pc) =	sbr.rel $0x88, $3  }
0x1: {  	(tag) =	ssettag $0x0;
	lr =	simm.s32 $0x1  }
0x2: {  	[smem:$0x3F8A] =	sst lr;
	_ =	strace $0xD0000000  }
0x3: {  	_ = 	snop  }
0x4: {  	_ = 	snop  }
0x5: {  	_ = 	snop  }
0x6: {  	_ = 	snop  }
0x7: {  	_ = 	snop  }
__scs_overlays_trampoline_lowered:
0x8: {  	[smem:$0x3F99] =	sst s0  }
0x9: {  	[smem:$0x3F9A] =	sst s1  }
0xa: {  	[smem:$0x3F9B] =	sst s2  }
0xb: {  	[smem:$0x3F9C] =	sst s3  }
0xc: {  	[smem:$0x3F9D] =	sst s4  }
0xd: {  	[smem:$0x3F9E] =	sst s5  }
0xe: {  	[smem:$0x3F9F] =	sst s6  }
0xf: {  	[smem:$0x3FA0] =	sst s7  }
0x10: {  	[smem:$0x3FA1] =	sst s8  }
0x11: {  	[smem:$0x3FA2] =	sst s9;
	s0 =	simm.s32 @!p0 $0x0  }
0x12: {  	s1 =	sld [smem:$0x3F88];
	s0 =	simm.s32 @p0 $0x1  }
0x13: {  	[smem:$0x3FA3] =	sst s0;
	s0 =	simm.s32 @!p1 $0x0  }
0x14: {  	s2 =	sld [smem:$0x3F87];
	s0 =	simm.s32 @p1 $0x1  }
0x15: {  	[smem:$0x3FA4] =	sst s0;
	s0 =	simm.s32 @!p2 $0x0  }
0x16: {  	s3 =	sld [smem:$0x3FDB];
	s0 =	simm.s32 @p2 $0x1  }
0x17: {  	s4 =	simm.s32 $0x1BF5;
	[smem:$0x3FA6] =	sst s0  }
0x18: {  	s0 =	sld [smem:$0x3F89];
	_ =	swait.ge [sflag:s4], $0x0  }
0x19: {  	s7 =	sld [smem:$0x3F8A]  }
0x1a: {  	s8 =	sadd.s32 $0xFFFFE003, lr  }
0x1b: {  	s9 =	sadd.s32 $0xFFFFFEF7, lr;
	s5 =	simm.s32 $0xFFFFFFFF;
	p2 =	slt.u32 s8, $0xFFFFF086  }
0x1c: {  	p1 =	slt.u32 s9, $0xF7A;
	s5 =	simm.s32 @!p2 $0x0  }
0x1d: {  	s5 =	simm.s32 @p1 $0x1;
	p0 =	seq.s32 s7, s2  }
0x1e: {  	s7 =	smul.u32 @!p0 $0xF7A, s2;
	p2 =	seq.s32 @!p0 s5, $0x0  }
0x1f: {  	s9 =	smul.u32 $0xF7A, s1;
	s8 =	simm.s32 @!p0 $0x1BF5;
	p2 =	por !p2, p0  }
0x20: {  	[sflag:s8] =	ssyncset.s32 @!p0 $0xFFFFF086;
	s6 =	sadd.s32 @!p0 s3, s7;
	s7 =	simm.s32 @!p0 $0x108  }
0x21: {  	s3 =	sadd.s32 s3, s9;
	s6 =	sadd.s32 @!p0 $0x88, s6;
	s7 =	simm.s32 @p2 $0x1082  }
0x22: {  	[simem:s7], [sflag:s8] =	dma.local @!p0 [hbm:s6], $0xF7A  }
0x23: {  	s9 =	sor.u32 $0xD0000000, s2;
	s6 =	simm.s32 $0x108;
	_ =	swait.ge @!p0 [sflag:s8], $0x0  }
0x24: {  	s3 =	sadd.s32 $0x88, s3;
	s6 =	simm.s32 @!p1 $0x1082;
	[sflag:s4] =	ssyncset.s32 $0xFFFFF086  }
0x25: {  	[simem:s6], [sflag:s4] =	dma.local [hbm:s3], $0xF7A  }
0x26: {  	[smem:$0x3F8A] =	sst s1;
	(tag) =	ssettag s2;
	_ =	strace s9  }
0x27: {  	s1 =	sld [smem:$0x3F9A]  }
0x28: {  	s2 =	sld [smem:$0x3F9B]  }
0x29: {  	s4 =	sld [smem:$0x3F9D]  }
0x2a: {  	p0 =	seq.s32 s5, $0x0;
	s5 =	sld [smem:$0x3F9E]  }
0x2b: {  	s6 =	sld [smem:$0x3F9F]  }
0x2c: {  	s7 =	sld [smem:$0x3FA0]  }
0x2d: {  	s3 =	simm.s32 $0x108;
	s8 =	sld [smem:$0x3FA1]  }
0x2e: {  	s3 =	simm.s32 @!p0 $0x1082;
	s9 =	sld [smem:$0x3FA2]  }
0x2f: {  	lr =	sadd.s32 s0, s3;
	s0 =	sld [smem:$0x3F99]  }
0x30: {  	s3 =	sld [smem:$0x3F9C]  }
0x31: {  	[smem:$0x3FA5] =	sst s10  }
0x32: {  	s10 =	sld [smem:$0x3FA3];
	_ =	sdelay $0x3  }
0x33: {  	p0 =	seq.s32 s10, $0x1;
	s10 =	sld [smem:$0x3FA5];
	_ =	sdelay $0x3  }
0x34: {  	[smem:$0x3FA5] =	sst s10  }
0x35: {  	s10 =	sld [smem:$0x3FA4];
	_ =	sdelay $0x3  }
0x36: {  	p1 =	seq.s32 s10, $0x1;
	s10 =	sld [smem:$0x3FA5];
	_ =	sdelay $0x3  }
0x37: {  	[smem:$0x3FA5] =	sst s10  }
0x38: {  	s10 =	sld [smem:$0x3FA6]  }
0x39: {  	_ = 	snop;
	(pc) =	sbr.ind lr, $3  }
0x3a: {  	_ = 	snop  }
0x3b: {  	_ = 	snop  }
0x3c: {  	p2 =	seq.s32 s10, $0x1;
	s10 =	sld [smem:$0x3FA5]  }
0x3d: {  	_ =	shalt  }
0x3e: {  	_ =	shalt  }
0x3f: {  	_ =	shalt  }
0x40: {  	_ =	shalt  }
0x41: {  	_ =	shalt  }
0x42: {  	_ =	shalt  }
0x43: {  	_ =	shalt  }
0x44: {  	_ =	shalt  }
0x45: {  	_ =	shalt  }
0x46: {  	_ =	shalt  }
0x47: {  	_ =	shalt  }
0x48: {  	_ =	shalt  }
0x49: {  	_ =	shalt  }
0x4a: {  	_ =	shalt  }
0x4b: {  	_ =	shalt  }
0x4c: {  	_ =	shalt  }
0x4d: {  	_ =	shalt  }
0x4e: {  	_ =	shalt  }
0x4f: {  	_ =	shalt  }
0x50: {  	_ =	shalt  }
0x51: {  	_ =	shalt  }
0x52: {  	_ =	shalt  }
0x53: {  	_ =	shalt  }
0x54: {  	_ =	shalt  }
0x55: {  	_ =	shalt  }
0x56: {  	_ =	shalt  }
0x57: {  	_ =	shalt  }
0x58: {  	_ =	shalt  }
0x59: {  	_ =	shalt  }
0x5a: {  	_ =	shalt  }
0x5b: {  	_ =	shalt  }
0x5c: {  	_ =	shalt  }
0x5d: {  	_ =	shalt  }
0x5e: {  	_ =	shalt  }
0x5f: {  	_ =	shalt  }
0x60: {  	_ =	shalt  }
0x61: {  	_ =	shalt  }
0x62: {  	_ =	shalt  }
0x63: {  	_ =	shalt  }
0x64: {  	_ =	shalt  }
0x65: {  	_ =	shalt  }
0x66: {  	_ =	shalt  }
0x67: {  	_ =	shalt  }
0x68: {  	_ =	shalt  }
0x69: {  	_ =	shalt  }
0x6a: {  	_ =	shalt  }
0x6b: {  	_ =	shalt  }
0x6c: {  	_ =	shalt  }
0x6d: {  	_ =	shalt  }
0x6e: {  	_ =	shalt  }
0x6f: {  	_ =	shalt  }
0x70: {  	_ =	shalt  }
0x71: {  	_ =	shalt  }
0x72: {  	_ =	shalt  }
0x73: {  	_ =	shalt  }
0x74: {  	_ =	shalt  }
0x75: {  	_ =	shalt  }
0x76: {  	_ =	shalt  }
0x77: {  	_ =	shalt  }
0x78: {  	_ =	shalt  }
0x79: {  	_ =	shalt  }
0x7a: {  	_ =	shalt  }
0x7b: {  	_ =	shalt  }
0x7c: {  	_ =	shalt  }
0x7d: {  	_ =	shalt  }
0x7e: {  	_ =	shalt  }
0x7f: {  	_ =	shalt  }
0x80: {  	_ =	shalt  }
0x81: {  	_ =	shalt  }
0x82: {  	_ =	shalt  }
0x83: {  	_ =	shalt  }
0x84: {  	_ =	shalt  }
0x85: {  	_ =	shalt  }
0x86: {  	_ =	shalt  }
0x87: {  	_ =	shalt  }
.Lfunc_end0:
.L_simem_size_0:
called_computation.1_lowered:
.L_overlay_start_0:
0x88: {  	s2 =	sld [smem:$0x3FD9]  }
0x89: {  	s3 =	sld [smem:$0x3FFE];
	_ =	sdelay $0x1  }
0x8a: {  	s1 =	srdreg.scid  }
0x8b: {  	s0 =	sand.u32 $0x1, s1  }
0x8c: {  	s14 =	sshll.u32 s0, $0xA;
	s2 =	sadd.s32 s3, s2  }
0x8d: {  	s2 =	sadd.s32 s2, s14  }
0x8e: {  	[smem:$0x3FB1] =	sst s2  }
0x8f: {  	_ = 	snop  }
0x90: {  	s2 =	sld [smem:$0x3FD0];
	_ =	sdelay $0x2  }
0x91: {  	s15 =	simm.s32 $0xA;
	s4 =	simm.s32 $0x10  }
0x92: {  	[smem:s4], [sflag:s15] =	dma.local [hbm:s2], $0x1  }
0x93: {  	_ =	swait.eq [sflag:s15], $0x1  }
0x94: {  	[sflag:s15] =	ssyncset.done $0x0  }
0x95: {  	s16 =	sld [smem:$0x11];
	[sflag:s15] =	ssyncadd.s32 $0xFFFFFFFF  }
0x96: {  	s17 =	sld [smem:$0x12];
	(tm) =	ssettm $0x1  }
0x97: {  	s18 =	sld [smem:$0x3FFB];
	_ =	sdelay $0x3  }
0x98: {  	_ =	strace s18  }
0x99: {  	s4 =	sld [smem:$0x3FFC];
	_ =	sdelay $0x3  }
0x9a: {  	_ =	strace s4  }
0x9b: {  	s4 =	sld [smem:$0x3FFD];
	_ =	sdelay $0x3  }
0x9c: {  	_ =	strace s4  }
0x9d: {  	_ =	strace $0x8FFFFFFF  }
0x9e: {  	s19 =	sld [smem:$0x3FDB];
	_ =	sdelay $0x1  }
0x9f: {  	s5 =	simm.s32 $_scs_section_size  }
0xa0: {  	s6 =	simm.s32 $_size__tile_overlayer_lowered;
	s7 =	simm.s32 $_tile_overlayer_lowered  }
0xa1: {  	s22 =	simm.s32 $0x1BFF;
	s21 =	sshll.u32 s7, $0x1;
	s4 =	sadd.s32 s5, s19  }
0xa2: {  	s8 =	simm.s32 $0x0;
	s20 =	sshll.u32 s6, $0x1;
	s6 =	sadd.s32 s21, s4  }
0xa3: {  	[timem:s8], [sflag:s22] =	dma.local [hbm:s6], s20  }
0xa4: {  	_ =	swait.ge [sflag:s22], s20  }
0xa5: {  	s5 =	ssub.s32 $0x0, s20;
	[sflag:s22] =	ssyncset.done $0x0  }
0xa6: {  	[sflag:s22] =	ssyncadd.s32 s5;
	_ =	sdelay $0x1  }
0xa7: {  	s23 =	simm.s32 $0x1B8B  }
0xa8: {  	_ =	swait.ge [sflag:s23], $0x1  }
0xa9: {  	[sflag:s23] =	ssyncset.done $0x0  }
0xaa: {  	s25 =	simm.s32 $0x1B8E;
	s24 =	sld [smem:$0x3FFE];
	[sflag:s23] =	ssyncadd.s32 $0xFFFFFFFF  }
0xab: {  	s26 =	simm.s32 $execute0_lowered;
	[smem:$0x3FD2] =	sst s25  }
0xac: {  	s6 =	sshll.u32 s26, $0x1;
	_ =	strace $0x80000049;
	[dreg:$0x1] =	wrdreg $0xFFFFFFFF  }
0xad: {  	s28 =	simm.s32 $_size_execute0_lowered;
	s4 =	sadd.s32 s4, s6;
	[dreg:$0x0] =	wrdreg $0x0  }
0xae: {  	s6 =	sshll.u32 s28, $0x1;
	[dreg:$0x2] =	wrdreg s4  }
0xaf: {  	[dreg:$0x3] =	wrdreg s6  }
0xb0: {  	[dreg:$0x4] =	wrdreg $0xC0  }
0xb1: {  	_ =	task [dreg:s8], $0x5FFFF  }
0xb2: {  	[dreg:$0x1] =	wrdreg $0xFFFFFFFF  }
0xb3: {  	[dreg:$0x0] =	wrdreg $0x60  }
0xb4: {  	[dreg:$0x2] =	wrdreg s24  }
0xb5: {  	[dreg:$0x3] =	wrdreg s17  }
0xb6: {  	[dreg:$0x4] =	wrdreg s16  }
0xb7: {  	[dreg:$0x5] =	wrdreg $0x0  }
0xb8: {  	[dreg:$0x6] =	wrdreg $0x9  }
0xb9: {  	_ =	task.clear_ibuf [dreg:s8], $0x7FFFF;
	_ =	strace $0x90000049  }
0xba: {  	s29 =	simm.s32 $0x9;
	_ =	strace $0x8000004B  }
0xbb: {  	_ =	swait.ge [sflag:s29], $0x1  }
0xbc: {  	[sflag:s29] =	ssyncadd.s32 $0xFFFFFFFF  }
0xbd: {  	_ =	strace $0x9000004B  }
0xbe: {  	_ =	sfence  }
0xbf: {  	s30 =	sld [smem:$0x0];
	_ =	sdelay $0x2  }
0xc0: {  	s31 =	sshll.u32 s1, $0xD;
	s1 =	sshrl.u32 s1, $0x2  }
0xc1: {  	s3 =	sand.u32 $0x4000, s31;
	s1 =	sadd.s32 s1, s30  }
0xc2: {  	s0 =	sor.u32 s3, s0;
	s1 =	sshll.u32 s1, $0x11  }
0xc3: {  	s0 =	sor.u32 s1, s0  }
0xc4: {  	s0 =	sadd.s32 $0x8F2B, s0  }
0xc5: {  	[sflag:s0] =	ssyncadd.remote.s32 $0x1  }
0xc6: {  	_ =	sfence.sel $0xFFFF  }
0xc7: {  	[dreg:$0x0] =	wrdreg $0xFFFFFFFF;
	(pc) =	sbr.abs _section_cstart, $3  }
0xc8: {  	[dreg:$0x1] =	wrdreg $0xFFFFFFFF  }
0xc9: {  	_ =	task.clear_ibuf [dreg:s8], $0x2FFFF;
	_ =	strace $0x9FFFFFFF  }
0xca: {  	(tm) =	ssettm $0x7FFFFFFF  }
0xcb: {  	_ =	shalt  }
tec
execute0_lowered:
.L_overlay_start_1:
0x0: {  	(tag) =	ssettag $0x1  }
0x1: {  	s7 =	rddreg [dreg:$0x0]  }
0x2: {  	s1 =	rddreg [dreg:$0x1]  }
0x3: {  	s17 =	rddreg [dreg:$0x2]  }
0x4: {  	s2 =	rddreg [dreg:$0x3];
	s4 =	simm.s32 $0x0;
	s5 =	srdreg.scid  }
0x5: {  	s3 =	stileid.u32;
	s20 =	simm.s32 $0x2;
	s21 =	simm.s32 $0x13C00  }
0x6: {  	s22 =	simm.s32 $0x13C80;
	s23 =	simm.s32 $0x16500;
	s24 =	simm.s32 $0x50  }
0x7: {  	s25 =	simm.s32 $0x1;
	[smem:$0x7FF] =	sst s4;
	s9 =	sand.u32 $0x1, s5  }
0x8: {  	s10 =	smul.u32 $0x4F000, s3;
	s5 =	sadd.s32 $0x35600, s7;
	s6 =	sadd.s32 $0x4600, s7  }
0x9: {  	s7 =	sadd.s32 $0x5C800, s7;
	s31 =	sshll.u32 s3, $0x1;
	s19 =	smul.u32 $0x13C00, s3  }
0xa: {  	_ =	strace $0x8000004A;
	s8 =	ssub.s32 $0x2, s9;
	s15 =	smul.u32 $0x13C000, s9  }
0xb: {  	s16 =	sor.u32 s9, s31;
	s11 =	sshrl.u32 s8, $0x1;
	s30 =	sshrl.u32 s10, $0x2  }
0xc: {  	s16 =	smul.u32 $0x2710, s16;
	s18 =	ssub.s32 s8, s11;
	s8 =	sadd.s32 s30, s2  }
0xd: {  	s19 =	sadd.s32 s19, s15;
	s9 =	sadd.s32 $0x2800, s8;
	s10 =	sadd.s32 $0x5000, s8  }
0xe: {  	s11 =	sadd.s32 $0x7800, s8;
	s12 =	sadd.s32 $0xA000, s8;
	s13 =	sadd.s32 $0xC800, s8  }
0xf: {  	s14 =	sadd.s32 $0xF000, s8;
	s15 =	sadd.s32 $0x11800, s8;
	s19 =	sshrl.u32 s19, $0x3  }
0x10: {  	v0 =	vimm.f32 $0.0e+00;
	s18 =	smax.u32 s18, $0x1;
	s17 =	sadd.s32 s17, s19;
	s19 =	simm.s32 $0x13D00  }
.LBB2_1:
0x11: {  	s26 =	simm.s32 $0x0;
	s28 =	simm.s32 $0x200  }
.LBB2_2:
0x12: {  	p0 =	sne.s32 s28, $0x9E00;
	[tilespmem:s26+$0x13D70] =	vst v0  }
0x13: {  	[tilespmem:s26+$0x13D00] =	vst v0  }
0x14: {  	[tilespmem:s26+$0x13D10] =	vst v0  }
.Ltmp0:
0x15: {  	[tilespmem:s26+$0x13D20] =	vst v0;
	(pc) =	sbr.rel @p0 .LBB2_2-.Ltmp0, $4  }
0x16: {  	[tilespmem:s26+$0x13D30] =	vst v0  }
0x17: {  	[tilespmem:s26+$0x13D40] =	vst v0  }
0x18: {  	[tilespmem:s26+$0x13D50] =	vst v0  }
0x19: {  	[tilespmem:s26+$0x13D60] =	vst v0;
	s26 =	sshra.s32 s28, $0x2;
	s28 =	sadd.s32 $0x200, s28  }
0x1a: {  	[tilespmem:s26+$0x13D70] =	vst v0  }
0x1b: {  	[tilespmem:s26+$0x13D00] =	vst v0  }
0x1c: {  	[tilespmem:s26+$0x13D10] =	vst v0  }
0x1d: {  	[tilespmem:s26+$0x13D20] =	vst v0  }
0x1e: {  	[tilespmem:s26+$0x13D30] =	vst v0  }
0x1f: {  	[tilespmem:s26+$0x13D40] =	vst v0  }
0x20: {  	[tilespmem:s26+$0x13D50] =	vst v0  }
0x21: {  	[tilespmem:s26+$0x13D60] =	vst v0  }
0x22: {  	[spmem:s8] =	stream.linear.scatter [tilespmem:s19], [sflag:$0x2], $0x2800, $0x38;
	[tilespmem:$0x16580] =	vst v63  }
0x23: {  	_ =	swait.ge [sflag:s20], $0x2800  }
0x24: {  	[sflag:s20] =	ssyncset.done $0x0  }
0x25: {  	[sflag:s20] =	ssyncadd.s32 $0xFFFFD800  }
0x26: {  	[spmem:s9] =	stream.linear.scatter [tilespmem:s19], [sflag:$0x2], $0x2800, $0x38;
	[tilespmem:$0x16580] =	vst v63  }
0x27: {  	_ =	swait.ge [sflag:s20], $0x2800  }
0x28: {  	[sflag:s20] =	ssyncset.done $0x0  }
0x29: {  	[sflag:s20] =	ssyncadd.s32 $0xFFFFD800  }
0x2a: {  	[spmem:s10] =	stream.linear.scatter [tilespmem:s19], [sflag:$0x2], $0x2800, $0x38;
	[tilespmem:$0x16580] =	vst v63  }
0x2b: {  	_ =	swait.ge [sflag:s20], $0x2800  }
0x2c: {  	[sflag:s20] =	ssyncset.done $0x0  }
0x2d: {  	[sflag:s20] =	ssyncadd.s32 $0xFFFFD800  }
0x2e: {  	[spmem:s11] =	stream.linear.scatter [tilespmem:s19], [sflag:$0x2], $0x2800, $0x38;
	[tilespmem:$0x16580] =	vst v63  }
0x2f: {  	_ =	swait.ge [sflag:s20], $0x2800  }
0x30: {  	[sflag:s20] =	ssyncset.done $0x0  }
0x31: {  	[sflag:s20] =	ssyncadd.s32 $0xFFFFD800  }
0x32: {  	[spmem:s12] =	stream.linear.scatter [tilespmem:s19], [sflag:$0x2], $0x2800, $0x38;
	[tilespmem:$0x16580] =	vst v63  }
0x33: {  	_ =	swait.ge [sflag:s20], $0x2800  }
0x34: {  	[sflag:s20] =	ssyncset.done $0x0  }
0x35: {  	[sflag:s20] =	ssyncadd.s32 $0xFFFFD800  }
0x36: {  	[spmem:s13] =	stream.linear.scatter [tilespmem:s19], [sflag:$0x2], $0x2800, $0x38;
	[tilespmem:$0x16580] =	vst v63  }
0x37: {  	_ =	swait.ge [sflag:s20], $0x2800  }
0x38: {  	[sflag:s20] =	ssyncset.done $0x0  }
0x39: {  	[sflag:s20] =	ssyncadd.s32 $0xFFFFD800  }
0x3a: {  	[spmem:s14] =	stream.linear.scatter [tilespmem:s19], [sflag:$0x2], $0x2800, $0x38;
	[tilespmem:$0x16580] =	vst v63  }
0x3b: {  	_ =	swait.ge [sflag:s20], $0x2800  }
0x3c: {  	[sflag:s20] =	ssyncset.done $0x0  }
0x3d: {  	[sflag:s20] =	ssyncadd.s32 $0xFFFFD800  }
0x3e: {  	[spmem:s15] =	stream.linear.scatter [tilespmem:s19], [sflag:$0x2], $0x2400, $0x38;
	[tilespmem:$0x16580] =	vst v63  }
0x3f: {  	_ =	swait.ge [sflag:s20], $0x2400  }
0x40: {  	[sflag:s20] =	ssyncset.done $0x0  }
0x41: {  	[sflag:s20] =	ssyncadd.s32 $0xFFFFDC00  }
0x42: {  	s26 =	simm.s32 $0x0;
	s28 =	simm.s32 $0x0;
	[bflag:$0x0] =	sbarrier.arrive $0xFFFF  }
.LBB2_4:
0x43: {  	s29 =	smul.u32 $0x50, s28;
	_ =	sdelay $0x1  }
0x44: {  	s29 =	sadd.s32 s16, s29  }
0x45: {  	s29 =	sshrl.u32 s29, $0x3  }
0x46: {  	s30 =	sadd.s32 s6, s29  }
0x47: {  	[tilespmem:s21], [sflag:$0x2] =	stream.linear.gather [hbm4b:s30+s26], $0x50, $0x38;
	[tilespmem:$0x16580] =	vst v63  }
0x48: {  	_ =	swait.ge [sflag:s20], $0x50  }
0x49: {  	[sflag:s20] =	ssyncset.done $0x0  }
0x4a: {  	s30 =	sadd.s32 s1, s29;
	[sflag:s20] =	ssyncadd.s32 $0xFFFFFFB0  }
0x4b: {  	[tilespmem:s22], [sflag:$0x2] =	stream.linear.gather [hbm4b:s30+s26], $0x50, $0x38;
	[tilespmem:$0x16580] =	vst v63  }
0x4c: {  	_ =	swait.ge [sflag:s20], $0x50  }
0x4d: {  	[sflag:s20] =	ssyncset.done $0x0  }
0x4e: {  	s29 =	sadd.s32 s7, s29;
	[sflag:s20] =	ssyncadd.s32 $0xFFFFFFB0  }
0x4f: {  	[tilespmem:s23], [sflag:$0x2] =	stream.linear.gather [hbm4b:s29+s26], $0x50, $0x38;
	[tilespmem:$0x16580] =	vst v63  }
0x50: {  	_ =	swait.ge [sflag:s20], $0x50  }
0x51: {  	[sflag:s20] =	ssyncset.done $0x0  }
0x52: {  	[sflag:s20] =	ssyncadd.s32 $0xFFFFFFB0  }
0x53: {  	[tilespmem:s19], [sflag:$0x1] =	stream.indirect.gather [hbm4b:s5+s24], $0x80, s22, s24, $0xb8;
	[tilespmem:$0x16580] =	vst v63  }
0x54: {  	_ =	swait.ge [sflag:s25], $0x2800  }
0x55: {  	v1 =	vmov s26;
	[sflag:s25] =	ssyncset.done $0x0  }
0x56: {  	s29 =	simm.s32 $0x13D40;
	[sflag:s25] =	ssyncadd.s32 $0xFFFFD800  }
0x57: {  	v5 =	vld [tilespmem:s29+$0x30]  }
0x58: {  	v8 =	vld [tilespmem:s29+$0x10]  }
0x59: {  	v6 =	vld [tilespmem:s29+$0xFFFFFFC0]  }
0x5a: {  	v2 =	vld.idx.msk [tilespmem:v1+s23+$0x0], $0xffff  }
0x5b: {  	v10 =	vld [tilespmem:s29+$0xFFFFFFE0]  }
0x5c: {  	v1 =	vld [tilespmem:s29+$0xFFFFFFF0]  }
0x5d: {  	v3 =	vld [tilespmem:s29+$0x20]  }
0x5e: {  	v4 =	vld [tilespmem:s29+$0xFFFFFFD0]  }
0x5f: {  	v9 =	vmul.f32 v5, v2;
	v5 =	vld [tilespmem:s29+$0x0]  }
0x60: {  	v7 =	vmul.f32 v6, v2  }
0x61: {  	s31 =	simm.s32 $0x13D40;
	s30 =	simm.s32 $0x1;
	v6 =	vmul.f32 v10, v2;
	v8 =	vmul.f32 v8, v2  }
.LBB2_5:
0x62: {  	p0 =	sne.s32 s30, $0x4F  }
0x63: {  	v4 =	vmul.f32 v4, v2;
	v3 =	vmul.f32 v3, v2;
	[tilespmem:s29+$0x30] =	vst v9;
	s31 =	sadd.s32 $0x80, s31;
	s0 =	smov.u32 s30;
	s30 =	sadd.s32 $0x1, s30  }
0x64: {  	[tilespmem:s29+$0xFFFFFFC0] =	vst v7;
	v7 =	vmul.f32 v1, v2;
	v2 =	vmul.f32 v5, v2  }
0x65: {  	[tilespmem:s29+$0x10] =	vst v8  }
0x66: {  	v5 =	vmov s0;
	[tilespmem:s29+$0xFFFFFFE0] =	vst v6  }
0x67: {  	v1 =	vld [tilespmem:s31+$0xFFFFFFF0];
	[tilespmem:s29+$0xFFFFFFF0] =	vst v7  }
0x68: {  	v6 =	vld [tilespmem:s31+$0x30];
	[tilespmem:s29+$0x0] =	vst v2  }
0x69: {  	v8 =	vld [tilespmem:s31+$0x10];
	[tilespmem:s29+$0x20] =	vst v3  }
0x6a: {  	v7 =	vld [tilespmem:s31+$0xFFFFFFC0];
	[tilespmem:s29+$0xFFFFFFD0] =	vst v4;
	s29 =	smov.u32 s31  }
0x6b: {  	v2 =	vld.idx.msk [tilespmem:v5+s23+$0x0], $0xffff  }
0x6c: {  	v10 =	vld [tilespmem:s31+$0xFFFFFFE0]  }
0x6d: {  	v3 =	vld [tilespmem:s31+$0x20]  }
.Ltmp1:
0x6e: {  	v4 =	vld [tilespmem:s31+$0xFFFFFFD0];
	(pc) =	sbr.rel @p0 .LBB2_5-.Ltmp1, $3  }
0x6f: {  	v5 =	vld [tilespmem:s31+$0x0];
	_ =	sdelay $0x1  }
0x70: {  	v7 =	vmul.f32 v7, v2;
	v9 =	vmul.f32 v6, v2  }
0x71: {  	v8 =	vmul.f32 v8, v2;
	v6 =	vmul.f32 v10, v2  }
0x72: {  	[tilespmem:s29+$0x30] =	vst v9  }
0x73: {  	[tilespmem:s29+$0xFFFFFFC0] =	vst v7  }
0x74: {  	v1 =	vmul.f32 v1, v2;
	[tilespmem:s29+$0x10] =	vst v8  }
0x75: {  	v3 =	vmul.f32 v3, v2;
	[tilespmem:s29+$0xFFFFFFE0] =	vst v6  }
0x76: {  	v5 =	vmul.f32 v5, v2;
	[tilespmem:s29+$0xFFFFFFF0] =	vst v1  }
0x77: {  	s28 =	sadd.s32 $0x1, s28;
	v1 =	vmul.f32 v4, v2;
	[tilespmem:s29+$0x20] =	vst v3  }
0x78: {  	p0 =	sne.s32 s28, $0x7D;
	[tilespmem:s29+$0x0] =	vst v5  }
.Ltmp2:
0x79: {  	[tilespmem:s29+$0xFFFFFFD0] =	vst v1;
	(pc) =	sbr.rel @p0 .LBB2_4-.Ltmp2, $4  }
0x7a: {  	[spmem:s2] =	stream.indirect.scatter.add.f32 [tilespmem:s19], [sflag:$0x2], $0x80, s21, s24, $0xb8;
	[tilespmem:$0x16580] =	vst v63  }
0x7b: {  	_ =	swait.ge [sflag:s20], $0x2800  }
0x7c: {  	[sflag:s20] =	ssyncset.done $0x0  }
0x7d: {  	[sflag:s20] =	ssyncadd.s32 $0xFFFFD800  }
0x7e: {  	s4 =	sadd.s32 $0x1, s4  }
0x7f: {  	s0 =	sshll.u32 s3, $0x6;
	[bflag:$0x0] =	sbarrier.arrive $0xFFFF;
	p0 =	sne.s32 s4, s18  }
.Ltmp3:
0x80: {  	s26 =	sshrl.u32 s8, $0x3;
	s0 =	sor.u32 $0x1C02, s0;
	(pc) =	sbr.rel @p0 .LBB2_1-.Ltmp3, $4  }
0x81: {  	[hbm:s17], [sflag:s0] =	dma.local [spmem:s26], $0x2780  }
0x82: {  	_ =	swait.ge [sflag:s20], $0x2780  }
0x83: {  	[sflag:s20] =	ssyncset.done $0x0  }
0x84: {  	[sflag:s20] =	ssyncadd.s32 $0xFFFFD880  }
0x85: {  	_ =	sfence.sel $0x180000  }
0x86: {  	[bflag:$0x0] =	sbarrier.arrive $0xFFFF  }
0x87: {  	_ =	strace $0x9000004A  }
0x88: {  	[bflag:$0x2] =	sbarrier.arrive $0xFFFF  }
0x89: {  	p0 =	sne.s32 s3, $0x0;
	s0 =	rddreg [dreg:$0x4]  }
0x8a: {  	s0 =	sadd.s32 @!p0 $0x100000, s0  }
0x8b: {  	[sflag:s0] =	ssyncadd.tile.s32 @!p0 $0x1;
	_ =	shalt  }
.Lfunc_end2:
_tile_overlayer_lowered:
.L_overlay_start_2:
0x8c: {  	(tag) =	ssettag $0x2  }
0x8d: {  	s0 =	rddreg [dreg:$0x0];
	s2 =	stileid.u32  }
0x8e: {  	s1 =	rddreg [dreg:$0x1];
	p0 =	sne.s32 s2, $0x0  }
0x8f: {  	s3 =	rddreg [dreg:$0x2];
	[bflag:$0x3] =	sbarrier.arrive $0xFFFF;
	s2 =	simm.s32 @!p0 $0x1C02  }
0x90: {  	[timem:s3], [sflag:s2] =	dma.local @!p0 [hbm:s0], s1  }
0x91: {  	s0 =	simm.s32 @!p0 $0x2  }
0x92: {  	_ =	swait.ge @!p0 [sflag:s0], s1  }
0x93: {  	s1 =	ssub.s32 @!p0 $0x0, s1;
	[sflag:s0] =	ssyncset.done @!p0 $0x0  }
0x94: {  	[sflag:s0] =	ssyncadd.s32 @!p0 s1  }
0x95: {  	[bflag:$0x3] =	sbarrier.arrive $0xFFFF  }
0x96: {  	_ =	shalt  }

// kernel: kernel.18.cloned.1.call-start
scs
__scs_entry_jumppad:
0x0: {  	(pc) =	sbr.rel $0x88, $3  }
0x1: {  	(tag) =	ssettag $0x0;
	lr =	simm.s32 $0x1  }
0x2: {  	[smem:$0x3F8A] =	sst lr;
	_ =	strace $0xD0000000  }
0x3: {  	_ = 	snop  }
0x4: {  	_ = 	snop  }
0x5: {  	_ = 	snop  }
0x6: {  	_ = 	snop  }
0x7: {  	_ = 	snop  }
__scs_overlays_trampoline_lowered:
0x8: {  	[smem:$0x3F99] =	sst s0  }
0x9: {  	[smem:$0x3F9A] =	sst s1  }
0xa: {  	[smem:$0x3F9B] =	sst s2  }
0xb: {  	[smem:$0x3F9C] =	sst s3  }
0xc: {  	[smem:$0x3F9D] =	sst s4  }
0xd: {  	[smem:$0x3F9E] =	sst s5  }
0xe: {  	[smem:$0x3F9F] =	sst s6  }
0xf: {  	[smem:$0x3FA0] =	sst s7  }
0x10: {  	[smem:$0x3FA1] =	sst s8  }
0x11: {  	[smem:$0x3FA2] =	sst s9;
	s0 =	simm.s32 @!p0 $0x0  }
0x12: {  	s1 =	sld [smem:$0x3F88];
	s0 =	simm.s32 @p0 $0x1  }
0x13: {  	[smem:$0x3FA3] =	sst s0;
	s0 =	simm.s32 @!p1 $0x0  }
0x14: {  	s2 =	sld [smem:$0x3F87];
	s0 =	simm.s32 @p1 $0x1  }
0x15: {  	[smem:$0x3FA4] =	sst s0;
	s0 =	simm.s32 @!p2 $0x0  }
0x16: {  	s3 =	sld [smem:$0x3FDB];
	s0 =	simm.s32 @p2 $0x1  }
0x17: {  	s4 =	simm.s32 $0x1BF5;
	[smem:$0x3FA6] =	sst s0  }
0x18: {  	s0 =	sld [smem:$0x3F89];
	_ =	swait.ge [sflag:s4], $0x0  }
0x19: {  	s7 =	sld [smem:$0x3F8A]  }
0x1a: {  	s8 =	sadd.s32 $0xFFFFE003, lr  }
0x1b: {  	s9 =	sadd.s32 $0xFFFFFEF7, lr;
	s5 =	simm.s32 $0xFFFFFFFF;
	p2 =	slt.u32 s8, $0xFFFFF086  }
0x1c: {  	p1 =	slt.u32 s9, $0xF7A;
	s5 =	simm.s32 @!p2 $0x0  }
0x1d: {  	s5 =	simm.s32 @p1 $0x1;
	p0 =	seq.s32 s7, s2  }
0x1e: {  	s7 =	smul.u32 @!p0 $0xF7A, s2;
	p2 =	seq.s32 @!p0 s5, $0x0  }
0x1f: {  	s9 =	smul.u32 $0xF7A, s1;
	s8 =	simm.s32 @!p0 $0x1BF5;
	p2 =	por !p2, p0  }
0x20: {  	[sflag:s8] =	ssyncset.s32 @!p0 $0xFFFFF086;
	s6 =	sadd.s32 @!p0 s3, s7;
	s7 =	simm.s32 @!p0 $0x108  }
0x21: {  	s3 =	sadd.s32 s3, s9;
	s6 =	sadd.s32 @!p0 $0x88, s6;
	s7 =	simm.s32 @p2 $0x1082  }
0x22: {  	[simem:s7], [sflag:s8] =	dma.local @!p0 [hbm:s6], $0xF7A  }
0x23: {  	s9 =	sor.u32 $0xD0000000, s2;
	s6 =	simm.s32 $0x108;
	_ =	swait.ge @!p0 [sflag:s8], $0x0  }
0x24: {  	s3 =	sadd.s32 $0x88, s3;
	s6 =	simm.s32 @!p1 $0x1082;
	[sflag:s4] =	ssyncset.s32 $0xFFFFF086  }
0x25: {  	[simem:s6], [sflag:s4] =	dma.local [hbm:s3], $0xF7A  }
0x26: {  	[smem:$0x3F8A] =	sst s1;
	(tag) =	ssettag s2;
	_ =	strace s9  }
0x27: {  	s1 =	sld [smem:$0x3F9A]  }
0x28: {  	s2 =	sld [smem:$0x3F9B]  }
0x29: {  	s4 =	sld [smem:$0x3F9D]  }
0x2a: {  	p0 =	seq.s32 s5, $0x0;
	s5 =	sld [smem:$0x3F9E]  }
0x2b: {  	s6 =	sld [smem:$0x3F9F]  }
0x2c: {  	s7 =	sld [smem:$0x3FA0]  }
0x2d: {  	s3 =	simm.s32 $0x108;
	s8 =	sld [smem:$0x3FA1]  }
0x2e: {  	s3 =	simm.s32 @!p0 $0x1082;
	s9 =	sld [smem:$0x3FA2]  }
0x2f: {  	lr =	sadd.s32 s0, s3;
	s0 =	sld [smem:$0x3F99]  }
0x30: {  	s3 =	sld [smem:$0x3F9C]  }
0x31: {  	[smem:$0x3FA5] =	sst s10  }
0x32: {  	s10 =	sld [smem:$0x3FA3];
	_ =	sdelay $0x3  }
0x33: {  	p0 =	seq.s32 s10, $0x1;
	s10 =	sld [smem:$0x3FA5];
	_ =	sdelay $0x3  }
0x34: {  	[smem:$0x3FA5] =	sst s10  }
0x35: {  	s10 =	sld [smem:$0x3FA4];
	_ =	sdelay $0x3  }
0x36: {  	p1 =	seq.s32 s10, $0x1;
	s10 =	sld [smem:$0x3FA5];
	_ =	sdelay $0x3  }
0x37: {  	[smem:$0x3FA5] =	sst s10  }
0x38: {  	s10 =	sld [smem:$0x3FA6]  }
0x39: {  	_ = 	snop;
	(pc) =	sbr.ind lr, $3  }
0x3a: {  	_ = 	snop  }
0x3b: {  	_ = 	snop  }
0x3c: {  	p2 =	seq.s32 s10, $0x1;
	s10 =	sld [smem:$0x3FA5]  }
0x3d: {  	_ =	shalt  }
0x3e: {  	_ =	shalt  }
0x3f: {  	_ =	shalt  }
0x40: {  	_ =	shalt  }
0x41: {  	_ =	shalt  }
0x42: {  	_ =	shalt  }
0x43: {  	_ =	shalt  }
0x44: {  	_ =	shalt  }
0x45: {  	_ =	shalt  }
0x46: {  	_ =	shalt  }
0x47: {  	_ =	shalt  }
0x48: {  	_ =	shalt  }
0x49: {  	_ =	shalt  }
0x4a: {  	_ =	shalt  }
0x4b: {  	_ =	shalt  }
0x4c: {  	_ =	shalt  }
0x4d: {  	_ =	shalt  }
0x4e: {  	_ =	shalt  }
0x4f: {  	_ =	shalt  }
0x50: {  	_ =	shalt  }
0x51: {  	_ =	shalt  }
0x52: {  	_ =	shalt  }
0x53: {  	_ =	shalt  }
0x54: {  	_ =	shalt  }
0x55: {  	_ =	shalt  }
0x56: {  	_ =	shalt  }
0x57: {  	_ =	shalt  }
0x58: {  	_ =	shalt  }
0x59: {  	_ =	shalt  }
0x5a: {  	_ =	shalt  }
0x5b: {  	_ =	shalt  }
0x5c: {  	_ =	shalt  }
0x5d: {  	_ =	shalt  }
0x5e: {  	_ =	shalt  }
0x5f: {  	_ =	shalt  }
0x60: {  	_ =	shalt  }
0x61: {  	_ =	shalt  }
0x62: {  	_ =	shalt  }
0x63: {  	_ =	shalt  }
0x64: {  	_ =	shalt  }
0x65: {  	_ =	shalt  }
0x66: {  	_ =	shalt  }
0x67: {  	_ =	shalt  }
0x68: {  	_ =	shalt  }
0x69: {  	_ =	shalt  }
0x6a: {  	_ =	shalt  }
0x6b: {  	_ =	shalt  }
0x6c: {  	_ =	shalt  }
0x6d: {  	_ =	shalt  }
0x6e: {  	_ =	shalt  }
0x6f: {  	_ =	shalt  }
0x70: {  	_ =	shalt  }
0x71: {  	_ =	shalt  }
0x72: {  	_ =	shalt  }
0x73: {  	_ =	shalt  }
0x74: {  	_ =	shalt  }
0x75: {  	_ =	shalt  }
0x76: {  	_ =	shalt  }
0x77: {  	_ =	shalt  }
0x78: {  	_ =	shalt  }
0x79: {  	_ =	shalt  }
0x7a: {  	_ =	shalt  }
0x7b: {  	_ =	shalt  }
0x7c: {  	_ =	shalt  }
0x7d: {  	_ =	shalt  }
0x7e: {  	_ =	shalt  }
0x7f: {  	_ =	shalt  }
0x80: {  	_ =	shalt  }
0x81: {  	_ =	shalt  }
0x82: {  	_ =	shalt  }
0x83: {  	_ =	shalt  }
0x84: {  	_ =	shalt  }
0x85: {  	_ =	shalt  }
0x86: {  	_ =	shalt  }
0x87: {  	_ =	shalt  }
.Lfunc_end0:
.L_simem_size_0:
called_computation.2_lowered:
.L_overlay_start_0:
0x88: {  	s2 =	sld [smem:$0x3FD9]  }
0x89: {  	s3 =	sld [smem:$0x3FFE];
	_ =	sdelay $0x1  }
0x8a: {  	s1 =	srdreg.scid  }
0x8b: {  	s0 =	sand.u32 $0x1, s1  }
0x8c: {  	s14 =	sshll.u32 s0, $0xA;
	s2 =	sadd.s32 s3, s2  }
0x8d: {  	s2 =	sadd.s32 s2, s14  }
0x8e: {  	[smem:$0x3FB1] =	sst s2  }
0x8f: {  	_ = 	snop  }
0x90: {  	s2 =	sld [smem:$0x3FD0];
	_ =	sdelay $0x2  }
0x91: {  	s4 =	simm.s32 $0xA;
	s5 =	simm.s32 $0x10;
	s15 =	sld [smem:$0x3FC7]  }
0x92: {  	[smem:s5], [sflag:s4] =	dma.local [hbm:s2], $0x1  }
0x93: {  	_ =	swait.eq [sflag:s4], $0x1  }
0x94: {  	[sflag:s4] =	ssyncset.done $0x0  }
0x95: {  	s16 =	sld [smem:$0x10];
	[sflag:s4] =	ssyncadd.s32 $0xFFFFFFFF  }
0x96: {  	s17 =	sld [smem:$0x11];
	(tm) =	ssettm $0x1  }
0x97: {  	s18 =	sld [smem:$0x3FFB];
	_ =	sdelay $0x3  }
0x98: {  	_ =	strace s18  }
0x99: {  	s5 =	sld [smem:$0x3FFC];
	_ =	sdelay $0x3  }
0x9a: {  	_ =	strace s5  }
0x9b: {  	s5 =	sld [smem:$0x3FFD];
	_ =	sdelay $0x3  }
0x9c: {  	_ =	strace s5  }
0x9d: {  	_ =	strace $0x8FFFFFFF  }
0x9e: {  	s19 =	sld [smem:$0x3FDB];
	_ =	sdelay $0x1  }
0x9f: {  	s6 =	simm.s32 $_scs_section_size  }
0xa0: {  	s7 =	simm.s32 $_size__tile_overlayer_lowered;
	s8 =	simm.s32 $_tile_overlayer_lowered  }
0xa1: {  	s22 =	simm.s32 $0x1BFF;
	s21 =	sshll.u32 s8, $0x1;
	s5 =	sadd.s32 s6, s19  }
0xa2: {  	s9 =	simm.s32 $0x0;
	s20 =	sshll.u32 s7, $0x1;
	s7 =	sadd.s32 s21, s5  }
0xa3: {  	[timem:s9], [sflag:s22] =	dma.local [hbm:s7], s20  }
0xa4: {  	_ =	swait.ge [sflag:s22], s20  }
0xa5: {  	s6 =	ssub.s32 $0x0, s20;
	[sflag:s22] =	ssyncset.done $0x0  }
0xa6: {  	[sflag:s22] =	ssyncadd.s32 s6;
	_ =	sdelay $0x1  }
0xa7: {  	s23 =	simm.s32 $0x1B8B  }
0xa8: {  	_ =	swait.ge [sflag:s23], $0x1  }
0xa9: {  	[sflag:s23] =	ssyncset.done $0x0  }
0xaa: {  	s25 =	simm.s32 $0x1B8E;
	s24 =	sld [smem:$0x3FFE];
	[sflag:s23] =	ssyncadd.s32 $0xFFFFFFFF  }
0xab: {  	s26 =	simm.s32 $execute0_lowered;
	[smem:$0x3FD2] =	sst s25  }
0xac: {  	s7 =	sshll.u32 s26, $0x1;
	_ =	strace $0x8000004C;
	[dreg:$0x1] =	wrdreg $0xFFFFFFFF  }
0xad: {  	s28 =	simm.s32 $_size_execute0_lowered;
	s5 =	sadd.s32 s5, s7;
	[dreg:$0x0] =	wrdreg $0x0  }
0xae: {  	s7 =	sshll.u32 s28, $0x1;
	[dreg:$0x2] =	wrdreg s5  }
0xaf: {  	[dreg:$0x3] =	wrdreg s7  }
0xb0: {  	[dreg:$0x4] =	wrdreg $0xC0  }
0xb1: {  	_ =	task [dreg:s9], $0x5FFFF  }
0xb2: {  	[dreg:$0x1] =	wrdreg $0xFFFFFFFF  }
0xb3: {  	[dreg:$0x0] =	wrdreg $0x60  }
0xb4: {  	[dreg:$0x2] =	wrdreg s16  }
0xb5: {  	[dreg:$0x3] =	wrdreg s24  }
0xb6: {  	[dreg:$0x4] =	wrdreg s15  }
0xb7: {  	[dreg:$0x5] =	wrdreg s17  }
0xb8: {  	[dreg:$0x6] =	wrdreg $0x0  }
0xb9: {  	[dreg:$0x7] =	wrdreg $0x9  }
0xba: {  	_ =	task.clear_ibuf [dreg:s9], $0x8FFFF;
	_ =	strace $0x9000004C  }
0xbb: {  	s29 =	simm.s32 $0x9;
	_ =	strace $0x8000004E  }
0xbc: {  	_ =	swait.ge [sflag:s29], $0x1  }
0xbd: {  	[sflag:s29] =	ssyncadd.s32 $0xFFFFFFFF  }
0xbe: {  	_ =	strace $0x9000004E  }
0xbf: {  	_ =	sfence  }
0xc0: {  	s30 =	sld [smem:$0x0];
	_ =	sdelay $0x2  }
0xc1: {  	s31 =	sshll.u32 s1, $0xD;
	s1 =	sshrl.u32 s1, $0x2  }
0xc2: {  	s3 =	sand.u32 $0x4000, s31;
	s1 =	sadd.s32 s1, s30  }
0xc3: {  	s0 =	sor.u32 s3, s0;
	s1 =	sshll.u32 s1, $0x11  }
0xc4: {  	s0 =	sor.u32 s1, s0  }
0xc5: {  	s0 =	sadd.s32 $0x8F2B, s0  }
0xc6: {  	[sflag:s0] =	ssyncadd.remote.s32 $0x1  }
0xc7: {  	_ =	sfence.sel $0xFFFF  }
0xc8: {  	[dreg:$0x0] =	wrdreg $0xFFFFFFFF;
	(pc) =	sbr.abs _section_cstart, $3  }
0xc9: {  	[dreg:$0x1] =	wrdreg $0xFFFFFFFF  }
0xca: {  	_ =	task.clear_ibuf [dreg:s9], $0x2FFFF;
	_ =	strace $0x9FFFFFFF  }
0xcb: {  	(tm) =	ssettm $0x7FFFFFFF  }
tec
execute0_lowered:
.L_overlay_start_1:
0x0: {  	(tag) =	ssettag $0x1  }
0x1: {  	s1 =	rddreg [dreg:$0x0]  }
0x2: {  	s7 =	rddreg [dreg:$0x1]  }
0x3: {  	s2 =	rddreg [dreg:$0x2]  }
0x4: {  	s17 =	rddreg [dreg:$0x3]  }
0x5: {  	s4 =	rddreg [dreg:$0x4];
	s6 =	srdreg.scid  }
0x6: {  	s5 =	simm.s32 $0x0;
	s3 =	stileid.u32;
	s20 =	simm.s32 $0x2  }
0x7: {  	s21 =	simm.s32 $0x13C00;
	s22 =	simm.s32 $0x13C80;
	s23 =	simm.s32 $0x13D00  }
0x8: {  	s24 =	simm.s32 $0x50;
	s25 =	simm.s32 $0x1;
	s9 =	sand.u32 $0x1, s6  }
0x9: {  	[smem:$0x7FF] =	sst s5;
	s10 =	smul.u32 $0x4F000, s3;
	s6 =	sadd.s32 $0x18200, s7  }
0xa: {  	s7 =	sadd.s32 $0xE400, s7;
	s31 =	sshll.u32 s3, $0x1;
	s19 =	smul.u32 $0x13C00, s3  }
0xb: {  	s8 =	ssub.s32 $0x2, s9;
	_ =	strace $0x8000004D;
	s15 =	smul.u32 $0x13C000, s9  }
0xc: {  	s16 =	sor.u32 s9, s31;
	s11 =	sshrl.u32 s8, $0x1;
	s30 =	sshrl.u32 s10, $0x2  }
0xd: {  	s16 =	smul.u32 $0x2710, s16;
	s18 =	ssub.s32 s8, s11;
	s8 =	sadd.s32 s30, s4  }
0xe: {  	s19 =	sadd.s32 s19, s15;
	s9 =	sadd.s32 $0x2800, s8;
	s10 =	sadd.s32 $0x5000, s8  }
0xf: {  	s11 =	sadd.s32 $0x7800, s8;
	s12 =	sadd.s32 $0xA000, s8;
	s13 =	sadd.s32 $0xC800, s8  }
0x10: {  	s14 =	sadd.s32 $0xF000, s8;
	s15 =	sadd.s32 $0x11800, s8;
	s19 =	sshrl.u32 s19, $0x3  }
0x11: {  	v0 =	vimm.f32 $0.0e+00;
	s18 =	smax.u32 s18, $0x1;
	s17 =	sadd.s32 s17, s19;
	s19 =	simm.s32 $0x13D80  }
.LBB2_1:
0x12: {  	s26 =	simm.s32 $0x0;
	s28 =	simm.s32 $0x200  }
.LBB2_2:
0x13: {  	p0 =	sne.s32 s28, $0x9E00;
	[tilespmem:s26+$0x13DF0] =	vst v0  }
0x14: {  	[tilespmem:s26+$0x13D80] =	vst v0  }
0x15: {  	[tilespmem:s26+$0x13D90] =	vst v0  }
.Ltmp0:
0x16: {  	[tilespmem:s26+$0x13DA0] =	vst v0;
	(pc) =	sbr.rel @p0 .LBB2_2-.Ltmp0, $4  }
0x17: {  	[tilespmem:s26+$0x13DB0] =	vst v0  }
0x18: {  	[tilespmem:s26+$0x13DC0] =	vst v0  }
0x19: {  	[tilespmem:s26+$0x13DD0] =	vst v0  }
0x1a: {  	[tilespmem:s26+$0x13DE0] =	vst v0;
	s26 =	sshra.s32 s28, $0x2;
	s28 =	sadd.s32 $0x200, s28  }
0x1b: {  	[tilespmem:s26+$0x13DF0] =	vst v0  }
0x1c: {  	[tilespmem:s26+$0x13D80] =	vst v0  }
0x1d: {  	[tilespmem:s26+$0x13D90] =	vst v0  }
0x1e: {  	[tilespmem:s26+$0x13DA0] =	vst v0  }
0x1f: {  	[tilespmem:s26+$0x13DB0] =	vst v0  }
0x20: {  	[tilespmem:s26+$0x13DC0] =	vst v0  }
0x21: {  	[tilespmem:s26+$0x13DD0] =	vst v0  }
0x22: {  	[tilespmem:s26+$0x13DE0] =	vst v0  }
0x23: {  	[spmem:s8] =	stream.linear.scatter [tilespmem:s19], [sflag:$0x2], $0x2800, $0x38;
	[tilespmem:$0x16580] =	vst v63  }
0x24: {  	_ =	swait.ge [sflag:s20], $0x2800  }
0x25: {  	[sflag:s20] =	ssyncset.done $0x0  }
0x26: {  	[sflag:s20] =	ssyncadd.s32 $0xFFFFD800  }
0x27: {  	[spmem:s9] =	stream.linear.scatter [tilespmem:s19], [sflag:$0x2], $0x2800, $0x38;
	[tilespmem:$0x16580] =	vst v63  }
0x28: {  	_ =	swait.ge [sflag:s20], $0x2800  }
0x29: {  	[sflag:s20] =	ssyncset.done $0x0  }
0x2a: {  	[sflag:s20] =	ssyncadd.s32 $0xFFFFD800  }
0x2b: {  	[spmem:s10] =	stream.linear.scatter [tilespmem:s19], [sflag:$0x2], $0x2800, $0x38;
	[tilespmem:$0x16580] =	vst v63  }
0x2c: {  	_ =	swait.ge [sflag:s20], $0x2800  }
0x2d: {  	[sflag:s20] =	ssyncset.done $0x0  }
0x2e: {  	[sflag:s20] =	ssyncadd.s32 $0xFFFFD800  }
0x2f: {  	[spmem:s11] =	stream.linear.scatter [tilespmem:s19], [sflag:$0x2], $0x2800, $0x38;
	[tilespmem:$0x16580] =	vst v63  }
0x30: {  	_ =	swait.ge [sflag:s20], $0x2800  }
0x31: {  	[sflag:s20] =	ssyncset.done $0x0  }
0x32: {  	[sflag:s20] =	ssyncadd.s32 $0xFFFFD800  }
0x33: {  	[spmem:s12] =	stream.linear.scatter [tilespmem:s19], [sflag:$0x2], $0x2800, $0x38;
	[tilespmem:$0x16580] =	vst v63  }
0x34: {  	_ =	swait.ge [sflag:s20], $0x2800  }
0x35: {  	[sflag:s20] =	ssyncset.done $0x0  }
0x36: {  	[sflag:s20] =	ssyncadd.s32 $0xFFFFD800  }
0x37: {  	[spmem:s13] =	stream.linear.scatter [tilespmem:s19], [sflag:$0x2], $0x2800, $0x38;
	[tilespmem:$0x16580] =	vst v63  }
0x38: {  	_ =	swait.ge [sflag:s20], $0x2800  }
0x39: {  	[sflag:s20] =	ssyncset.done $0x0  }
0x3a: {  	[sflag:s20] =	ssyncadd.s32 $0xFFFFD800  }
0x3b: {  	[spmem:s14] =	stream.linear.scatter [tilespmem:s19], [sflag:$0x2], $0x2800, $0x38;
	[tilespmem:$0x16580] =	vst v63  }
0x3c: {  	_ =	swait.ge [sflag:s20], $0x2800  }
0x3d: {  	[sflag:s20] =	ssyncset.done $0x0  }
0x3e: {  	[sflag:s20] =	ssyncadd.s32 $0xFFFFD800  }
0x3f: {  	[spmem:s15] =	stream.linear.scatter [tilespmem:s19], [sflag:$0x2], $0x2400, $0x38;
	[tilespmem:$0x16580] =	vst v63  }
0x40: {  	_ =	swait.ge [sflag:s20], $0x2400  }
0x41: {  	[sflag:s20] =	ssyncset.done $0x0  }
0x42: {  	[sflag:s20] =	ssyncadd.s32 $0xFFFFDC00  }
0x43: {  	s26 =	simm.s32 $0x0;
	s28 =	simm.s32 $0x0;
	[bflag:$0x0] =	sbarrier.arrive $0xFFFF  }
.LBB2_4:
0x44: {  	s29 =	smul.u32 $0x50, s28;
	_ =	sdelay $0x1  }
0x45: {  	s29 =	sadd.s32 s16, s29  }
0x46: {  	s29 =	sshrl.u32 s29, $0x3  }
0x47: {  	s30 =	sadd.s32 s6, s29  }
0x48: {  	[tilespmem:s21], [sflag:$0x2] =	stream.linear.gather [hbm4b:s30+s26], $0x50, $0x38;
	[tilespmem:$0x16580] =	vst v63  }
0x49: {  	_ =	swait.ge [sflag:s20], $0x50  }
0x4a: {  	[sflag:s20] =	ssyncset.done $0x0  }
0x4b: {  	s30 =	sadd.s32 s7, s29;
	[sflag:s20] =	ssyncadd.s32 $0xFFFFFFB0  }
0x4c: {  	[tilespmem:s22], [sflag:$0x2] =	stream.linear.gather [hbm4b:s30+s26], $0x50, $0x38;
	[tilespmem:$0x16580] =	vst v63  }
0x4d: {  	_ =	swait.ge [sflag:s20], $0x50  }
0x4e: {  	[sflag:s20] =	ssyncset.done $0x0  }
0x4f: {  	s29 =	sadd.s32 s2, s29;
	[sflag:s20] =	ssyncadd.s32 $0xFFFFFFB0  }
0x50: {  	[tilespmem:s23], [sflag:$0x2] =	stream.linear.gather [hbm4b:s29+s26], $0x50, $0x38;
	[tilespmem:$0x16580] =	vst v63  }
0x51: {  	_ =	swait.ge [sflag:s20], $0x50  }
0x52: {  	[sflag:s20] =	ssyncset.done $0x0  }
0x53: {  	[sflag:s20] =	ssyncadd.s32 $0xFFFFFFB0  }
0x54: {  	[tilespmem:s19], [sflag:$0x1] =	stream.indirect.gather [hbm4b:s1+s24], $0x80, s22, s24, $0xb8;
	[tilespmem:$0x16580] =	vst v63  }
0x55: {  	_ =	swait.ge [sflag:s25], $0x2800  }
0x56: {  	v1 =	vmov s26;
	[sflag:s25] =	ssyncset.done $0x0  }
0x57: {  	s29 =	simm.s32 $0x13DC0;
	[sflag:s25] =	ssyncadd.s32 $0xFFFFD800  }
0x58: {  	v5 =	vld [tilespmem:s29+$0x30]  }
0x59: {  	v8 =	vld [tilespmem:s29+$0x10]  }
0x5a: {  	v6 =	vld [tilespmem:s29+$0xFFFFFFC0]  }
0x5b: {  	v2 =	vld.idx.msk [tilespmem:v1+s23+$0x0], $0xffff  }
0x5c: {  	v10 =	vld [tilespmem:s29+$0xFFFFFFE0]  }
0x5d: {  	v1 =	vld [tilespmem:s29+$0xFFFFFFF0]  }
0x5e: {  	v3 =	vld [tilespmem:s29+$0x20]  }
0x5f: {  	v4 =	vld [tilespmem:s29+$0xFFFFFFD0]  }
0x60: {  	v9 =	vmul.f32 v5, v2;
	v5 =	vld [tilespmem:s29+$0x0]  }
0x61: {  	v7 =	vmul.f32 v6, v2  }
0x62: {  	s31 =	simm.s32 $0x13DC0;
	s30 =	simm.s32 $0x1;
	v6 =	vmul.f32 v10, v2;
	v8 =	vmul.f32 v8, v2  }
.LBB2_5:
0x63: {  	p0 =	sne.s32 s30, $0x4F  }
0x64: {  	v4 =	vmul.f32 v4, v2;
	v3 =	vmul.f32 v3, v2;
	[tilespmem:s29+$0x30] =	vst v9;
	s31 =	sadd.s32 $0x80, s31;
	s0 =	smov.u32 s30;
	s30 =	sadd.s32 $0x1, s30  }
0x65: {  	[tilespmem:s29+$0xFFFFFFC0] =	vst v7;
	v7 =	vmul.f32 v1, v2;
	v2 =	vmul.f32 v5, v2  }
0x66: {  	[tilespmem:s29+$0x10] =	vst v8  }
0x67: {  	v5 =	vmov s0;
	[tilespmem:s29+$0xFFFFFFE0] =	vst v6  }
0x68: {  	v1 =	vld [tilespmem:s31+$0xFFFFFFF0];
	[tilespmem:s29+$0xFFFFFFF0] =	vst v7  }
0x69: {  	v6 =	vld [tilespmem:s31+$0x30];
	[tilespmem:s29+$0x0] =	vst v2  }
0x6a: {  	v8 =	vld [tilespmem:s31+$0x10];
	[tilespmem:s29+$0x20] =	vst v3  }
0x6b: {  	v7 =	vld [tilespmem:s31+$0xFFFFFFC0];
	[tilespmem:s29+$0xFFFFFFD0] =	vst v4;
	s29 =	smov.u32 s31  }
0x6c: {  	v2 =	vld.idx.msk [tilespmem:v5+s23+$0x0], $0xffff  }
0x6d: {  	v10 =	vld [tilespmem:s31+$0xFFFFFFE0]  }
0x6e: {  	v3 =	vld [tilespmem:s31+$0x20]  }
.Ltmp1:
0x6f: {  	v4 =	vld [tilespmem:s31+$0xFFFFFFD0];
	(pc) =	sbr.rel @p0 .LBB2_5-.Ltmp1, $3  }
0x70: {  	v5 =	vld [tilespmem:s31+$0x0];
	_ =	sdelay $0x1  }
0x71: {  	v7 =	vmul.f32 v7, v2;
	v9 =	vmul.f32 v6, v2  }
0x72: {  	v8 =	vmul.f32 v8, v2;
	v6 =	vmul.f32 v10, v2  }
0x73: {  	[tilespmem:s29+$0x30] =	vst v9  }
0x74: {  	[tilespmem:s29+$0xFFFFFFC0] =	vst v7  }
0x75: {  	v1 =	vmul.f32 v1, v2;
	[tilespmem:s29+$0x10] =	vst v8  }
0x76: {  	v3 =	vmul.f32 v3, v2;
	[tilespmem:s29+$0xFFFFFFE0] =	vst v6  }
0x77: {  	v5 =	vmul.f32 v5, v2;
	[tilespmem:s29+$0xFFFFFFF0] =	vst v1  }
0x78: {  	s28 =	sadd.s32 $0x1, s28;
	v1 =	vmul.f32 v4, v2;
	[tilespmem:s29+$0x20] =	vst v3  }
0x79: {  	p0 =	sne.s32 s28, $0x7D;
	[tilespmem:s29+$0x0] =	vst v5  }
.Ltmp2:
0x7a: {  	[tilespmem:s29+$0xFFFFFFD0] =	vst v1;
	(pc) =	sbr.rel @p0 .LBB2_4-.Ltmp2, $4  }
0x7b: {  	[spmem:s4] =	stream.indirect.scatter.add.f32 [tilespmem:s19], [sflag:$0x2], $0x80, s21, s24, $0xb8;
	[tilespmem:$0x16580] =	vst v63  }
0x7c: {  	_ =	swait.ge [sflag:s20], $0x2800  }
0x7d: {  	[sflag:s20] =	ssyncset.done $0x0  }
0x7e: {  	[sflag:s20] =	ssyncadd.s32 $0xFFFFD800  }
0x7f: {  	s5 =	sadd.s32 $0x1, s5  }
0x80: {  	s0 =	sshll.u32 s3, $0x6;
	[bflag:$0x0] =	sbarrier.arrive $0xFFFF;
	p0 =	sne.s32 s5, s18  }
.Ltmp3:
0x81: {  	s26 =	sshrl.u32 s8, $0x3;
	s0 =	sor.u32 $0x1C02, s0;
	(pc) =	sbr.rel @p0 .LBB2_1-.Ltmp3, $4  }
0x82: {  	[hbm:s17], [sflag:s0] =	dma.local [spmem:s26], $0x2780  }
0x83: {  	_ =	swait.ge [sflag:s20], $0x2780  }
0x84: {  	[sflag:s20] =	ssyncset.done $0x0  }
0x85: {  	[sflag:s20] =	ssyncadd.s32 $0xFFFFD880  }
0x86: {  	_ =	sfence.sel $0x180000  }
0x87: {  	[bflag:$0x0] =	sbarrier.arrive $0xFFFF  }
0x88: {  	_ =	strace $0x9000004D  }
0x89: {  	[bflag:$0x2] =	sbarrier.arrive $0xFFFF  }
0x8a: {  	p0 =	sne.s32 s3, $0x0;
	s0 =	rddreg [dreg:$0x5]  }
0x8b: {  	s0 =	sadd.s32 @!p0 $0x100000, s0  }
0x8c: {  	[sflag:s0] =	ssyncadd.tile.s32 @!p0 $0x1;
	_ =	shalt  }
.Lfunc_end2:
_tile_overlayer_lowered:
.L_overlay_start_2:
0x8d: {  	(tag) =	ssettag $0x2  }
0x8e: {  	s0 =	rddreg [dreg:$0x0];
	s2 =	stileid.u32  }
0x8f: {  	s1 =	rddreg [dreg:$0x1];
	p0 =	sne.s32 s2, $0x0  }
0x90: {  	s3 =	rddreg [dreg:$0x2];
	[bflag:$0x3] =	sbarrier.arrive $0xFFFF;
	s2 =	simm.s32 @!p0 $0x1C02  }
0x91: {  	[timem:s3], [sflag:s2] =	dma.local @!p0 [hbm:s0], s1  }
0x92: {  	s0 =	simm.s32 @!p0 $0x2  }
0x93: {  	_ =	swait.ge @!p0 [sflag:s0], s1  }
0x94: {  	s1 =	ssub.s32 @!p0 $0x0, s1;
	[sflag:s0] =	ssyncset.done @!p0 $0x0  }
0x95: {  	[sflag:s0] =	ssyncadd.s32 @!p0 s1  }
0x96: {  	[bflag:$0x3] =	sbarrier.arrive $0xFFFF  }
0x97: {  	_ =	shalt  }

// kernel: kernel.21.cloned.1.call-start
scs
__scs_entry_jumppad:
0x0: {  	(pc) =	sbr.rel $0x88, $3  }
0x1: {  	(tag) =	ssettag $0x0;
	lr =	simm.s32 $0x1  }
0x2: {  	[smem:$0x3F8A] =	sst lr;
	_ =	strace $0xD0000000  }
0x3: {  	_ = 	snop  }
0x4: {  	_ = 	snop  }
0x5: {  	_ = 	snop  }
0x6: {  	_ = 	snop  }
0x7: {  	_ = 	snop  }
__scs_overlays_trampoline_lowered:
0x8: {  	[smem:$0x3F99] =	sst s0  }
0x9: {  	[smem:$0x3F9A] =	sst s1  }
0xa: {  	[smem:$0x3F9B] =	sst s2  }
0xb: {  	[smem:$0x3F9C] =	sst s3  }
0xc: {  	[smem:$0x3F9D] =	sst s4  }
0xd: {  	[smem:$0x3F9E] =	sst s5  }
0xe: {  	[smem:$0x3F9F] =	sst s6  }
0xf: {  	[smem:$0x3FA0] =	sst s7  }
0x10: {  	[smem:$0x3FA1] =	sst s8  }
0x11: {  	[smem:$0x3FA2] =	sst s9;
	s0 =	simm.s32 @!p0 $0x0  }
0x12: {  	s1 =	sld [smem:$0x3F88];
	s0 =	simm.s32 @p0 $0x1  }
0x13: {  	[smem:$0x3FA3] =	sst s0;
	s0 =	simm.s32 @!p1 $0x0  }
0x14: {  	s2 =	sld [smem:$0x3F87];
	s0 =	simm.s32 @p1 $0x1  }
0x15: {  	[smem:$0x3FA4] =	sst s0;
	s0 =	simm.s32 @!p2 $0x0  }
0x16: {  	s3 =	sld [smem:$0x3FDB];
	s0 =	simm.s32 @p2 $0x1  }
0x17: {  	s4 =	simm.s32 $0x1BF5;
	[smem:$0x3FA6] =	sst s0  }
0x18: {  	s0 =	sld [smem:$0x3F89];
	_ =	swait.ge [sflag:s4], $0x0  }
0x19: {  	s7 =	sld [smem:$0x3F8A]  }
0x1a: {  	s8 =	sadd.s32 $0xFFFFE003, lr  }
0x1b: {  	s9 =	sadd.s32 $0xFFFFFEF7, lr;
	s5 =	simm.s32 $0xFFFFFFFF;
	p2 =	slt.u32 s8, $0xFFFFF086  }
0x1c: {  	p1 =	slt.u32 s9, $0xF7A;
	s5 =	simm.s32 @!p2 $0x0  }
0x1d: {  	s5 =	simm.s32 @p1 $0x1;
	p0 =	seq.s32 s7, s2  }
0x1e: {  	s7 =	smul.u32 @!p0 $0xF7A, s2;
	p2 =	seq.s32 @!p0 s5, $0x0  }
0x1f: {  	s9 =	smul.u32 $0xF7A, s1;
	s8 =	simm.s32 @!p0 $0x1BF5;
	p2 =	por !p2, p0  }
0x20: {  	[sflag:s8] =	ssyncset.s32 @!p0 $0xFFFFF086;
	s6 =	sadd.s32 @!p0 s3, s7;
	s7 =	simm.s32 @!p0 $0x108  }
0x21: {  	s3 =	sadd.s32 s3, s9;
	s6 =	sadd.s32 @!p0 $0x88, s6;
	s7 =	simm.s32 @p2 $0x1082  }
0x22: {  	[simem:s7], [sflag:s8] =	dma.local @!p0 [hbm:s6], $0xF7A  }
0x23: {  	s9 =	sor.u32 $0xD0000000, s2;
	s6 =	simm.s32 $0x108;
	_ =	swait.ge @!p0 [sflag:s8], $0x0  }
0x24: {  	s3 =	sadd.s32 $0x88, s3;
	s6 =	simm.s32 @!p1 $0x1082;
	[sflag:s4] =	ssyncset.s32 $0xFFFFF086  }
0x25: {  	[simem:s6], [sflag:s4] =	dma.local [hbm:s3], $0xF7A  }
0x26: {  	[smem:$0x3F8A] =	sst s1;
	(tag) =	ssettag s2;
	_ =	strace s9  }
0x27: {  	s1 =	sld [smem:$0x3F9A]  }
0x28: {  	s2 =	sld [smem:$0x3F9B]  }
0x29: {  	s4 =	sld [smem:$0x3F9D]  }
0x2a: {  	p0 =	seq.s32 s5, $0x0;
	s5 =	sld [smem:$0x3F9E]  }
0x2b: {  	s6 =	sld [smem:$0x3F9F]  }
0x2c: {  	s7 =	sld [smem:$0x3FA0]  }
0x2d: {  	s3 =	simm.s32 $0x108;
	s8 =	sld [smem:$0x3FA1]  }
0x2e: {  	s3 =	simm.s32 @!p0 $0x1082;
	s9 =	sld [smem:$0x3FA2]  }
0x2f: {  	lr =	sadd.s32 s0, s3;
	s0 =	sld [smem:$0x3F99]  }
0x30: {  	s3 =	sld [smem:$0x3F9C]  }
0x31: {  	[smem:$0x3FA5] =	sst s10  }
0x32: {  	s10 =	sld [smem:$0x3FA3];
	_ =	sdelay $0x3  }
0x33: {  	p0 =	seq.s32 s10, $0x1;
	s10 =	sld [smem:$0x3FA5];
	_ =	sdelay $0x3  }
0x34: {  	[smem:$0x3FA5] =	sst s10  }
0x35: {  	s10 =	sld [smem:$0x3FA4];
	_ =	sdelay $0x3  }
0x36: {  	p1 =	seq.s32 s10, $0x1;
	s10 =	sld [smem:$0x3FA5];
	_ =	sdelay $0x3  }
0x37: {  	[smem:$0x3FA5] =	sst s10  }
0x38: {  	s10 =	sld [smem:$0x3FA6]  }
0x39: {  	_ = 	snop;
	(pc) =	sbr.ind lr, $3  }
0x3a: {  	_ = 	snop  }
0x3b: {  	_ = 	snop  }
0x3c: {  	p2 =	seq.s32 s10, $0x1;
	s10 =	sld [smem:$0x3FA5]  }
0x3d: {  	_ =	shalt  }
0x3e: {  	_ =	shalt  }
0x3f: {  	_ =	shalt  }
0x40: {  	_ =	shalt  }
0x41: {  	_ =	shalt  }
0x42: {  	_ =	shalt  }
0x43: {  	_ =	shalt  }
0x44: {  	_ =	shalt  }
0x45: {  	_ =	shalt  }
0x46: {  	_ =	shalt  }
0x47: {  	_ =	shalt  }
0x48: {  	_ =	shalt  }
0x49: {  	_ =	shalt  }
0x4a: {  	_ =	shalt  }
0x4b: {  	_ =	shalt  }
0x4c: {  	_ =	shalt  }
0x4d: {  	_ =	shalt  }
0x4e: {  	_ =	shalt  }
0x4f: {  	_ =	shalt  }
0x50: {  	_ =	shalt  }
0x51: {  	_ =	shalt  }
0x52: {  	_ =	shalt  }
0x53: {  	_ =	shalt  }
0x54: {  	_ =	shalt  }
0x55: {  	_ =	shalt  }
0x56: {  	_ =	shalt  }
0x57: {  	_ =	shalt  }
0x58: {  	_ =	shalt  }
0x59: {  	_ =	shalt  }
0x5a: {  	_ =	shalt  }
0x5b: {  	_ =	shalt  }
0x5c: {  	_ =	shalt  }
0x5d: {  	_ =	shalt  }
0x5e: {  	_ =	shalt  }
0x5f: {  	_ =	shalt  }
0x60: {  	_ =	shalt  }
0x61: {  	_ =	shalt  }
0x62: {  	_ =	shalt  }
0x63: {  	_ =	shalt  }
0x64: {  	_ =	shalt  }
0x65: {  	_ =	shalt  }
0x66: {  	_ =	shalt  }
0x67: {  	_ =	shalt  }
0x68: {  	_ =	shalt  }
0x69: {  	_ =	shalt  }
0x6a: {  	_ =	shalt  }
0x6b: {  	_ =	shalt  }
0x6c: {  	_ =	shalt  }
0x6d: {  	_ =	shalt  }
0x6e: {  	_ =	shalt  }
0x6f: {  	_ =	shalt  }
0x70: {  	_ =	shalt  }
0x71: {  	_ =	shalt  }
0x72: {  	_ =	shalt  }
0x73: {  	_ =	shalt  }
0x74: {  	_ =	shalt  }
0x75: {  	_ =	shalt  }
0x76: {  	_ =	shalt  }
0x77: {  	_ =	shalt  }
0x78: {  	_ =	shalt  }
0x79: {  	_ =	shalt  }
0x7a: {  	_ =	shalt  }
0x7b: {  	_ =	shalt  }
0x7c: {  	_ =	shalt  }
0x7d: {  	_ =	shalt  }
0x7e: {  	_ =	shalt  }
0x7f: {  	_ =	shalt  }
0x80: {  	_ =	shalt  }
0x81: {  	_ =	shalt  }
0x82: {  	_ =	shalt  }
0x83: {  	_ =	shalt  }
0x84: {  	_ =	shalt  }
0x85: {  	_ =	shalt  }
0x86: {  	_ =	shalt  }
0x87: {  	_ =	shalt  }
.Lfunc_end0:
.L_simem_size_0:
called_computation.3_lowered:
.L_overlay_start_0:
0x88: {  	s2 =	sld [smem:$0x3FD9]  }
0x89: {  	s3 =	sld [smem:$0x3FFE];
	_ =	sdelay $0x1  }
0x8a: {  	s1 =	srdreg.scid  }
0x8b: {  	s0 =	sand.u32 $0x1, s1  }
0x8c: {  	s14 =	sshll.u32 s0, $0xA;
	s2 =	sadd.s32 s3, s2  }
0x8d: {  	s2 =	sadd.s32 s2, s14  }
0x8e: {  	[smem:$0x3FB1] =	sst s2  }
0x8f: {  	_ = 	snop  }
0x90: {  	s2 =	sld [smem:$0x3FD0];
	_ =	sdelay $0x2  }
0x91: {  	s4 =	simm.s32 $0xA;
	s5 =	simm.s32 $0x10;
	s15 =	sld [smem:$0x3FC5]  }
0x92: {  	[smem:s5], [sflag:s4] =	dma.local [hbm:s2], $0x1  }
0x93: {  	_ =	swait.eq [sflag:s4], $0x1  }
0x94: {  	s16 =	sld [smem:$0x10];
	[sflag:s4] =	ssyncset.done $0x0  }
0x95: {  	s17 =	sld [smem:$0x11];
	[sflag:s4] =	ssyncadd.s32 $0xFFFFFFFF  }
0x96: {  	s18 =	sld [smem:$0x12];
	(tm) =	ssettm $0x1  }
0x97: {  	s6 =	sld [smem:$0x3FFB];
	_ =	sdelay $0x3  }
0x98: {  	_ =	strace s6  }
0x99: {  	s6 =	sld [smem:$0x3FFC];
	_ =	sdelay $0x3  }
0x9a: {  	_ =	strace s6  }
0x9b: {  	s6 =	sld [smem:$0x3FFD];
	_ =	sdelay $0x3  }
0x9c: {  	_ =	strace s6  }
0x9d: {  	_ =	strace $0x8FFFFFFF  }
0x9e: {  	s19 =	sld [smem:$0x3FDB];
	_ =	sdelay $0x1  }
0x9f: {  	s7 =	simm.s32 $_scs_section_size  }
0xa0: {  	s8 =	simm.s32 $_size__tile_overlayer_lowered;
	s9 =	simm.s32 $_tile_overlayer_lowered  }
0xa1: {  	s22 =	simm.s32 $0x1BFF;
	s21 =	sshll.u32 s9, $0x1;
	s6 =	sadd.s32 s7, s19  }
0xa2: {  	s10 =	simm.s32 $0x0;
	s20 =	sshll.u32 s8, $0x1;
	s8 =	sadd.s32 s21, s6  }
0xa3: {  	[timem:s10], [sflag:s22] =	dma.local [hbm:s8], s20  }
0xa4: {  	_ =	swait.ge [sflag:s22], s20  }
0xa5: {  	s7 =	ssub.s32 $0x0, s20;
	[sflag:s22] =	ssyncset.done $0x0  }
0xa6: {  	[sflag:s22] =	ssyncadd.s32 s7;
	_ =	sdelay $0x1  }
0xa7: {  	s23 =	simm.s32 $0x1B8B  }
0xa8: {  	_ =	swait.ge [sflag:s23], $0x1  }
0xa9: {  	[sflag:s23] =	ssyncset.done $0x0  }
0xaa: {  	s25 =	simm.s32 $0x1B8E;
	s24 =	sld [smem:$0x3FFE];
	[sflag:s23] =	ssyncadd.s32 $0xFFFFFFFF  }
0xab: {  	s26 =	simm.s32 $execute0_lowered;
	[smem:$0x3FD2] =	sst s25  }
0xac: {  	s8 =	sshll.u32 s26, $0x1;
	_ =	strace $0x8000004F;
	[dreg:$0x1] =	wrdreg $0xFFFFFFFF  }
0xad: {  	s28 =	simm.s32 $_size_execute0_lowered;
	s6 =	sadd.s32 s6, s8;
	[dreg:$0x0] =	wrdreg $0x0  }
0xae: {  	s8 =	sshll.u32 s28, $0x1;
	[dreg:$0x2] =	wrdreg s6  }
0xaf: {  	[dreg:$0x3] =	wrdreg s8  }
0xb0: {  	[dreg:$0x4] =	wrdreg $0xC0  }
0xb1: {  	_ =	task [dreg:s10], $0x5FFFF  }
0xb2: {  	[dreg:$0x1] =	wrdreg $0xFFFFFFFF  }
0xb3: {  	[dreg:$0x0] =	wrdreg $0x60  }
0xb4: {  	[dreg:$0x2] =	wrdreg s16  }
0xb5: {  	[dreg:$0x3] =	wrdreg s18  }
0xb6: {  	[dreg:$0x4] =	wrdreg s24  }
0xb7: {  	[dreg:$0x5] =	wrdreg s15  }
0xb8: {  	[dreg:$0x6] =	wrdreg s17  }
0xb9: {  	[dreg:$0x7] =	wrdreg $0x0  }
0xba: {  	[dreg:$0x8] =	wrdreg $0x9  }
0xbb: {  	_ =	task.clear_ibuf [dreg:s10], $0x9FFFF;
	_ =	strace $0x9000004F  }
0xbc: {  	s29 =	simm.s32 $0x9;
	_ =	strace $0x80000051  }
0xbd: {  	_ =	swait.ge [sflag:s29], $0x1  }
0xbe: {  	[sflag:s29] =	ssyncadd.s32 $0xFFFFFFFF  }
0xbf: {  	_ =	strace $0x90000051  }
0xc0: {  	_ =	sfence  }
0xc1: {  	s30 =	sld [smem:$0x0];
	_ =	sdelay $0x2  }
0xc2: {  	s31 =	sshll.u32 s1, $0xD;
	s1 =	sshrl.u32 s1, $0x2  }
0xc3: {  	s3 =	sand.u32 $0x4000, s31;
	s1 =	sadd.s32 s1, s30  }
0xc4: {  	s0 =	sor.u32 s3, s0;
	s1 =	sshll.u32 s1, $0x11  }
0xc5: {  	s0 =	sor.u32 s1, s0  }
0xc6: {  	s0 =	sadd.s32 $0x8F2B, s0  }
0xc7: {  	[sflag:s0] =	ssyncadd.remote.s32 $0x1  }
0xc8: {  	_ =	sfence.sel $0xFFFF  }
0xc9: {  	[dreg:$0x0] =	wrdreg $0xFFFFFFFF;
	(pc) =	sbr.abs _section_cstart, $3  }
0xca: {  	[dreg:$0x1] =	wrdreg $0xFFFFFFFF  }
0xcb: {  	_ =	task.clear_ibuf [dreg:s10], $0x2FFFF;
	_ =	strace $0x9FFFFFFF  }
0xcc: {  	(tm) =	ssettm $0x7FFFFFFF  }
0xcd: {  	_ =	shalt  }
tec
execute0_lowered:
.L_overlay_start_1:
0x0: {  	(tag) =	ssettag $0x1  }
0x1: {  	s1 =	rddreg [dreg:$0x0]  }
0x2: {  	s2 =	rddreg [dreg:$0x1]  }
0x3: {  	s7 =	rddreg [dreg:$0x2]  }
0x4: {  	s3 =	rddreg [dreg:$0x3]  }
0x5: {  	s17 =	rddreg [dreg:$0x4]  }
0x6: {  	s5 =	rddreg [dreg:$0x5]  }
0x7: {  	s8 =	srdreg.scid;
	s6 =	simm.s32 $0x0;
	s4 =	stileid.u32  }
0x8: {  	s20 =	simm.s32 $0x2;
	s21 =	simm.s32 $0x13C00;
	s22 =	simm.s32 $0x13C80  }
0x9: {  	s23 =	simm.s32 $0x13D00;
	s24 =	simm.s32 $0x50;
	s25 =	simm.s32 $0x1  }
0xa: {  	s9 =	sand.u32 $0x1, s8;
	[smem:$0x7FF] =	sst s6;
	s10 =	smul.u32 $0x4F000, s4  }
0xb: {  	s7 =	sadd.s32 $0x4600, s7;
	s31 =	sshll.u32 s4, $0x1;
	s19 =	smul.u32 $0x13C00, s4  }
0xc: {  	s8 =	ssub.s32 $0x2, s9;
	_ =	strace $0x80000050;
	s15 =	smul.u32 $0x13C000, s9  }
0xd: {  	s16 =	sor.u32 s9, s31;
	s11 =	sshrl.u32 s8, $0x1;
	s30 =	sshrl.u32 s10, $0x2  }
0xe: {  	s16 =	smul.u32 $0x2710, s16;
	s18 =	ssub.s32 s8, s11;
	s8 =	sadd.s32 s30, s5  }
0xf: {  	s19 =	sadd.s32 s19, s15;
	s9 =	sadd.s32 $0x2800, s8;
	s10 =	sadd.s32 $0x5000, s8  }
0x10: {  	s11 =	sadd.s32 $0x7800, s8;
	s12 =	sadd.s32 $0xA000, s8;
	s13 =	sadd.s32 $0xC800, s8  }
0x11: {  	s14 =	sadd.s32 $0xF000, s8;
	s15 =	sadd.s32 $0x11800, s8;
	s19 =	sshrl.u32 s19, $0x3  }
0x12: {  	v0 =	vimm.f32 $0.0e+00;
	s18 =	smax.u32 s18, $0x1;
	s17 =	sadd.s32 s17, s19;
	s19 =	simm.s32 $0x13D80  }
.LBB2_1:
0x13: {  	s26 =	simm.s32 $0x0;
	s28 =	simm.s32 $0x200  }
.LBB2_2:
0x14: {  	p0 =	sne.s32 s28, $0x9E00;
	[tilespmem:s26+$0x13DF0] =	vst v0  }
0x15: {  	[tilespmem:s26+$0x13D80] =	vst v0  }
0x16: {  	[tilespmem:s26+$0x13D90] =	vst v0  }
.Ltmp0:
0x17: {  	[tilespmem:s26+$0x13DA0] =	vst v0;
	(pc) =	sbr.rel @p0 .LBB2_2-.Ltmp0, $4  }
0x18: {  	[tilespmem:s26+$0x13DB0] =	vst v0  }
0x19: {  	[tilespmem:s26+$0x13DC0] =	vst v0  }
0x1a: {  	[tilespmem:s26+$0x13DD0] =	vst v0  }
0x1b: {  	[tilespmem:s26+$0x13DE0] =	vst v0;
	s26 =	sshra.s32 s28, $0x2;
	s28 =	sadd.s32 $0x200, s28  }
0x1c: {  	[tilespmem:s26+$0x13DF0] =	vst v0  }
0x1d: {  	[tilespmem:s26+$0x13D80] =	vst v0  }
0x1e: {  	[tilespmem:s26+$0x13D90] =	vst v0  }
0x1f: {  	[tilespmem:s26+$0x13DA0] =	vst v0  }
0x20: {  	[tilespmem:s26+$0x13DB0] =	vst v0  }
0x21: {  	[tilespmem:s26+$0x13DC0] =	vst v0  }
0x22: {  	[tilespmem:s26+$0x13DD0] =	vst v0  }
0x23: {  	[tilespmem:s26+$0x13DE0] =	vst v0  }
0x24: {  	[spmem:s8] =	stream.linear.scatter [tilespmem:s19], [sflag:$0x2], $0x2800, $0x38;
	[tilespmem:$0x16580] =	vst v63  }
0x25: {  	_ =	swait.ge [sflag:s20], $0x2800  }
0x26: {  	[sflag:s20] =	ssyncset.done $0x0  }
0x27: {  	[sflag:s20] =	ssyncadd.s32 $0xFFFFD800  }
0x28: {  	[spmem:s9] =	stream.linear.scatter [tilespmem:s19], [sflag:$0x2], $0x2800, $0x38;
	[tilespmem:$0x16580] =	vst v63  }
0x29: {  	_ =	swait.ge [sflag:s20], $0x2800  }
0x2a: {  	[sflag:s20] =	ssyncset.done $0x0  }
0x2b: {  	[sflag:s20] =	ssyncadd.s32 $0xFFFFD800  }
0x2c: {  	[spmem:s10] =	stream.linear.scatter [tilespmem:s19], [sflag:$0x2], $0x2800, $0x38;
	[tilespmem:$0x16580] =	vst v63  }
0x2d: {  	_ =	swait.ge [sflag:s20], $0x2800  }
0x2e: {  	[sflag:s20] =	ssyncset.done $0x0  }
0x2f: {  	[sflag:s20] =	ssyncadd.s32 $0xFFFFD800  }
0x30: {  	[spmem:s11] =	stream.linear.scatter [tilespmem:s19], [sflag:$0x2], $0x2800, $0x38;
	[tilespmem:$0x16580] =	vst v63  }
0x31: {  	_ =	swait.ge [sflag:s20], $0x2800  }
0x32: {  	[sflag:s20] =	ssyncset.done $0x0  }
0x33: {  	[sflag:s20] =	ssyncadd.s32 $0xFFFFD800  }
0x34: {  	[spmem:s12] =	stream.linear.scatter [tilespmem:s19], [sflag:$0x2], $0x2800, $0x38;
	[tilespmem:$0x16580] =	vst v63  }
0x35: {  	_ =	swait.ge [sflag:s20], $0x2800  }
0x36: {  	[sflag:s20] =	ssyncset.done $0x0  }
0x37: {  	[sflag:s20] =	ssyncadd.s32 $0xFFFFD800  }
0x38: {  	[spmem:s13] =	stream.linear.scatter [tilespmem:s19], [sflag:$0x2], $0x2800, $0x38;
	[tilespmem:$0x16580] =	vst v63  }
0x39: {  	_ =	swait.ge [sflag:s20], $0x2800  }
0x3a: {  	[sflag:s20] =	ssyncset.done $0x0  }
0x3b: {  	[sflag:s20] =	ssyncadd.s32 $0xFFFFD800  }
0x3c: {  	[spmem:s14] =	stream.linear.scatter [tilespmem:s19], [sflag:$0x2], $0x2800, $0x38;
	[tilespmem:$0x16580] =	vst v63  }
0x3d: {  	_ =	swait.ge [sflag:s20], $0x2800  }
0x3e: {  	[sflag:s20] =	ssyncset.done $0x0  }
0x3f: {  	[sflag:s20] =	ssyncadd.s32 $0xFFFFD800  }
0x40: {  	[spmem:s15] =	stream.linear.scatter [tilespmem:s19], [sflag:$0x2], $0x2400, $0x38;
	[tilespmem:$0x16580] =	vst v63  }
0x41: {  	_ =	swait.ge [sflag:s20], $0x2400  }
0x42: {  	[sflag:s20] =	ssyncset.done $0x0  }
0x43: {  	[sflag:s20] =	ssyncadd.s32 $0xFFFFDC00  }
0x44: {  	s26 =	simm.s32 $0x0;
	s28 =	simm.s32 $0x0;
	[bflag:$0x0] =	sbarrier.arrive $0xFFFF  }
.LBB2_4:
0x45: {  	s29 =	smul.u32 $0x50, s28;
	_ =	sdelay $0x1  }
0x46: {  	s29 =	sadd.s32 s16, s29  }
0x47: {  	s29 =	sshrl.u32 s29, $0x3  }
0x48: {  	s30 =	sadd.s32 s2, s29  }
0x49: {  	[tilespmem:s21], [sflag:$0x2] =	stream.linear.gather [hbm4b:s30+s26], $0x50, $0x38;
	[tilespmem:$0x16580] =	vst v63  }
0x4a: {  	_ =	swait.ge [sflag:s20], $0x50  }
0x4b: {  	[sflag:s20] =	ssyncset.done $0x0  }
0x4c: {  	s30 =	sadd.s32 s7, s29;
	[sflag:s20] =	ssyncadd.s32 $0xFFFFFFB0  }
0x4d: {  	[tilespmem:s22], [sflag:$0x2] =	stream.linear.gather [hbm4b:s30+s26], $0x50, $0x38;
	[tilespmem:$0x16580] =	vst v63  }
0x4e: {  	_ =	swait.ge [sflag:s20], $0x50  }
0x4f: {  	[sflag:s20] =	ssyncset.done $0x0  }
0x50: {  	s29 =	sadd.s32 s3, s29;
	[sflag:s20] =	ssyncadd.s32 $0xFFFFFFB0  }
0x51: {  	[tilespmem:s23], [sflag:$0x2] =	stream.linear.gather [hbm4b:s29+s26], $0x50, $0x38;
	[tilespmem:$0x16580] =	vst v63  }
0x52: {  	_ =	swait.ge [sflag:s20], $0x50  }
0x53: {  	[sflag:s20] =	ssyncset.done $0x0  }
0x54: {  	[sflag:s20] =	ssyncadd.s32 $0xFFFFFFB0  }
0x55: {  	[tilespmem:s19], [sflag:$0x1] =	stream.indirect.gather [hbm4b:s1+s24], $0x80, s22, s24, $0xb8;
	[tilespmem:$0x16580] =	vst v63  }
0x56: {  	_ =	swait.ge [sflag:s25], $0x2800  }
0x57: {  	v1 =	vmov s26;
	[sflag:s25] =	ssyncset.done $0x0  }
0x58: {  	s29 =	simm.s32 $0x13DC0;
	[sflag:s25] =	ssyncadd.s32 $0xFFFFD800  }
0x59: {  	v5 =	vld [tilespmem:s29+$0x30]  }
0x5a: {  	v8 =	vld [tilespmem:s29+$0x10]  }
0x5b: {  	v6 =	vld [tilespmem:s29+$0xFFFFFFC0]  }
0x5c: {  	v2 =	vld.idx.msk [tilespmem:v1+s23+$0x0], $0xffff  }
0x5d: {  	v10 =	vld [tilespmem:s29+$0xFFFFFFE0]  }
0x5e: {  	v1 =	vld [tilespmem:s29+$0xFFFFFFF0]  }
0x5f: {  	v3 =	vld [tilespmem:s29+$0x20]  }
0x60: {  	v4 =	vld [tilespmem:s29+$0xFFFFFFD0]  }
0x61: {  	v9 =	vmul.f32 v5, v2;
	v5 =	vld [tilespmem:s29+$0x0]  }
0x62: {  	v7 =	vmul.f32 v6, v2  }
0x63: {  	s31 =	simm.s32 $0x13DC0;
	s30 =	simm.s32 $0x1;
	v6 =	vmul.f32 v10, v2;
	v8 =	vmul.f32 v8, v2  }
.LBB2_5:
0x64: {  	p0 =	sne.s32 s30, $0x4F  }
0x65: {  	v4 =	vmul.f32 v4, v2;
	v3 =	vmul.f32 v3, v2;
	[tilespmem:s29+$0x30] =	vst v9;
	s31 =	sadd.s32 $0x80, s31;
	s0 =	smov.u32 s30;
	s30 =	sadd.s32 $0x1, s30  }
0x66: {  	[tilespmem:s29+$0xFFFFFFC0] =	vst v7;
	v7 =	vmul.f32 v1, v2;
	v2 =	vmul.f32 v5, v2  }
0x67: {  	[tilespmem:s29+$0x10] =	vst v8  }
0x68: {  	v5 =	vmov s0;
	[tilespmem:s29+$0xFFFFFFE0] =	vst v6  }
0x69: {  	v1 =	vld [tilespmem:s31+$0xFFFFFFF0];
	[tilespmem:s29+$0xFFFFFFF0] =	vst v7  }
0x6a: {  	v6 =	vld [tilespmem:s31+$0x30];
	[tilespmem:s29+$0x0] =	vst v2  }
0x6b: {  	v8 =	vld [tilespmem:s31+$0x10];
	[tilespmem:s29+$0x20] =	vst v3  }
0x6c: {  	v7 =	vld [tilespmem:s31+$0xFFFFFFC0];
	[tilespmem:s29+$0xFFFFFFD0] =	vst v4;
	s29 =	smov.u32 s31  }
0x6d: {  	v2 =	vld.idx.msk [tilespmem:v5+s23+$0x0], $0xffff  }
0x6e: {  	v10 =	vld [tilespmem:s31+$0xFFFFFFE0]  }
0x6f: {  	v3 =	vld [tilespmem:s31+$0x20]  }
.Ltmp1:
0x70: {  	v4 =	vld [tilespmem:s31+$0xFFFFFFD0];
	(pc) =	sbr.rel @p0 .LBB2_5-.Ltmp1, $3  }
0x71: {  	v5 =	vld [tilespmem:s31+$0x0];
	_ =	sdelay $0x1  }
0x72: {  	v7 =	vmul.f32 v7, v2;
	v9 =	vmul.f32 v6, v2  }
0x73: {  	v8 =	vmul.f32 v8, v2;
	v6 =	vmul.f32 v10, v2  }
0x74: {  	[tilespmem:s29+$0x30] =	vst v9  }
0x75: {  	[tilespmem:s29+$0xFFFFFFC0] =	vst v7  }
0x76: {  	v1 =	vmul.f32 v1, v2;
	[tilespmem:s29+$0x10] =	vst v8  }
0x77: {  	v3 =	vmul.f32 v3, v2;
	[tilespmem:s29+$0xFFFFFFE0] =	vst v6  }
0x78: {  	v5 =	vmul.f32 v5, v2;
	[tilespmem:s29+$0xFFFFFFF0] =	vst v1  }
0x79: {  	s28 =	sadd.s32 $0x1, s28;
	v1 =	vmul.f32 v4, v2;
	[tilespmem:s29+$0x20] =	vst v3  }
0x7a: {  	p0 =	sne.s32 s28, $0x7D;
	[tilespmem:s29+$0x0] =	vst v5  }
.Ltmp2:
0x7b: {  	[tilespmem:s29+$0xFFFFFFD0] =	vst v1;
	(pc) =	sbr.rel @p0 .LBB2_4-.Ltmp2, $4  }
0x7c: {  	[spmem:s5] =	stream.indirect.scatter.add.f32 [tilespmem:s19], [sflag:$0x2], $0x80, s21, s24, $0xb8;
	[tilespmem:$0x16580] =	vst v63  }
0x7d: {  	_ =	swait.ge [sflag:s20], $0x2800  }
0x7e: {  	[sflag:s20] =	ssyncset.done $0x0  }
0x7f: {  	[sflag:s20] =	ssyncadd.s32 $0xFFFFD800  }
0x80: {  	s6 =	sadd.s32 $0x1, s6  }
0x81: {  	s0 =	sshll.u32 s4, $0x6;
	[bflag:$0x0] =	sbarrier.arrive $0xFFFF;
	p0 =	sne.s32 s6, s18  }
.Ltmp3:
0x82: {  	s26 =	sshrl.u32 s8, $0x3;
	s0 =	sor.u32 $0x1C02, s0;
	(pc) =	sbr.rel @p0 .LBB2_1-.Ltmp3, $4  }
0x83: {  	[hbm:s17], [sflag:s0] =	dma.local [spmem:s26], $0x2780  }
0x84: {  	_ =	swait.ge [sflag:s20], $0x2780  }
0x85: {  	[sflag:s20] =	ssyncset.done $0x0  }
0x86: {  	[sflag:s20] =	ssyncadd.s32 $0xFFFFD880  }
0x87: {  	_ =	sfence.sel $0x180000  }
0x88: {  	[bflag:$0x0] =	sbarrier.arrive $0xFFFF  }
0x89: {  	_ =	strace $0x90000050  }
0x8a: {  	[bflag:$0x2] =	sbarrier.arrive $0xFFFF  }
0x8b: {  	p0 =	sne.s32 s4, $0x0;
	s0 =	rddreg [dreg:$0x6]  }
0x8c: {  	s0 =	sadd.s32 @!p0 $0x100000, s0  }
0x8d: {  	[sflag:s0] =	ssyncadd.tile.s32 @!p0 $0x1;
	_ =	shalt  }
.Lfunc_end2:
_tile_overlayer_lowered:
.L_overlay_start_2:
0x8e: {  	(tag) =	ssettag $0x2  }
0x8f: {  	s0 =	rddreg [dreg:$0x0];
	s2 =	stileid.u32  }
0x90: {  	s1 =	rddreg [dreg:$0x1];
	p0 =	sne.s32 s2, $0x0  }
0x91: {  	s3 =	rddreg [dreg:$0x2];
	[bflag:$0x3] =	sbarrier.arrive $0xFFFF;
	s2 =	simm.s32 @!p0 $0x1C02  }
0x92: {  	[timem:s3], [sflag:s2] =	dma.local @!p0 [hbm:s0], s1  }
0x93: {  	s0 =	simm.s32 @!p0 $0x2  }
0x94: {  	_ =	swait.ge @!p0 [sflag:s0], s1  }
0x95: {  	s1 =	ssub.s32 @!p0 $0x0, s1;
	[sflag:s0] =	ssyncset.done @!p0 $0x0  }
0x96: {  	[sflag:s0] =	ssyncadd.s32 @!p0 s1  }
0x97: {  	[bflag:$0x3] =	sbarrier.arrive $0xFFFF  }
0x98: {  	_ =	shalt  }

// kernel: kernel.24.cloned.1.call-start
scs
__scs_entry_jumppad:
0x0: {  	(pc) =	sbr.rel $0x88, $3  }
0x1: {  	(tag) =	ssettag $0x0;
	lr =	simm.s32 $0x1  }
0x2: {  	[smem:$0x3F8A] =	sst lr;
	_ =	strace $0xD0000000  }
0x3: {  	_ = 	snop  }
0x4: {  	_ = 	snop  }
0x5: {  	_ = 	snop  }
0x6: {  	_ = 	snop  }
0x7: {  	_ = 	snop  }
__scs_overlays_trampoline_lowered:
0x8: {  	[smem:$0x3F99] =	sst s0  }
0x9: {  	[smem:$0x3F9A] =	sst s1  }
0xa: {  	[smem:$0x3F9B] =	sst s2  }
0xb: {  	[smem:$0x3F9C] =	sst s3  }
0xc: {  	[smem:$0x3F9D] =	sst s4  }
0xd: {  	[smem:$0x3F9E] =	sst s5  }
0xe: {  	[smem:$0x3F9F] =	sst s6  }
0xf: {  	[smem:$0x3FA0] =	sst s7  }
0x10: {  	[smem:$0x3FA1] =	sst s8  }
0x11: {  	[smem:$0x3FA2] =	sst s9;
	s0 =	simm.s32 @!p0 $0x0  }
0x12: {  	s1 =	sld [smem:$0x3F88];
	s0 =	simm.s32 @p0 $0x1  }
0x13: {  	[smem:$0x3FA3] =	sst s0;
	s0 =	simm.s32 @!p1 $0x0  }
0x14: {  	s2 =	sld [smem:$0x3F87];
	s0 =	simm.s32 @p1 $0x1  }
0x15: {  	[smem:$0x3FA4] =	sst s0;
	s0 =	simm.s32 @!p2 $0x0  }
0x16: {  	s3 =	sld [smem:$0x3FDB];
	s0 =	simm.s32 @p2 $0x1  }
0x17: {  	s4 =	simm.s32 $0x1BF5;
	[smem:$0x3FA6] =	sst s0  }
0x18: {  	s0 =	sld [smem:$0x3F89];
	_ =	swait.ge [sflag:s4], $0x0  }
0x19: {  	s7 =	sld [smem:$0x3F8A]  }
0x1a: {  	s8 =	sadd.s32 $0xFFFFE003, lr  }
0x1b: {  	s9 =	sadd.s32 $0xFFFFFEF7, lr;
	s5 =	simm.s32 $0xFFFFFFFF;
	p2 =	slt.u32 s8, $0xFFFFF086  }
0x1c: {  	p1 =	slt.u32 s9, $0xF7A;
	s5 =	simm.s32 @!p2 $0x0  }
0x1d: {  	s5 =	simm.s32 @p1 $0x1;
	p0 =	seq.s32 s7, s2  }
0x1e: {  	s7 =	smul.u32 @!p0 $0xF7A, s2;
	p2 =	seq.s32 @!p0 s5, $0x0  }
0x1f: {  	s9 =	smul.u32 $0xF7A, s1;
	s8 =	simm.s32 @!p0 $0x1BF5;
	p2 =	por !p2, p0  }
0x20: {  	[sflag:s8] =	ssyncset.s32 @!p0 $0xFFFFF086;
	s6 =	sadd.s32 @!p0 s3, s7;
	s7 =	simm.s32 @!p0 $0x108  }
0x21: {  	s3 =	sadd.s32 s3, s9;
	s6 =	sadd.s32 @!p0 $0x88, s6;
	s7 =	simm.s32 @p2 $0x1082  }
0x22: {  	[simem:s7], [sflag:s8] =	dma.local @!p0 [hbm:s6], $0xF7A  }
0x23: {  	s9 =	sor.u32 $0xD0000000, s2;
	s6 =	simm.s32 $0x108;
	_ =	swait.ge @!p0 [sflag:s8], $0x0  }
0x24: {  	s3 =	sadd.s32 $0x88, s3;
	s6 =	simm.s32 @!p1 $0x1082;
	[sflag:s4] =	ssyncset.s32 $0xFFFFF086  }
0x25: {  	[simem:s6], [sflag:s4] =	dma.local [hbm:s3], $0xF7A  }
0x26: {  	[smem:$0x3F8A] =	sst s1;
	(tag) =	ssettag s2;
	_ =	strace s9  }
0x27: {  	s1 =	sld [smem:$0x3F9A]  }
0x28: {  	s2 =	sld [smem:$0x3F9B]  }
0x29: {  	s4 =	sld [smem:$0x3F9D]  }
0x2a: {  	p0 =	seq.s32 s5, $0x0;
	s5 =	sld [smem:$0x3F9E]  }
0x2b: {  	s6 =	sld [smem:$0x3F9F]  }
0x2c: {  	s7 =	sld [smem:$0x3FA0]  }
0x2d: {  	s3 =	simm.s32 $0x108;
	s8 =	sld [smem:$0x3FA1]  }
0x2e: {  	s3 =	simm.s32 @!p0 $0x1082;
	s9 =	sld [smem:$0x3FA2]  }
0x2f: {  	lr =	sadd.s32 s0, s3;
	s0 =	sld [smem:$0x3F99]  }
0x30: {  	s3 =	sld [smem:$0x3F9C]  }
0x31: {  	[smem:$0x3FA5] =	sst s10  }
0x32: {  	s10 =	sld [smem:$0x3FA3];
	_ =	sdelay $0x3  }
0x33: {  	p0 =	seq.s32 s10, $0x1;
	s10 =	sld [smem:$0x3FA5];
	_ =	sdelay $0x3  }
0x34: {  	[smem:$0x3FA5] =	sst s10  }
0x35: {  	s10 =	sld [smem:$0x3FA4];
	_ =	sdelay $0x3  }
0x36: {  	p1 =	seq.s32 s10, $0x1;
	s10 =	sld [smem:$0x3FA5];
	_ =	sdelay $0x3  }
0x37: {  	[smem:$0x3FA5] =	sst s10  }
0x38: {  	s10 =	sld [smem:$0x3FA6]  }
0x39: {  	_ = 	snop;
	(pc) =	sbr.ind lr, $3  }
0x3a: {  	_ = 	snop  }
0x3b: {  	_ = 	snop  }
0x3c: {  	p2 =	seq.s32 s10, $0x1;
	s10 =	sld [smem:$0x3FA5]  }
0x3d: {  	_ =	shalt  }
0x3e: {  	_ =	shalt  }
0x3f: {  	_ =	shalt  }
0x40: {  	_ =	shalt  }
0x41: {  	_ =	shalt  }
0x42: {  	_ =	shalt  }
0x43: {  	_ =	shalt  }
0x44: {  	_ =	shalt  }
0x45: {  	_ =	shalt  }
0x46: {  	_ =	shalt  }
0x47: {  	_ =	shalt  }
0x48: {  	_ =	shalt  }
0x49: {  	_ =	shalt  }
0x4a: {  	_ =	shalt  }
0x4b: {  	_ =	shalt  }
0x4c: {  	_ =	shalt  }
0x4d: {  	_ =	shalt  }
0x4e: {  	_ =	shalt  }
0x4f: {  	_ =	shalt  }
0x50: {  	_ =	shalt  }
0x51: {  	_ =	shalt  }
0x52: {  	_ =	shalt  }
0x53: {  	_ =	shalt  }
0x54: {  	_ =	shalt  }
0x55: {  	_ =	shalt  }
0x56: {  	_ =	shalt  }
0x57: {  	_ =	shalt  }
0x58: {  	_ =	shalt  }
0x59: {  	_ =	shalt  }
0x5a: {  	_ =	shalt  }
0x5b: {  	_ =	shalt  }
0x5c: {  	_ =	shalt  }
0x5d: {  	_ =	shalt  }
0x5e: {  	_ =	shalt  }
0x5f: {  	_ =	shalt  }
0x60: {  	_ =	shalt  }
0x61: {  	_ =	shalt  }
0x62: {  	_ =	shalt  }
0x63: {  	_ =	shalt  }
0x64: {  	_ =	shalt  }
0x65: {  	_ =	shalt  }
0x66: {  	_ =	shalt  }
0x67: {  	_ =	shalt  }
0x68: {  	_ =	shalt  }
0x69: {  	_ =	shalt  }
0x6a: {  	_ =	shalt  }
0x6b: {  	_ =	shalt  }
0x6c: {  	_ =	shalt  }
0x6d: {  	_ =	shalt  }
0x6e: {  	_ =	shalt  }
0x6f: {  	_ =	shalt  }
0x70: {  	_ =	shalt  }
0x71: {  	_ =	shalt  }
0x72: {  	_ =	shalt  }
0x73: {  	_ =	shalt  }
0x74: {  	_ =	shalt  }
0x75: {  	_ =	shalt  }
0x76: {  	_ =	shalt  }
0x77: {  	_ =	shalt  }
0x78: {  	_ =	shalt  }
0x79: {  	_ =	shalt  }
0x7a: {  	_ =	shalt  }
0x7b: {  	_ =	shalt  }
0x7c: {  	_ =	shalt  }
0x7d: {  	_ =	shalt  }
0x7e: {  	_ =	shalt  }
0x7f: {  	_ =	shalt  }
0x80: {  	_ =	shalt  }
0x81: {  	_ =	shalt  }
0x82: {  	_ =	shalt  }
0x83: {  	_ =	shalt  }
0x84: {  	_ =	shalt  }
0x85: {  	_ =	shalt  }
0x86: {  	_ =	shalt  }
0x87: {  	_ =	shalt  }
.Lfunc_end0:
.L_simem_size_0:
called_computation.4_lowered:
.L_overlay_start_0:
0x88: {  	s2 =	sld [smem:$0x3FD9]  }
0x89: {  	s3 =	sld [smem:$0x3FFE];
	_ =	sdelay $0x1  }
0x8a: {  	s1 =	srdreg.scid  }
0x8b: {  	s0 =	sand.u32 $0x1, s1  }
0x8c: {  	s15 =	sshll.u32 s0, $0xA;
	s2 =	sadd.s32 s3, s2  }
0x8d: {  	s2 =	sadd.s32 s2, s15  }
0x8e: {  	[smem:$0x3FB1] =	sst s2  }
0x8f: {  	_ = 	snop  }
0x90: {  	s2 =	sld [smem:$0x3FD0];
	_ =	sdelay $0x2  }
0x91: {  	s4 =	simm.s32 $0xA;
	s5 =	simm.s32 $0x10;
	s16 =	sld [smem:$0x3FC3]  }
0x92: {  	[smem:s5], [sflag:s4] =	dma.local [hbm:s2], $0x1  }
0x93: {  	_ =	swait.eq [sflag:s4], $0x1  }
0x94: {  	[sflag:s4] =	ssyncset.done $0x0  }
0x95: {  	s17 =	sld [smem:$0x10];
	[sflag:s4] =	ssyncadd.s32 $0xFFFFFFFF  }
0x96: {  	s18 =	sld [smem:$0x11];
	(tm) =	ssettm $0x1  }
0x97: {  	s19 =	sld [smem:$0x3FFB];
	_ =	sdelay $0x3  }
0x98: {  	_ =	strace s19  }
0x99: {  	s5 =	sld [smem:$0x3FFC];
	_ =	sdelay $0x3  }
0x9a: {  	_ =	strace s5  }
0x9b: {  	s5 =	sld [smem:$0x3FFD];
	_ =	sdelay $0x3  }
0x9c: {  	_ =	strace s5  }
0x9d: {  	_ =	strace $0x8FFFFFFF  }
0x9e: {  	s20 =	sld [smem:$0x3FDB];
	_ =	sdelay $0x1  }
0x9f: {  	s6 =	simm.s32 $_scs_section_size  }
0xa0: {  	s7 =	simm.s32 $_size__tile_overlayer_lowered;
	s8 =	simm.s32 $_tile_overlayer_lowered  }
0xa1: {  	s23 =	simm.s32 $0x1BFF;
	s22 =	sshll.u32 s8, $0x1;
	s5 =	sadd.s32 s6, s20  }
0xa2: {  	s9 =	simm.s32 $0x0;
	s21 =	sshll.u32 s7, $0x1;
	s7 =	sadd.s32 s22, s5  }
0xa3: {  	[timem:s9], [sflag:s23] =	dma.local [hbm:s7], s21  }
0xa4: {  	_ =	swait.ge [sflag:s23], s21  }
0xa5: {  	s6 =	ssub.s32 $0x0, s21;
	[sflag:s23] =	ssyncset.done $0x0  }
0xa6: {  	[sflag:s23] =	ssyncadd.s32 s6;
	_ =	sdelay $0x1  }
0xa7: {  	s24 =	simm.s32 $0x1B8B  }
0xa8: {  	_ =	swait.ge [sflag:s24], $0x1  }
0xa9: {  	[sflag:s24] =	ssyncset.done $0x0  }
0xaa: {  	s25 =	simm.s32 $0x1B8E;
	[sflag:s24] =	ssyncadd.s32 $0xFFFFFFFF  }
0xab: {  	s26 =	simm.s32 $execute0_lowered;
	[smem:$0x3FD2] =	sst s25  }
0xac: {  	s6 =	sshll.u32 s26, $0x1;
	_ =	strace $0x80000052;
	[dreg:$0x1] =	wrdreg $0xFFFFFFFF  }
0xad: {  	s28 =	simm.s32 $_size_execute0_lowered;
	s5 =	sadd.s32 s5, s6;
	[dreg:$0x0] =	wrdreg $0x0  }
0xae: {  	s6 =	sshll.u32 s28, $0x1;
	[dreg:$0x2] =	wrdreg s5  }
0xaf: {  	[dreg:$0x3] =	wrdreg s6  }
0xb0: {  	[dreg:$0x4] =	wrdreg $0xC0  }
0xb1: {  	_ =	task [dreg:s9], $0x5FFFF  }
0xb2: {  	[dreg:$0x1] =	wrdreg $0xFFFFFFFF  }
0xb3: {  	[dreg:$0x0] =	wrdreg $0x60  }
0xb4: {  	[dreg:$0x2] =	wrdreg s18  }
0xb5: {  	[dreg:$0x3] =	wrdreg s16  }
0xb6: {  	[dreg:$0x4] =	wrdreg s17  }
0xb7: {  	[dreg:$0x5] =	wrdreg $0x9  }
0xb8: {  	_ =	task.clear_ibuf [dreg:s9], $0x6FFFF;
	_ =	strace $0x90000052  }
0xb9: {  	s29 =	simm.s32 $0x9;
	_ =	strace $0x80000054  }
0xba: {  	_ =	swait.ge [sflag:s29], $0x1  }
0xbb: {  	[sflag:s29] =	ssyncadd.s32 $0xFFFFFFFF  }
0xbc: {  	_ =	strace $0x90000054  }
0xbd: {  	_ =	sfence  }
0xbe: {  	s30 =	sld [smem:$0x0];
	_ =	sdelay $0x2  }
0xbf: {  	s31 =	sshll.u32 s1, $0xD;
	s1 =	sshrl.u32 s1, $0x2  }
0xc0: {  	s3 =	sand.u32 $0x4000, s31;
	s1 =	sadd.s32 s1, s30  }
0xc1: {  	s0 =	sor.u32 s3, s0;
	s1 =	sshll.u32 s1, $0x11  }
0xc2: {  	s0 =	sor.u32 s1, s0  }
0xc3: {  	s0 =	sadd.s32 $0x8F2B, s0  }
0xc4: {  	[sflag:s0] =	ssyncadd.remote.s32 $0x1  }
0xc5: {  	_ =	sfence.sel $0xFFFF  }
0xc6: {  	[dreg:$0x0] =	wrdreg $0xFFFFFFFF;
	(pc) =	sbr.abs _section_cstart, $3  }
0xc7: {  	[dreg:$0x1] =	wrdreg $0xFFFFFFFF  }
0xc8: {  	_ =	task.clear_ibuf [dreg:s9], $0x2FFFF;
	_ =	strace $0x9FFFFFFF  }
0xc9: {  	(tm) =	ssettm $0x7FFFFFFF  }
tec
execute0_lowered:
.L_overlay_start_1:
0x0: {  	(tag) =	ssettag $0x1  }
0x1: {  	s1 =	rddreg [dreg:$0x0]  }
0x2: {  	s2 =	srdreg.scid;
	s4 =	rddreg [dreg:$0x1]  }
0x3: {  	s0 =	stileid.u32;
	s9 =	rddreg [dreg:$0x2];
	s6 =	sand.u32 $0x1, s2  }
0x4: {  	s3 =	simm.s32 $0x0;
	s5 =	sshll.u32 s0, $0x7;
	s7 =	sshll.u32 s6, $0x6  }
0x5: {  	[smem:$0x7FF] =	sst s3;
	s10 =	sor.u32 s7, s5  }
0x6: {  	s2 =	rddreg [dreg:$0x3];
	_ =	strace $0x80000053;
	s5 =	sshrl.u32 s10, $0x3  }
0x7: {  	s11 =	ssub.s32 $0x2, s6;
	s5 =	sadd.s32 s4, s5;
	s4 =	simm.s32 $0x2  }
0x8: {  	[tilespmem:s3], [sflag:$0x2] =	stream.linear.gather [hbm4b:s5+s3], $0x40, $0x38;
	[tilespmem:$0x2080] =	vst v63  }
0x9: {  	s8 =	simm.s32 $0x1;
	s12 =	sshrl.u32 s11, $0x1;
	_ =	swait.ge [sflag:s4], $0x40  }
0xa: {  	s6 =	simm.s32 $0x40;
	s11 =	ssub.s32 s11, s12;
	[sflag:s4] =	ssyncset.done $0x0  }
0xb: {  	s7 =	simm.s32 $0x80;
	s31 =	smax.u32 s11, $0x1;
	[sflag:s4] =	ssyncadd.s32 $0xFFFFFFC0  }
0xc: {  	[tilespmem:s7], [sflag:$0x1] =	stream.indirect.gather [hbm4b:s1+s6], $0x80, s3, s6, $0xb8;
	[tilespmem:$0x2080] =	vst v63  }
0xd: {  	p0 =	sne.s32 s31, $0x1;
	_ =	swait.ge [sflag:s8], $0x2000  }
.Ltmp0:
0xe: {  	s10 =	sshll.u32 s10, $0x4;
	[sflag:s8] =	ssyncset.done $0x0;
	(pc) =	sbr.rel @!p0 .LBB2_2-.Ltmp0, $4  }
0xf: {  	s9 =	sadd.s32 s9, s10;
	[sflag:s8] =	ssyncadd.s32 $0xFFFFE000  }
0x10: {  	[hbm4b:s9+s3] =	stream.linear.scatter [tilespmem:s7], [sflag:$0x2], $0x2000, $0x38;
	[tilespmem:$0x2080] =	vst v63  }
0x11: {  	_ =	swait.ge [sflag:s4], $0x2000  }
0x12: {  	s10 =	sadd.s32 $0xFFFFFFFF, s31;
	[sflag:s4] =	ssyncset.done $0x0  }
.LBB2_1:
0x13: {  	p0 =	sne.s32 s10, $0x1;
	s10 =	sadd.s32 $0xFFFFFFFF, s10;
	[sflag:s4] =	ssyncadd.s32 $0xFFFFE000  }
0x14: {  	[tilespmem:s3], [sflag:$0x2] =	stream.linear.gather [hbm4b:s5+s3], $0x40, $0x38;
	[tilespmem:$0x2080] =	vst v63  }
0x15: {  	_ =	swait.ge [sflag:s4], $0x40  }
0x16: {  	[sflag:s4] =	ssyncset.done $0x0  }
0x17: {  	[sflag:s4] =	ssyncadd.s32 $0xFFFFFFC0  }
0x18: {  	[tilespmem:s7], [sflag:$0x1] =	stream.indirect.gather [hbm4b:s1+s6], $0x80, s3, s6, $0xb8;
	[tilespmem:$0x2080] =	vst v63  }
0x19: {  	_ =	swait.ge [sflag:s8], $0x2000  }
.Ltmp1:
0x1a: {  	[sflag:s8] =	ssyncset.done $0x0;
	(pc) =	sbr.rel @p0 .LBB2_1-.Ltmp1, $4  }
0x1b: {  	[sflag:s8] =	ssyncadd.s32 $0xFFFFE000  }
0x1c: {  	[hbm4b:s9+s3] =	stream.linear.scatter [tilespmem:s7], [sflag:$0x2], $0x2000, $0x38;
	[tilespmem:$0x2080] =	vst v63  }
0x1d: {  	_ =	swait.ge [sflag:s4], $0x2000  }
0x1e: {  	[sflag:s4] =	ssyncset.done $0x0  }
.LBB2_2:
0x1f: {  	[sflag:s4] =	ssyncadd.s32 $0xFFFFE000  }
0x20: {  	_ =	sfence.sel $0x180000  }
0x21: {  	[bflag:$0x0] =	sbarrier.arrive $0xFFFF  }
0x22: {  	p0 =	sne.s32 s0, $0x0;
	_ =	strace $0x90000053  }
0x23: {  	s0 =	sadd.s32 @!p0 $0x100000, s2;
	[bflag:$0x2] =	sbarrier.arrive $0xFFFF  }
0x24: {  	[sflag:s0] =	ssyncadd.tile.s32 @!p0 $0x1;
	_ =	shalt  }
.Lfunc_end2:
_tile_overlayer_lowered:
.L_overlay_start_2:
0x25: {  	(tag) =	ssettag $0x2  }
0x26: {  	s0 =	rddreg [dreg:$0x0];
	s2 =	stileid.u32  }
0x27: {  	s1 =	rddreg [dreg:$0x1];
	p0 =	sne.s32 s2, $0x0  }
0x28: {  	s3 =	rddreg [dreg:$0x2];
	[bflag:$0x3] =	sbarrier.arrive $0xFFFF;
	s2 =	simm.s32 @!p0 $0x1C02  }
0x29: {  	[timem:s3], [sflag:s2] =	dma.local @!p0 [hbm:s0], s1  }
0x2a: {  	s0 =	simm.s32 @!p0 $0x2  }
0x2b: {  	_ =	swait.ge @!p0 [sflag:s0], s1  }
0x2c: {  	s1 =	ssub.s32 @!p0 $0x0, s1;
	[sflag:s0] =	ssyncset.done @!p0 $0x0  }
0x2d: {  	[sflag:s0] =	ssyncadd.s32 @!p0 s1  }
0x2e: {  	[bflag:$0x3] =	sbarrier.arrive $0xFFFF  }
0x2f: {  	_ =	shalt  }

</sc_bundles>
